<compile_context>
chip_gen: v7x
topology: tpu7x:2x2x1
jax: 0.10.2.dev20260603
libtpu: 0.0.44.dev20260713+nightly
codegen_flags: <defaults>
</compile_context>

<pallas_src>
import functools

import jax
import jax.numpy as jnp
from jax import lax
from jax.experimental import pallas as pl
from jax.experimental.pallas import tpu as pltpu
from jax.experimental.pallas import tpu_sc as plsc

N = 10000
E = 320000
D = 128
G = 64

CH = 128
NC = 2
NS = 16
NW = NC * NS
CPW = 80
NCHUNK = NW * CPW
HPW = CPW // 2
PPAIR = HPW // 2
ACCR = N + 384
RPT = 624
DEGW = 1
RB = 1000
NBLK = N // RB

_F32 = jnp.float32
_NEG_INF = float("-inf")


def _ids():
    core = lax.axis_index("c")
    sub = lax.axis_index("s")
    return core, sub, core * NS + sub


def _zero_acc_slice(zero_v, acc, sub):
    row0 = sub * RPT
    for j in range(4):
        pltpu.sync_copy(zero_v, acc.at[pl.ds(row0 + j * CH, CH)])
    pltpu.sync_copy(zero_v.at[pl.ds(0, 112)], acc.at[pl.ds(row0 + 512, 112)])

    @pl.when(sub == NS - 1)
    def _ztail():
        pltpu.sync_copy(zero_v.at[pl.ds(0, 16)], acc.at[pl.ds(NS * RPT, 16)])


def _copy_out_slice(acc, out_hbm, core, sub):
    row0 = sub * RPT
    pltpu.sync_copy(acc.at[pl.ds(row0, RPT)], out_hbm.at[core, pl.ds(row0, RPT)])

    @pl.when(sub == NS - 1)
    def _otail():
        pltpu.sync_copy(
            acc.at[pl.ds(NS * RPT, 16)],
            out_hbm.at[core, pl.ds(NS * RPT, 16)],
        )


def _load_idx_table(ei_hbm, which, wid, table_v):
    c0 = pl.multiple_of(wid * CPW, 8)
    pltpu.sync_copy(ei_hbm.at[which, 0, pl.ds(c0, CPW), :], table_v)


def _deg_body(ei_hbm, deg_hbm, ones_v, zero_v, didx_v, acc, ssem):
    core, sub, wid = _ids()
    one16 = jnp.full((16,), 1.0, _F32)
    z16 = jnp.zeros((16,), _F32)

    def obody(r, carry):
        for j in range(D // 16):
            ones_v[r, pl.ds(j * 16, 16)] = one16
        return carry

    lax.fori_loop(0, CH, obody, 0)

    def zbody(r, carry):
        for j in range(D // 16):
            zero_v[r, pl.ds(j * 16, 16)] = z16
        return carry

    lax.fori_loop(0, 32, zbody, 0)
    _load_idx_table(ei_hbm, 1, wid, didx_v)

    row0 = sub * RPT
    for j in range(19):
        pltpu.async_copy(zero_v, acc.at[pl.ds(row0 + j * 32, 32)], ssem)
    pltpu.async_copy(zero_v.at[pl.ds(0, 16)], acc.at[pl.ds(row0 + 608, 16)], ssem)

    @pl.when(sub == NS - 1)
    def _ztail():
        pltpu.async_copy(zero_v.at[pl.ds(0, 16)], acc.at[pl.ds(NS * RPT, 16)], ssem)

    for j in range(19):
        pltpu.make_async_copy(zero_v, acc.at[pl.ds(row0, 32)], ssem).wait()
    pltpu.make_async_copy(zero_v.at[pl.ds(0, 16)], acc.at[pl.ds(row0, 16)], ssem).wait()

    @pl.when(sub == NS - 1)
    def _ztailw():
        pltpu.make_async_copy(zero_v.at[pl.ds(0, 16)], acc.at[pl.ds(row0, 16)], ssem).wait()

    plsc.subcore_barrier()

    for k in range(3):
        pltpu.async_copy(ones_v, acc.at[didx_v.at[k]], ssem, add=True)

    def body(k, carry):
        @pl.when(k < CPW - 3)
        def _fire():
            pltpu.async_copy(ones_v, acc.at[didx_v.at[k + 3]], ssem, add=True)

        pltpu.make_async_copy(ones_v, acc.at[didx_v.at[0]], ssem).wait()
        return carry

    lax.fori_loop(0, CPW, body, 0)
    plsc.subcore_barrier()
    _copy_out_slice(acc, deg_hbm, core, sub)


def _agg_body(hn_hbm, ei_hbm, part_hbm, sidx_v, didx_v, rows_v, zero_v, acc,
                gsem0, gsem1, ssem0, ssem1):
    core, sub, wid = _ids()
    z16 = jnp.zeros((16,), _F32)

    def zbody(r, carry):
        for j in range(D // 16):
            zero_v[r, pl.ds(j * 16, 16)] = z16
        return carry

    lax.fori_loop(0, 32, zbody, 0)

    def _load_phase(p):
        c0 = pl.multiple_of(wid * CPW + p * HPW, 8)
        pltpu.sync_copy(ei_hbm.at[0, 0, pl.ds(c0, HPW), :], sidx_v)
        pltpu.sync_copy(ei_hbm.at[1, 0, pl.ds(c0, HPW), :], didx_v)

    _load_phase(0)
    pltpu.async_copy(hn_hbm.at[sidx_v.at[0]], rows_v.at[0], gsem0)
    pltpu.async_copy(hn_hbm.at[sidx_v.at[1]], rows_v.at[1], gsem1)

    row0 = sub * RPT
    for j in range(19):
        pltpu.async_copy(zero_v, acc.at[pl.ds(row0 + j * 32, 32)], ssem0)
    pltpu.async_copy(zero_v.at[pl.ds(0, 16)], acc.at[pl.ds(row0 + 608, 16)], ssem0)

    @pl.when(sub == NS - 1)
    def _ztail():
        pltpu.async_copy(zero_v.at[pl.ds(0, 16)], acc.at[pl.ds(NS * RPT, 16)], ssem0)

    for j in range(19):
        pltpu.make_async_copy(zero_v, acc.at[pl.ds(row0, 32)], ssem0).wait()
    pltpu.make_async_copy(zero_v.at[pl.ds(0, 16)], acc.at[pl.ds(row0, 16)], ssem0).wait()

    @pl.when(sub == NS - 1)
    def _ztailw():
        pltpu.make_async_copy(zero_v.at[pl.ds(0, 16)], acc.at[pl.ds(row0, 16)], ssem0).wait()

    plsc.subcore_barrier()

    def body(j, carry):
        k0 = 2 * j
        k1 = k0 + 1
        pltpu.make_async_copy(hn_hbm.at[sidx_v.at[0]], rows_v.at[0], gsem0).wait()
        pltpu.async_copy(rows_v.at[0], acc.at[didx_v.at[k0]], ssem0, add=True)
        pltpu.make_async_copy(hn_hbm.at[sidx_v.at[0]], rows_v.at[1], gsem1).wait()
        pltpu.async_copy(rows_v.at[1], acc.at[didx_v.at[k1]], ssem1, add=True)

        @pl.when(j < PPAIR - 1)
        def _next():
            pltpu.make_async_copy(rows_v.at[0], acc.at[didx_v.at[0]], ssem0).wait()
            pltpu.async_copy(hn_hbm.at[sidx_v.at[k0 + 2]], rows_v.at[0], gsem0)
            pltpu.make_async_copy(rows_v.at[1], acc.at[didx_v.at[0]], ssem1).wait()
            pltpu.async_copy(hn_hbm.at[sidx_v.at[k1 + 2]], rows_v.at[1], gsem1)

        return carry

    def run_phase():
        lax.fori_loop(0, PPAIR, body, 0)
        pltpu.make_async_copy(rows_v.at[0], acc.at[didx_v.at[0]], ssem0).wait()
        pltpu.make_async_copy(rows_v.at[1], acc.at[didx_v.at[0]], ssem1).wait()

    run_phase()
    _load_phase(1)
    pltpu.async_copy(hn_hbm.at[sidx_v.at[0]], rows_v.at[0], gsem0)
    pltpu.async_copy(hn_hbm.at[sidx_v.at[1]], rows_v.at[1], gsem1)
    run_phase()
    plsc.subcore_barrier()
    _copy_out_slice(acc, part_hbm, core, sub)


@functools.cache
def _sc_kernels():
    mesh = plsc.VectorSubcoreMesh(
        core_axis_name="c", subcore_axis_name="s", num_cores=NC, num_subcores=NS
    )
    deg = pl.kernel(
        _deg_body,
        out_type=jax.ShapeDtypeStruct((NC, N, D), _F32),
        mesh=mesh,
        scratch_types=[
            pltpu.VMEM((CH, D), _F32),
            pltpu.VMEM((32, D), _F32),
            pltpu.VMEM((CPW, CH), jnp.int32),
            pltpu.VMEM_SHARED((ACCR, D), _F32),
            pltpu.SemaphoreType.DMA,
        ],
    )
    agg = pl.kernel(
        _agg_body,
        out_type=jax.ShapeDtypeStruct((NC, N, D), _F32),
        mesh=mesh,
        scratch_types=[
            pltpu.VMEM((HPW, CH), jnp.int32),
            pltpu.VMEM((HPW, CH), jnp.int32),
            pltpu.VMEM((2, CH, D), _F32),
            pltpu.VMEM((32, D), _F32),
            pltpu.VMEM_SHARED((ACCR, D), _F32),
            pltpu.SemaphoreType.DMA,
            pltpu.SemaphoreType.DMA,
            pltpu.SemaphoreType.DMA,
            pltpu.SemaphoreType.DMA,
        ],
    )
    return deg, agg


def _dinv_block(dp):
    deg = dp[0, :, 0:1] + dp[1, :, 0:1] + 1.0
    return lax.rsqrt(deg)


def _mm_scale_body(x_ref, w_ref, dp_ref, out_ref):
    dinv = _dinv_block(dp_ref[...])
    h = jnp.dot(x_ref[...], w_ref[...], preferred_element_type=_F32)
    out_ref[...] = h * dinv


def _combine_mm_body(p_ref, hn_ref, dp_ref, b_ref, w_ref, out_ref):
    dinv = _dinv_block(dp_ref[...])
    p = p_ref[...]
    agg = p[0] + p[1] + hn_ref[...]
    y = jnp.maximum(agg * dinv + b_ref[...], 0.0)
    out_ref[...] = jnp.dot(y, w_ref[...], preferred_element_type=_F32) * dinv


def _final_body(q_ref, hn_ref, dp_ref, b_ref, batch_ref, out_ref):
    @pl.when(pl.program_id(0) == 0)
    def _init():
        out_ref[...] = jnp.full((G, D), _NEG_INF, _F32)

    dinv = _dinv_block(dp_ref[...])
    q = q_ref[...]
    y = (q[0] + q[1] + hn_ref[...]) * dinv + b_ref[...]
    bcol = batch_ref[...]
    bmin = jnp.min(bcol)
    bmax = jnp.max(bcol)

    def body(g, carry):
        m = jnp.max(jnp.where(bcol == g, y, _NEG_INF), axis=0, keepdims=True)
        out_ref[pl.ds(g, 1), :] = jnp.maximum(out_ref[pl.ds(g, 1), :], m)
        return carry

    lax.fori_loop(bmin, bmax + 1, body, 0)


def _mm_scale(x, w, dp):
    return pl.pallas_call(
        _mm_scale_body,
        grid=(NBLK,),
        in_specs=[
            pl.BlockSpec((RB, D), lambda i: (i, 0)),
            pl.BlockSpec((D, D), lambda i: (0, 0)),
            pl.BlockSpec((NC, RB, DEGW), lambda i: (0, i, 0)),
        ],
        out_specs=pl.BlockSpec((RB, D), lambda i: (i, 0)),
        out_shape=jax.ShapeDtypeStruct((N, D), _F32),
    )(x, w, dp)


def _combine_mm(p, hn, dp, b, w):
    return pl.pallas_call(
        _combine_mm_body,
        grid=(NBLK,),
        in_specs=[
            pl.BlockSpec((NC, RB, D), lambda i: (0, i, 0)),
            pl.BlockSpec((RB, D), lambda i: (i, 0)),
            pl.BlockSpec((NC, RB, DEGW), lambda i: (0, i, 0)),
            pl.BlockSpec((1, D), lambda i: (0, 0)),
            pl.BlockSpec((D, D), lambda i: (0, 0)),
        ],
        out_specs=pl.BlockSpec((RB, D), lambda i: (i, 0)),
        out_shape=jax.ShapeDtypeStruct((N, D), _F32),
    )(p, hn, dp, b, w)


def _final(q, hn, dp, b, batch2d):
    return pl.pallas_call(
        _final_body,
        grid=(NBLK,),
        in_specs=[
            pl.BlockSpec((NC, RB, D), lambda i: (0, i, 0)),
            pl.BlockSpec((RB, D), lambda i: (i, 0)),
            pl.BlockSpec((NC, RB, DEGW), lambda i: (0, i, 0)),
            pl.BlockSpec((1, D), lambda i: (0, 0)),
            pl.BlockSpec((RB, 1), lambda i: (i, 0)),
        ],
        out_specs=pl.BlockSpec((G, D), lambda i: (0, 0)),
        out_shape=jax.ShapeDtypeStruct((G, D), _F32),
    )(q, hn, dp, b, batch2d)


def kernel(x, edge_index, batch, W1, b1, W2, b2):
    x = x.astype(_F32)
    npad = NCHUNK * CH - E
    dummy = jnp.stack([
        jnp.zeros((npad,), jnp.int32),
        N + (jnp.arange(npad, dtype=jnp.int32) % 384),
    ])
    ei = jnp.concatenate([edge_index, dummy], axis=1).reshape(2, 1, NCHUNK, CH)
    deg_k, agg_k = _sc_kernels()
    dp = deg_k(ei)[:, :, :DEGW]
    hn1 = _mm_scale(x, W1, dp)
    p = agg_k(hn1, ei)
    hn2 = _combine_mm(p, hn1, dp, b1.reshape(1, D), W2)
    q = agg_k(hn2, ei)
    return _final(q, hn2, dp, b2.reshape(1, D), batch.reshape(N, 1))

# --- scband reference (transcript-rebuilt; emitter-appended) ---
"""Pipeline reference for scband-graph-convolutional-network-31361851195675 (READ-ONLY COPY).

The authoritative reference and input builder live on the scoring server;
editing this copy changes nothing except your own understanding.
"""

import jax, jax.numpy as jnp
import numpy as np

N = 10000
E = 320000
D_IN = 128
D_HID = 128
D_OUT = 128
G = 64


def setup_inputs(seed: int = 0) -> dict:
    key = jax.random.key(seed)
    k1, k2, k3, k4, k5 = jax.random.split(key, 5)
    x = jax.random.normal(k1, (N, D_IN), dtype=jnp.float32)
    edge_index = jax.random.randint(k2, (2, E), 0, N, dtype=jnp.int32)
    batch = jnp.sort(jax.random.randint(k3, (N,), 0, G, dtype=jnp.int32))
    W1 = jax.random.normal(k4, (D_IN, D_HID), dtype=jnp.float32) * 0.05
    b1 = jnp.zeros((D_HID,), dtype=jnp.float32)
    W2 = jax.random.normal(k5, (D_HID, D_OUT), dtype=jnp.float32) * 0.05
    b2 = jnp.zeros((D_OUT,), dtype=jnp.float32)
    return {"x": x, "edge_index": edge_index, "batch": batch, "W1": W1, "b1": b1, "W2": W2, "b2": b2}


def _gcn_layer(x, edge_index, W, b):
    # GCN layer with added self-loops and symmetric normalization:
    # out = D^{-1/2} (A + I) D^{-1/2} X W + b
    src = edge_index[0]
    dst = edge_index[1]
    loop = jnp.arange(N, dtype=src.dtype)
    src = jnp.concatenate([src, loop])
    dst = jnp.concatenate([dst, loop])
    ones = jnp.ones(src.shape[0], dtype=x.dtype)
    deg = jax.ops.segment_sum(ones, dst, num_segments=N)
    dinv = jnp.where(deg > 0, 1.0 / jnp.sqrt(deg), 0.0)
    norm = dinv[src] * dinv[dst]
    h = x @ W
    msg = h[src] * norm[:, None]
    out = jax.ops.segment_sum(msg, dst, num_segments=N)
    return out + b


def reference(x, edge_index, batch, W1, b1, W2, b2):
    # forward of GraphConvolutionalNetwork (dropout is identity in eval mode)
    h = _gcn_layer(x.astype(jnp.float32), edge_index, W1, b1)
    h = jax.nn.relu(h)
    h = _gcn_layer(h, edge_index, W2, b2)
    # global_max_pool over batch assignment vector
    out = jax.ops.segment_max(h, batch, num_segments=G)
    return out

if __name__ == "__main__":
    import jax
    _d = setup_inputs()
    print(jax.jit(kernel)(*tuple(_d.values())))

</pallas_src>

<mosaic_0001>
#map = affine_map<(d0, d1) -> (0, 0, 0, 0)>
#map1 = affine_map<(d0, d1) -> (0, 0, 0)>
module attributes {stable_mosaic.version = 14 : i64} {
  func.func @_deg_body(%arg0: i32, %arg1: i32, %arg2: memref<2x1x2560x128xi32, #tpu.memory_space<hbm>>, %arg3: memref<2x10000x128xf32, #tpu.memory_space<hbm>>, %arg4: memref<128x128xf32, #tpu.memory_space<vmem>>, %arg5: memref<32x128xf32, #tpu.memory_space<vmem>>, %arg6: memref<80x128xi32, #tpu.memory_space<vmem>>, %arg7: memref<10384x128xf32, #tpu.memory_space<vmem_shared>>, %arg8: memref<!tpu.dma_semaphore, #tpu.memory_space<semaphore_mem>>) attributes {dimension_semantics = [#tpu.dimension_semantics<core_parallel>, #tpu.dimension_semantics<subcore_parallel>], iteration_bounds = array<i64: 2, 16>, scalar_prefetch = 0 : i64, scratch_operands = 5 : i64, tpu.core_type = #tpu.core_type<sc_vector_subcore>, window_params = [{transform_indices = #map}, {transform_indices = #map1}]} {
    %mul3A = arith.constant 16 : i32
    %mul3A_0 = arith.muli %arg0, %mul3A : i32
    %add3A = arith.addi %mul3A_0, %arg1 : i32
    %broadcast_in_dim3A = arith.constant 1.000000e+00 : f32
    %broadcast_in_dim3A_1 = vector.broadcast %broadcast_in_dim3A : f32 to vector<16xf32>
    %broadcast_in_dim3A_2 = arith.constant 0.000000e+00 : f32
    %broadcast_in_dim3A_3 = vector.broadcast %broadcast_in_dim3A_2 : f32 to vector<16xf32>
    %scan3A = arith.constant 0 : i32
    %scan3A_4 = arith.constant 0 : i32
    %scan3A_5 = arith.constant 128 : i32
    %scan3A_6 = arith.addi %scan3A_4, %scan3A_5 : i32
    %scan3A_7 = arith.constant 1 : i32
    scf.for %scan3A_272 = %scan3A_4 to %scan3A_6 step %scan3A_7  : i32 {
      %swap3A = arith.index_cast %scan3A_272 : i32 to index
      %swap3A_273 = arith.constant 0 : index
      %swap3A_274 = tpu.vector_load %arg4[%swap3A, %swap3A_273] {strides = array<i32>} : memref<128x128xf32, #tpu.memory_space<vmem>>, vector<1x16xf32>,
      %swap3A_275 = vector.shape_cast %swap3A_274 : vector<1x16xf32> to vector<16xf32>
      %swap3A_276 = vector.shape_cast %broadcast_in_dim3A_1 : vector<16xf32> to vector<1x16xf32>
      tpu.vector_store %arg4[%swap3A, %swap3A_273], %swap3A_276 {strides = array<i32>} : memref<128x128xf32, #tpu.memory_space<vmem>>, vector<1x16xf32>,
      %swap3A_277 = arith.index_cast %scan3A_272 : i32 to index
      %swap3A_278 = arith.constant 16 : index
      %swap3A_279 = tpu.vector_load %arg4[%swap3A_277, %swap3A_278] {strides = array<i32>} : memref<128x128xf32, #tpu.memory_space<vmem>>, vector<1x16xf32>,
      %swap3A_280 = vector.shape_cast %swap3A_279 : vector<1x16xf32> to vector<16xf32>
      %swap3A_281 = vector.shape_cast %broadcast_in_dim3A_1 : vector<16xf32> to vector<1x16xf32>
      tpu.vector_store %arg4[%swap3A_277, %swap3A_278], %swap3A_281 {strides = array<i32>} : memref<128x128xf32, #tpu.memory_space<vmem>>, vector<1x16xf32>,
      %swap3A_282 = arith.index_cast %scan3A_272 : i32 to index
      %swap3A_283 = arith.constant 32 : index
      %swap3A_284 = tpu.vector_load %arg4[%swap3A_282, %swap3A_283] {strides = array<i32>} : memref<128x128xf32, #tpu.memory_space<vmem>>, vector<1x16xf32>,
      %swap3A_285 = vector.shape_cast %swap3A_284 : vector<1x16xf32> to vector<16xf32>
      %swap3A_286 = vector.shape_cast %broadcast_in_dim3A_1 : vector<16xf32> to vector<1x16xf32>
      tpu.vector_store %arg4[%swap3A_282, %swap3A_283], %swap3A_286 {strides = array<i32>} : memref<128x128xf32, #tpu.memory_space<vmem>>, vector<1x16xf32>,
      %swap3A_287 = arith.index_cast %scan3A_272 : i32 to index
      %swap3A_288 = arith.constant 48 : index
      %swap3A_289 = tpu.vector_load %arg4[%swap3A_287, %swap3A_288] {strides = array<i32>} : memref<128x128xf32, #tpu.memory_space<vmem>>, vector<1x16xf32>,
      %swap3A_290 = vector.shape_cast %swap3A_289 : vector<1x16xf32> to vector<16xf32>
      %swap3A_291 = vector.shape_cast %broadcast_in_dim3A_1 : vector<16xf32> to vector<1x16xf32>
      tpu.vector_store %arg4[%swap3A_287, %swap3A_288], %swap3A_291 {strides = array<i32>} : memref<128x128xf32, #tpu.memory_space<vmem>>, vector<1x16xf32>,
      %swap3A_292 = arith.index_cast %scan3A_272 : i32 to index
      %swap3A_293 = arith.constant 64 : index
      %swap3A_294 = tpu.vector_load %arg4[%swap3A_292, %swap3A_293] {strides = array<i32>} : memref<128x128xf32, #tpu.memory_space<vmem>>, vector<1x16xf32>,
      %swap3A_295 = vector.shape_cast %swap3A_294 : vector<1x16xf32> to vector<16xf32>
      %swap3A_296 = vector.shape_cast %broadcast_in_dim3A_1 : vector<16xf32> to vector<1x16xf32>
      tpu.vector_store %arg4[%swap3A_292, %swap3A_293], %swap3A_296 {strides = array<i32>} : memref<128x128xf32, #tpu.memory_space<vmem>>, vector<1x16xf32>,
      %swap3A_297 = arith.index_cast %scan3A_272 : i32 to index
      %swap3A_298 = arith.constant 80 : index
      %swap3A_299 = tpu.vector_load %arg4[%swap3A_297, %swap3A_298] {strides = array<i32>} : memref<128x128xf32, #tpu.memory_space<vmem>>, vector<1x16xf32>,
      %swap3A_300 = vector.shape_cast %swap3A_299 : vector<1x16xf32> to vector<16xf32>
      %swap3A_301 = vector.shape_cast %broadcast_in_dim3A_1 : vector<16xf32> to vector<1x16xf32>
      tpu.vector_store %arg4[%swap3A_297, %swap3A_298], %swap3A_301 {strides = array<i32>} : memref<128x128xf32, #tpu.memory_space<vmem>>, vector<1x16xf32>,
      %swap3A_302 = arith.index_cast %scan3A_272 : i32 to index
      %swap3A_303 = arith.constant 96 : index
      %swap3A_304 = tpu.vector_load %arg4[%swap3A_302, %swap3A_303] {strides = array<i32>} : memref<128x128xf32, #tpu.memory_space<vmem>>, vector<1x16xf32>,
      %swap3A_305 = vector.shape_cast %swap3A_304 : vector<1x16xf32> to vector<16xf32>
      %swap3A_306 = vector.shape_cast %broadcast_in_dim3A_1 : vector<16xf32> to vector<1x16xf32>
      tpu.vector_store %arg4[%swap3A_302, %swap3A_303], %swap3A_306 {strides = array<i32>} : memref<128x128xf32, #tpu.memory_space<vmem>>, vector<1x16xf32>,
      %swap3A_307 = arith.index_cast %scan3A_272 : i32 to index
      %swap3A_308 = arith.constant 112 : index
      %swap3A_309 = tpu.vector_load %arg4[%swap3A_307, %swap3A_308] {strides = array<i32>} : memref<128x128xf32, #tpu.memory_space<vmem>>, vector<1x16xf32>,
      %swap3A_310 = vector.shape_cast %swap3A_309 : vector<1x16xf32> to vector<16xf32>
      %swap3A_311 = vector.shape_cast %broadcast_in_dim3A_1 : vector<16xf32> to vector<1x16xf32>
      tpu.vector_store %arg4[%swap3A_307, %swap3A_308], %swap3A_311 {strides = array<i32>} : memref<128x128xf32, #tpu.memory_space<vmem>>, vector<1x16xf32>,
    }
    %scan3A_8 = arith.constant 128 : i32
    %scan3A_9 = arith.constant 0 : i32
    %scan3A_10 = arith.constant 0 : i32
    %scan3A_11 = arith.constant 32 : i32
    %scan3A_12 = arith.addi %scan3A_10, %scan3A_11 : i32
    %scan3A_13 = arith.constant 1 : i32
    scf.for %scan3A_272 = %scan3A_10 to %scan3A_12 step %scan3A_13  : i32 {
      %swap3A = arith.index_cast %scan3A_272 : i32 to index
      %swap3A_273 = arith.constant 0 : index
      %swap3A_274 = tpu.vector_load %arg5[%swap3A, %swap3A_273] {strides = array<i32>} : memref<32x128xf32, #tpu.memory_space<vmem>>, vector<1x16xf32>,
      %swap3A_275 = vector.shape_cast %swap3A_274 : vector<1x16xf32> to vector<16xf32>
      %swap3A_276 = vector.shape_cast %broadcast_in_dim3A_3 : vector<16xf32> to vector<1x16xf32>
      tpu.vector_store %arg5[%swap3A, %swap3A_273], %swap3A_276 {strides = array<i32>} : memref<32x128xf32, #tpu.memory_space<vmem>>, vector<1x16xf32>,
      %swap3A_277 = arith.index_cast %scan3A_272 : i32 to index
      %swap3A_278 = arith.constant 16 : index
      %swap3A_279 = tpu.vector_load %arg5[%swap3A_277, %swap3A_278] {strides = array<i32>} : memref<32x128xf32, #tpu.memory_space<vmem>>, vector<1x16xf32>,
      %swap3A_280 = vector.shape_cast %swap3A_279 : vector<1x16xf32> to vector<16xf32>
      %swap3A_281 = vector.shape_cast %broadcast_in_dim3A_3 : vector<16xf32> to vector<1x16xf32>
      tpu.vector_store %arg5[%swap3A_277, %swap3A_278], %swap3A_281 {strides = array<i32>} : memref<32x128xf32, #tpu.memory_space<vmem>>, vector<1x16xf32>,
      %swap3A_282 = arith.index_cast %scan3A_272 : i32 to index
      %swap3A_283 = arith.constant 32 : index
      %swap3A_284 = tpu.vector_load %arg5[%swap3A_282, %swap3A_283] {strides = array<i32>} : memref<32x128xf32, #tpu.memory_space<vmem>>, vector<1x16xf32>,
      %swap3A_285 = vector.shape_cast %swap3A_284 : vector<1x16xf32> to vector<16xf32>
      %swap3A_286 = vector.shape_cast %broadcast_in_dim3A_3 : vector<16xf32> to vector<1x16xf32>
      tpu.vector_store %arg5[%swap3A_282, %swap3A_283], %swap3A_286 {strides = array<i32>} : memref<32x128xf32, #tpu.memory_space<vmem>>, vector<1x16xf32>,
      %swap3A_287 = arith.index_cast %scan3A_272 : i32 to index
      %swap3A_288 = arith.constant 48 : index
      %swap3A_289 = tpu.vector_load %arg5[%swap3A_287, %swap3A_288] {strides = array<i32>} : memref<32x128xf32, #tpu.memory_space<vmem>>, vector<1x16xf32>,
      %swap3A_290 = vector.shape_cast %swap3A_289 : vector<1x16xf32> to vector<16xf32>
      %swap3A_291 = vector.shape_cast %broadcast_in_dim3A_3 : vector<16xf32> to vector<1x16xf32>
      tpu.vector_store %arg5[%swap3A_287, %swap3A_288], %swap3A_291 {strides = array<i32>} : memref<32x128xf32, #tpu.memory_space<vmem>>, vector<1x16xf32>,
      %swap3A_292 = arith.index_cast %scan3A_272 : i32 to index
      %swap3A_293 = arith.constant 64 : index
      %swap3A_294 = tpu.vector_load %arg5[%swap3A_292, %swap3A_293] {strides = array<i32>} : memref<32x128xf32, #tpu.memory_space<vmem>>, vector<1x16xf32>,
      %swap3A_295 = vector.shape_cast %swap3A_294 : vector<1x16xf32> to vector<16xf32>
      %swap3A_296 = vector.shape_cast %broadcast_in_dim3A_3 : vector<16xf32> to vector<1x16xf32>
      tpu.vector_store %arg5[%swap3A_292, %swap3A_293], %swap3A_296 {strides = array<i32>} : memref<32x128xf32, #tpu.memory_space<vmem>>, vector<1x16xf32>,
      %swap3A_297 = arith.index_cast %scan3A_272 : i32 to index
      %swap3A_298 = arith.constant 80 : index
      %swap3A_299 = tpu.vector_load %arg5[%swap3A_297, %swap3A_298] {strides = array<i32>} : memref<32x128xf32, #tpu.memory_space<vmem>>, vector<1x16xf32>,
      %swap3A_300 = vector.shape_cast %swap3A_299 : vector<1x16xf32> to vector<16xf32>
      %swap3A_301 = vector.shape_cast %broadcast_in_dim3A_3 : vector<16xf32> to vector<1x16xf32>
      tpu.vector_store %arg5[%swap3A_297, %swap3A_298], %swap3A_301 {strides = array<i32>} : memref<32x128xf32, #tpu.memory_space<vmem>>, vector<1x16xf32>,
      %swap3A_302 = arith.index_cast %scan3A_272 : i32 to index
      %swap3A_303 = arith.constant 96 : index
      %swap3A_304 = tpu.vector_load %arg5[%swap3A_302, %swap3A_303] {strides = array<i32>} : memref<32x128xf32, #tpu.memory_space<vmem>>, vector<1x16xf32>,
      %swap3A_305 = vector.shape_cast %swap3A_304 : vector<1x16xf32> to vector<16xf32>
      %swap3A_306 = vector.shape_cast %broadcast_in_dim3A_3 : vector<16xf32> to vector<1x16xf32>
      tpu.vector_store %arg5[%swap3A_302, %swap3A_303], %swap3A_306 {strides = array<i32>} : memref<32x128xf32, #tpu.memory_space<vmem>>, vector<1x16xf32>,
      %swap3A_307 = arith.index_cast %scan3A_272 : i32 to index
      %swap3A_308 = arith.constant 112 : index
      %swap3A_309 = tpu.vector_load %arg5[%swap3A_307, %swap3A_308] {strides = array<i32>} : memref<32x128xf32, #tpu.memory_space<vmem>>, vector<1x16xf32>,
      %swap3A_310 = vector.shape_cast %swap3A_309 : vector<1x16xf32> to vector<16xf32>
      %swap3A_311 = vector.shape_cast %broadcast_in_dim3A_3 : vector<16xf32> to vector<1x16xf32>
      tpu.vector_store %arg5[%swap3A_307, %swap3A_308], %swap3A_311 {strides = array<i32>} : memref<32x128xf32, #tpu.memory_space<vmem>>, vector<1x16xf32>,
    }
    %scan3A_14 = arith.constant 32 : i32
    %mul3A_15 = arith.constant 80 : i32
    %mul3A_16 = arith.muli %add3A, %mul3A_15 : i32
    %multiple_of3A = tpu.assume_multiple %mul3A_16, 8 : i32
    %run_scoped3A = arith.constant 1 : i32
    %run_scoped3A_17 = arith.constant 0 : i32
    "tpu.region"() ({
      %run_scoped3A_272 = tpu.sem_alloc : memref<!tpu.dma_semaphore, #tpu.memory_space<semaphore_mem>>
      %dma_start3A_273 = arith.constant 0 : i32
      %dma_start3A_274 = tpu.memref_slice %arg2[%run_scoped3A, %run_scoped3A_17, %multiple_of3A, %dma_start3A_273] : memref<2x1x2560x128xi32, #tpu.memory_space<hbm>> -> memref<1x1x80x128xi32, #tpu.memory_space<hbm>>
      %dma_start3A_275 = tpu.memref_squeeze %dma_start3A_274 : memref<1x1x80x128xi32, #tpu.memory_space<hbm>> -> memref<80x128xi32, #tpu.memory_space<hbm>>
      %dma_start3A_276 = arith.constant 0 : i32
      %dma_start3A_277 = tpu.memref_slice %arg2[%run_scoped3A, %run_scoped3A_17, %multiple_of3A, %dma_start3A_276] : memref<2x1x2560x128xi32, #tpu.memory_space<hbm>> -> memref<1x1x80x128xi32, #tpu.memory_space<hbm>>
      %dma_start3A_278 = tpu.memref_squeeze %dma_start3A_277 : memref<1x1x80x128xi32, #tpu.memory_space<hbm>> -> memref<80x128xi32, #tpu.memory_space<hbm>>
      tpu.enqueue_dma source(%dma_start3A_278 : memref<80x128xi32, #tpu.memory_space<hbm>>) target(%arg6 : memref<80x128xi32, #tpu.memory_space<vmem>>) target_semaphore(%run_scoped3A_272 : memref<!tpu.dma_semaphore, #tpu.memory_space<semaphore_mem>>)
      %dma_wait3A_279 = arith.constant 0 : i32
      %dma_wait3A_280 = tpu.memref_slice %arg2[%run_scoped3A, %run_scoped3A_17, %multiple_of3A, %dma_wait3A_279] : memref<2x1x2560x128xi32, #tpu.memory_space<hbm>> -> memref<1x1x80x128xi32, #tpu.memory_space<hbm>>
      %dma_wait3A_281 = tpu.memref_squeeze %dma_wait3A_280 : memref<1x1x80x128xi32, #tpu.memory_space<hbm>> -> memref<80x128xi32, #tpu.memory_space<hbm>>
      %dma_wait3A_282 = arith.constant 0 : i32
      %dma_wait3A_283 = tpu.memref_slice %arg2[%run_scoped3A, %run_scoped3A_17, %multiple_of3A, %dma_wait3A_282] : memref<2x1x2560x128xi32, #tpu.memory_space<hbm>> -> memref<1x1x80x128xi32, #tpu.memory_space<hbm>>
      %dma_wait3A_284 = tpu.memref_squeeze %dma_wait3A_283 : memref<1x1x80x128xi32, #tpu.memory_space<hbm>> -> memref<80x128xi32, #tpu.memory_space<hbm>>
      tpu.wait_dma2 semaphore(%run_scoped3A_272 : memref<!tpu.dma_semaphore, #tpu.memory_space<semaphore_mem>>) src(%dma_wait3A_284 : memref<80x128xi32, #tpu.memory_space<hbm>>) dst(%arg6 : memref<80x128xi32, #tpu.memory_space<vmem>>)
      tpu.yield
    }) : () -> ()
    %mul3A_18 = arith.constant 624 : i32
    %mul3A_19 = arith.muli %arg1, %mul3A_18 : i32
    %add3A_20 = arith.constant 0 : i32
    %add3A_21 = arith.addi %mul3A_19, %add3A_20 : i32
    %dma_start3A = arith.constant 0 : i32
    %dma_start3A_22 = tpu.memref_slice %arg7[%add3A_21, %dma_start3A] : memref<10384x128xf32, #tpu.memory_space<vmem_shared>> -> memref<32x128xf32, #tpu.memory_space<vmem_shared>>
    %dma_start3A_23 = arith.constant 0 : i32
    %dma_start3A_24 = tpu.memref_slice %arg7[%add3A_21, %dma_start3A_23] : memref<10384x128xf32, #tpu.memory_space<vmem_shared>> -> memref<32x128xf32, #tpu.memory_space<vmem_shared>>
    tpu.enqueue_dma source(%arg5 : memref<32x128xf32, #tpu.memory_space<vmem>>) target(%dma_start3A_24 : memref<32x128xf32, #tpu.memory_space<vmem_shared>>) target_semaphore(%arg8 : memref<!tpu.dma_semaphore, #tpu.memory_space<semaphore_mem>>)
    %add3A_25 = arith.constant 32 : i32
    %add3A_26 = arith.addi %mul3A_19, %add3A_25 : i32
    %dma_start3A_27 = arith.constant 0 : i32
    %dma_start3A_28 = tpu.memref_slice %arg7[%add3A_26, %dma_start3A_27] : memref<10384x128xf32, #tpu.memory_space<vmem_shared>> -> memref<32x128xf32, #tpu.memory_space<vmem_shared>>
    %dma_start3A_29 = arith.constant 0 : i32
    %dma_start3A_30 = tpu.memref_slice %arg7[%add3A_26, %dma_start3A_29] : memref<10384x128xf32, #tpu.memory_space<vmem_shared>> -> memref<32x128xf32, #tpu.memory_space<vmem_shared>>
    tpu.enqueue_dma source(%arg5 : memref<32x128xf32, #tpu.memory_space<vmem>>) target(%dma_start3A_30 : memref<32x128xf32, #tpu.memory_space<vmem_shared>>) target_semaphore(%arg8 : memref<!tpu.dma_semaphore, #tpu.memory_space<semaphore_mem>>)
    %add3A_31 = arith.constant 64 : i32
    %add3A_32 = arith.addi %mul3A_19, %add3A_31 : i32
    %dma_start3A_33 = arith.constant 0 : i32
    %dma_start3A_34 = tpu.memref_slice %arg7[%add3A_32, %dma_start3A_33] : memref<10384x128xf32, #tpu.memory_space<vmem_shared>> -> memref<32x128xf32, #tpu.memory_space<vmem_shared>>
    %dma_start3A_35 = arith.constant 0 : i32
    %dma_start3A_36 = tpu.memref_slice %arg7[%add3A_32, %dma_start3A_35] : memref<10384x128xf32, #tpu.memory_space<vmem_shared>> -> memref<32x128xf32, #tpu.memory_space<vmem_shared>>
    tpu.enqueue_dma source(%arg5 : memref<32x128xf32, #tpu.memory_space<vmem>>) target(%dma_start3A_36 : memref<32x128xf32, #tpu.memory_space<vmem_shared>>) target_semaphore(%arg8 : memref<!tpu.dma_semaphore, #tpu.memory_space<semaphore_mem>>)
    %add3A_37 = arith.constant 96 : i32
    %add3A_38 = arith.addi %mul3A_19, %add3A_37 : i32
    %dma_start3A_39 = arith.constant 0 : i32
    %dma_start3A_40 = tpu.memref_slice %arg7[%add3A_38, %dma_start3A_39] : memref<10384x128xf32, #tpu.memory_space<vmem_shared>> -> memref<32x128xf32, #tpu.memory_space<vmem_shared>>
    %dma_start3A_41 = arith.constant 0 : i32
    %dma_start3A_42 = tpu.memref_slice %arg7[%add3A_38, %dma_start3A_41] : memref<10384x128xf32, #tpu.memory_space<vmem_shared>> -> memref<32x128xf32, #tpu.memory_space<vmem_shared>>
    tpu.enqueue_dma source(%arg5 : memref<32x128xf32, #tpu.memory_space<vmem>>) target(%dma_start3A_42 : memref<32x128xf32, #tpu.memory_space<vmem_shared>>) target_semaphore(%arg8 : memref<!tpu.dma_semaphore, #tpu.memory_space<semaphore_mem>>)
    %add3A_43 = arith.constant 128 : i32
    %add3A_44 = arith.addi %mul3A_19, %add3A_43 : i32
    %dma_start3A_45 = arith.constant 0 : i32
    %dma_start3A_46 = tpu.memref_slice %arg7[%add3A_44, %dma_start3A_45] : memref<10384x128xf32, #tpu.memory_space<vmem_shared>> -> memref<32x128xf32, #tpu.memory_space<vmem_shared>>
    %dma_start3A_47 = arith.constant 0 : i32
    %dma_start3A_48 = tpu.memref_slice %arg7[%add3A_44, %dma_start3A_47] : memref<10384x128xf32, #tpu.memory_space<vmem_shared>> -> memref<32x128xf32, #tpu.memory_space<vmem_shared>>
    tpu.enqueue_dma source(%arg5 : memref<32x128xf32, #tpu.memory_space<vmem>>) target(%dma_start3A_48 : memref<32x128xf32, #tpu.memory_space<vmem_shared>>) target_semaphore(%arg8 : memref<!tpu.dma_semaphore, #tpu.memory_space<semaphore_mem>>)
    %add3A_49 = arith.constant 160 : i32
    %add3A_50 = arith.addi %mul3A_19, %add3A_49 : i32
    %dma_start3A_51 = arith.constant 0 : i32
    %dma_start3A_52 = tpu.memref_slice %arg7[%add3A_50, %dma_start3A_51] : memref<10384x128xf32, #tpu.memory_space<vmem_shared>> -> memref<32x128xf32, #tpu.memory_space<vmem_shared>>
    %dma_start3A_53 = arith.constant 0 : i32
    %dma_start3A_54 = tpu.memref_slice %arg7[%add3A_50, %dma_start3A_53] : memref<10384x128xf32, #tpu.memory_space<vmem_shared>> -> memref<32x128xf32, #tpu.memory_space<vmem_shared>>
    tpu.enqueue_dma source(%arg5 : memref<32x128xf32, #tpu.memory_space<vmem>>) target(%dma_start3A_54 : memref<32x128xf32, #tpu.memory_space<vmem_shared>>) target_semaphore(%arg8 : memref<!tpu.dma_semaphore, #tpu.memory_space<semaphore_mem>>)
    %add3A_55 = arith.constant 192 : i32
    %add3A_56 = arith.addi %mul3A_19, %add3A_55 : i32
    %dma_start3A_57 = arith.constant 0 : i32
    %dma_start3A_58 = tpu.memref_slice %arg7[%add3A_56, %dma_start3A_57] : memref<10384x128xf32, #tpu.memory_space<vmem_shared>> -> memref<32x128xf32, #tpu.memory_space<vmem_shared>>
    %dma_start3A_59 = arith.constant 0 : i32
    %dma_start3A_60 = tpu.memref_slice %arg7[%add3A_56, %dma_start3A_59] : memref<10384x128xf32, #tpu.memory_space<vmem_shared>> -> memref<32x128xf32, #tpu.memory_space<vmem_shared>>
    tpu.enqueue_dma source(%arg5 : memref<32x128xf32, #tpu.memory_space<vmem>>) target(%dma_start3A_60 : memref<32x128xf32, #tpu.memory_space<vmem_shared>>) target_semaphore(%arg8 : memref<!tpu.dma_semaphore, #tpu.memory_space<semaphore_mem>>)
    %add3A_61 = arith.constant 224 : i32
    %add3A_62 = arith.addi %mul3A_19, %add3A_61 : i32
    %dma_start3A_63 = arith.constant 0 : i32
    %dma_start3A_64 = tpu.memref_slice %arg7[%add3A_62, %dma_start3A_63] : memref<10384x128xf32, #tpu.memory_space<vmem_shared>> -> memref<32x128xf32, #tpu.memory_space<vmem_shared>>
    %dma_start3A_65 = arith.constant 0 : i32
    %dma_start3A_66 = tpu.memref_slice %arg7[%add3A_62, %dma_start3A_65] : memref<10384x128xf32, #tpu.memory_space<vmem_shared>> -> memref<32x128xf32, #tpu.memory_space<vmem_shared>>
    tpu.enqueue_dma source(%arg5 : memref<32x128xf32, #tpu.memory_space<vmem>>) target(%dma_start3A_66 : memref<32x128xf32, #tpu.memory_space<vmem_shared>>) target_semaphore(%arg8 : memref<!tpu.dma_semaphore, #tpu.memory_space<semaphore_mem>>)
    %add3A_67 = arith.constant 256 : i32
    %add3A_68 = arith.addi %mul3A_19, %add3A_67 : i32
    %dma_start3A_69 = arith.constant 0 : i32
    %dma_start3A_70 = tpu.memref_slice %arg7[%add3A_68, %dma_start3A_69] : memref<10384x128xf32, #tpu.memory_space<vmem_shared>> -> memref<32x128xf32, #tpu.memory_space<vmem_shared>>
    %dma_start3A_71 = arith.constant 0 : i32
    %dma_start3A_72 = tpu.memref_slice %arg7[%add3A_68, %dma_start3A_71] : memref<10384x128xf32, #tpu.memory_space<vmem_shared>> -> memref<32x128xf32, #tpu.memory_space<vmem_shared>>
    tpu.enqueue_dma source(%arg5 : memref<32x128xf32, #tpu.memory_space<vmem>>) target(%dma_start3A_72 : memref<32x128xf32, #tpu.memory_space<vmem_shared>>) target_semaphore(%arg8 : memref<!tpu.dma_semaphore, #tpu.memory_space<semaphore_mem>>)
    %add3A_73 = arith.constant 288 : i32
    %add3A_74 = arith.addi %mul3A_19, %add3A_73 : i32
    %dma_start3A_75 = arith.constant 0 : i32
    %dma_start3A_76 = tpu.memref_slice %arg7[%add3A_74, %dma_start3A_75] : memref<10384x128xf32, #tpu.memory_space<vmem_shared>> -> memref<32x128xf32, #tpu.memory_space<vmem_shared>>
    %dma_start3A_77 = arith.constant 0 : i32
    %dma_start3A_78 = tpu.memref_slice %arg7[%add3A_74, %dma_start3A_77] : memref<10384x128xf32, #tpu.memory_space<vmem_shared>> -> memref<32x128xf32, #tpu.memory_space<vmem_shared>>
    tpu.enqueue_dma source(%arg5 : memref<32x128xf32, #tpu.memory_space<vmem>>) target(%dma_start3A_78 : memref<32x128xf32, #tpu.memory_space<vmem_shared>>) target_semaphore(%arg8 : memref<!tpu.dma_semaphore, #tpu.memory_space<semaphore_mem>>)
    %add3A_79 = arith.constant 320 : i32
    %add3A_80 = arith.addi %mul3A_19, %add3A_79 : i32
    %dma_start3A_81 = arith.constant 0 : i32
    %dma_start3A_82 = tpu.memref_slice %arg7[%add3A_80, %dma_start3A_81] : memref<10384x128xf32, #tpu.memory_space<vmem_shared>> -> memref<32x128xf32, #tpu.memory_space<vmem_shared>>
    %dma_start3A_83 = arith.constant 0 : i32
    %dma_start3A_84 = tpu.memref_slice %arg7[%add3A_80, %dma_start3A_83] : memref<10384x128xf32, #tpu.memory_space<vmem_shared>> -> memref<32x128xf32, #tpu.memory_space<vmem_shared>>
    tpu.enqueue_dma source(%arg5 : memref<32x128xf32, #tpu.memory_space<vmem>>) target(%dma_start3A_84 : memref<32x128xf32, #tpu.memory_space<vmem_shared>>) target_semaphore(%arg8 : memref<!tpu.dma_semaphore, #tpu.memory_space<semaphore_mem>>)
    %add3A_85 = arith.constant 352 : i32
    %add3A_86 = arith.addi %mul3A_19, %add3A_85 : i32
    %dma_start3A_87 = arith.constant 0 : i32
    %dma_start3A_88 = tpu.memref_slice %arg7[%add3A_86, %dma_start3A_87] : memref<10384x128xf32, #tpu.memory_space<vmem_shared>> -> memref<32x128xf32, #tpu.memory_space<vmem_shared>>
    %dma_start3A_89 = arith.constant 0 : i32
    %dma_start3A_90 = tpu.memref_slice %arg7[%add3A_86, %dma_start3A_89] : memref<10384x128xf32, #tpu.memory_space<vmem_shared>> -> memref<32x128xf32, #tpu.memory_space<vmem_shared>>
    tpu.enqueue_dma source(%arg5 : memref<32x128xf32, #tpu.memory_space<vmem>>) target(%dma_start3A_90 : memref<32x128xf32, #tpu.memory_space<vmem_shared>>) target_semaphore(%arg8 : memref<!tpu.dma_semaphore, #tpu.memory_space<semaphore_mem>>)
    %add3A_91 = arith.constant 384 : i32
    %add3A_92 = arith.addi %mul3A_19, %add3A_91 : i32
    %dma_start3A_93 = arith.constant 0 : i32
    %dma_start3A_94 = tpu.memref_slice %arg7[%add3A_92, %dma_start3A_93] : memref<10384x128xf32, #tpu.memory_space<vmem_shared>> -> memref<32x128xf32, #tpu.memory_space<vmem_shared>>
    %dma_start3A_95 = arith.constant 0 : i32
    %dma_start3A_96 = tpu.memref_slice %arg7[%add3A_92, %dma_start3A_95] : memref<10384x128xf32, #tpu.memory_space<vmem_shared>> -> memref<32x128xf32, #tpu.memory_space<vmem_shared>>
    tpu.enqueue_dma source(%arg5 : memref<32x128xf32, #tpu.memory_space<vmem>>) target(%dma_start3A_96 : memref<32x128xf32, #tpu.memory_space<vmem_shared>>) target_semaphore(%arg8 : memref<!tpu.dma_semaphore, #tpu.memory_space<semaphore_mem>>)
    %add3A_97 = arith.constant 416 : i32
    %add3A_98 = arith.addi %mul3A_19, %add3A_97 : i32
    %dma_start3A_99 = arith.constant 0 : i32
    %dma_start3A_100 = tpu.memref_slice %arg7[%add3A_98, %dma_start3A_99] : memref<10384x128xf32, #tpu.memory_space<vmem_shared>> -> memref<32x128xf32, #tpu.memory_space<vmem_shared>>
    %dma_start3A_101 = arith.constant 0 : i32
    %dma_start3A_102 = tpu.memref_slice %arg7[%add3A_98, %dma_start3A_101] : memref<10384x128xf32, #tpu.memory_space<vmem_shared>> -> memref<32x128xf32, #tpu.memory_space<vmem_shared>>
    tpu.enqueue_dma source(%arg5 : memref<32x128xf32, #tpu.memory_space<vmem>>) target(%dma_start3A_102 : memref<32x128xf32, #tpu.memory_space<vmem_shared>>) target_semaphore(%arg8 : memref<!tpu.dma_semaphore, #tpu.memory_space<semaphore_mem>>)
    %add3A_103 = arith.constant 448 : i32
    %add3A_104 = arith.addi %mul3A_19, %add3A_103 : i32
    %dma_start3A_105 = arith.constant 0 : i32
    %dma_start3A_106 = tpu.memref_slice %arg7[%add3A_104, %dma_start3A_105] : memref<10384x128xf32, #tpu.memory_space<vmem_shared>> -> memref<32x128xf32, #tpu.memory_space<vmem_shared>>
    %dma_start3A_107 = arith.constant 0 : i32
    %dma_start3A_108 = tpu.memref_slice %arg7[%add3A_104, %dma_start3A_107] : memref<10384x128xf32, #tpu.memory_space<vmem_shared>> -> memref<32x128xf32, #tpu.memory_space<vmem_shared>>
    tpu.enqueue_dma source(%arg5 : memref<32x128xf32, #tpu.memory_space<vmem>>) target(%dma_start3A_108 : memref<32x128xf32, #tpu.memory_space<vmem_shared>>) target_semaphore(%arg8 : memref<!tpu.dma_semaphore, #tpu.memory_space<semaphore_mem>>)
    %add3A_109 = arith.constant 480 : i32
    %add3A_110 = arith.addi %mul3A_19, %add3A_109 : i32
    %dma_start3A_111 = arith.constant 0 : i32
    %dma_start3A_112 = tpu.memref_slice %arg7[%add3A_110, %dma_start3A_111] : memref<10384x128xf32, #tpu.memory_space<vmem_shared>> -> memref<32x128xf32, #tpu.memory_space<vmem_shared>>
    %dma_start3A_113 = arith.constant 0 : i32
    %dma_start3A_114 = tpu.memref_slice %arg7[%add3A_110, %dma_start3A_113] : memref<10384x128xf32, #tpu.memory_space<vmem_shared>> -> memref<32x128xf32, #tpu.memory_space<vmem_shared>>
    tpu.enqueue_dma source(%arg5 : memref<32x128xf32, #tpu.memory_space<vmem>>) target(%dma_start3A_114 : memref<32x128xf32, #tpu.memory_space<vmem_shared>>) target_semaphore(%arg8 : memref<!tpu.dma_semaphore, #tpu.memory_space<semaphore_mem>>)
    %add3A_115 = arith.constant 512 : i32
    %add3A_116 = arith.addi %mul3A_19, %add3A_115 : i32
    %dma_start3A_117 = arith.constant 0 : i32
    %dma_start3A_118 = tpu.memref_slice %arg7[%add3A_116, %dma_start3A_117] : memref<10384x128xf32, #tpu.memory_space<vmem_shared>> -> memref<32x128xf32, #tpu.memory_space<vmem_shared>>
    %dma_start3A_119 = arith.constant 0 : i32
    %dma_start3A_120 = tpu.memref_slice %arg7[%add3A_116, %dma_start3A_119] : memref<10384x128xf32, #tpu.memory_space<vmem_shared>> -> memref<32x128xf32, #tpu.memory_space<vmem_shared>>
    tpu.enqueue_dma source(%arg5 : memref<32x128xf32, #tpu.memory_space<vmem>>) target(%dma_start3A_120 : memref<32x128xf32, #tpu.memory_space<vmem_shared>>) target_semaphore(%arg8 : memref<!tpu.dma_semaphore, #tpu.memory_space<semaphore_mem>>)
    %add3A_121 = arith.constant 544 : i32
    %add3A_122 = arith.addi %mul3A_19, %add3A_121 : i32
    %dma_start3A_123 = arith.constant 0 : i32
    %dma_start3A_124 = tpu.memref_slice %arg7[%add3A_122, %dma_start3A_123] : memref<10384x128xf32, #tpu.memory_space<vmem_shared>> -> memref<32x128xf32, #tpu.memory_space<vmem_shared>>
    %dma_start3A_125 = arith.constant 0 : i32
    %dma_start3A_126 = tpu.memref_slice %arg7[%add3A_122, %dma_start3A_125] : memref<10384x128xf32, #tpu.memory_space<vmem_shared>> -> memref<32x128xf32, #tpu.memory_space<vmem_shared>>
    tpu.enqueue_dma source(%arg5 : memref<32x128xf32, #tpu.memory_space<vmem>>) target(%dma_start3A_126 : memref<32x128xf32, #tpu.memory_space<vmem_shared>>) target_semaphore(%arg8 : memref<!tpu.dma_semaphore, #tpu.memory_space<semaphore_mem>>)
    %add3A_127 = arith.constant 576 : i32
    %add3A_128 = arith.addi %mul3A_19, %add3A_127 : i32
    %dma_start3A_129 = arith.constant 0 : i32
    %dma_start3A_130 = tpu.memref_slice %arg7[%add3A_128, %dma_start3A_129] : memref<10384x128xf32, #tpu.memory_space<vmem_shared>> -> memref<32x128xf32, #tpu.memory_space<vmem_shared>>
    %dma_start3A_131 = arith.constant 0 : i32
    %dma_start3A_132 = tpu.memref_slice %arg7[%add3A_128, %dma_start3A_131] : memref<10384x128xf32, #tpu.memory_space<vmem_shared>> -> memref<32x128xf32, #tpu.memory_space<vmem_shared>>
    tpu.enqueue_dma source(%arg5 : memref<32x128xf32, #tpu.memory_space<vmem>>) target(%dma_start3A_132 : memref<32x128xf32, #tpu.memory_space<vmem_shared>>) target_semaphore(%arg8 : memref<!tpu.dma_semaphore, #tpu.memory_space<semaphore_mem>>)
    %add3A_133 = arith.constant 608 : i32
    %add3A_134 = arith.addi %mul3A_19, %add3A_133 : i32
    %dma_start3A_135 = arith.constant 0 : i32
    %dma_start3A_136 = arith.constant 0 : i32
    %dma_start3A_137 = tpu.memref_slice %arg5[%dma_start3A_135, %dma_start3A_136] : memref<32x128xf32, #tpu.memory_space<vmem>> -> memref<16x128xf32, #tpu.memory_space<vmem>>
    %dma_start3A_138 = arith.constant 0 : i32
    %dma_start3A_139 = tpu.memref_slice %arg7[%add3A_134, %dma_start3A_138] : memref<10384x128xf32, #tpu.memory_space<vmem_shared>> -> memref<16x128xf32, #tpu.memory_space<vmem_shared>>
    %dma_start3A_140 = arith.constant 0 : i32
    %dma_start3A_141 = tpu.memref_slice %arg7[%add3A_134, %dma_start3A_140] : memref<10384x128xf32, #tpu.memory_space<vmem_shared>> -> memref<16x128xf32, #tpu.memory_space<vmem_shared>>
    %dma_start3A_142 = arith.constant 0 : i32
    %dma_start3A_143 = arith.constant 0 : i32
    %dma_start3A_144 = tpu.memref_slice %arg5[%dma_start3A_142, %dma_start3A_143] : memref<32x128xf32, #tpu.memory_space<vmem>> -> memref<16x128xf32, #tpu.memory_space<vmem>>
    tpu.enqueue_dma source(%dma_start3A_144 : memref<16x128xf32, #tpu.memory_space<vmem>>) target(%dma_start3A_141 : memref<16x128xf32, #tpu.memory_space<vmem_shared>>) target_semaphore(%arg8 : memref<!tpu.dma_semaphore, #tpu.memory_space<semaphore_mem>>)
    %eq3A = arith.constant 15 : i32
    %eq3A_145 = arith.cmpi eq, %arg1, %eq3A : i32
    %convert_element_type3A = arith.extui %eq3A_145 : i1 to i32
    %cond3A = arith.constant 0 : i32
    %cond3A_146 = arith.cmpi ne, %convert_element_type3A, %cond3A : i32
    scf.if %cond3A_146 {
      %dma_start3A_272 = arith.constant 0 : i32
      %dma_start3A_273 = arith.constant 0 : i32
      %dma_start3A_274 = tpu.memref_slice %arg5[%dma_start3A_272, %dma_start3A_273] : memref<32x128xf32, #tpu.memory_space<vmem>> -> memref<16x128xf32, #tpu.memory_space<vmem>>
      %dma_start3A_275 = arith.constant 9984 : i32
      %dma_start3A_276 = arith.constant 0 : i32
      %dma_start3A_277 = tpu.memref_slice %arg7[%dma_start3A_275, %dma_start3A_276] : memref<10384x128xf32, #tpu.memory_space<vmem_shared>> -> memref<16x128xf32, #tpu.memory_space<vmem_shared>>
      %dma_start3A_278 = arith.constant 9984 : i32
      %dma_start3A_279 = arith.constant 0 : i32
      %dma_start3A_280 = tpu.memref_slice %arg7[%dma_start3A_278, %dma_start3A_279] : memref<10384x128xf32, #tpu.memory_space<vmem_shared>> -> memref<16x128xf32, #tpu.memory_space<vmem_shared>>
      %dma_start3A_281 = arith.constant 0 : i32
      %dma_start3A_282 = arith.constant 0 : i32
      %dma_start3A_283 = tpu.memref_slice %arg5[%dma_start3A_281, %dma_start3A_282] : memref<32x128xf32, #tpu.memory_space<vmem>> -> memref<16x128xf32, #tpu.memory_space<vmem>>
      tpu.enqueue_dma source(%dma_start3A_283 : memref<16x128xf32, #tpu.memory_space<vmem>>) target(%dma_start3A_280 : memref<16x128xf32, #tpu.memory_space<vmem_shared>>) target_semaphore(%arg8 : memref<!tpu.dma_semaphore, #tpu.memory_space<semaphore_mem>>)
    } else {
    }
    %dma_wait3A = arith.constant 0 : i32
    %dma_wait3A_147 = tpu.memref_slice %arg7[%mul3A_19, %dma_wait3A] : memref<10384x128xf32, #tpu.memory_space<vmem_shared>> -> memref<32x128xf32, #tpu.memory_space<vmem_shared>>
    %dma_wait3A_148 = arith.constant 0 : i32
    %dma_wait3A_149 = tpu.memref_slice %arg7[%mul3A_19, %dma_wait3A_148] : memref<10384x128xf32, #tpu.memory_space<vmem_shared>> -> memref<32x128xf32, #tpu.memory_space<vmem_shared>>
    tpu.wait_dma2 semaphore(%arg8 : memref<!tpu.dma_semaphore, #tpu.memory_space<semaphore_mem>>) src(%arg5 : memref<32x128xf32, #tpu.memory_space<vmem>>) dst(%dma_wait3A_149 : memref<32x128xf32, #tpu.memory_space<vmem_shared>>)
    %dma_wait3A_150 = arith.constant 0 : i32
    %dma_wait3A_151 = tpu.memref_slice %arg7[%mul3A_19, %dma_wait3A_150] : memref<10384x128xf32, #tpu.memory_space<vmem_shared>> -> memref<32x128xf32, #tpu.memory_space<vmem_shared>>
    %dma_wait3A_152 = arith.constant 0 : i32
    %dma_wait3A_153 = tpu.memref_slice %arg7[%mul3A_19, %dma_wait3A_152] : memref<10384x128xf32, #tpu.memory_space<vmem_shared>> -> memref<32x128xf32, #tpu.memory_space<vmem_shared>>
    tpu.wait_dma2 semaphore(%arg8 : memref<!tpu.dma_semaphore, #tpu.memory_space<semaphore_mem>>) src(%arg5 : memref<32x128xf32, #tpu.memory_space<vmem>>) dst(%dma_wait3A_153 : memref<32x128xf32, #tpu.memory_space<vmem_shared>>)
    %dma_wait3A_154 = arith.constant 0 : i32
    %dma_wait3A_155 = tpu.memref_slice %arg7[%mul3A_19, %dma_wait3A_154] : memref<10384x128xf32, #tpu.memory_space<vmem_shared>> -> memref<32x128xf32, #tpu.memory_space<vmem_shared>>
    %dma_wait3A_156 = arith.constant 0 : i32
    %dma_wait3A_157 = tpu.memref_slice %arg7[%mul3A_19, %dma_wait3A_156] : memref<10384x128xf32, #tpu.memory_space<vmem_shared>> -> memref<32x128xf32, #tpu.memory_space<vmem_shared>>
    tpu.wait_dma2 semaphore(%arg8 : memref<!tpu.dma_semaphore, #tpu.memory_space<semaphore_mem>>) src(%arg5 : memref<32x128xf32, #tpu.memory_space<vmem>>) dst(%dma_wait3A_157 : memref<32x128xf32, #tpu.memory_space<vmem_shared>>)
    %dma_wait3A_158 = arith.constant 0 : i32
    %dma_wait3A_159 = tpu.memref_slice %arg7[%mul3A_19, %dma_wait3A_158] : memref<10384x128xf32, #tpu.memory_space<vmem_shared>> -> memref<32x128xf32, #tpu.memory_space<vmem_shared>>
    %dma_wait3A_160 = arith.constant 0 : i32
    %dma_wait3A_161 = tpu.memref_slice %arg7[%mul3A_19, %dma_wait3A_160] : memref<10384x128xf32, #tpu.memory_space<vmem_shared>> -> memref<32x128xf32, #tpu.memory_space<vmem_shared>>
    tpu.wait_dma2 semaphore(%arg8 : memref<!tpu.dma_semaphore, #tpu.memory_space<semaphore_mem>>) src(%arg5 : memref<32x128xf32, #tpu.memory_space<vmem>>) dst(%dma_wait3A_161 : memref<32x128xf32, #tpu.memory_space<vmem_shared>>)
    %dma_wait3A_162 = arith.constant 0 : i32
    %dma_wait3A_163 = tpu.memref_slice %arg7[%mul3A_19, %dma_wait3A_162] : memref<10384x128xf32, #tpu.memory_space<vmem_shared>> -> memref<32x128xf32, #tpu.memory_space<vmem_shared>>
    %dma_wait3A_164 = arith.constant 0 : i32
    %dma_wait3A_165 = tpu.memref_slice %arg7[%mul3A_19, %dma_wait3A_164] : memref<10384x128xf32, #tpu.memory_space<vmem_shared>> -> memref<32x128xf32, #tpu.memory_space<vmem_shared>>
    tpu.wait_dma2 semaphore(%arg8 : memref<!tpu.dma_semaphore, #tpu.memory_space<semaphore_mem>>) src(%arg5 : memref<32x128xf32, #tpu.memory_space<vmem>>) dst(%dma_wait3A_165 : memref<32x128xf32, #tpu.memory_space<vmem_shared>>)
    %dma_wait3A_166 = arith.constant 0 : i32
    %dma_wait3A_167 = tpu.memref_slice %arg7[%mul3A_19, %dma_wait3A_166] : memref<10384x128xf32, #tpu.memory_space<vmem_shared>> -> memref<32x128xf32, #tpu.memory_space<vmem_shared>>
    %dma_wait3A_168 = arith.constant 0 : i32
    %dma_wait3A_169 = tpu.memref_slice %arg7[%mul3A_19, %dma_wait3A_168] : memref<10384x128xf32, #tpu.memory_space<vmem_shared>> -> memref<32x128xf32, #tpu.memory_space<vmem_shared>>
    tpu.wait_dma2 semaphore(%arg8 : memref<!tpu.dma_semaphore, #tpu.memory_space<semaphore_mem>>) src(%arg5 : memref<32x128xf32, #tpu.memory_space<vmem>>) dst(%dma_wait3A_169 : memref<32x128xf32, #tpu.memory_space<vmem_shared>>)
    %dma_wait3A_170 = arith.constant 0 : i32
    %dma_wait3A_171 = tpu.memref_slice %arg7[%mul3A_19, %dma_wait3A_170] : memref<10384x128xf32, #tpu.memory_space<vmem_shared>> -> memref<32x128xf32, #tpu.memory_space<vmem_shared>>
    %dma_wait3A_172 = arith.constant 0 : i32
    %dma_wait3A_173 = tpu.memref_slice %arg7[%mul3A_19, %dma_wait3A_172] : memref<10384x128xf32, #tpu.memory_space<vmem_shared>> -> memref<32x128xf32, #tpu.memory_space<vmem_shared>>
    tpu.wait_dma2 semaphore(%arg8 : memref<!tpu.dma_semaphore, #tpu.memory_space<semaphore_mem>>) src(%arg5 : memref<32x128xf32, #tpu.memory_space<vmem>>) dst(%dma_wait3A_173 : memref<32x128xf32, #tpu.memory_space<vmem_shared>>)
    %dma_wait3A_174 = arith.constant 0 : i32
    %dma_wait3A_175 = tpu.memref_slice %arg7[%mul3A_19, %dma_wait3A_174] : memref<10384x128xf32, #tpu.memory_space<vmem_shared>> -> memref<32x128xf32, #tpu.memory_space<vmem_shared>>
    %dma_wait3A_176 = arith.constant 0 : i32
    %dma_wait3A_177 = tpu.memref_slice %arg7[%mul3A_19, %dma_wait3A_176] : memref<10384x128xf32, #tpu.memory_space<vmem_shared>> -> memref<32x128xf32, #tpu.memory_space<vmem_shared>>
    tpu.wait_dma2 semaphore(%arg8 : memref<!tpu.dma_semaphore, #tpu.memory_space<semaphore_mem>>) src(%arg5 : memref<32x128xf32, #tpu.memory_space<vmem>>) dst(%dma_wait3A_177 : memref<32x128xf32, #tpu.memory_space<vmem_shared>>)
    %dma_wait3A_178 = arith.constant 0 : i32
    %dma_wait3A_179 = tpu.memref_slice %arg7[%mul3A_19, %dma_wait3A_178] : memref<10384x128xf32, #tpu.memory_space<vmem_shared>> -> memref<32x128xf32, #tpu.memory_space<vmem_shared>>
    %dma_wait3A_180 = arith.constant 0 : i32
    %dma_wait3A_181 = tpu.memref_slice %arg7[%mul3A_19, %dma_wait3A_180] : memref<10384x128xf32, #tpu.memory_space<vmem_shared>> -> memref<32x128xf32, #tpu.memory_space<vmem_shared>>
    tpu.wait_dma2 semaphore(%arg8 : memref<!tpu.dma_semaphore, #tpu.memory_space<semaphore_mem>>) src(%arg5 : memref<32x128xf32, #tpu.memory_space<vmem>>) dst(%dma_wait3A_181 : memref<32x128xf32, #tpu.memory_space<vmem_shared>>)
    %dma_wait3A_182 = arith.constant 0 : i32
    %dma_wait3A_183 = tpu.memref_slice %arg7[%mul3A_19, %dma_wait3A_182] : memref<10384x128xf32, #tpu.memory_space<vmem_shared>> -> memref<32x128xf32, #tpu.memory_space<vmem_shared>>
    %dma_wait3A_184 = arith.constant 0 : i32
    %dma_wait3A_185 = tpu.memref_slice %arg7[%mul3A_19, %dma_wait3A_184] : memref<10384x128xf32, #tpu.memory_space<vmem_shared>> -> memref<32x128xf32, #tpu.memory_space<vmem_shared>>
    tpu.wait_dma2 semaphore(%arg8 : memref<!tpu.dma_semaphore, #tpu.memory_space<semaphore_mem>>) src(%arg5 : memref<32x128xf32, #tpu.memory_space<vmem>>) dst(%dma_wait3A_185 : memref<32x128xf32, #tpu.memory_space<vmem_shared>>)
    %dma_wait3A_186 = arith.constant 0 : i32
    %dma_wait3A_187 = tpu.memref_slice %arg7[%mul3A_19, %dma_wait3A_186] : memref<10384x128xf32, #tpu.memory_space<vmem_shared>> -> memref<32x128xf32, #tpu.memory_space<vmem_shared>>
    %dma_wait3A_188 = arith.constant 0 : i32
    %dma_wait3A_189 = tpu.memref_slice %arg7[%mul3A_19, %dma_wait3A_188] : memref<10384x128xf32, #tpu.memory_space<vmem_shared>> -> memref<32x128xf32, #tpu.memory_space<vmem_shared>>
    tpu.wait_dma2 semaphore(%arg8 : memref<!tpu.dma_semaphore, #tpu.memory_space<semaphore_mem>>) src(%arg5 : memref<32x128xf32, #tpu.memory_space<vmem>>) dst(%dma_wait3A_189 : memref<32x128xf32, #tpu.memory_space<vmem_shared>>)
    %dma_wait3A_190 = arith.constant 0 : i32
    %dma_wait3A_191 = tpu.memref_slice %arg7[%mul3A_19, %dma_wait3A_190] : memref<10384x128xf32, #tpu.memory_space<vmem_shared>> -> memref<32x128xf32, #tpu.memory_space<vmem_shared>>
    %dma_wait3A_192 = arith.constant 0 : i32
    %dma_wait3A_193 = tpu.memref_slice %arg7[%mul3A_19, %dma_wait3A_192] : memref<10384x128xf32, #tpu.memory_space<vmem_shared>> -> memref<32x128xf32, #tpu.memory_space<vmem_shared>>
    tpu.wait_dma2 semaphore(%arg8 : memref<!tpu.dma_semaphore, #tpu.memory_space<semaphore_mem>>) src(%arg5 : memref<32x128xf32, #tpu.memory_space<vmem>>) dst(%dma_wait3A_193 : memref<32x128xf32, #tpu.memory_space<vmem_shared>>)
    %dma_wait3A_194 = arith.constant 0 : i32
    %dma_wait3A_195 = tpu.memref_slice %arg7[%mul3A_19, %dma_wait3A_194] : memref<10384x128xf32, #tpu.memory_space<vmem_shared>> -> memref<32x128xf32, #tpu.memory_space<vmem_shared>>
    %dma_wait3A_196 = arith.constant 0 : i32
    %dma_wait3A_197 = tpu.memref_slice %arg7[%mul3A_19, %dma_wait3A_196] : memref<10384x128xf32, #tpu.memory_space<vmem_shared>> -> memref<32x128xf32, #tpu.memory_space<vmem_shared>>
    tpu.wait_dma2 semaphore(%arg8 : memref<!tpu.dma_semaphore, #tpu.memory_space<semaphore_mem>>) src(%arg5 : memref<32x128xf32, #tpu.memory_space<vmem>>) dst(%dma_wait3A_197 : memref<32x128xf32, #tpu.memory_space<vmem_shared>>)
    %dma_wait3A_198 = arith.constant 0 : i32
    %dma_wait3A_199 = tpu.memref_slice %arg7[%mul3A_19, %dma_wait3A_198] : memref<10384x128xf32, #tpu.memory_space<vmem_shared>> -> memref<32x128xf32, #tpu.memory_space<vmem_shared>>
    %dma_wait3A_200 = arith.constant 0 : i32
    %dma_wait3A_201 = tpu.memref_slice %arg7[%mul3A_19, %dma_wait3A_200] : memref<10384x128xf32, #tpu.memory_space<vmem_shared>> -> memref<32x128xf32, #tpu.memory_space<vmem_shared>>
    tpu.wait_dma2 semaphore(%arg8 : memref<!tpu.dma_semaphore, #tpu.memory_space<semaphore_mem>>) src(%arg5 : memref<32x128xf32, #tpu.memory_space<vmem>>) dst(%dma_wait3A_201 : memref<32x128xf32, #tpu.memory_space<vmem_shared>>)
    %dma_wait3A_202 = arith.constant 0 : i32
    %dma_wait3A_203 = tpu.memref_slice %arg7[%mul3A_19, %dma_wait3A_202] : memref<10384x128xf32, #tpu.memory_space<vmem_shared>> -> memref<32x128xf32, #tpu.memory_space<vmem_shared>>
    %dma_wait3A_204 = arith.constant 0 : i32
    %dma_wait3A_205 = tpu.memref_slice %arg7[%mul3A_19, %dma_wait3A_204] : memref<10384x128xf32, #tpu.memory_space<vmem_shared>> -> memref<32x128xf32, #tpu.memory_space<vmem_shared>>
    tpu.wait_dma2 semaphore(%arg8 : memref<!tpu.dma_semaphore, #tpu.memory_space<semaphore_mem>>) src(%arg5 : memref<32x128xf32, #tpu.memory_space<vmem>>) dst(%dma_wait3A_205 : memref<32x128xf32, #tpu.memory_space<vmem_shared>>)
    %dma_wait3A_206 = arith.constant 0 : i32
    %dma_wait3A_207 = tpu.memref_slice %arg7[%mul3A_19, %dma_wait3A_206] : memref<10384x128xf32, #tpu.memory_space<vmem_shared>> -> memref<32x128xf32, #tpu.memory_space<vmem_shared>>
    %dma_wait3A_208 = arith.constant 0 : i32
    %dma_wait3A_209 = tpu.memref_slice %arg7[%mul3A_19, %dma_wait3A_208] : memref<10384x128xf32, #tpu.memory_space<vmem_shared>> -> memref<32x128xf32, #tpu.memory_space<vmem_shared>>
    tpu.wait_dma2 semaphore(%arg8 : memref<!tpu.dma_semaphore, #tpu.memory_space<semaphore_mem>>) src(%arg5 : memref<32x128xf32, #tpu.memory_space<vmem>>) dst(%dma_wait3A_209 : memref<32x128xf32, #tpu.memory_space<vmem_shared>>)
    %dma_wait3A_210 = arith.constant 0 : i32
    %dma_wait3A_211 = tpu.memref_slice %arg7[%mul3A_19, %dma_wait3A_210] : memref<10384x128xf32, #tpu.memory_space<vmem_shared>> -> memref<32x128xf32, #tpu.memory_space<vmem_shared>>
    %dma_wait3A_212 = arith.constant 0 : i32
    %dma_wait3A_213 = tpu.memref_slice %arg7[%mul3A_19, %dma_wait3A_212] : memref<10384x128xf32, #tpu.memory_space<vmem_shared>> -> memref<32x128xf32, #tpu.memory_space<vmem_shared>>
    tpu.wait_dma2 semaphore(%arg8 : memref<!tpu.dma_semaphore, #tpu.memory_space<semaphore_mem>>) src(%arg5 : memref<32x128xf32, #tpu.memory_space<vmem>>) dst(%dma_wait3A_213 : memref<32x128xf32, #tpu.memory_space<vmem_shared>>)
    %dma_wait3A_214 = arith.constant 0 : i32
    %dma_wait3A_215 = tpu.memref_slice %arg7[%mul3A_19, %dma_wait3A_214] : memref<10384x128xf32, #tpu.memory_space<vmem_shared>> -> memref<32x128xf32, #tpu.memory_space<vmem_shared>>
    %dma_wait3A_216 = arith.constant 0 : i32
    %dma_wait3A_217 = tpu.memref_slice %arg7[%mul3A_19, %dma_wait3A_216] : memref<10384x128xf32, #tpu.memory_space<vmem_shared>> -> memref<32x128xf32, #tpu.memory_space<vmem_shared>>
    tpu.wait_dma2 semaphore(%arg8 : memref<!tpu.dma_semaphore, #tpu.memory_space<semaphore_mem>>) src(%arg5 : memref<32x128xf32, #tpu.memory_space<vmem>>) dst(%dma_wait3A_217 : memref<32x128xf32, #tpu.memory_space<vmem_shared>>)
    %dma_wait3A_218 = arith.constant 0 : i32
    %dma_wait3A_219 = tpu.memref_slice %arg7[%mul3A_19, %dma_wait3A_218] : memref<10384x128xf32, #tpu.memory_space<vmem_shared>> -> memref<32x128xf32, #tpu.memory_space<vmem_shared>>
    %dma_wait3A_220 = arith.constant 0 : i32
    %dma_wait3A_221 = tpu.memref_slice %arg7[%mul3A_19, %dma_wait3A_220] : memref<10384x128xf32, #tpu.memory_space<vmem_shared>> -> memref<32x128xf32, #tpu.memory_space<vmem_shared>>
    tpu.wait_dma2 semaphore(%arg8 : memref<!tpu.dma_semaphore, #tpu.memory_space<semaphore_mem>>) src(%arg5 : memref<32x128xf32, #tpu.memory_space<vmem>>) dst(%dma_wait3A_221 : memref<32x128xf32, #tpu.memory_space<vmem_shared>>)
    %dma_wait3A_222 = arith.constant 0 : i32
    %dma_wait3A_223 = arith.constant 0 : i32
    %dma_wait3A_224 = tpu.memref_slice %arg5[%dma_wait3A_222, %dma_wait3A_223] : memref<32x128xf32, #tpu.memory_space<vmem>> -> memref<16x128xf32, #tpu.memory_space<vmem>>
    %dma_wait3A_225 = arith.constant 0 : i32
    %dma_wait3A_226 = tpu.memref_slice %arg7[%mul3A_19, %dma_wait3A_225] : memref<10384x128xf32, #tpu.memory_space<vmem_shared>> -> memref<16x128xf32, #tpu.memory_space<vmem_shared>>
    %dma_wait3A_227 = arith.constant 0 : i32
    %dma_wait3A_228 = tpu.memref_slice %arg7[%mul3A_19, %dma_wait3A_227] : memref<10384x128xf32, #tpu.memory_space<vmem_shared>> -> memref<16x128xf32, #tpu.memory_space<vmem_shared>>
    %dma_wait3A_229 = arith.constant 0 : i32
    %dma_wait3A_230 = arith.constant 0 : i32
    %dma_wait3A_231 = tpu.memref_slice %arg5[%dma_wait3A_229, %dma_wait3A_230] : memref<32x128xf32, #tpu.memory_space<vmem>> -> memref<16x128xf32, #tpu.memory_space<vmem>>
    tpu.wait_dma2 semaphore(%arg8 : memref<!tpu.dma_semaphore, #tpu.memory_space<semaphore_mem>>) src(%dma_wait3A_231 : memref<16x128xf32, #tpu.memory_space<vmem>>) dst(%dma_wait3A_228 : memref<16x128xf32, #tpu.memory_space<vmem_shared>>)
    %eq3A_232 = arith.constant 15 : i32
    %eq3A_233 = arith.cmpi eq, %arg1, %eq3A_232 : i32
    %convert_element_type3A_234 = arith.extui %eq3A_233 : i1 to i32
    %cond3A_235 = arith.constant 0 : i32
    %cond3A_236 = arith.cmpi ne, %convert_element_type3A_234, %cond3A_235 : i32
    scf.if %cond3A_236 {
      %dma_wait3A_272 = arith.constant 0 : i32
      %dma_wait3A_273 = arith.constant 0 : i32
      %dma_wait3A_274 = tpu.memref_slice %arg5[%dma_wait3A_272, %dma_wait3A_273] : memref<32x128xf32, #tpu.memory_space<vmem>> -> memref<16x128xf32, #tpu.memory_space<vmem>>
      %dma_wait3A_275 = arith.constant 0 : i32
      %dma_wait3A_276 = tpu.memref_slice %arg7[%mul3A_19, %dma_wait3A_275] : memref<10384x128xf32, #tpu.memory_space<vmem_shared>> -> memref<16x128xf32, #tpu.memory_space<vmem_shared>>
      %dma_wait3A_277 = arith.constant 0 : i32
      %dma_wait3A_278 = tpu.memref_slice %arg7[%mul3A_19, %dma_wait3A_277] : memref<10384x128xf32, #tpu.memory_space<vmem_shared>> -> memref<16x128xf32, #tpu.memory_space<vmem_shared>>
      %dma_wait3A_279 = arith.constant 0 : i32
      %dma_wait3A_280 = arith.constant 0 : i32
      %dma_wait3A_281 = tpu.memref_slice %arg5[%dma_wait3A_279, %dma_wait3A_280] : memref<32x128xf32, #tpu.memory_space<vmem>> -> memref<16x128xf32, #tpu.memory_space<vmem>>
      tpu.wait_dma2 semaphore(%arg8 : memref<!tpu.dma_semaphore, #tpu.memory_space<semaphore_mem>>) src(%dma_wait3A_281 : memref<16x128xf32, #tpu.memory_space<vmem>>) dst(%dma_wait3A_278 : memref<16x128xf32, #tpu.memory_space<vmem_shared>>)
    } else {
    }
    %barrier3A = arith.constant 0 : index
    tpu.barrier barrier_id(%barrier3A)
    %dma_start3A_237 = arith.constant 0 : i32
    %dma_start3A_238 = arith.constant 0 : i32
    %dma_start3A_239 = tpu.memref_slice %arg6[%dma_start3A_237, %dma_start3A_238] : memref<80x128xi32, #tpu.memory_space<vmem>> -> memref<1x128xi32, #tpu.memory_space<vmem>>
    %dma_start3A_240 = tpu.memref_squeeze %dma_start3A_239 : memref<1x128xi32, #tpu.memory_space<vmem>> -> memref<128xi32, #tpu.memory_space<vmem>>
    %dma_start3A_241 = arith.constant 0 : i32
    %dma_start3A_242 = arith.constant 0 : i32
    %dma_start3A_243 = tpu.memref_slice %arg7[%dma_start3A_241, %dma_start3A_242] : memref<10384x128xf32, #tpu.memory_space<vmem_shared>> -> memref<10384x128xf32, #tpu.memory_space<vmem_shared>>
    tpu.enqueue_indirect_dma source(%arg4 : memref<128x128xf32, #tpu.memory_space<vmem>>) target(%dma_start3A_243 : memref<10384x128xf32, #tpu.memory_space<vmem_shared>>) offsets(%dma_start3A_240 : memref<128xi32, #tpu.memory_space<vmem>>) semaphore(%arg8 : memref<!tpu.dma_semaphore, #tpu.memory_space<semaphore_mem>>) {add = true}
    %dma_start3A_244 = arith.constant 1 : i32
    %dma_start3A_245 = arith.constant 0 : i32
    %dma_start3A_246 = tpu.memref_slice %arg6[%dma_start3A_244, %dma_start3A_245] : memref<80x128xi32, #tpu.memory_space<vmem>> -> memref<1x128xi32, #tpu.memory_space<vmem>>
    %dma_start3A_247 = tpu.memref_squeeze %dma_start3A_246 : memref<1x128xi32, #tpu.memory_space<vmem>> -> memref<128xi32, #tpu.memory_space<vmem>>
    %dma_start3A_248 = arith.constant 0 : i32
    %dma_start3A_249 = arith.constant 0 : i32
    %dma_start3A_250 = tpu.memref_slice %arg7[%dma_start3A_248, %dma_start3A_249] : memref<10384x128xf32, #tpu.memory_space<vmem_shared>> -> memref<10384x128xf32, #tpu.memory_space<vmem_shared>>
    tpu.enqueue_indirect_dma source(%arg4 : memref<128x128xf32, #tpu.memory_space<vmem>>) target(%dma_start3A_250 : memref<10384x128xf32, #tpu.memory_space<vmem_shared>>) offsets(%dma_start3A_247 : memref<128xi32, #tpu.memory_space<vmem>>) semaphore(%arg8 : memref<!tpu.dma_semaphore, #tpu.memory_space<semaphore_mem>>) {add = true}
    %dma_start3A_251 = arith.constant 2 : i32
    %dma_start3A_252 = arith.constant 0 : i32
    %dma_start3A_253 = tpu.memref_slice %arg6[%dma_start3A_251, %dma_start3A_252] : memref<80x128xi32, #tpu.memory_space<vmem>> -> memref<1x128xi32, #tpu.memory_space<vmem>>
    %dma_start3A_254 = tpu.memref_squeeze %dma_start3A_253 : memref<1x128xi32, #tpu.memory_space<vmem>> -> memref<128xi32, #tpu.memory_space<vmem>>
    %dma_start3A_255 = arith.constant 0 : i32
    %dma_start3A_256 = arith.constant 0 : i32
    %dma_start3A_257 = tpu.memref_slice %arg7[%dma_start3A_255, %dma_start3A_256] : memref<10384x128xf32, #tpu.memory_space<vmem_shared>> -> memref<10384x128xf32, #tpu.memory_space<vmem_shared>>
    tpu.enqueue_indirect_dma source(%arg4 : memref<128x128xf32, #tpu.memory_space<vmem>>) target(%dma_start3A_257 : memref<10384x128xf32, #tpu.memory_space<vmem_shared>>) offsets(%dma_start3A_254 : memref<128xi32, #tpu.memory_space<vmem>>) semaphore(%arg8 : memref<!tpu.dma_semaphore, #tpu.memory_space<semaphore_mem>>) {add = true}
    %scan3A_258 = arith.constant 0 : i32
    %scan3A_259 = arith.constant 0 : i32
    %scan3A_260 = arith.constant 80 : i32
    %scan3A_261 = arith.addi %scan3A_259, %scan3A_260 : i32
    %scan3A_262 = arith.constant 1 : i32
    scf.for %scan3A_272 = %scan3A_259 to %scan3A_261 step %scan3A_262  : i32 {
      %lt3A = arith.constant 77 : i32
      %lt3A_273 = arith.cmpi slt, %scan3A_272, %lt3A : i32
      %convert_element_type3A_274 = arith.extui %lt3A_273 : i1 to i32
      %cond3A_275 = arith.constant 0 : i32
      %cond3A_276 = arith.cmpi ne, %convert_element_type3A_274, %cond3A_275 : i32
      scf.if %cond3A_276 {
        %add3A_284 = arith.constant 3 : i32
        %add3A_285 = arith.addi %scan3A_272, %add3A_284 : i32
        %dma_start3A_286 = arith.constant 0 : i32
        %dma_start3A_287 = tpu.memref_slice %arg6[%add3A_285, %dma_start3A_286] : memref<80x128xi32, #tpu.memory_space<vmem>> -> memref<1x128xi32, #tpu.memory_space<vmem>>
        %dma_start3A_288 = tpu.memref_squeeze %dma_start3A_287 : memref<1x128xi32, #tpu.memory_space<vmem>> -> memref<128xi32, #tpu.memory_space<vmem>>
        %dma_start3A_289 = arith.constant 0 : i32
        %dma_start3A_290 = arith.constant 0 : i32
        %dma_start3A_291 = tpu.memref_slice %arg7[%dma_start3A_289, %dma_start3A_290] : memref<10384x128xf32, #tpu.memory_space<vmem_shared>> -> memref<10384x128xf32, #tpu.memory_space<vmem_shared>>
        tpu.enqueue_indirect_dma source(%arg4 : memref<128x128xf32, #tpu.memory_space<vmem>>) target(%dma_start3A_291 : memref<10384x128xf32, #tpu.memory_space<vmem_shared>>) offsets(%dma_start3A_288 : memref<128xi32, #tpu.memory_space<vmem>>) semaphore(%arg8 : memref<!tpu.dma_semaphore, #tpu.memory_space<semaphore_mem>>) {add = true}
      } else {
      }
      %dma_wait3A_277 = arith.constant 0 : i32
      %dma_wait3A_278 = arith.constant 0 : i32
      %dma_wait3A_279 = tpu.memref_slice %arg6[%dma_wait3A_277, %dma_wait3A_278] : memref<80x128xi32, #tpu.memory_space<vmem>> -> memref<1x128xi32, #tpu.memory_space<vmem>>
      %dma_wait3A_280 = tpu.memref_squeeze %dma_wait3A_279 : memref<1x128xi32, #tpu.memory_space<vmem>> -> memref<128xi32, #tpu.memory_space<vmem>>
      %dma_wait3A_281 = arith.constant 0 : i32
      %dma_wait3A_282 = arith.constant 0 : i32
      %dma_wait3A_283 = tpu.memref_slice %arg7[%dma_wait3A_281, %dma_wait3A_282] : memref<10384x128xf32, #tpu.memory_space<vmem_shared>> -> memref<10384x128xf32, #tpu.memory_space<vmem_shared>>
      tpu.wait_indirect_dma semaphore(%arg8 : memref<!tpu.dma_semaphore, #tpu.memory_space<semaphore_mem>>) src(%arg4 : memref<128x128xf32, #tpu.memory_space<vmem>>) dst(%dma_wait3A_283 : memref<10384x128xf32, #tpu.memory_space<vmem_shared>>)
    }
    %scan3A_263 = arith.constant 80 : i32
    %barrier3A_264 = arith.constant 0 : index
    tpu.barrier barrier_id(%barrier3A_264)
    %mul3A_265 = arith.constant 624 : i32
    %mul3A_266 = arith.muli %arg1, %mul3A_265 : i32
    "tpu.region"() ({
      %run_scoped3A_272 = tpu.sem_alloc : memref<!tpu.dma_semaphore, #tpu.memory_space<semaphore_mem>>
      %dma_start3A_273 = arith.constant 0 : i32
      %dma_start3A_274 = tpu.memref_slice %arg3[%arg0, %mul3A_266, %dma_start3A_273] : memref<2x10000x128xf32, #tpu.memory_space<hbm>> -> memref<1x624x128xf32, #tpu.memory_space<hbm>>
      %dma_start3A_275 = tpu.memref_squeeze %dma_start3A_274 : memref<1x624x128xf32, #tpu.memory_space<hbm>> -> memref<624x128xf32, #tpu.memory_space<hbm>>
      %dma_start3A_276 = arith.constant 0 : i32
      %dma_start3A_277 = tpu.memref_slice %arg7[%mul3A_266, %dma_start3A_276] : memref<10384x128xf32, #tpu.memory_space<vmem_shared>> -> memref<624x128xf32, #tpu.memory_space<vmem_shared>>
      tpu.enqueue_dma source(%dma_start3A_277 : memref<624x128xf32, #tpu.memory_space<vmem_shared>>) target(%dma_start3A_275 : memref<624x128xf32, #tpu.memory_space<hbm>>) target_semaphore(%run_scoped3A_272 : memref<!tpu.dma_semaphore, #tpu.memory_space<semaphore_mem>>)
      %dma_wait3A_278 = arith.constant 0 : i32
      %dma_wait3A_279 = tpu.memref_slice %arg3[%arg0, %mul3A_266, %dma_wait3A_278] : memref<2x10000x128xf32, #tpu.memory_space<hbm>> -> memref<1x624x128xf32, #tpu.memory_space<hbm>>
      %dma_wait3A_280 = tpu.memref_squeeze %dma_wait3A_279 : memref<1x624x128xf32, #tpu.memory_space<hbm>> -> memref<624x128xf32, #tpu.memory_space<hbm>>
      %dma_wait3A_281 = arith.constant 0 : i32
      %dma_wait3A_282 = tpu.memref_slice %arg7[%mul3A_266, %dma_wait3A_281] : memref<10384x128xf32, #tpu.memory_space<vmem_shared>> -> memref<624x128xf32, #tpu.memory_space<vmem_shared>>
      tpu.wait_dma2 semaphore(%run_scoped3A_272 : memref<!tpu.dma_semaphore, #tpu.memory_space<semaphore_mem>>) src(%dma_wait3A_282 : memref<624x128xf32, #tpu.memory_space<vmem_shared>>) dst(%dma_wait3A_280 : memref<624x128xf32, #tpu.memory_space<hbm>>)
      tpu.yield
    }) : () -> ()
    %eq3A_267 = arith.constant 15 : i32
    %eq3A_268 = arith.cmpi eq, %arg1, %eq3A_267 : i32
    %convert_element_type3A_269 = arith.extui %eq3A_268 : i1 to i32
    %cond3A_270 = arith.constant 0 : i32
    %cond3A_271 = arith.cmpi ne, %convert_element_type3A_269, %cond3A_270 : i32
    scf.if %cond3A_271 {
      "tpu.region"() ({
        %run_scoped3A_272 = tpu.sem_alloc : memref<!tpu.dma_semaphore, #tpu.memory_space<semaphore_mem>>
        %dma_start3A_273 = arith.constant 9984 : i32
        %dma_start3A_274 = arith.constant 0 : i32
        %dma_start3A_275 = tpu.memref_slice %arg3[%arg0, %dma_start3A_273, %dma_start3A_274] : memref<2x10000x128xf32, #tpu.memory_space<hbm>> -> memref<1x16x128xf32, #tpu.memory_space<hbm>>
        %dma_start3A_276 = tpu.memref_squeeze %dma_start3A_275 : memref<1x16x128xf32, #tpu.memory_space<hbm>> -> memref<16x128xf32, #tpu.memory_space<hbm>>
        %dma_start3A_277 = arith.constant 9984 : i32
        %dma_start3A_278 = arith.constant 0 : i32
        %dma_start3A_279 = tpu.memref_slice %arg7[%dma_start3A_277, %dma_start3A_278] : memref<10384x128xf32, #tpu.memory_space<vmem_shared>> -> memref<16x128xf32, #tpu.memory_space<vmem_shared>>
        tpu.enqueue_dma source(%dma_start3A_279 : memref<16x128xf32, #tpu.memory_space<vmem_shared>>) target(%dma_start3A_276 : memref<16x128xf32, #tpu.memory_space<hbm>>) target_semaphore(%run_scoped3A_272 : memref<!tpu.dma_semaphore, #tpu.memory_space<semaphore_mem>>)
        %dma_wait3A_280 = arith.constant 9984 : i32
        %dma_wait3A_281 = arith.constant 0 : i32
        %dma_wait3A_282 = tpu.memref_slice %arg3[%arg0, %dma_wait3A_280, %dma_wait3A_281] : memref<2x10000x128xf32, #tpu.memory_space<hbm>> -> memref<1x16x128xf32, #tpu.memory_space<hbm>>
        %dma_wait3A_283 = tpu.memref_squeeze %dma_wait3A_282 : memref<1x16x128xf32, #tpu.memory_space<hbm>> -> memref<16x128xf32, #tpu.memory_space<hbm>>
        %dma_wait3A_284 = arith.constant 9984 : i32
        %dma_wait3A_285 = arith.constant 0 : i32
        %dma_wait3A_286 = tpu.memref_slice %arg7[%dma_wait3A_284, %dma_wait3A_285] : memref<10384x128xf32, #tpu.memory_space<vmem_shared>> -> memref<16x128xf32, #tpu.memory_space<vmem_shared>>
        tpu.wait_dma2 semaphore(%run_scoped3A_272 : memref<!tpu.dma_semaphore, #tpu.memory_space<semaphore_mem>>) src(%dma_wait3A_286 : memref<16x128xf32, #tpu.memory_space<vmem_shared>>) dst(%dma_wait3A_283 : memref<16x128xf32, #tpu.memory_space<hbm>>)
        tpu.yield
      }) : () -> ()
    } else {
    }
    return
  }
}

#map = affine_map<(d0, d1) -> (0, 0)>
#map1 = affine_map<(d0, d1) -> (0, 0, 0, 0)>
#map2 = affine_map<(d0, d1) -> (0, 0, 0)>
module attributes {stable_mosaic.version = 14 : i64} {
  func.func @_agg_body(%arg0: i32, %arg1: i32, %arg2: memref<10000x128xf32, #tpu.memory_space<hbm>>, %arg3: memref<2x1x2560x128xi32, #tpu.memory_space<hbm>>, %arg4: memref<2x10000x128xf32, #tpu.memory_space<hbm>>, %arg5: memref<40x128xi32, #tpu.memory_space<vmem>>, %arg6: memref<40x128xi32, #tpu.memory_space<vmem>>, %arg7: memref<2x128x128xf32, #tpu.memory_space<vmem>>, %arg8: memref<32x128xf32, #tpu.memory_space<vmem>>, %arg9: memref<10384x128xf32, #tpu.memory_space<vmem_shared>>, %arg10: memref<!tpu.dma_semaphore, #tpu.memory_space<semaphore_mem>>, %arg11: memref<!tpu.dma_semaphore, #tpu.memory_space<semaphore_mem>>, %arg12: memref<!tpu.dma_semaphore, #tpu.memory_space<semaphore_mem>>, %arg13: memref<!tpu.dma_semaphore, #tpu.memory_space<semaphore_mem>>) attributes {dimension_semantics = [#tpu.dimension_semantics<core_parallel>, #tpu.dimension_semantics<subcore_parallel>], iteration_bounds = array<i64: 2, 16>, scalar_prefetch = 0 : i64, scratch_operands = 9 : i64, tpu.core_type = #tpu.core_type<sc_vector_subcore>, window_params = [{transform_indices = #map}, {transform_indices = #map1}, {transform_indices = #map2}]} {
    %mul3A = arith.constant 16 : i32
    %mul3A_0 = arith.muli %arg0, %mul3A : i32
    %add3A = arith.addi %mul3A_0, %arg1 : i32
    %broadcast_in_dim3A = arith.constant 0.000000e+00 : f32
    %broadcast_in_dim3A_1 = vector.broadcast %broadcast_in_dim3A : f32 to vector<16xf32>
    %scan3A = arith.constant 0 : i32
    %scan3A_2 = arith.constant 0 : i32
    %scan3A_3 = arith.constant 32 : i32
    %scan3A_4 = arith.addi %scan3A_2, %scan3A_3 : i32
    %scan3A_5 = arith.constant 1 : i32
    scf.for %scan3A_358 = %scan3A_2 to %scan3A_4 step %scan3A_5  : i32 {
      %swap3A = arith.index_cast %scan3A_358 : i32 to index
      %swap3A_359 = arith.constant 0 : index
      %swap3A_360 = tpu.vector_load %arg8[%swap3A, %swap3A_359] {strides = array<i32>} : memref<32x128xf32, #tpu.memory_space<vmem>>, vector<1x16xf32>,
      %swap3A_361 = vector.shape_cast %swap3A_360 : vector<1x16xf32> to vector<16xf32>
      %swap3A_362 = vector.shape_cast %broadcast_in_dim3A_1 : vector<16xf32> to vector<1x16xf32>
      tpu.vector_store %arg8[%swap3A, %swap3A_359], %swap3A_362 {strides = array<i32>} : memref<32x128xf32, #tpu.memory_space<vmem>>, vector<1x16xf32>,
      %swap3A_363 = arith.index_cast %scan3A_358 : i32 to index
      %swap3A_364 = arith.constant 16 : index
      %swap3A_365 = tpu.vector_load %arg8[%swap3A_363, %swap3A_364] {strides = array<i32>} : memref<32x128xf32, #tpu.memory_space<vmem>>, vector<1x16xf32>,
      %swap3A_366 = vector.shape_cast %swap3A_365 : vector<1x16xf32> to vector<16xf32>
      %swap3A_367 = vector.shape_cast %broadcast_in_dim3A_1 : vector<16xf32> to vector<1x16xf32>
      tpu.vector_store %arg8[%swap3A_363, %swap3A_364], %swap3A_367 {strides = array<i32>} : memref<32x128xf32, #tpu.memory_space<vmem>>, vector<1x16xf32>,
      %swap3A_368 = arith.index_cast %scan3A_358 : i32 to index
      %swap3A_369 = arith.constant 32 : index
      %swap3A_370 = tpu.vector_load %arg8[%swap3A_368, %swap3A_369] {strides = array<i32>} : memref<32x128xf32, #tpu.memory_space<vmem>>, vector<1x16xf32>,
      %swap3A_371 = vector.shape_cast %swap3A_370 : vector<1x16xf32> to vector<16xf32>
      %swap3A_372 = vector.shape_cast %broadcast_in_dim3A_1 : vector<16xf32> to vector<1x16xf32>
      tpu.vector_store %arg8[%swap3A_368, %swap3A_369], %swap3A_372 {strides = array<i32>} : memref<32x128xf32, #tpu.memory_space<vmem>>, vector<1x16xf32>,
      %swap3A_373 = arith.index_cast %scan3A_358 : i32 to index
      %swap3A_374 = arith.constant 48 : index
      %swap3A_375 = tpu.vector_load %arg8[%swap3A_373, %swap3A_374] {strides = array<i32>} : memref<32x128xf32, #tpu.memory_space<vmem>>, vector<1x16xf32>,
      %swap3A_376 = vector.shape_cast %swap3A_375 : vector<1x16xf32> to vector<16xf32>
      %swap3A_377 = vector.shape_cast %broadcast_in_dim3A_1 : vector<16xf32> to vector<1x16xf32>
      tpu.vector_store %arg8[%swap3A_373, %swap3A_374], %swap3A_377 {strides = array<i32>} : memref<32x128xf32, #tpu.memory_space<vmem>>, vector<1x16xf32>,
      %swap3A_378 = arith.index_cast %scan3A_358 : i32 to index
      %swap3A_379 = arith.constant 64 : index
      %swap3A_380 = tpu.vector_load %arg8[%swap3A_378, %swap3A_379] {strides = array<i32>} : memref<32x128xf32, #tpu.memory_space<vmem>>, vector<1x16xf32>,
      %swap3A_381 = vector.shape_cast %swap3A_380 : vector<1x16xf32> to vector<16xf32>
      %swap3A_382 = vector.shape_cast %broadcast_in_dim3A_1 : vector<16xf32> to vector<1x16xf32>
      tpu.vector_store %arg8[%swap3A_378, %swap3A_379], %swap3A_382 {strides = array<i32>} : memref<32x128xf32, #tpu.memory_space<vmem>>, vector<1x16xf32>,
      %swap3A_383 = arith.index_cast %scan3A_358 : i32 to index
      %swap3A_384 = arith.constant 80 : index
      %swap3A_385 = tpu.vector_load %arg8[%swap3A_383, %swap3A_384] {strides = array<i32>} : memref<32x128xf32, #tpu.memory_space<vmem>>, vector<1x16xf32>,
      %swap3A_386 = vector.shape_cast %swap3A_385 : vector<1x16xf32> to vector<16xf32>
      %swap3A_387 = vector.shape_cast %broadcast_in_dim3A_1 : vector<16xf32> to vector<1x16xf32>
      tpu.vector_store %arg8[%swap3A_383, %swap3A_384], %swap3A_387 {strides = array<i32>} : memref<32x128xf32, #tpu.memory_space<vmem>>, vector<1x16xf32>,
      %swap3A_388 = arith.index_cast %scan3A_358 : i32 to index
      %swap3A_389 = arith.constant 96 : index
      %swap3A_390 = tpu.vector_load %arg8[%swap3A_388, %swap3A_389] {strides = array<i32>} : memref<32x128xf32, #tpu.memory_space<vmem>>, vector<1x16xf32>,
      %swap3A_391 = vector.shape_cast %swap3A_390 : vector<1x16xf32> to vector<16xf32>
      %swap3A_392 = vector.shape_cast %broadcast_in_dim3A_1 : vector<16xf32> to vector<1x16xf32>
      tpu.vector_store %arg8[%swap3A_388, %swap3A_389], %swap3A_392 {strides = array<i32>} : memref<32x128xf32, #tpu.memory_space<vmem>>, vector<1x16xf32>,
      %swap3A_393 = arith.index_cast %scan3A_358 : i32 to index
      %swap3A_394 = arith.constant 112 : index
      %swap3A_395 = tpu.vector_load %arg8[%swap3A_393, %swap3A_394] {strides = array<i32>} : memref<32x128xf32, #tpu.memory_space<vmem>>, vector<1x16xf32>,
      %swap3A_396 = vector.shape_cast %swap3A_395 : vector<1x16xf32> to vector<16xf32>
      %swap3A_397 = vector.shape_cast %broadcast_in_dim3A_1 : vector<16xf32> to vector<1x16xf32>
      tpu.vector_store %arg8[%swap3A_393, %swap3A_394], %swap3A_397 {strides = array<i32>} : memref<32x128xf32, #tpu.memory_space<vmem>>, vector<1x16xf32>,
    }
    %scan3A_6 = arith.constant 32 : i32
    %mul3A_7 = arith.constant 80 : i32
    %mul3A_8 = arith.muli %add3A, %mul3A_7 : i32
    %add3A_9 = arith.constant 0 : i32
    %add3A_10 = arith.addi %mul3A_8, %add3A_9 : i32
    %multiple_of3A = tpu.assume_multiple %add3A_10, 8 : i32
    %run_scoped3A = arith.constant 0 : i32
    %run_scoped3A_11 = arith.constant 0 : i32
    "tpu.region"() ({
      %run_scoped3A_358 = tpu.sem_alloc : memref<!tpu.dma_semaphore, #tpu.memory_space<semaphore_mem>>
      %dma_start3A_359 = arith.constant 0 : i32
      %dma_start3A_360 = tpu.memref_slice %arg3[%run_scoped3A, %run_scoped3A_11, %multiple_of3A, %dma_start3A_359] : memref<2x1x2560x128xi32, #tpu.memory_space<hbm>> -> memref<1x1x40x128xi32, #tpu.memory_space<hbm>>
      %dma_start3A_361 = tpu.memref_squeeze %dma_start3A_360 : memref<1x1x40x128xi32, #tpu.memory_space<hbm>> -> memref<40x128xi32, #tpu.memory_space<hbm>>
      %dma_start3A_362 = arith.constant 0 : i32
      %dma_start3A_363 = tpu.memref_slice %arg3[%run_scoped3A, %run_scoped3A_11, %multiple_of3A, %dma_start3A_362] : memref<2x1x2560x128xi32, #tpu.memory_space<hbm>> -> memref<1x1x40x128xi32, #tpu.memory_space<hbm>>
      %dma_start3A_364 = tpu.memref_squeeze %dma_start3A_363 : memref<1x1x40x128xi32, #tpu.memory_space<hbm>> -> memref<40x128xi32, #tpu.memory_space<hbm>>
      tpu.enqueue_dma source(%dma_start3A_364 : memref<40x128xi32, #tpu.memory_space<hbm>>) target(%arg5 : memref<40x128xi32, #tpu.memory_space<vmem>>) target_semaphore(%run_scoped3A_358 : memref<!tpu.dma_semaphore, #tpu.memory_space<semaphore_mem>>)
      %dma_wait3A_365 = arith.constant 0 : i32
      %dma_wait3A_366 = tpu.memref_slice %arg3[%run_scoped3A, %run_scoped3A_11, %multiple_of3A, %dma_wait3A_365] : memref<2x1x2560x128xi32, #tpu.memory_space<hbm>> -> memref<1x1x40x128xi32, #tpu.memory_space<hbm>>
      %dma_wait3A_367 = tpu.memref_squeeze %dma_wait3A_366 : memref<1x1x40x128xi32, #tpu.memory_space<hbm>> -> memref<40x128xi32, #tpu.memory_space<hbm>>
      %dma_wait3A_368 = arith.constant 0 : i32
      %dma_wait3A_369 = tpu.memref_slice %arg3[%run_scoped3A, %run_scoped3A_11, %multiple_of3A, %dma_wait3A_368] : memref<2x1x2560x128xi32, #tpu.memory_space<hbm>> -> memref<1x1x40x128xi32, #tpu.memory_space<hbm>>
      %dma_wait3A_370 = tpu.memref_squeeze %dma_wait3A_369 : memref<1x1x40x128xi32, #tpu.memory_space<hbm>> -> memref<40x128xi32, #tpu.memory_space<hbm>>
      tpu.wait_dma2 semaphore(%run_scoped3A_358 : memref<!tpu.dma_semaphore, #tpu.memory_space<semaphore_mem>>) src(%dma_wait3A_370 : memref<40x128xi32, #tpu.memory_space<hbm>>) dst(%arg5 : memref<40x128xi32, #tpu.memory_space<vmem>>)
      tpu.yield
    }) : () -> ()
    %run_scoped3A_12 = arith.constant 1 : i32
    %run_scoped3A_13 = arith.constant 0 : i32
    "tpu.region"() ({
      %run_scoped3A_358 = tpu.sem_alloc : memref<!tpu.dma_semaphore, #tpu.memory_space<semaphore_mem>>
      %dma_start3A_359 = arith.constant 0 : i32
      %dma_start3A_360 = tpu.memref_slice %arg3[%run_scoped3A_12, %run_scoped3A_13, %multiple_of3A, %dma_start3A_359] : memref<2x1x2560x128xi32, #tpu.memory_space<hbm>> -> memref<1x1x40x128xi32, #tpu.memory_space<hbm>>
      %dma_start3A_361 = tpu.memref_squeeze %dma_start3A_360 : memref<1x1x40x128xi32, #tpu.memory_space<hbm>> -> memref<40x128xi32, #tpu.memory_space<hbm>>
      %dma_start3A_362 = arith.constant 0 : i32
      %dma_start3A_363 = tpu.memref_slice %arg3[%run_scoped3A_12, %run_scoped3A_13, %multiple_of3A, %dma_start3A_362] : memref<2x1x2560x128xi32, #tpu.memory_space<hbm>> -> memref<1x1x40x128xi32, #tpu.memory_space<hbm>>
      %dma_start3A_364 = tpu.memref_squeeze %dma_start3A_363 : memref<1x1x40x128xi32, #tpu.memory_space<hbm>> -> memref<40x128xi32, #tpu.memory_space<hbm>>
      tpu.enqueue_dma source(%dma_start3A_364 : memref<40x128xi32, #tpu.memory_space<hbm>>) target(%arg6 : memref<40x128xi32, #tpu.memory_space<vmem>>) target_semaphore(%run_scoped3A_358 : memref<!tpu.dma_semaphore, #tpu.memory_space<semaphore_mem>>)
      %dma_wait3A_365 = arith.constant 0 : i32
      %dma_wait3A_366 = tpu.memref_slice %arg3[%run_scoped3A_12, %run_scoped3A_13, %multiple_of3A, %dma_wait3A_365] : memref<2x1x2560x128xi32, #tpu.memory_space<hbm>> -> memref<1x1x40x128xi32, #tpu.memory_space<hbm>>
      %dma_wait3A_367 = tpu.memref_squeeze %dma_wait3A_366 : memref<1x1x40x128xi32, #tpu.memory_space<hbm>> -> memref<40x128xi32, #tpu.memory_space<hbm>>
      %dma_wait3A_368 = arith.constant 0 : i32
      %dma_wait3A_369 = tpu.memref_slice %arg3[%run_scoped3A_12, %run_scoped3A_13, %multiple_of3A, %dma_wait3A_368] : memref<2x1x2560x128xi32, #tpu.memory_space<hbm>> -> memref<1x1x40x128xi32, #tpu.memory_space<hbm>>
      %dma_wait3A_370 = tpu.memref_squeeze %dma_wait3A_369 : memref<1x1x40x128xi32, #tpu.memory_space<hbm>> -> memref<40x128xi32, #tpu.memory_space<hbm>>
      tpu.wait_dma2 semaphore(%run_scoped3A_358 : memref<!tpu.dma_semaphore, #tpu.memory_space<semaphore_mem>>) src(%dma_wait3A_370 : memref<40x128xi32, #tpu.memory_space<hbm>>) dst(%arg6 : memref<40x128xi32, #tpu.memory_space<vmem>>)
      tpu.yield
    }) : () -> ()
    %dma_start3A = arith.constant 0 : i32
    %dma_start3A_14 = arith.constant 0 : i32
    %dma_start3A_15 = arith.constant 0 : i32
    %dma_start3A_16 = arith.constant 0 : i32
    %dma_start3A_17 = tpu.memref_slice %arg7[%dma_start3A_14, %dma_start3A_15, %dma_start3A_16] : memref<2x128x128xf32, #tpu.memory_space<vmem>> -> memref<1x128x128xf32, #tpu.memory_space<vmem>>
    %dma_start3A_18 = tpu.memref_squeeze %dma_start3A_17 : memref<1x128x128xf32, #tpu.memory_space<vmem>> -> memref<128x128xf32, #tpu.memory_space<vmem>>
    %dma_start3A_19 = arith.constant 0 : i32
    %dma_start3A_20 = tpu.memref_slice %arg5[%dma_start3A, %dma_start3A_19] : memref<40x128xi32, #tpu.memory_space<vmem>> -> memref<1x128xi32, #tpu.memory_space<vmem>>
    %dma_start3A_21 = tpu.memref_squeeze %dma_start3A_20 : memref<1x128xi32, #tpu.memory_space<vmem>> -> memref<128xi32, #tpu.memory_space<vmem>>
    %dma_start3A_22 = arith.constant 0 : i32
    %dma_start3A_23 = arith.constant 0 : i32
    %dma_start3A_24 = tpu.memref_slice %arg2[%dma_start3A_22, %dma_start3A_23] : memref<10000x128xf32, #tpu.memory_space<hbm>> -> memref<10000x128xf32, #tpu.memory_space<hbm>>
    tpu.enqueue_indirect_dma source(%dma_start3A_24 : memref<10000x128xf32, #tpu.memory_space<hbm>>) target(%dma_start3A_18 : memref<128x128xf32, #tpu.memory_space<vmem>>) offsets(%dma_start3A_21 : memref<128xi32, #tpu.memory_space<vmem>>) semaphore(%arg10 : memref<!tpu.dma_semaphore, #tpu.memory_space<semaphore_mem>>)
    %dma_start3A_25 = arith.constant 1 : i32
    %dma_start3A_26 = arith.constant 1 : i32
    %dma_start3A_27 = arith.constant 0 : i32
    %dma_start3A_28 = arith.constant 0 : i32
    %dma_start3A_29 = tpu.memref_slice %arg7[%dma_start3A_26, %dma_start3A_27, %dma_start3A_28] : memref<2x128x128xf32, #tpu.memory_space<vmem>> -> memref<1x128x128xf32, #tpu.memory_space<vmem>>
    %dma_start3A_30 = tpu.memref_squeeze %dma_start3A_29 : memref<1x128x128xf32, #tpu.memory_space<vmem>> -> memref<128x128xf32, #tpu.memory_space<vmem>>
    %dma_start3A_31 = arith.constant 0 : i32
    %dma_start3A_32 = tpu.memref_slice %arg5[%dma_start3A_25, %dma_start3A_31] : memref<40x128xi32, #tpu.memory_space<vmem>> -> memref<1x128xi32, #tpu.memory_space<vmem>>
    %dma_start3A_33 = tpu.memref_squeeze %dma_start3A_32 : memref<1x128xi32, #tpu.memory_space<vmem>> -> memref<128xi32, #tpu.memory_space<vmem>>
    %dma_start3A_34 = arith.constant 0 : i32
    %dma_start3A_35 = arith.constant 0 : i32
    %dma_start3A_36 = tpu.memref_slice %arg2[%dma_start3A_34, %dma_start3A_35] : memref<10000x128xf32, #tpu.memory_space<hbm>> -> memref<10000x128xf32, #tpu.memory_space<hbm>>
    tpu.enqueue_indirect_dma source(%dma_start3A_36 : memref<10000x128xf32, #tpu.memory_space<hbm>>) target(%dma_start3A_30 : memref<128x128xf32, #tpu.memory_space<vmem>>) offsets(%dma_start3A_33 : memref<128xi32, #tpu.memory_space<vmem>>) semaphore(%arg11 : memref<!tpu.dma_semaphore, #tpu.memory_space<semaphore_mem>>)
    %mul3A_37 = arith.constant 624 : i32
    %mul3A_38 = arith.muli %arg1, %mul3A_37 : i32
    %add3A_39 = arith.constant 0 : i32
    %add3A_40 = arith.addi %mul3A_38, %add3A_39 : i32
    %dma_start3A_41 = arith.constant 0 : i32
    %dma_start3A_42 = tpu.memref_slice %arg9[%add3A_40, %dma_start3A_41] : memref<10384x128xf32, #tpu.memory_space<vmem_shared>> -> memref<32x128xf32, #tpu.memory_space<vmem_shared>>
    %dma_start3A_43 = arith.constant 0 : i32
    %dma_start3A_44 = tpu.memref_slice %arg9[%add3A_40, %dma_start3A_43] : memref<10384x128xf32, #tpu.memory_space<vmem_shared>> -> memref<32x128xf32, #tpu.memory_space<vmem_shared>>
    tpu.enqueue_dma source(%arg8 : memref<32x128xf32, #tpu.memory_space<vmem>>) target(%dma_start3A_44 : memref<32x128xf32, #tpu.memory_space<vmem_shared>>) target_semaphore(%arg12 : memref<!tpu.dma_semaphore, #tpu.memory_space<semaphore_mem>>)
    %add3A_45 = arith.constant 32 : i32
    %add3A_46 = arith.addi %mul3A_38, %add3A_45 : i32
    %dma_start3A_47 = arith.constant 0 : i32
    %dma_start3A_48 = tpu.memref_slice %arg9[%add3A_46, %dma_start3A_47] : memref<10384x128xf32, #tpu.memory_space<vmem_shared>> -> memref<32x128xf32, #tpu.memory_space<vmem_shared>>
    %dma_start3A_49 = arith.constant 0 : i32
    %dma_start3A_50 = tpu.memref_slice %arg9[%add3A_46, %dma_start3A_49] : memref<10384x128xf32, #tpu.memory_space<vmem_shared>> -> memref<32x128xf32, #tpu.memory_space<vmem_shared>>
    tpu.enqueue_dma source(%arg8 : memref<32x128xf32, #tpu.memory_space<vmem>>) target(%dma_start3A_50 : memref<32x128xf32, #tpu.memory_space<vmem_shared>>) target_semaphore(%arg12 : memref<!tpu.dma_semaphore, #tpu.memory_space<semaphore_mem>>)
    %add3A_51 = arith.constant 64 : i32
    %add3A_52 = arith.addi %mul3A_38, %add3A_51 : i32
    %dma_start3A_53 = arith.constant 0 : i32
    %dma_start3A_54 = tpu.memref_slice %arg9[%add3A_52, %dma_start3A_53] : memref<10384x128xf32, #tpu.memory_space<vmem_shared>> -> memref<32x128xf32, #tpu.memory_space<vmem_shared>>
    %dma_start3A_55 = arith.constant 0 : i32
    %dma_start3A_56 = tpu.memref_slice %arg9[%add3A_52, %dma_start3A_55] : memref<10384x128xf32, #tpu.memory_space<vmem_shared>> -> memref<32x128xf32, #tpu.memory_space<vmem_shared>>
    tpu.enqueue_dma source(%arg8 : memref<32x128xf32, #tpu.memory_space<vmem>>) target(%dma_start3A_56 : memref<32x128xf32, #tpu.memory_space<vmem_shared>>) target_semaphore(%arg12 : memref<!tpu.dma_semaphore, #tpu.memory_space<semaphore_mem>>)
    %add3A_57 = arith.constant 96 : i32
    %add3A_58 = arith.addi %mul3A_38, %add3A_57 : i32
    %dma_start3A_59 = arith.constant 0 : i32
    %dma_start3A_60 = tpu.memref_slice %arg9[%add3A_58, %dma_start3A_59] : memref<10384x128xf32, #tpu.memory_space<vmem_shared>> -> memref<32x128xf32, #tpu.memory_space<vmem_shared>>
    %dma_start3A_61 = arith.constant 0 : i32
    %dma_start3A_62 = tpu.memref_slice %arg9[%add3A_58, %dma_start3A_61] : memref<10384x128xf32, #tpu.memory_space<vmem_shared>> -> memref<32x128xf32, #tpu.memory_space<vmem_shared>>
    tpu.enqueue_dma source(%arg8 : memref<32x128xf32, #tpu.memory_space<vmem>>) target(%dma_start3A_62 : memref<32x128xf32, #tpu.memory_space<vmem_shared>>) target_semaphore(%arg12 : memref<!tpu.dma_semaphore, #tpu.memory_space<semaphore_mem>>)
    %add3A_63 = arith.constant 128 : i32
    %add3A_64 = arith.addi %mul3A_38, %add3A_63 : i32
    %dma_start3A_65 = arith.constant 0 : i32
    %dma_start3A_66 = tpu.memref_slice %arg9[%add3A_64, %dma_start3A_65] : memref<10384x128xf32, #tpu.memory_space<vmem_shared>> -> memref<32x128xf32, #tpu.memory_space<vmem_shared>>
    %dma_start3A_67 = arith.constant 0 : i32
    %dma_start3A_68 = tpu.memref_slice %arg9[%add3A_64, %dma_start3A_67] : memref<10384x128xf32, #tpu.memory_space<vmem_shared>> -> memref<32x128xf32, #tpu.memory_space<vmem_shared>>
    tpu.enqueue_dma source(%arg8 : memref<32x128xf32, #tpu.memory_space<vmem>>) target(%dma_start3A_68 : memref<32x128xf32, #tpu.memory_space<vmem_shared>>) target_semaphore(%arg12 : memref<!tpu.dma_semaphore, #tpu.memory_space<semaphore_mem>>)
    %add3A_69 = arith.constant 160 : i32
    %add3A_70 = arith.addi %mul3A_38, %add3A_69 : i32
    %dma_start3A_71 = arith.constant 0 : i32
    %dma_start3A_72 = tpu.memref_slice %arg9[%add3A_70, %dma_start3A_71] : memref<10384x128xf32, #tpu.memory_space<vmem_shared>> -> memref<32x128xf32, #tpu.memory_space<vmem_shared>>
    %dma_start3A_73 = arith.constant 0 : i32
    %dma_start3A_74 = tpu.memref_slice %arg9[%add3A_70, %dma_start3A_73] : memref<10384x128xf32, #tpu.memory_space<vmem_shared>> -> memref<32x128xf32, #tpu.memory_space<vmem_shared>>
    tpu.enqueue_dma source(%arg8 : memref<32x128xf32, #tpu.memory_space<vmem>>) target(%dma_start3A_74 : memref<32x128xf32, #tpu.memory_space<vmem_shared>>) target_semaphore(%arg12 : memref<!tpu.dma_semaphore, #tpu.memory_space<semaphore_mem>>)
    %add3A_75 = arith.constant 192 : i32
    %add3A_76 = arith.addi %mul3A_38, %add3A_75 : i32
    %dma_start3A_77 = arith.constant 0 : i32
    %dma_start3A_78 = tpu.memref_slice %arg9[%add3A_76, %dma_start3A_77] : memref<10384x128xf32, #tpu.memory_space<vmem_shared>> -> memref<32x128xf32, #tpu.memory_space<vmem_shared>>
    %dma_start3A_79 = arith.constant 0 : i32
    %dma_start3A_80 = tpu.memref_slice %arg9[%add3A_76, %dma_start3A_79] : memref<10384x128xf32, #tpu.memory_space<vmem_shared>> -> memref<32x128xf32, #tpu.memory_space<vmem_shared>>
    tpu.enqueue_dma source(%arg8 : memref<32x128xf32, #tpu.memory_space<vmem>>) target(%dma_start3A_80 : memref<32x128xf32, #tpu.memory_space<vmem_shared>>) target_semaphore(%arg12 : memref<!tpu.dma_semaphore, #tpu.memory_space<semaphore_mem>>)
    %add3A_81 = arith.constant 224 : i32
    %add3A_82 = arith.addi %mul3A_38, %add3A_81 : i32
    %dma_start3A_83 = arith.constant 0 : i32
    %dma_start3A_84 = tpu.memref_slice %arg9[%add3A_82, %dma_start3A_83] : memref<10384x128xf32, #tpu.memory_space<vmem_shared>> -> memref<32x128xf32, #tpu.memory_space<vmem_shared>>
    %dma_start3A_85 = arith.constant 0 : i32
    %dma_start3A_86 = tpu.memref_slice %arg9[%add3A_82, %dma_start3A_85] : memref<10384x128xf32, #tpu.memory_space<vmem_shared>> -> memref<32x128xf32, #tpu.memory_space<vmem_shared>>
    tpu.enqueue_dma source(%arg8 : memref<32x128xf32, #tpu.memory_space<vmem>>) target(%dma_start3A_86 : memref<32x128xf32, #tpu.memory_space<vmem_shared>>) target_semaphore(%arg12 : memref<!tpu.dma_semaphore, #tpu.memory_space<semaphore_mem>>)
    %add3A_87 = arith.constant 256 : i32
    %add3A_88 = arith.addi %mul3A_38, %add3A_87 : i32
    %dma_start3A_89 = arith.constant 0 : i32
    %dma_start3A_90 = tpu.memref_slice %arg9[%add3A_88, %dma_start3A_89] : memref<10384x128xf32, #tpu.memory_space<vmem_shared>> -> memref<32x128xf32, #tpu.memory_space<vmem_shared>>
    %dma_start3A_91 = arith.constant 0 : i32
    %dma_start3A_92 = tpu.memref_slice %arg9[%add3A_88, %dma_start3A_91] : memref<10384x128xf32, #tpu.memory_space<vmem_shared>> -> memref<32x128xf32, #tpu.memory_space<vmem_shared>>
    tpu.enqueue_dma source(%arg8 : memref<32x128xf32, #tpu.memory_space<vmem>>) target(%dma_start3A_92 : memref<32x128xf32, #tpu.memory_space<vmem_shared>>) target_semaphore(%arg12 : memref<!tpu.dma_semaphore, #tpu.memory_space<semaphore_mem>>)
    %add3A_93 = arith.constant 288 : i32
    %add3A_94 = arith.addi %mul3A_38, %add3A_93 : i32
    %dma_start3A_95 = arith.constant 0 : i32
    %dma_start3A_96 = tpu.memref_slice %arg9[%add3A_94, %dma_start3A_95] : memref<10384x128xf32, #tpu.memory_space<vmem_shared>> -> memref<32x128xf32, #tpu.memory_space<vmem_shared>>
    %dma_start3A_97 = arith.constant 0 : i32
    %dma_start3A_98 = tpu.memref_slice %arg9[%add3A_94, %dma_start3A_97] : memref<10384x128xf32, #tpu.memory_space<vmem_shared>> -> memref<32x128xf32, #tpu.memory_space<vmem_shared>>
    tpu.enqueue_dma source(%arg8 : memref<32x128xf32, #tpu.memory_space<vmem>>) target(%dma_start3A_98 : memref<32x128xf32, #tpu.memory_space<vmem_shared>>) target_semaphore(%arg12 : memref<!tpu.dma_semaphore, #tpu.memory_space<semaphore_mem>>)
    %add3A_99 = arith.constant 320 : i32
    %add3A_100 = arith.addi %mul3A_38, %add3A_99 : i32
    %dma_start3A_101 = arith.constant 0 : i32
    %dma_start3A_102 = tpu.memref_slice %arg9[%add3A_100, %dma_start3A_101] : memref<10384x128xf32, #tpu.memory_space<vmem_shared>> -> memref<32x128xf32, #tpu.memory_space<vmem_shared>>
    %dma_start3A_103 = arith.constant 0 : i32
    %dma_start3A_104 = tpu.memref_slice %arg9[%add3A_100, %dma_start3A_103] : memref<10384x128xf32, #tpu.memory_space<vmem_shared>> -> memref<32x128xf32, #tpu.memory_space<vmem_shared>>
    tpu.enqueue_dma source(%arg8 : memref<32x128xf32, #tpu.memory_space<vmem>>) target(%dma_start3A_104 : memref<32x128xf32, #tpu.memory_space<vmem_shared>>) target_semaphore(%arg12 : memref<!tpu.dma_semaphore, #tpu.memory_space<semaphore_mem>>)
    %add3A_105 = arith.constant 352 : i32
    %add3A_106 = arith.addi %mul3A_38, %add3A_105 : i32
    %dma_start3A_107 = arith.constant 0 : i32
    %dma_start3A_108 = tpu.memref_slice %arg9[%add3A_106, %dma_start3A_107] : memref<10384x128xf32, #tpu.memory_space<vmem_shared>> -> memref<32x128xf32, #tpu.memory_space<vmem_shared>>
    %dma_start3A_109 = arith.constant 0 : i32
    %dma_start3A_110 = tpu.memref_slice %arg9[%add3A_106, %dma_start3A_109] : memref<10384x128xf32, #tpu.memory_space<vmem_shared>> -> memref<32x128xf32, #tpu.memory_space<vmem_shared>>
    tpu.enqueue_dma source(%arg8 : memref<32x128xf32, #tpu.memory_space<vmem>>) target(%dma_start3A_110 : memref<32x128xf32, #tpu.memory_space<vmem_shared>>) target_semaphore(%arg12 : memref<!tpu.dma_semaphore, #tpu.memory_space<semaphore_mem>>)
    %add3A_111 = arith.constant 384 : i32
    %add3A_112 = arith.addi %mul3A_38, %add3A_111 : i32
    %dma_start3A_113 = arith.constant 0 : i32
    %dma_start3A_114 = tpu.memref_slice %arg9[%add3A_112, %dma_start3A_113] : memref<10384x128xf32, #tpu.memory_space<vmem_shared>> -> memref<32x128xf32, #tpu.memory_space<vmem_shared>>
    %dma_start3A_115 = arith.constant 0 : i32
    %dma_start3A_116 = tpu.memref_slice %arg9[%add3A_112, %dma_start3A_115] : memref<10384x128xf32, #tpu.memory_space<vmem_shared>> -> memref<32x128xf32, #tpu.memory_space<vmem_shared>>
    tpu.enqueue_dma source(%arg8 : memref<32x128xf32, #tpu.memory_space<vmem>>) target(%dma_start3A_116 : memref<32x128xf32, #tpu.memory_space<vmem_shared>>) target_semaphore(%arg12 : memref<!tpu.dma_semaphore, #tpu.memory_space<semaphore_mem>>)
    %add3A_117 = arith.constant 416 : i32
    %add3A_118 = arith.addi %mul3A_38, %add3A_117 : i32
    %dma_start3A_119 = arith.constant 0 : i32
    %dma_start3A_120 = tpu.memref_slice %arg9[%add3A_118, %dma_start3A_119] : memref<10384x128xf32, #tpu.memory_space<vmem_shared>> -> memref<32x128xf32, #tpu.memory_space<vmem_shared>>
    %dma_start3A_121 = arith.constant 0 : i32
    %dma_start3A_122 = tpu.memref_slice %arg9[%add3A_118, %dma_start3A_121] : memref<10384x128xf32, #tpu.memory_space<vmem_shared>> -> memref<32x128xf32, #tpu.memory_space<vmem_shared>>
    tpu.enqueue_dma source(%arg8 : memref<32x128xf32, #tpu.memory_space<vmem>>) target(%dma_start3A_122 : memref<32x128xf32, #tpu.memory_space<vmem_shared>>) target_semaphore(%arg12 : memref<!tpu.dma_semaphore, #tpu.memory_space<semaphore_mem>>)
    %add3A_123 = arith.constant 448 : i32
    %add3A_124 = arith.addi %mul3A_38, %add3A_123 : i32
    %dma_start3A_125 = arith.constant 0 : i32
    %dma_start3A_126 = tpu.memref_slice %arg9[%add3A_124, %dma_start3A_125] : memref<10384x128xf32, #tpu.memory_space<vmem_shared>> -> memref<32x128xf32, #tpu.memory_space<vmem_shared>>
    %dma_start3A_127 = arith.constant 0 : i32
    %dma_start3A_128 = tpu.memref_slice %arg9[%add3A_124, %dma_start3A_127] : memref<10384x128xf32, #tpu.memory_space<vmem_shared>> -> memref<32x128xf32, #tpu.memory_space<vmem_shared>>
    tpu.enqueue_dma source(%arg8 : memref<32x128xf32, #tpu.memory_space<vmem>>) target(%dma_start3A_128 : memref<32x128xf32, #tpu.memory_space<vmem_shared>>) target_semaphore(%arg12 : memref<!tpu.dma_semaphore, #tpu.memory_space<semaphore_mem>>)
    %add3A_129 = arith.constant 480 : i32
    %add3A_130 = arith.addi %mul3A_38, %add3A_129 : i32
    %dma_start3A_131 = arith.constant 0 : i32
    %dma_start3A_132 = tpu.memref_slice %arg9[%add3A_130, %dma_start3A_131] : memref<10384x128xf32, #tpu.memory_space<vmem_shared>> -> memref<32x128xf32, #tpu.memory_space<vmem_shared>>
    %dma_start3A_133 = arith.constant 0 : i32
    %dma_start3A_134 = tpu.memref_slice %arg9[%add3A_130, %dma_start3A_133] : memref<10384x128xf32, #tpu.memory_space<vmem_shared>> -> memref<32x128xf32, #tpu.memory_space<vmem_shared>>
    tpu.enqueue_dma source(%arg8 : memref<32x128xf32, #tpu.memory_space<vmem>>) target(%dma_start3A_134 : memref<32x128xf32, #tpu.memory_space<vmem_shared>>) target_semaphore(%arg12 : memref<!tpu.dma_semaphore, #tpu.memory_space<semaphore_mem>>)
    %add3A_135 = arith.constant 512 : i32
    %add3A_136 = arith.addi %mul3A_38, %add3A_135 : i32
    %dma_start3A_137 = arith.constant 0 : i32
    %dma_start3A_138 = tpu.memref_slice %arg9[%add3A_136, %dma_start3A_137] : memref<10384x128xf32, #tpu.memory_space<vmem_shared>> -> memref<32x128xf32, #tpu.memory_space<vmem_shared>>
    %dma_start3A_139 = arith.constant 0 : i32
    %dma_start3A_140 = tpu.memref_slice %arg9[%add3A_136, %dma_start3A_139] : memref<10384x128xf32, #tpu.memory_space<vmem_shared>> -> memref<32x128xf32, #tpu.memory_space<vmem_shared>>
    tpu.enqueue_dma source(%arg8 : memref<32x128xf32, #tpu.memory_space<vmem>>) target(%dma_start3A_140 : memref<32x128xf32, #tpu.memory_space<vmem_shared>>) target_semaphore(%arg12 : memref<!tpu.dma_semaphore, #tpu.memory_space<semaphore_mem>>)
    %add3A_141 = arith.constant 544 : i32
    %add3A_142 = arith.addi %mul3A_38, %add3A_141 : i32
    %dma_start3A_143 = arith.constant 0 : i32
    %dma_start3A_144 = tpu.memref_slice %arg9[%add3A_142, %dma_start3A_143] : memref<10384x128xf32, #tpu.memory_space<vmem_shared>> -> memref<32x128xf32, #tpu.memory_space<vmem_shared>>
    %dma_start3A_145 = arith.constant 0 : i32
    %dma_start3A_146 = tpu.memref_slice %arg9[%add3A_142, %dma_start3A_145] : memref<10384x128xf32, #tpu.memory_space<vmem_shared>> -> memref<32x128xf32, #tpu.memory_space<vmem_shared>>
    tpu.enqueue_dma source(%arg8 : memref<32x128xf32, #tpu.memory_space<vmem>>) target(%dma_start3A_146 : memref<32x128xf32, #tpu.memory_space<vmem_shared>>) target_semaphore(%arg12 : memref<!tpu.dma_semaphore, #tpu.memory_space<semaphore_mem>>)
    %add3A_147 = arith.constant 576 : i32
    %add3A_148 = arith.addi %mul3A_38, %add3A_147 : i32
    %dma_start3A_149 = arith.constant 0 : i32
    %dma_start3A_150 = tpu.memref_slice %arg9[%add3A_148, %dma_start3A_149] : memref<10384x128xf32, #tpu.memory_space<vmem_shared>> -> memref<32x128xf32, #tpu.memory_space<vmem_shared>>
    %dma_start3A_151 = arith.constant 0 : i32
    %dma_start3A_152 = tpu.memref_slice %arg9[%add3A_148, %dma_start3A_151] : memref<10384x128xf32, #tpu.memory_space<vmem_shared>> -> memref<32x128xf32, #tpu.memory_space<vmem_shared>>
    tpu.enqueue_dma source(%arg8 : memref<32x128xf32, #tpu.memory_space<vmem>>) target(%dma_start3A_152 : memref<32x128xf32, #tpu.memory_space<vmem_shared>>) target_semaphore(%arg12 : memref<!tpu.dma_semaphore, #tpu.memory_space<semaphore_mem>>)
    %add3A_153 = arith.constant 608 : i32
    %add3A_154 = arith.addi %mul3A_38, %add3A_153 : i32
    %dma_start3A_155 = arith.constant 0 : i32
    %dma_start3A_156 = arith.constant 0 : i32
    %dma_start3A_157 = tpu.memref_slice %arg8[%dma_start3A_155, %dma_start3A_156] : memref<32x128xf32, #tpu.memory_space<vmem>> -> memref<16x128xf32, #tpu.memory_space<vmem>>
    %dma_start3A_158 = arith.constant 0 : i32
    %dma_start3A_159 = tpu.memref_slice %arg9[%add3A_154, %dma_start3A_158] : memref<10384x128xf32, #tpu.memory_space<vmem_shared>> -> memref<16x128xf32, #tpu.memory_space<vmem_shared>>
    %dma_start3A_160 = arith.constant 0 : i32
    %dma_start3A_161 = tpu.memref_slice %arg9[%add3A_154, %dma_start3A_160] : memref<10384x128xf32, #tpu.memory_space<vmem_shared>> -> memref<16x128xf32, #tpu.memory_space<vmem_shared>>
    %dma_start3A_162 = arith.constant 0 : i32
    %dma_start3A_163 = arith.constant 0 : i32
    %dma_start3A_164 = tpu.memref_slice %arg8[%dma_start3A_162, %dma_start3A_163] : memref<32x128xf32, #tpu.memory_space<vmem>> -> memref<16x128xf32, #tpu.memory_space<vmem>>
    tpu.enqueue_dma source(%dma_start3A_164 : memref<16x128xf32, #tpu.memory_space<vmem>>) target(%dma_start3A_161 : memref<16x128xf32, #tpu.memory_space<vmem_shared>>) target_semaphore(%arg12 : memref<!tpu.dma_semaphore, #tpu.memory_space<semaphore_mem>>)
    %eq3A = arith.constant 15 : i32
    %eq3A_165 = arith.cmpi eq, %arg1, %eq3A : i32
    %convert_element_type3A = arith.extui %eq3A_165 : i1 to i32
    %cond3A = arith.constant 0 : i32
    %cond3A_166 = arith.cmpi ne, %convert_element_type3A, %cond3A : i32
    scf.if %cond3A_166 {
      %dma_start3A_358 = arith.constant 0 : i32
      %dma_start3A_359 = arith.constant 0 : i32
      %dma_start3A_360 = tpu.memref_slice %arg8[%dma_start3A_358, %dma_start3A_359] : memref<32x128xf32, #tpu.memory_space<vmem>> -> memref<16x128xf32, #tpu.memory_space<vmem>>
      %dma_start3A_361 = arith.constant 9984 : i32
      %dma_start3A_362 = arith.constant 0 : i32
      %dma_start3A_363 = tpu.memref_slice %arg9[%dma_start3A_361, %dma_start3A_362] : memref<10384x128xf32, #tpu.memory_space<vmem_shared>> -> memref<16x128xf32, #tpu.memory_space<vmem_shared>>
      %dma_start3A_364 = arith.constant 9984 : i32
      %dma_start3A_365 = arith.constant 0 : i32
      %dma_start3A_366 = tpu.memref_slice %arg9[%dma_start3A_364, %dma_start3A_365] : memref<10384x128xf32, #tpu.memory_space<vmem_shared>> -> memref<16x128xf32, #tpu.memory_space<vmem_shared>>
      %dma_start3A_367 = arith.constant 0 : i32
      %dma_start3A_368 = arith.constant 0 : i32
      %dma_start3A_369 = tpu.memref_slice %arg8[%dma_start3A_367, %dma_start3A_368] : memref<32x128xf32, #tpu.memory_space<vmem>> -> memref<16x128xf32, #tpu.memory_space<vmem>>
      tpu.enqueue_dma source(%dma_start3A_369 : memref<16x128xf32, #tpu.memory_space<vmem>>) target(%dma_start3A_366 : memref<16x128xf32, #tpu.memory_space<vmem_shared>>) target_semaphore(%arg12 : memref<!tpu.dma_semaphore, #tpu.memory_space<semaphore_mem>>)
    } else {
    }
    %dma_wait3A = arith.constant 0 : i32
    %dma_wait3A_167 = tpu.memref_slice %arg9[%mul3A_38, %dma_wait3A] : memref<10384x128xf32, #tpu.memory_space<vmem_shared>> -> memref<32x128xf32, #tpu.memory_space<vmem_shared>>
    %dma_wait3A_168 = arith.constant 0 : i32
    %dma_wait3A_169 = tpu.memref_slice %arg9[%mul3A_38, %dma_wait3A_168] : memref<10384x128xf32, #tpu.memory_space<vmem_shared>> -> memref<32x128xf32, #tpu.memory_space<vmem_shared>>
    tpu.wait_dma2 semaphore(%arg12 : memref<!tpu.dma_semaphore, #tpu.memory_space<semaphore_mem>>) src(%arg8 : memref<32x128xf32, #tpu.memory_space<vmem>>) dst(%dma_wait3A_169 : memref<32x128xf32, #tpu.memory_space<vmem_shared>>)
    %dma_wait3A_170 = arith.constant 0 : i32
    %dma_wait3A_171 = tpu.memref_slice %arg9[%mul3A_38, %dma_wait3A_170] : memref<10384x128xf32, #tpu.memory_space<vmem_shared>> -> memref<32x128xf32, #tpu.memory_space<vmem_shared>>
    %dma_wait3A_172 = arith.constant 0 : i32
    %dma_wait3A_173 = tpu.memref_slice %arg9[%mul3A_38, %dma_wait3A_172] : memref<10384x128xf32, #tpu.memory_space<vmem_shared>> -> memref<32x128xf32, #tpu.memory_space<vmem_shared>>
    tpu.wait_dma2 semaphore(%arg12 : memref<!tpu.dma_semaphore, #tpu.memory_space<semaphore_mem>>) src(%arg8 : memref<32x128xf32, #tpu.memory_space<vmem>>) dst(%dma_wait3A_173 : memref<32x128xf32, #tpu.memory_space<vmem_shared>>)
    %dma_wait3A_174 = arith.constant 0 : i32
    %dma_wait3A_175 = tpu.memref_slice %arg9[%mul3A_38, %dma_wait3A_174] : memref<10384x128xf32, #tpu.memory_space<vmem_shared>> -> memref<32x128xf32, #tpu.memory_space<vmem_shared>>
    %dma_wait3A_176 = arith.constant 0 : i32
    %dma_wait3A_177 = tpu.memref_slice %arg9[%mul3A_38, %dma_wait3A_176] : memref<10384x128xf32, #tpu.memory_space<vmem_shared>> -> memref<32x128xf32, #tpu.memory_space<vmem_shared>>
    tpu.wait_dma2 semaphore(%arg12 : memref<!tpu.dma_semaphore, #tpu.memory_space<semaphore_mem>>) src(%arg8 : memref<32x128xf32, #tpu.memory_space<vmem>>) dst(%dma_wait3A_177 : memref<32x128xf32, #tpu.memory_space<vmem_shared>>)
    %dma_wait3A_178 = arith.constant 0 : i32
    %dma_wait3A_179 = tpu.memref_slice %arg9[%mul3A_38, %dma_wait3A_178] : memref<10384x128xf32, #tpu.memory_space<vmem_shared>> -> memref<32x128xf32, #tpu.memory_space<vmem_shared>>
    %dma_wait3A_180 = arith.constant 0 : i32
    %dma_wait3A_181 = tpu.memref_slice %arg9[%mul3A_38, %dma_wait3A_180] : memref<10384x128xf32, #tpu.memory_space<vmem_shared>> -> memref<32x128xf32, #tpu.memory_space<vmem_shared>>
    tpu.wait_dma2 semaphore(%arg12 : memref<!tpu.dma_semaphore, #tpu.memory_space<semaphore_mem>>) src(%arg8 : memref<32x128xf32, #tpu.memory_space<vmem>>) dst(%dma_wait3A_181 : memref<32x128xf32, #tpu.memory_space<vmem_shared>>)
    %dma_wait3A_182 = arith.constant 0 : i32
    %dma_wait3A_183 = tpu.memref_slice %arg9[%mul3A_38, %dma_wait3A_182] : memref<10384x128xf32, #tpu.memory_space<vmem_shared>> -> memref<32x128xf32, #tpu.memory_space<vmem_shared>>
    %dma_wait3A_184 = arith.constant 0 : i32
    %dma_wait3A_185 = tpu.memref_slice %arg9[%mul3A_38, %dma_wait3A_184] : memref<10384x128xf32, #tpu.memory_space<vmem_shared>> -> memref<32x128xf32, #tpu.memory_space<vmem_shared>>
    tpu.wait_dma2 semaphore(%arg12 : memref<!tpu.dma_semaphore, #tpu.memory_space<semaphore_mem>>) src(%arg8 : memref<32x128xf32, #tpu.memory_space<vmem>>) dst(%dma_wait3A_185 : memref<32x128xf32, #tpu.memory_space<vmem_shared>>)
    %dma_wait3A_186 = arith.constant 0 : i32
    %dma_wait3A_187 = tpu.memref_slice %arg9[%mul3A_38, %dma_wait3A_186] : memref<10384x128xf32, #tpu.memory_space<vmem_shared>> -> memref<32x128xf32, #tpu.memory_space<vmem_shared>>
    %dma_wait3A_188 = arith.constant 0 : i32
    %dma_wait3A_189 = tpu.memref_slice %arg9[%mul3A_38, %dma_wait3A_188] : memref<10384x128xf32, #tpu.memory_space<vmem_shared>> -> memref<32x128xf32, #tpu.memory_space<vmem_shared>>
    tpu.wait_dma2 semaphore(%arg12 : memref<!tpu.dma_semaphore, #tpu.memory_space<semaphore_mem>>) src(%arg8 : memref<32x128xf32, #tpu.memory_space<vmem>>) dst(%dma_wait3A_189 : memref<32x128xf32, #tpu.memory_space<vmem_shared>>)
    %dma_wait3A_190 = arith.constant 0 : i32
    %dma_wait3A_191 = tpu.memref_slice %arg9[%mul3A_38, %dma_wait3A_190] : memref<10384x128xf32, #tpu.memory_space<vmem_shared>> -> memref<32x128xf32, #tpu.memory_space<vmem_shared>>
    %dma_wait3A_192 = arith.constant 0 : i32
    %dma_wait3A_193 = tpu.memref_slice %arg9[%mul3A_38, %dma_wait3A_192] : memref<10384x128xf32, #tpu.memory_space<vmem_shared>> -> memref<32x128xf32, #tpu.memory_space<vmem_shared>>
    tpu.wait_dma2 semaphore(%arg12 : memref<!tpu.dma_semaphore, #tpu.memory_space<semaphore_mem>>) src(%arg8 : memref<32x128xf32, #tpu.memory_space<vmem>>) dst(%dma_wait3A_193 : memref<32x128xf32, #tpu.memory_space<vmem_shared>>)
    %dma_wait3A_194 = arith.constant 0 : i32
    %dma_wait3A_195 = tpu.memref_slice %arg9[%mul3A_38, %dma_wait3A_194] : memref<10384x128xf32, #tpu.memory_space<vmem_shared>> -> memref<32x128xf32, #tpu.memory_space<vmem_shared>>
    %dma_wait3A_196 = arith.constant 0 : i32
    %dma_wait3A_197 = tpu.memref_slice %arg9[%mul3A_38, %dma_wait3A_196] : memref<10384x128xf32, #tpu.memory_space<vmem_shared>> -> memref<32x128xf32, #tpu.memory_space<vmem_shared>>
    tpu.wait_dma2 semaphore(%arg12 : memref<!tpu.dma_semaphore, #tpu.memory_space<semaphore_mem>>) src(%arg8 : memref<32x128xf32, #tpu.memory_space<vmem>>) dst(%dma_wait3A_197 : memref<32x128xf32, #tpu.memory_space<vmem_shared>>)
    %dma_wait3A_198 = arith.constant 0 : i32
    %dma_wait3A_199 = tpu.memref_slice %arg9[%mul3A_38, %dma_wait3A_198] : memref<10384x128xf32, #tpu.memory_space<vmem_shared>> -> memref<32x128xf32, #tpu.memory_space<vmem_shared>>
    %dma_wait3A_200 = arith.constant 0 : i32
    %dma_wait3A_201 = tpu.memref_slice %arg9[%mul3A_38, %dma_wait3A_200] : memref<10384x128xf32, #tpu.memory_space<vmem_shared>> -> memref<32x128xf32, #tpu.memory_space<vmem_shared>>
    tpu.wait_dma2 semaphore(%arg12 : memref<!tpu.dma_semaphore, #tpu.memory_space<semaphore_mem>>) src(%arg8 : memref<32x128xf32, #tpu.memory_space<vmem>>) dst(%dma_wait3A_201 : memref<32x128xf32, #tpu.memory_space<vmem_shared>>)
    %dma_wait3A_202 = arith.constant 0 : i32
    %dma_wait3A_203 = tpu.memref_slice %arg9[%mul3A_38, %dma_wait3A_202] : memref<10384x128xf32, #tpu.memory_space<vmem_shared>> -> memref<32x128xf32, #tpu.memory_space<vmem_shared>>
    %dma_wait3A_204 = arith.constant 0 : i32
    %dma_wait3A_205 = tpu.memref_slice %arg9[%mul3A_38, %dma_wait3A_204] : memref<10384x128xf32, #tpu.memory_space<vmem_shared>> -> memref<32x128xf32, #tpu.memory_space<vmem_shared>>
    tpu.wait_dma2 semaphore(%arg12 : memref<!tpu.dma_semaphore, #tpu.memory_space<semaphore_mem>>) src(%arg8 : memref<32x128xf32, #tpu.memory_space<vmem>>) dst(%dma_wait3A_205 : memref<32x128xf32, #tpu.memory_space<vmem_shared>>)
    %dma_wait3A_206 = arith.constant 0 : i32
    %dma_wait3A_207 = tpu.memref_slice %arg9[%mul3A_38, %dma_wait3A_206] : memref<10384x128xf32, #tpu.memory_space<vmem_shared>> -> memref<32x128xf32, #tpu.memory_space<vmem_shared>>
    %dma_wait3A_208 = arith.constant 0 : i32
    %dma_wait3A_209 = tpu.memref_slice %arg9[%mul3A_38, %dma_wait3A_208] : memref<10384x128xf32, #tpu.memory_space<vmem_shared>> -> memref<32x128xf32, #tpu.memory_space<vmem_shared>>
    tpu.wait_dma2 semaphore(%arg12 : memref<!tpu.dma_semaphore, #tpu.memory_space<semaphore_mem>>) src(%arg8 : memref<32x128xf32, #tpu.memory_space<vmem>>) dst(%dma_wait3A_209 : memref<32x128xf32, #tpu.memory_space<vmem_shared>>)
    %dma_wait3A_210 = arith.constant 0 : i32
    %dma_wait3A_211 = tpu.memref_slice %arg9[%mul3A_38, %dma_wait3A_210] : memref<10384x128xf32, #tpu.memory_space<vmem_shared>> -> memref<32x128xf32, #tpu.memory_space<vmem_shared>>
    %dma_wait3A_212 = arith.constant 0 : i32
    %dma_wait3A_213 = tpu.memref_slice %arg9[%mul3A_38, %dma_wait3A_212] : memref<10384x128xf32, #tpu.memory_space<vmem_shared>> -> memref<32x128xf32, #tpu.memory_space<vmem_shared>>
    tpu.wait_dma2 semaphore(%arg12 : memref<!tpu.dma_semaphore, #tpu.memory_space<semaphore_mem>>) src(%arg8 : memref<32x128xf32, #tpu.memory_space<vmem>>) dst(%dma_wait3A_213 : memref<32x128xf32, #tpu.memory_space<vmem_shared>>)
    %dma_wait3A_214 = arith.constant 0 : i32
    %dma_wait3A_215 = tpu.memref_slice %arg9[%mul3A_38, %dma_wait3A_214] : memref<10384x128xf32, #tpu.memory_space<vmem_shared>> -> memref<32x128xf32, #tpu.memory_space<vmem_shared>>
    %dma_wait3A_216 = arith.constant 0 : i32
    %dma_wait3A_217 = tpu.memref_slice %arg9[%mul3A_38, %dma_wait3A_216] : memref<10384x128xf32, #tpu.memory_space<vmem_shared>> -> memref<32x128xf32, #tpu.memory_space<vmem_shared>>
    tpu.wait_dma2 semaphore(%arg12 : memref<!tpu.dma_semaphore, #tpu.memory_space<semaphore_mem>>) src(%arg8 : memref<32x128xf32, #tpu.memory_space<vmem>>) dst(%dma_wait3A_217 : memref<32x128xf32, #tpu.memory_space<vmem_shared>>)
    %dma_wait3A_218 = arith.constant 0 : i32
    %dma_wait3A_219 = tpu.memref_slice %arg9[%mul3A_38, %dma_wait3A_218] : memref<10384x128xf32, #tpu.memory_space<vmem_shared>> -> memref<32x128xf32, #tpu.memory_space<vmem_shared>>
    %dma_wait3A_220 = arith.constant 0 : i32
    %dma_wait3A_221 = tpu.memref_slice %arg9[%mul3A_38, %dma_wait3A_220] : memref<10384x128xf32, #tpu.memory_space<vmem_shared>> -> memref<32x128xf32, #tpu.memory_space<vmem_shared>>
    tpu.wait_dma2 semaphore(%arg12 : memref<!tpu.dma_semaphore, #tpu.memory_space<semaphore_mem>>) src(%arg8 : memref<32x128xf32, #tpu.memory_space<vmem>>) dst(%dma_wait3A_221 : memref<32x128xf32, #tpu.memory_space<vmem_shared>>)
    %dma_wait3A_222 = arith.constant 0 : i32
    %dma_wait3A_223 = tpu.memref_slice %arg9[%mul3A_38, %dma_wait3A_222] : memref<10384x128xf32, #tpu.memory_space<vmem_shared>> -> memref<32x128xf32, #tpu.memory_space<vmem_shared>>
    %dma_wait3A_224 = arith.constant 0 : i32
    %dma_wait3A_225 = tpu.memref_slice %arg9[%mul3A_38, %dma_wait3A_224] : memref<10384x128xf32, #tpu.memory_space<vmem_shared>> -> memref<32x128xf32, #tpu.memory_space<vmem_shared>>
    tpu.wait_dma2 semaphore(%arg12 : memref<!tpu.dma_semaphore, #tpu.memory_space<semaphore_mem>>) src(%arg8 : memref<32x128xf32, #tpu.memory_space<vmem>>) dst(%dma_wait3A_225 : memref<32x128xf32, #tpu.memory_space<vmem_shared>>)
    %dma_wait3A_226 = arith.constant 0 : i32
    %dma_wait3A_227 = tpu.memref_slice %arg9[%mul3A_38, %dma_wait3A_226] : memref<10384x128xf32, #tpu.memory_space<vmem_shared>> -> memref<32x128xf32, #tpu.memory_space<vmem_shared>>
    %dma_wait3A_228 = arith.constant 0 : i32
    %dma_wait3A_229 = tpu.memref_slice %arg9[%mul3A_38, %dma_wait3A_228] : memref<10384x128xf32, #tpu.memory_space<vmem_shared>> -> memref<32x128xf32, #tpu.memory_space<vmem_shared>>
    tpu.wait_dma2 semaphore(%arg12 : memref<!tpu.dma_semaphore, #tpu.memory_space<semaphore_mem>>) src(%arg8 : memref<32x128xf32, #tpu.memory_space<vmem>>) dst(%dma_wait3A_229 : memref<32x128xf32, #tpu.memory_space<vmem_shared>>)
    %dma_wait3A_230 = arith.constant 0 : i32
    %dma_wait3A_231 = tpu.memref_slice %arg9[%mul3A_38, %dma_wait3A_230] : memref<10384x128xf32, #tpu.memory_space<vmem_shared>> -> memref<32x128xf32, #tpu.memory_space<vmem_shared>>
    %dma_wait3A_232 = arith.constant 0 : i32
    %dma_wait3A_233 = tpu.memref_slice %arg9[%mul3A_38, %dma_wait3A_232] : memref<10384x128xf32, #tpu.memory_space<vmem_shared>> -> memref<32x128xf32, #tpu.memory_space<vmem_shared>>
    tpu.wait_dma2 semaphore(%arg12 : memref<!tpu.dma_semaphore, #tpu.memory_space<semaphore_mem>>) src(%arg8 : memref<32x128xf32, #tpu.memory_space<vmem>>) dst(%dma_wait3A_233 : memref<32x128xf32, #tpu.memory_space<vmem_shared>>)
    %dma_wait3A_234 = arith.constant 0 : i32
    %dma_wait3A_235 = tpu.memref_slice %arg9[%mul3A_38, %dma_wait3A_234] : memref<10384x128xf32, #tpu.memory_space<vmem_shared>> -> memref<32x128xf32, #tpu.memory_space<vmem_shared>>
    %dma_wait3A_236 = arith.constant 0 : i32
    %dma_wait3A_237 = tpu.memref_slice %arg9[%mul3A_38, %dma_wait3A_236] : memref<10384x128xf32, #tpu.memory_space<vmem_shared>> -> memref<32x128xf32, #tpu.memory_space<vmem_shared>>
    tpu.wait_dma2 semaphore(%arg12 : memref<!tpu.dma_semaphore, #tpu.memory_space<semaphore_mem>>) src(%arg8 : memref<32x128xf32, #tpu.memory_space<vmem>>) dst(%dma_wait3A_237 : memref<32x128xf32, #tpu.memory_space<vmem_shared>>)
    %dma_wait3A_238 = arith.constant 0 : i32
    %dma_wait3A_239 = tpu.memref_slice %arg9[%mul3A_38, %dma_wait3A_238] : memref<10384x128xf32, #tpu.memory_space<vmem_shared>> -> memref<32x128xf32, #tpu.memory_space<vmem_shared>>
    %dma_wait3A_240 = arith.constant 0 : i32
    %dma_wait3A_241 = tpu.memref_slice %arg9[%mul3A_38, %dma_wait3A_240] : memref<10384x128xf32, #tpu.memory_space<vmem_shared>> -> memref<32x128xf32, #tpu.memory_space<vmem_shared>>
    tpu.wait_dma2 semaphore(%arg12 : memref<!tpu.dma_semaphore, #tpu.memory_space<semaphore_mem>>) src(%arg8 : memref<32x128xf32, #tpu.memory_space<vmem>>) dst(%dma_wait3A_241 : memref<32x128xf32, #tpu.memory_space<vmem_shared>>)
    %dma_wait3A_242 = arith.constant 0 : i32
    %dma_wait3A_243 = arith.constant 0 : i32
    %dma_wait3A_244 = tpu.memref_slice %arg8[%dma_wait3A_242, %dma_wait3A_243] : memref<32x128xf32, #tpu.memory_space<vmem>> -> memref<16x128xf32, #tpu.memory_space<vmem>>
    %dma_wait3A_245 = arith.constant 0 : i32
    %dma_wait3A_246 = tpu.memref_slice %arg9[%mul3A_38, %dma_wait3A_245] : memref<10384x128xf32, #tpu.memory_space<vmem_shared>> -> memref<16x128xf32, #tpu.memory_space<vmem_shared>>
    %dma_wait3A_247 = arith.constant 0 : i32
    %dma_wait3A_248 = tpu.memref_slice %arg9[%mul3A_38, %dma_wait3A_247] : memref<10384x128xf32, #tpu.memory_space<vmem_shared>> -> memref<16x128xf32, #tpu.memory_space<vmem_shared>>
    %dma_wait3A_249 = arith.constant 0 : i32
    %dma_wait3A_250 = arith.constant 0 : i32
    %dma_wait3A_251 = tpu.memref_slice %arg8[%dma_wait3A_249, %dma_wait3A_250] : memref<32x128xf32, #tpu.memory_space<vmem>> -> memref<16x128xf32, #tpu.memory_space<vmem>>
    tpu.wait_dma2 semaphore(%arg12 : memref<!tpu.dma_semaphore, #tpu.memory_space<semaphore_mem>>) src(%dma_wait3A_251 : memref<16x128xf32, #tpu.memory_space<vmem>>) dst(%dma_wait3A_248 : memref<16x128xf32, #tpu.memory_space<vmem_shared>>)
    %eq3A_252 = arith.constant 15 : i32
    %eq3A_253 = arith.cmpi eq, %arg1, %eq3A_252 : i32
    %convert_element_type3A_254 = arith.extui %eq3A_253 : i1 to i32
    %cond3A_255 = arith.constant 0 : i32
    %cond3A_256 = arith.cmpi ne, %convert_element_type3A_254, %cond3A_255 : i32
    scf.if %cond3A_256 {
      %dma_wait3A_358 = arith.constant 0 : i32
      %dma_wait3A_359 = arith.constant 0 : i32
      %dma_wait3A_360 = tpu.memref_slice %arg8[%dma_wait3A_358, %dma_wait3A_359] : memref<32x128xf32, #tpu.memory_space<vmem>> -> memref<16x128xf32, #tpu.memory_space<vmem>>
      %dma_wait3A_361 = arith.constant 0 : i32
      %dma_wait3A_362 = tpu.memref_slice %arg9[%mul3A_38, %dma_wait3A_361] : memref<10384x128xf32, #tpu.memory_space<vmem_shared>> -> memref<16x128xf32, #tpu.memory_space<vmem_shared>>
      %dma_wait3A_363 = arith.constant 0 : i32
      %dma_wait3A_364 = tpu.memref_slice %arg9[%mul3A_38, %dma_wait3A_363] : memref<10384x128xf32, #tpu.memory_space<vmem_shared>> -> memref<16x128xf32, #tpu.memory_space<vmem_shared>>
      %dma_wait3A_365 = arith.constant 0 : i32
      %dma_wait3A_366 = arith.constant 0 : i32
      %dma_wait3A_367 = tpu.memref_slice %arg8[%dma_wait3A_365, %dma_wait3A_366] : memref<32x128xf32, #tpu.memory_space<vmem>> -> memref<16x128xf32, #tpu.memory_space<vmem>>
      tpu.wait_dma2 semaphore(%arg12 : memref<!tpu.dma_semaphore, #tpu.memory_space<semaphore_mem>>) src(%dma_wait3A_367 : memref<16x128xf32, #tpu.memory_space<vmem>>) dst(%dma_wait3A_364 : memref<16x128xf32, #tpu.memory_space<vmem_shared>>)
    } else {
    }
    %barrier3A = arith.constant 0 : index
    tpu.barrier barrier_id(%barrier3A)
    %scan3A_257 = arith.constant 0 : i32
    %scan3A_258 = arith.constant 0 : i32
    %scan3A_259 = arith.constant 20 : i32
    %scan3A_260 = arith.addi %scan3A_258, %scan3A_259 : i32
    %scan3A_261 = arith.constant 1 : i32
    scf.for %scan3A_358 = %scan3A_258 to %scan3A_260 step %scan3A_261  : i32 {
      %mul3A_359 = arith.constant 2 : i32
      %mul3A_360 = arith.muli %mul3A_359, %scan3A_358 : i32
      %add3A_361 = arith.constant 1 : i32
      %add3A_362 = arith.addi %mul3A_360, %add3A_361 : i32
      %dma_wait3A_363 = arith.constant 0 : i32
      %dma_wait3A_364 = arith.constant 0 : i32
      %dma_wait3A_365 = arith.constant 0 : i32
      %dma_wait3A_366 = arith.constant 0 : i32
      %dma_wait3A_367 = tpu.memref_slice %arg7[%dma_wait3A_364, %dma_wait3A_365, %dma_wait3A_366] : memref<2x128x128xf32, #tpu.memory_space<vmem>> -> memref<1x128x128xf32, #tpu.memory_space<vmem>>
      %dma_wait3A_368 = tpu.memref_squeeze %dma_wait3A_367 : memref<1x128x128xf32, #tpu.memory_space<vmem>> -> memref<128x128xf32, #tpu.memory_space<vmem>>
      %dma_wait3A_369 = arith.constant 0 : i32
      %dma_wait3A_370 = tpu.memref_slice %arg5[%dma_wait3A_363, %dma_wait3A_369] : memref<40x128xi32, #tpu.memory_space<vmem>> -> memref<1x128xi32, #tpu.memory_space<vmem>>
      %dma_wait3A_371 = tpu.memref_squeeze %dma_wait3A_370 : memref<1x128xi32, #tpu.memory_space<vmem>> -> memref<128xi32, #tpu.memory_space<vmem>>
      %dma_wait3A_372 = arith.constant 0 : i32
      %dma_wait3A_373 = arith.constant 0 : i32
      %dma_wait3A_374 = tpu.memref_slice %arg2[%dma_wait3A_372, %dma_wait3A_373] : memref<10000x128xf32, #tpu.memory_space<hbm>> -> memref<10000x128xf32, #tpu.memory_space<hbm>>
      tpu.wait_indirect_dma semaphore(%arg10 : memref<!tpu.dma_semaphore, #tpu.memory_space<semaphore_mem>>) src(%dma_wait3A_374 : memref<10000x128xf32, #tpu.memory_space<hbm>>) dst(%dma_wait3A_368 : memref<128x128xf32, #tpu.memory_space<vmem>>)
      %dma_start3A_375 = arith.constant 0 : i32
      %dma_start3A_376 = arith.constant 0 : i32
      %dma_start3A_377 = arith.constant 0 : i32
      %dma_start3A_378 = tpu.memref_slice %arg7[%dma_start3A_375, %dma_start3A_376, %dma_start3A_377] : memref<2x128x128xf32, #tpu.memory_space<vmem>> -> memref<1x128x128xf32, #tpu.memory_space<vmem>>
      %dma_start3A_379 = tpu.memref_squeeze %dma_start3A_378 : memref<1x128x128xf32, #tpu.memory_space<vmem>> -> memref<128x128xf32, #tpu.memory_space<vmem>>
      %dma_start3A_380 = arith.constant 0 : i32
      %dma_start3A_381 = tpu.memref_slice %arg6[%mul3A_360, %dma_start3A_380] : memref<40x128xi32, #tpu.memory_space<vmem>> -> memref<1x128xi32, #tpu.memory_space<vmem>>
      %dma_start3A_382 = tpu.memref_squeeze %dma_start3A_381 : memref<1x128xi32, #tpu.memory_space<vmem>> -> memref<128xi32, #tpu.memory_space<vmem>>
      %dma_start3A_383 = arith.constant 0 : i32
      %dma_start3A_384 = arith.constant 0 : i32
      %dma_start3A_385 = tpu.memref_slice %arg9[%dma_start3A_383, %dma_start3A_384] : memref<10384x128xf32, #tpu.memory_space<vmem_shared>> -> memref<10384x128xf32, #tpu.memory_space<vmem_shared>>
      tpu.enqueue_indirect_dma source(%dma_start3A_379 : memref<128x128xf32, #tpu.memory_space<vmem>>) target(%dma_start3A_385 : memref<10384x128xf32, #tpu.memory_space<vmem_shared>>) offsets(%dma_start3A_382 : memref<128xi32, #tpu.memory_space<vmem>>) semaphore(%arg12 : memref<!tpu.dma_semaphore, #tpu.memory_space<semaphore_mem>>) {add = true}
      %dma_wait3A_386 = arith.constant 0 : i32
      %dma_wait3A_387 = arith.constant 1 : i32
      %dma_wait3A_388 = arith.constant 0 : i32
      %dma_wait3A_389 = arith.constant 0 : i32
      %dma_wait3A_390 = tpu.memref_slice %arg7[%dma_wait3A_387, %dma_wait3A_388, %dma_wait3A_389] : memref<2x128x128xf32, #tpu.memory_space<vmem>> -> memref<1x128x128xf32, #tpu.memory_space<vmem>>
      %dma_wait3A_391 = tpu.memref_squeeze %dma_wait3A_390 : memref<1x128x128xf32, #tpu.memory_space<vmem>> -> memref<128x128xf32, #tpu.memory_space<vmem>>
      %dma_wait3A_392 = arith.constant 0 : i32
      %dma_wait3A_393 = tpu.memref_slice %arg5[%dma_wait3A_386, %dma_wait3A_392] : memref<40x128xi32, #tpu.memory_space<vmem>> -> memref<1x128xi32, #tpu.memory_space<vmem>>
      %dma_wait3A_394 = tpu.memref_squeeze %dma_wait3A_393 : memref<1x128xi32, #tpu.memory_space<vmem>> -> memref<128xi32, #tpu.memory_space<vmem>>
      %dma_wait3A_395 = arith.constant 0 : i32
      %dma_wait3A_396 = arith.constant 0 : i32
      %dma_wait3A_397 = tpu.memref_slice %arg2[%dma_wait3A_395, %dma_wait3A_396] : memref<10000x128xf32, #tpu.memory_space<hbm>> -> memref<10000x128xf32, #tpu.memory_space<hbm>>
      tpu.wait_indirect_dma semaphore(%arg11 : memref<!tpu.dma_semaphore, #tpu.memory_space<semaphore_mem>>) src(%dma_wait3A_397 : memref<10000x128xf32, #tpu.memory_space<hbm>>) dst(%dma_wait3A_391 : memref<128x128xf32, #tpu.memory_space<vmem>>)
      %dma_start3A_398 = arith.constant 1 : i32
      %dma_start3A_399 = arith.constant 0 : i32
      %dma_start3A_400 = arith.constant 0 : i32
      %dma_start3A_401 = tpu.memref_slice %arg7[%dma_start3A_398, %dma_start3A_399, %dma_start3A_400] : memref<2x128x128xf32, #tpu.memory_space<vmem>> -> memref<1x128x128xf32, #tpu.memory_space<vmem>>
      %dma_start3A_402 = tpu.memref_squeeze %dma_start3A_401 : memref<1x128x128xf32, #tpu.memory_space<vmem>> -> memref<128x128xf32, #tpu.memory_space<vmem>>
      %dma_start3A_403 = arith.constant 0 : i32
      %dma_start3A_404 = tpu.memref_slice %arg6[%add3A_362, %dma_start3A_403] : memref<40x128xi32, #tpu.memory_space<vmem>> -> memref<1x128xi32, #tpu.memory_space<vmem>>
      %dma_start3A_405 = tpu.memref_squeeze %dma_start3A_404 : memref<1x128xi32, #tpu.memory_space<vmem>> -> memref<128xi32, #tpu.memory_space<vmem>>
      %dma_start3A_406 = arith.constant 0 : i32
      %dma_start3A_407 = arith.constant 0 : i32
      %dma_start3A_408 = tpu.memref_slice %arg9[%dma_start3A_406, %dma_start3A_407] : memref<10384x128xf32, #tpu.memory_space<vmem_shared>> -> memref<10384x128xf32, #tpu.memory_space<vmem_shared>>
      tpu.enqueue_indirect_dma source(%dma_start3A_402 : memref<128x128xf32, #tpu.memory_space<vmem>>) target(%dma_start3A_408 : memref<10384x128xf32, #tpu.memory_space<vmem_shared>>) offsets(%dma_start3A_405 : memref<128xi32, #tpu.memory_space<vmem>>) semaphore(%arg13 : memref<!tpu.dma_semaphore, #tpu.memory_space<semaphore_mem>>) {add = true}
      %lt3A = arith.constant 19 : i32
      %lt3A_409 = arith.cmpi slt, %scan3A_358, %lt3A : i32
      %convert_element_type3A_410 = arith.extui %lt3A_409 : i1 to i32
      %cond3A_411 = arith.constant 0 : i32
      %cond3A_412 = arith.cmpi ne, %convert_element_type3A_410, %cond3A_411 : i32
      scf.if %cond3A_412 {
        %dma_wait3A_413 = arith.constant 0 : i32
        %dma_wait3A_414 = arith.constant 0 : i32
        %dma_wait3A_415 = arith.constant 0 : i32
        %dma_wait3A_416 = arith.constant 0 : i32
        %dma_wait3A_417 = tpu.memref_slice %arg7[%dma_wait3A_413, %dma_wait3A_415, %dma_wait3A_416] : memref<2x128x128xf32, #tpu.memory_space<vmem>> -> memref<1x128x128xf32, #tpu.memory_space<vmem>>
        %dma_wait3A_418 = tpu.memref_squeeze %dma_wait3A_417 : memref<1x128x128xf32, #tpu.memory_space<vmem>> -> memref<128x128xf32, #tpu.memory_space<vmem>>
        %dma_wait3A_419 = arith.constant 0 : i32
        %dma_wait3A_420 = tpu.memref_slice %arg6[%dma_wait3A_414, %dma_wait3A_419] : memref<40x128xi32, #tpu.memory_space<vmem>> -> memref<1x128xi32, #tpu.memory_space<vmem>>
        %dma_wait3A_421 = tpu.memref_squeeze %dma_wait3A_420 : memref<1x128xi32, #tpu.memory_space<vmem>> -> memref<128xi32, #tpu.memory_space<vmem>>
        %dma_wait3A_422 = arith.constant 0 : i32
        %dma_wait3A_423 = arith.constant 0 : i32
        %dma_wait3A_424 = tpu.memref_slice %arg9[%dma_wait3A_422, %dma_wait3A_423] : memref<10384x128xf32, #tpu.memory_space<vmem_shared>> -> memref<10384x128xf32, #tpu.memory_space<vmem_shared>>
        tpu.wait_indirect_dma semaphore(%arg12 : memref<!tpu.dma_semaphore, #tpu.memory_space<semaphore_mem>>) src(%dma_wait3A_418 : memref<128x128xf32, #tpu.memory_space<vmem>>) dst(%dma_wait3A_424 : memref<10384x128xf32, #tpu.memory_space<vmem_shared>>)
        %add3A_425 = arith.constant 2 : i32
        %add3A_426 = arith.addi %mul3A_360, %add3A_425 : i32
        %dma_start3A_427 = arith.constant 0 : i32
        %dma_start3A_428 = arith.constant 0 : i32
        %dma_start3A_429 = arith.constant 0 : i32
        %dma_start3A_430 = tpu.memref_slice %arg7[%dma_start3A_427, %dma_start3A_428, %dma_start3A_429] : memref<2x128x128xf32, #tpu.memory_space<vmem>> -> memref<1x128x128xf32, #tpu.memory_space<vmem>>
        %dma_start3A_431 = tpu.memref_squeeze %dma_start3A_430 : memref<1x128x128xf32, #tpu.memory_space<vmem>> -> memref<128x128xf32, #tpu.memory_space<vmem>>
        %dma_start3A_432 = arith.constant 0 : i32
        %dma_start3A_433 = tpu.memref_slice %arg5[%add3A_426, %dma_start3A_432] : memref<40x128xi32, #tpu.memory_space<vmem>> -> memref<1x128xi32, #tpu.memory_space<vmem>>
        %dma_start3A_434 = tpu.memref_squeeze %dma_start3A_433 : memref<1x128xi32, #tpu.memory_space<vmem>> -> memref<128xi32, #tpu.memory_space<vmem>>
        %dma_start3A_435 = arith.constant 0 : i32
        %dma_start3A_436 = arith.constant 0 : i32
        %dma_start3A_437 = tpu.memref_slice %arg2[%dma_start3A_435, %dma_start3A_436] : memref<10000x128xf32, #tpu.memory_space<hbm>> -> memref<10000x128xf32, #tpu.memory_space<hbm>>
        tpu.enqueue_indirect_dma source(%dma_start3A_437 : memref<10000x128xf32, #tpu.memory_space<hbm>>) target(%dma_start3A_431 : memref<128x128xf32, #tpu.memory_space<vmem>>) offsets(%dma_start3A_434 : memref<128xi32, #tpu.memory_space<vmem>>) semaphore(%arg10 : memref<!tpu.dma_semaphore, #tpu.memory_space<semaphore_mem>>)
        %dma_wait3A_438 = arith.constant 1 : i32
        %dma_wait3A_439 = arith.constant 0 : i32
        %dma_wait3A_440 = arith.constant 0 : i32
        %dma_wait3A_441 = arith.constant 0 : i32
        %dma_wait3A_442 = tpu.memref_slice %arg7[%dma_wait3A_438, %dma_wait3A_440, %dma_wait3A_441] : memref<2x128x128xf32, #tpu.memory_space<vmem>> -> memref<1x128x128xf32, #tpu.memory_space<vmem>>
        %dma_wait3A_443 = tpu.memref_squeeze %dma_wait3A_442 : memref<1x128x128xf32, #tpu.memory_space<vmem>> -> memref<128x128xf32, #tpu.memory_space<vmem>>
        %dma_wait3A_444 = arith.constant 0 : i32
        %dma_wait3A_445 = tpu.memref_slice %arg6[%dma_wait3A_439, %dma_wait3A_444] : memref<40x128xi32, #tpu.memory_space<vmem>> -> memref<1x128xi32, #tpu.memory_space<vmem>>
        %dma_wait3A_446 = tpu.memref_squeeze %dma_wait3A_445 : memref<1x128xi32, #tpu.memory_space<vmem>> -> memref<128xi32, #tpu.memory_space<vmem>>
        %dma_wait3A_447 = arith.constant 0 : i32
        %dma_wait3A_448 = arith.constant 0 : i32
        %dma_wait3A_449 = tpu.memref_slice %arg9[%dma_wait3A_447, %dma_wait3A_448] : memref<10384x128xf32, #tpu.memory_space<vmem_shared>> -> memref<10384x128xf32, #tpu.memory_space<vmem_shared>>
        tpu.wait_indirect_dma semaphore(%arg13 : memref<!tpu.dma_semaphore, #tpu.memory_space<semaphore_mem>>) src(%dma_wait3A_443 : memref<128x128xf32, #tpu.memory_space<vmem>>) dst(%dma_wait3A_449 : memref<10384x128xf32, #tpu.memory_space<vmem_shared>>)
        %add3A_450 = arith.constant 2 : i32
        %add3A_451 = arith.addi %add3A_362, %add3A_450 : i32
        %dma_start3A_452 = arith.constant 1 : i32
        %dma_start3A_453 = arith.constant 0 : i32
        %dma_start3A_454 = arith.constant 0 : i32
        %dma_start3A_455 = tpu.memref_slice %arg7[%dma_start3A_452, %dma_start3A_453, %dma_start3A_454] : memref<2x128x128xf32, #tpu.memory_space<vmem>> -> memref<1x128x128xf32, #tpu.memory_space<vmem>>
        %dma_start3A_456 = tpu.memref_squeeze %dma_start3A_455 : memref<1x128x128xf32, #tpu.memory_space<vmem>> -> memref<128x128xf32, #tpu.memory_space<vmem>>
        %dma_start3A_457 = arith.constant 0 : i32
        %dma_start3A_458 = tpu.memref_slice %arg5[%add3A_451, %dma_start3A_457] : memref<40x128xi32, #tpu.memory_space<vmem>> -> memref<1x128xi32, #tpu.memory_space<vmem>>
        %dma_start3A_459 = tpu.memref_squeeze %dma_start3A_458 : memref<1x128xi32, #tpu.memory_space<vmem>> -> memref<128xi32, #tpu.memory_space<vmem>>
        %dma_start3A_460 = arith.constant 0 : i32
        %dma_start3A_461 = arith.constant 0 : i32
        %dma_start3A_462 = tpu.memref_slice %arg2[%dma_start3A_460, %dma_start3A_461] : memref<10000x128xf32, #tpu.memory_space<hbm>> -> memref<10000x128xf32, #tpu.memory_space<hbm>>
        tpu.enqueue_indirect_dma source(%dma_start3A_462 : memref<10000x128xf32, #tpu.memory_space<hbm>>) target(%dma_start3A_456 : memref<128x128xf32, #tpu.memory_space<vmem>>) offsets(%dma_start3A_459 : memref<128xi32, #tpu.memory_space<vmem>>) semaphore(%arg11 : memref<!tpu.dma_semaphore, #tpu.memory_space<semaphore_mem>>)
      } else {
      }
    }
    %scan3A_262 = arith.constant 20 : i32
    %dma_wait3A_263 = arith.constant 0 : i32
    %dma_wait3A_264 = arith.constant 0 : i32
    %dma_wait3A_265 = arith.constant 0 : i32
    %dma_wait3A_266 = arith.constant 0 : i32
    %dma_wait3A_267 = tpu.memref_slice %arg7[%dma_wait3A_263, %dma_wait3A_265, %dma_wait3A_266] : memref<2x128x128xf32, #tpu.memory_space<vmem>> -> memref<1x128x128xf32, #tpu.memory_space<vmem>>
    %dma_wait3A_268 = tpu.memref_squeeze %dma_wait3A_267 : memref<1x128x128xf32, #tpu.memory_space<vmem>> -> memref<128x128xf32, #tpu.memory_space<vmem>>
    %dma_wait3A_269 = arith.constant 0 : i32
    %dma_wait3A_270 = tpu.memref_slice %arg6[%dma_wait3A_264, %dma_wait3A_269] : memref<40x128xi32, #tpu.memory_space<vmem>> -> memref<1x128xi32, #tpu.memory_space<vmem>>
    %dma_wait3A_271 = tpu.memref_squeeze %dma_wait3A_270 : memref<1x128xi32, #tpu.memory_space<vmem>> -> memref<128xi32, #tpu.memory_space<vmem>>
    %dma_wait3A_272 = arith.constant 0 : i32
    %dma_wait3A_273 = arith.constant 0 : i32
    %dma_wait3A_274 = tpu.memref_slice %arg9[%dma_wait3A_272, %dma_wait3A_273] : memref<10384x128xf32, #tpu.memory_space<vmem_shared>> -> memref<10384x128xf32, #tpu.memory_space<vmem_shared>>
    tpu.wait_indirect_dma semaphore(%arg12 : memref<!tpu.dma_semaphore, #tpu.memory_space<semaphore_mem>>) src(%dma_wait3A_268 : memref<128x128xf32, #tpu.memory_space<vmem>>) dst(%dma_wait3A_274 : memref<10384x128xf32, #tpu.memory_space<vmem_shared>>)
    %dma_wait3A_275 = arith.constant 1 : i32
    %dma_wait3A_276 = arith.constant 0 : i32
    %dma_wait3A_277 = arith.constant 0 : i32
    %dma_wait3A_278 = arith.constant 0 : i32
    %dma_wait3A_279 = tpu.memref_slice %arg7[%dma_wait3A_275, %dma_wait3A_277, %dma_wait3A_278] : memref<2x128x128xf32, #tpu.memory_space<vmem>> -> memref<1x128x128xf32, #tpu.memory_space<vmem>>
    %dma_wait3A_280 = tpu.memref_squeeze %dma_wait3A_279 : memref<1x128x128xf32, #tpu.memory_space<vmem>> -> memref<128x128xf32, #tpu.memory_space<vmem>>
    %dma_wait3A_281 = arith.constant 0 : i32
    %dma_wait3A_282 = tpu.memref_slice %arg6[%dma_wait3A_276, %dma_wait3A_281] : memref<40x128xi32, #tpu.memory_space<vmem>> -> memref<1x128xi32, #tpu.memory_space<vmem>>
    %dma_wait3A_283 = tpu.memref_squeeze %dma_wait3A_282 : memref<1x128xi32, #tpu.memory_space<vmem>> -> memref<128xi32, #tpu.memory_space<vmem>>
    %dma_wait3A_284 = arith.constant 0 : i32
    %dma_wait3A_285 = arith.constant 0 : i32
    %dma_wait3A_286 = tpu.memref_slice %arg9[%dma_wait3A_284, %dma_wait3A_285] : memref<10384x128xf32, #tpu.memory_space<vmem_shared>> -> memref<10384x128xf32, #tpu.memory_space<vmem_shared>>
    tpu.wait_indirect_dma semaphore(%arg13 : memref<!tpu.dma_semaphore, #tpu.memory_space<semaphore_mem>>) src(%dma_wait3A_280 : memref<128x128xf32, #tpu.memory_space<vmem>>) dst(%dma_wait3A_286 : memref<10384x128xf32, #tpu.memory_space<vmem_shared>>)
    %mul3A_287 = arith.constant 80 : i32
    %mul3A_288 = arith.muli %add3A, %mul3A_287 : i32
    %add3A_289 = arith.constant 40 : i32
    %add3A_290 = arith.addi %mul3A_288, %add3A_289 : i32
    %multiple_of3A_291 = tpu.assume_multiple %add3A_290, 8 : i32
    %run_scoped3A_292 = arith.constant 0 : i32
    %run_scoped3A_293 = arith.constant 0 : i32
    "tpu.region"() ({
      %run_scoped3A_358 = tpu.sem_alloc : memref<!tpu.dma_semaphore, #tpu.memory_space<semaphore_mem>>
      %dma_start3A_359 = arith.constant 0 : i32
      %dma_start3A_360 = tpu.memref_slice %arg3[%run_scoped3A_292, %run_scoped3A_293, %multiple_of3A_291, %dma_start3A_359] : memref<2x1x2560x128xi32, #tpu.memory_space<hbm>> -> memref<1x1x40x128xi32, #tpu.memory_space<hbm>>
      %dma_start3A_361 = tpu.memref_squeeze %dma_start3A_360 : memref<1x1x40x128xi32, #tpu.memory_space<hbm>> -> memref<40x128xi32, #tpu.memory_space<hbm>>
      %dma_start3A_362 = arith.constant 0 : i32
      %dma_start3A_363 = tpu.memref_slice %arg3[%run_scoped3A_292, %run_scoped3A_293, %multiple_of3A_291, %dma_start3A_362] : memref<2x1x2560x128xi32, #tpu.memory_space<hbm>> -> memref<1x1x40x128xi32, #tpu.memory_space<hbm>>
      %dma_start3A_364 = tpu.memref_squeeze %dma_start3A_363 : memref<1x1x40x128xi32, #tpu.memory_space<hbm>> -> memref<40x128xi32, #tpu.memory_space<hbm>>
      tpu.enqueue_dma source(%dma_start3A_364 : memref<40x128xi32, #tpu.memory_space<hbm>>) target(%arg5 : memref<40x128xi32, #tpu.memory_space<vmem>>) target_semaphore(%run_scoped3A_358 : memref<!tpu.dma_semaphore, #tpu.memory_space<semaphore_mem>>)
      %dma_wait3A_365 = arith.constant 0 : i32
      %dma_wait3A_366 = tpu.memref_slice %arg3[%run_scoped3A_292, %run_scoped3A_293, %multiple_of3A_291, %dma_wait3A_365] : memref<2x1x2560x128xi32, #tpu.memory_space<hbm>> -> memref<1x1x40x128xi32, #tpu.memory_space<hbm>>
      %dma_wait3A_367 = tpu.memref_squeeze %dma_wait3A_366 : memref<1x1x40x128xi32, #tpu.memory_space<hbm>> -> memref<40x128xi32, #tpu.memory_space<hbm>>
      %dma_wait3A_368 = arith.constant 0 : i32
      %dma_wait3A_369 = tpu.memref_slice %arg3[%run_scoped3A_292, %run_scoped3A_293, %multiple_of3A_291, %dma_wait3A_368] : memref<2x1x2560x128xi32, #tpu.memory_space<hbm>> -> memref<1x1x40x128xi32, #tpu.memory_space<hbm>>
      %dma_wait3A_370 = tpu.memref_squeeze %dma_wait3A_369 : memref<1x1x40x128xi32, #tpu.memory_space<hbm>> -> memref<40x128xi32, #tpu.memory_space<hbm>>
      tpu.wait_dma2 semaphore(%run_scoped3A_358 : memref<!tpu.dma_semaphore, #tpu.memory_space<semaphore_mem>>) src(%dma_wait3A_370 : memref<40x128xi32, #tpu.memory_space<hbm>>) dst(%arg5 : memref<40x128xi32, #tpu.memory_space<vmem>>)
      tpu.yield
    }) : () -> ()
    %run_scoped3A_294 = arith.constant 1 : i32
    %run_scoped3A_295 = arith.constant 0 : i32
    "tpu.region"() ({
      %run_scoped3A_358 = tpu.sem_alloc : memref<!tpu.dma_semaphore, #tpu.memory_space<semaphore_mem>>
      %dma_start3A_359 = arith.constant 0 : i32
      %dma_start3A_360 = tpu.memref_slice %arg3[%run_scoped3A_294, %run_scoped3A_295, %multiple_of3A_291, %dma_start3A_359] : memref<2x1x2560x128xi32, #tpu.memory_space<hbm>> -> memref<1x1x40x128xi32, #tpu.memory_space<hbm>>
      %dma_start3A_361 = tpu.memref_squeeze %dma_start3A_360 : memref<1x1x40x128xi32, #tpu.memory_space<hbm>> -> memref<40x128xi32, #tpu.memory_space<hbm>>
      %dma_start3A_362 = arith.constant 0 : i32
      %dma_start3A_363 = tpu.memref_slice %arg3[%run_scoped3A_294, %run_scoped3A_295, %multiple_of3A_291, %dma_start3A_362] : memref<2x1x2560x128xi32, #tpu.memory_space<hbm>> -> memref<1x1x40x128xi32, #tpu.memory_space<hbm>>
      %dma_start3A_364 = tpu.memref_squeeze %dma_start3A_363 : memref<1x1x40x128xi32, #tpu.memory_space<hbm>> -> memref<40x128xi32, #tpu.memory_space<hbm>>
      tpu.enqueue_dma source(%dma_start3A_364 : memref<40x128xi32, #tpu.memory_space<hbm>>) target(%arg6 : memref<40x128xi32, #tpu.memory_space<vmem>>) target_semaphore(%run_scoped3A_358 : memref<!tpu.dma_semaphore, #tpu.memory_space<semaphore_mem>>)
      %dma_wait3A_365 = arith.constant 0 : i32
      %dma_wait3A_366 = tpu.memref_slice %arg3[%run_scoped3A_294, %run_scoped3A_295, %multiple_of3A_291, %dma_wait3A_365] : memref<2x1x2560x128xi32, #tpu.memory_space<hbm>> -> memref<1x1x40x128xi32, #tpu.memory_space<hbm>>
      %dma_wait3A_367 = tpu.memref_squeeze %dma_wait3A_366 : memref<1x1x40x128xi32, #tpu.memory_space<hbm>> -> memref<40x128xi32, #tpu.memory_space<hbm>>
      %dma_wait3A_368 = arith.constant 0 : i32
      %dma_wait3A_369 = tpu.memref_slice %arg3[%run_scoped3A_294, %run_scoped3A_295, %multiple_of3A_291, %dma_wait3A_368] : memref<2x1x2560x128xi32, #tpu.memory_space<hbm>> -> memref<1x1x40x128xi32, #tpu.memory_space<hbm>>
      %dma_wait3A_370 = tpu.memref_squeeze %dma_wait3A_369 : memref<1x1x40x128xi32, #tpu.memory_space<hbm>> -> memref<40x128xi32, #tpu.memory_space<hbm>>
      tpu.wait_dma2 semaphore(%run_scoped3A_358 : memref<!tpu.dma_semaphore, #tpu.memory_space<semaphore_mem>>) src(%dma_wait3A_370 : memref<40x128xi32, #tpu.memory_space<hbm>>) dst(%arg6 : memref<40x128xi32, #tpu.memory_space<vmem>>)
      tpu.yield
    }) : () -> ()
    %dma_start3A_296 = arith.constant 0 : i32
    %dma_start3A_297 = arith.constant 0 : i32
    %dma_start3A_298 = arith.constant 0 : i32
    %dma_start3A_299 = arith.constant 0 : i32
    %dma_start3A_300 = tpu.memref_slice %arg7[%dma_start3A_297, %dma_start3A_298, %dma_start3A_299] : memref<2x128x128xf32, #tpu.memory_space<vmem>> -> memref<1x128x128xf32, #tpu.memory_space<vmem>>
    %dma_start3A_301 = tpu.memref_squeeze %dma_start3A_300 : memref<1x128x128xf32, #tpu.memory_space<vmem>> -> memref<128x128xf32, #tpu.memory_space<vmem>>
    %dma_start3A_302 = arith.constant 0 : i32
    %dma_start3A_303 = tpu.memref_slice %arg5[%dma_start3A_296, %dma_start3A_302] : memref<40x128xi32, #tpu.memory_space<vmem>> -> memref<1x128xi32, #tpu.memory_space<vmem>>
    %dma_start3A_304 = tpu.memref_squeeze %dma_start3A_303 : memref<1x128xi32, #tpu.memory_space<vmem>> -> memref<128xi32, #tpu.memory_space<vmem>>
    %dma_start3A_305 = arith.constant 0 : i32
    %dma_start3A_306 = arith.constant 0 : i32
    %dma_start3A_307 = tpu.memref_slice %arg2[%dma_start3A_305, %dma_start3A_306] : memref<10000x128xf32, #tpu.memory_space<hbm>> -> memref<10000x128xf32, #tpu.memory_space<hbm>>
    tpu.enqueue_indirect_dma source(%dma_start3A_307 : memref<10000x128xf32, #tpu.memory_space<hbm>>) target(%dma_start3A_301 : memref<128x128xf32, #tpu.memory_space<vmem>>) offsets(%dma_start3A_304 : memref<128xi32, #tpu.memory_space<vmem>>) semaphore(%arg10 : memref<!tpu.dma_semaphore, #tpu.memory_space<semaphore_mem>>)
    %dma_start3A_308 = arith.constant 1 : i32
    %dma_start3A_309 = arith.constant 1 : i32
    %dma_start3A_310 = arith.constant 0 : i32
    %dma_start3A_311 = arith.constant 0 : i32
    %dma_start3A_312 = tpu.memref_slice %arg7[%dma_start3A_309, %dma_start3A_310, %dma_start3A_311] : memref<2x128x128xf32, #tpu.memory_space<vmem>> -> memref<1x128x128xf32, #tpu.memory_space<vmem>>
    %dma_start3A_313 = tpu.memref_squeeze %dma_start3A_312 : memref<1x128x128xf32, #tpu.memory_space<vmem>> -> memref<128x128xf32, #tpu.memory_space<vmem>>
    %dma_start3A_314 = arith.constant 0 : i32
    %dma_start3A_315 = tpu.memref_slice %arg5[%dma_start3A_308, %dma_start3A_314] : memref<40x128xi32, #tpu.memory_space<vmem>> -> memref<1x128xi32, #tpu.memory_space<vmem>>
    %dma_start3A_316 = tpu.memref_squeeze %dma_start3A_315 : memref<1x128xi32, #tpu.memory_space<vmem>> -> memref<128xi32, #tpu.memory_space<vmem>>
    %dma_start3A_317 = arith.constant 0 : i32
    %dma_start3A_318 = arith.constant 0 : i32
    %dma_start3A_319 = tpu.memref_slice %arg2[%dma_start3A_317, %dma_start3A_318] : memref<10000x128xf32, #tpu.memory_space<hbm>> -> memref<10000x128xf32, #tpu.memory_space<hbm>>
    tpu.enqueue_indirect_dma source(%dma_start3A_319 : memref<10000x128xf32, #tpu.memory_space<hbm>>) target(%dma_start3A_313 : memref<128x128xf32, #tpu.memory_space<vmem>>) offsets(%dma_start3A_316 : memref<128xi32, #tpu.memory_space<vmem>>) semaphore(%arg11 : memref<!tpu.dma_semaphore, #tpu.memory_space<semaphore_mem>>)
    %scan3A_320 = arith.constant 0 : i32
    %scan3A_321 = arith.constant 0 : i32
    %scan3A_322 = arith.constant 20 : i32
    %scan3A_323 = arith.addi %scan3A_321, %scan3A_322 : i32
    %scan3A_324 = arith.constant 1 : i32
    scf.for %scan3A_358 = %scan3A_321 to %scan3A_323 step %scan3A_324  : i32 {
      %mul3A_359 = arith.constant 2 : i32
      %mul3A_360 = arith.muli %mul3A_359, %scan3A_358 : i32
      %add3A_361 = arith.constant 1 : i32
      %add3A_362 = arith.addi %mul3A_360, %add3A_361 : i32
      %dma_wait3A_363 = arith.constant 0 : i32
      %dma_wait3A_364 = arith.constant 0 : i32
      %dma_wait3A_365 = arith.constant 0 : i32
      %dma_wait3A_366 = arith.constant 0 : i32
      %dma_wait3A_367 = tpu.memref_slice %arg7[%dma_wait3A_364, %dma_wait3A_365, %dma_wait3A_366] : memref<2x128x128xf32, #tpu.memory_space<vmem>> -> memref<1x128x128xf32, #tpu.memory_space<vmem>>
      %dma_wait3A_368 = tpu.memref_squeeze %dma_wait3A_367 : memref<1x128x128xf32, #tpu.memory_space<vmem>> -> memref<128x128xf32, #tpu.memory_space<vmem>>
      %dma_wait3A_369 = arith.constant 0 : i32
      %dma_wait3A_370 = tpu.memref_slice %arg5[%dma_wait3A_363, %dma_wait3A_369] : memref<40x128xi32, #tpu.memory_space<vmem>> -> memref<1x128xi32, #tpu.memory_space<vmem>>
      %dma_wait3A_371 = tpu.memref_squeeze %dma_wait3A_370 : memref<1x128xi32, #tpu.memory_space<vmem>> -> memref<128xi32, #tpu.memory_space<vmem>>
      %dma_wait3A_372 = arith.constant 0 : i32
      %dma_wait3A_373 = arith.constant 0 : i32
      %dma_wait3A_374 = tpu.memref_slice %arg2[%dma_wait3A_372, %dma_wait3A_373] : memref<10000x128xf32, #tpu.memory_space<hbm>> -> memref<10000x128xf32, #tpu.memory_space<hbm>>
      tpu.wait_indirect_dma semaphore(%arg10 : memref<!tpu.dma_semaphore, #tpu.memory_space<semaphore_mem>>) src(%dma_wait3A_374 : memref<10000x128xf32, #tpu.memory_space<hbm>>) dst(%dma_wait3A_368 : memref<128x128xf32, #tpu.memory_space<vmem>>)
      %dma_start3A_375 = arith.constant 0 : i32
      %dma_start3A_376 = arith.constant 0 : i32
      %dma_start3A_377 = arith.constant 0 : i32
      %dma_start3A_378 = tpu.memref_slice %arg7[%dma_start3A_375, %dma_start3A_376, %dma_start3A_377] : memref<2x128x128xf32, #tpu.memory_space<vmem>> -> memref<1x128x128xf32, #tpu.memory_space<vmem>>
      %dma_start3A_379 = tpu.memref_squeeze %dma_start3A_378 : memref<1x128x128xf32, #tpu.memory_space<vmem>> -> memref<128x128xf32, #tpu.memory_space<vmem>>
      %dma_start3A_380 = arith.constant 0 : i32
      %dma_start3A_381 = tpu.memref_slice %arg6[%mul3A_360, %dma_start3A_380] : memref<40x128xi32, #tpu.memory_space<vmem>> -> memref<1x128xi32, #tpu.memory_space<vmem>>
      %dma_start3A_382 = tpu.memref_squeeze %dma_start3A_381 : memref<1x128xi32, #tpu.memory_space<vmem>> -> memref<128xi32, #tpu.memory_space<vmem>>
      %dma_start3A_383 = arith.constant 0 : i32
      %dma_start3A_384 = arith.constant 0 : i32
      %dma_start3A_385 = tpu.memref_slice %arg9[%dma_start3A_383, %dma_start3A_384] : memref<10384x128xf32, #tpu.memory_space<vmem_shared>> -> memref<10384x128xf32, #tpu.memory_space<vmem_shared>>
      tpu.enqueue_indirect_dma source(%dma_start3A_379 : memref<128x128xf32, #tpu.memory_space<vmem>>) target(%dma_start3A_385 : memref<10384x128xf32, #tpu.memory_space<vmem_shared>>) offsets(%dma_start3A_382 : memref<128xi32, #tpu.memory_space<vmem>>) semaphore(%arg12 : memref<!tpu.dma_semaphore, #tpu.memory_space<semaphore_mem>>) {add = true}
      %dma_wait3A_386 = arith.constant 0 : i32
      %dma_wait3A_387 = arith.constant 1 : i32
      %dma_wait3A_388 = arith.constant 0 : i32
      %dma_wait3A_389 = arith.constant 0 : i32
      %dma_wait3A_390 = tpu.memref_slice %arg7[%dma_wait3A_387, %dma_wait3A_388, %dma_wait3A_389] : memref<2x128x128xf32, #tpu.memory_space<vmem>> -> memref<1x128x128xf32, #tpu.memory_space<vmem>>
      %dma_wait3A_391 = tpu.memref_squeeze %dma_wait3A_390 : memref<1x128x128xf32, #tpu.memory_space<vmem>> -> memref<128x128xf32, #tpu.memory_space<vmem>>
      %dma_wait3A_392 = arith.constant 0 : i32
      %dma_wait3A_393 = tpu.memref_slice %arg5[%dma_wait3A_386, %dma_wait3A_392] : memref<40x128xi32, #tpu.memory_space<vmem>> -> memref<1x128xi32, #tpu.memory_space<vmem>>
      %dma_wait3A_394 = tpu.memref_squeeze %dma_wait3A_393 : memref<1x128xi32, #tpu.memory_space<vmem>> -> memref<128xi32, #tpu.memory_space<vmem>>
      %dma_wait3A_395 = arith.constant 0 : i32
      %dma_wait3A_396 = arith.constant 0 : i32
      %dma_wait3A_397 = tpu.memref_slice %arg2[%dma_wait3A_395, %dma_wait3A_396] : memref<10000x128xf32, #tpu.memory_space<hbm>> -> memref<10000x128xf32, #tpu.memory_space<hbm>>
      tpu.wait_indirect_dma semaphore(%arg11 : memref<!tpu.dma_semaphore, #tpu.memory_space<semaphore_mem>>) src(%dma_wait3A_397 : memref<10000x128xf32, #tpu.memory_space<hbm>>) dst(%dma_wait3A_391 : memref<128x128xf32, #tpu.memory_space<vmem>>)
      %dma_start3A_398 = arith.constant 1 : i32
      %dma_start3A_399 = arith.constant 0 : i32
      %dma_start3A_400 = arith.constant 0 : i32
      %dma_start3A_401 = tpu.memref_slice %arg7[%dma_start3A_398, %dma_start3A_399, %dma_start3A_400] : memref<2x128x128xf32, #tpu.memory_space<vmem>> -> memref<1x128x128xf32, #tpu.memory_space<vmem>>
      %dma_start3A_402 = tpu.memref_squeeze %dma_start3A_401 : memref<1x128x128xf32, #tpu.memory_space<vmem>> -> memref<128x128xf32, #tpu.memory_space<vmem>>
      %dma_start3A_403 = arith.constant 0 : i32
      %dma_start3A_404 = tpu.memref_slice %arg6[%add3A_362, %dma_start3A_403] : memref<40x128xi32, #tpu.memory_space<vmem>> -> memref<1x128xi32, #tpu.memory_space<vmem>>
      %dma_start3A_405 = tpu.memref_squeeze %dma_start3A_404 : memref<1x128xi32, #tpu.memory_space<vmem>> -> memref<128xi32, #tpu.memory_space<vmem>>
      %dma_start3A_406 = arith.constant 0 : i32
      %dma_start3A_407 = arith.constant 0 : i32
      %dma_start3A_408 = tpu.memref_slice %arg9[%dma_start3A_406, %dma_start3A_407] : memref<10384x128xf32, #tpu.memory_space<vmem_shared>> -> memref<10384x128xf32, #tpu.memory_space<vmem_shared>>
      tpu.enqueue_indirect_dma source(%dma_start3A_402 : memref<128x128xf32, #tpu.memory_space<vmem>>) target(%dma_start3A_408 : memref<10384x128xf32, #tpu.memory_space<vmem_shared>>) offsets(%dma_start3A_405 : memref<128xi32, #tpu.memory_space<vmem>>) semaphore(%arg13 : memref<!tpu.dma_semaphore, #tpu.memory_space<semaphore_mem>>) {add = true}
      %lt3A = arith.constant 19 : i32
      %lt3A_409 = arith.cmpi slt, %scan3A_358, %lt3A : i32
      %convert_element_type3A_410 = arith.extui %lt3A_409 : i1 to i32
      %cond3A_411 = arith.constant 0 : i32
      %cond3A_412 = arith.cmpi ne, %convert_element_type3A_410, %cond3A_411 : i32
      scf.if %cond3A_412 {
        %dma_wait3A_413 = arith.constant 0 : i32
        %dma_wait3A_414 = arith.constant 0 : i32
        %dma_wait3A_415 = arith.constant 0 : i32
        %dma_wait3A_416 = arith.constant 0 : i32
        %dma_wait3A_417 = tpu.memref_slice %arg7[%dma_wait3A_413, %dma_wait3A_415, %dma_wait3A_416] : memref<2x128x128xf32, #tpu.memory_space<vmem>> -> memref<1x128x128xf32, #tpu.memory_space<vmem>>
        %dma_wait3A_418 = tpu.memref_squeeze %dma_wait3A_417 : memref<1x128x128xf32, #tpu.memory_space<vmem>> -> memref<128x128xf32, #tpu.memory_space<vmem>>
        %dma_wait3A_419 = arith.constant 0 : i32
        %dma_wait3A_420 = tpu.memref_slice %arg6[%dma_wait3A_414, %dma_wait3A_419] : memref<40x128xi32, #tpu.memory_space<vmem>> -> memref<1x128xi32, #tpu.memory_space<vmem>>
        %dma_wait3A_421 = tpu.memref_squeeze %dma_wait3A_420 : memref<1x128xi32, #tpu.memory_space<vmem>> -> memref<128xi32, #tpu.memory_space<vmem>>
        %dma_wait3A_422 = arith.constant 0 : i32
        %dma_wait3A_423 = arith.constant 0 : i32
        %dma_wait3A_424 = tpu.memref_slice %arg9[%dma_wait3A_422, %dma_wait3A_423] : memref<10384x128xf32, #tpu.memory_space<vmem_shared>> -> memref<10384x128xf32, #tpu.memory_space<vmem_shared>>
        tpu.wait_indirect_dma semaphore(%arg12 : memref<!tpu.dma_semaphore, #tpu.memory_space<semaphore_mem>>) src(%dma_wait3A_418 : memref<128x128xf32, #tpu.memory_space<vmem>>) dst(%dma_wait3A_424 : memref<10384x128xf32, #tpu.memory_space<vmem_shared>>)
        %add3A_425 = arith.constant 2 : i32
        %add3A_426 = arith.addi %mul3A_360, %add3A_425 : i32
        %dma_start3A_427 = arith.constant 0 : i32
        %dma_start3A_428 = arith.constant 0 : i32
        %dma_start3A_429 = arith.constant 0 : i32
        %dma_start3A_430 = tpu.memref_slice %arg7[%dma_start3A_427, %dma_start3A_428, %dma_start3A_429] : memref<2x128x128xf32, #tpu.memory_space<vmem>> -> memref<1x128x128xf32, #tpu.memory_space<vmem>>
        %dma_start3A_431 = tpu.memref_squeeze %dma_start3A_430 : memref<1x128x128xf32, #tpu.memory_space<vmem>> -> memref<128x128xf32, #tpu.memory_space<vmem>>
        %dma_start3A_432 = arith.constant 0 : i32
        %dma_start3A_433 = tpu.memref_slice %arg5[%add3A_426, %dma_start3A_432] : memref<40x128xi32, #tpu.memory_space<vmem>> -> memref<1x128xi32, #tpu.memory_space<vmem>>
        %dma_start3A_434 = tpu.memref_squeeze %dma_start3A_433 : memref<1x128xi32, #tpu.memory_space<vmem>> -> memref<128xi32, #tpu.memory_space<vmem>>
        %dma_start3A_435 = arith.constant 0 : i32
        %dma_start3A_436 = arith.constant 0 : i32
        %dma_start3A_437 = tpu.memref_slice %arg2[%dma_start3A_435, %dma_start3A_436] : memref<10000x128xf32, #tpu.memory_space<hbm>> -> memref<10000x128xf32, #tpu.memory_space<hbm>>
        tpu.enqueue_indirect_dma source(%dma_start3A_437 : memref<10000x128xf32, #tpu.memory_space<hbm>>) target(%dma_start3A_431 : memref<128x128xf32, #tpu.memory_space<vmem>>) offsets(%dma_start3A_434 : memref<128xi32, #tpu.memory_space<vmem>>) semaphore(%arg10 : memref<!tpu.dma_semaphore, #tpu.memory_space<semaphore_mem>>)
        %dma_wait3A_438 = arith.constant 1 : i32
        %dma_wait3A_439 = arith.constant 0 : i32
        %dma_wait3A_440 = arith.constant 0 : i32
        %dma_wait3A_441 = arith.constant 0 : i32
        %dma_wait3A_442 = tpu.memref_slice %arg7[%dma_wait3A_438, %dma_wait3A_440, %dma_wait3A_441] : memref<2x128x128xf32, #tpu.memory_space<vmem>> -> memref<1x128x128xf32, #tpu.memory_space<vmem>>
        %dma_wait3A_443 = tpu.memref_squeeze %dma_wait3A_442 : memref<1x128x128xf32, #tpu.memory_space<vmem>> -> memref<128x128xf32, #tpu.memory_space<vmem>>
        %dma_wait3A_444 = arith.constant 0 : i32
        %dma_wait3A_445 = tpu.memref_slice %arg6[%dma_wait3A_439, %dma_wait3A_444] : memref<40x128xi32, #tpu.memory_space<vmem>> -> memref<1x128xi32, #tpu.memory_space<vmem>>
        %dma_wait3A_446 = tpu.memref_squeeze %dma_wait3A_445 : memref<1x128xi32, #tpu.memory_space<vmem>> -> memref<128xi32, #tpu.memory_space<vmem>>
        %dma_wait3A_447 = arith.constant 0 : i32
        %dma_wait3A_448 = arith.constant 0 : i32
        %dma_wait3A_449 = tpu.memref_slice %arg9[%dma_wait3A_447, %dma_wait3A_448] : memref<10384x128xf32, #tpu.memory_space<vmem_shared>> -> memref<10384x128xf32, #tpu.memory_space<vmem_shared>>
        tpu.wait_indirect_dma semaphore(%arg13 : memref<!tpu.dma_semaphore, #tpu.memory_space<semaphore_mem>>) src(%dma_wait3A_443 : memref<128x128xf32, #tpu.memory_space<vmem>>) dst(%dma_wait3A_449 : memref<10384x128xf32, #tpu.memory_space<vmem_shared>>)
        %add3A_450 = arith.constant 2 : i32
        %add3A_451 = arith.addi %add3A_362, %add3A_450 : i32
        %dma_start3A_452 = arith.constant 1 : i32
        %dma_start3A_453 = arith.constant 0 : i32
        %dma_start3A_454 = arith.constant 0 : i32
        %dma_start3A_455 = tpu.memref_slice %arg7[%dma_start3A_452, %dma_start3A_453, %dma_start3A_454] : memref<2x128x128xf32, #tpu.memory_space<vmem>> -> memref<1x128x128xf32, #tpu.memory_space<vmem>>
        %dma_start3A_456 = tpu.memref_squeeze %dma_start3A_455 : memref<1x128x128xf32, #tpu.memory_space<vmem>> -> memref<128x128xf32, #tpu.memory_space<vmem>>
        %dma_start3A_457 = arith.constant 0 : i32
        %dma_start3A_458 = tpu.memref_slice %arg5[%add3A_451, %dma_start3A_457] : memref<40x128xi32, #tpu.memory_space<vmem>> -> memref<1x128xi32, #tpu.memory_space<vmem>>
        %dma_start3A_459 = tpu.memref_squeeze %dma_start3A_458 : memref<1x128xi32, #tpu.memory_space<vmem>> -> memref<128xi32, #tpu.memory_space<vmem>>
        %dma_start3A_460 = arith.constant 0 : i32
        %dma_start3A_461 = arith.constant 0 : i32
        %dma_start3A_462 = tpu.memref_slice %arg2[%dma_start3A_460, %dma_start3A_461] : memref<10000x128xf32, #tpu.memory_space<hbm>> -> memref<10000x128xf32, #tpu.memory_space<hbm>>
        tpu.enqueue_indirect_dma source(%dma_start3A_462 : memref<10000x128xf32, #tpu.memory_space<hbm>>) target(%dma_start3A_456 : memref<128x128xf32, #tpu.memory_space<vmem>>) offsets(%dma_start3A_459 : memref<128xi32, #tpu.memory_space<vmem>>) semaphore(%arg11 : memref<!tpu.dma_semaphore, #tpu.memory_space<semaphore_mem>>)
      } else {
      }
    }
    %scan3A_325 = arith.constant 20 : i32
    %dma_wait3A_326 = arith.constant 0 : i32
    %dma_wait3A_327 = arith.constant 0 : i32
    %dma_wait3A_328 = arith.constant 0 : i32
    %dma_wait3A_329 = arith.constant 0 : i32
    %dma_wait3A_330 = tpu.memref_slice %arg7[%dma_wait3A_326, %dma_wait3A_328, %dma_wait3A_329] : memref<2x128x128xf32, #tpu.memory_space<vmem>> -> memref<1x128x128xf32, #tpu.memory_space<vmem>>
    %dma_wait3A_331 = tpu.memref_squeeze %dma_wait3A_330 : memref<1x128x128xf32, #tpu.memory_space<vmem>> -> memref<128x128xf32, #tpu.memory_space<vmem>>
    %dma_wait3A_332 = arith.constant 0 : i32
    %dma_wait3A_333 = tpu.memref_slice %arg6[%dma_wait3A_327, %dma_wait3A_332] : memref<40x128xi32, #tpu.memory_space<vmem>> -> memref<1x128xi32, #tpu.memory_space<vmem>>
    %dma_wait3A_334 = tpu.memref_squeeze %dma_wait3A_333 : memref<1x128xi32, #tpu.memory_space<vmem>> -> memref<128xi32, #tpu.memory_space<vmem>>
    %dma_wait3A_335 = arith.constant 0 : i32
    %dma_wait3A_336 = arith.constant 0 : i32
    %dma_wait3A_337 = tpu.memref_slice %arg9[%dma_wait3A_335, %dma_wait3A_336] : memref<10384x128xf32, #tpu.memory_space<vmem_shared>> -> memref<10384x128xf32, #tpu.memory_space<vmem_shared>>
    tpu.wait_indirect_dma semaphore(%arg12 : memref<!tpu.dma_semaphore, #tpu.memory_space<semaphore_mem>>) src(%dma_wait3A_331 : memref<128x128xf32, #tpu.memory_space<vmem>>) dst(%dma_wait3A_337 : memref<10384x128xf32, #tpu.memory_space<vmem_shared>>)
    %dma_wait3A_338 = arith.constant 1 : i32
    %dma_wait3A_339 = arith.constant 0 : i32
    %dma_wait3A_340 = arith.constant 0 : i32
    %dma_wait3A_341 = arith.constant 0 : i32
    %dma_wait3A_342 = tpu.memref_slice %arg7[%dma_wait3A_338, %dma_wait3A_340, %dma_wait3A_341] : memref<2x128x128xf32, #tpu.memory_space<vmem>> -> memref<1x128x128xf32, #tpu.memory_space<vmem>>
    %dma_wait3A_343 = tpu.memref_squeeze %dma_wait3A_342 : memref<1x128x128xf32, #tpu.memory_space<vmem>> -> memref<128x128xf32, #tpu.memory_space<vmem>>
    %dma_wait3A_344 = arith.constant 0 : i32
    %dma_wait3A_345 = tpu.memref_slice %arg6[%dma_wait3A_339, %dma_wait3A_344] : memref<40x128xi32, #tpu.memory_space<vmem>> -> memref<1x128xi32, #tpu.memory_space<vmem>>
    %dma_wait3A_346 = tpu.memref_squeeze %dma_wait3A_345 : memref<1x128xi32, #tpu.memory_space<vmem>> -> memref<128xi32, #tpu.memory_space<vmem>>
    %dma_wait3A_347 = arith.constant 0 : i32
    %dma_wait3A_348 = arith.constant 0 : i32
    %dma_wait3A_349 = tpu.memref_slice %arg9[%dma_wait3A_347, %dma_wait3A_348] : memref<10384x128xf32, #tpu.memory_space<vmem_shared>> -> memref<10384x128xf32, #tpu.memory_space<vmem_shared>>
    tpu.wait_indirect_dma semaphore(%arg13 : memref<!tpu.dma_semaphore, #tpu.memory_space<semaphore_mem>>) src(%dma_wait3A_343 : memref<128x128xf32, #tpu.memory_space<vmem>>) dst(%dma_wait3A_349 : memref<10384x128xf32, #tpu.memory_space<vmem_shared>>)
    %barrier3A_350 = arith.constant 0 : index
    tpu.barrier barrier_id(%barrier3A_350)
    %mul3A_351 = arith.constant 624 : i32
    %mul3A_352 = arith.muli %arg1, %mul3A_351 : i32
    "tpu.region"() ({
      %run_scoped3A_358 = tpu.sem_alloc : memref<!tpu.dma_semaphore, #tpu.memory_space<semaphore_mem>>
      %dma_start3A_359 = arith.constant 0 : i32
      %dma_start3A_360 = tpu.memref_slice %arg4[%arg0, %mul3A_352, %dma_start3A_359] : memref<2x10000x128xf32, #tpu.memory_space<hbm>> -> memref<1x624x128xf32, #tpu.memory_space<hbm>>
      %dma_start3A_361 = tpu.memref_squeeze %dma_start3A_360 : memref<1x624x128xf32, #tpu.memory_space<hbm>> -> memref<624x128xf32, #tpu.memory_space<hbm>>
      %dma_start3A_362 = arith.constant 0 : i32
      %dma_start3A_363 = tpu.memref_slice %arg9[%mul3A_352, %dma_start3A_362] : memref<10384x128xf32, #tpu.memory_space<vmem_shared>> -> memref<624x128xf32, #tpu.memory_space<vmem_shared>>
      tpu.enqueue_dma source(%dma_start3A_363 : memref<624x128xf32, #tpu.memory_space<vmem_shared>>) target(%dma_start3A_361 : memref<624x128xf32, #tpu.memory_space<hbm>>) target_semaphore(%run_scoped3A_358 : memref<!tpu.dma_semaphore, #tpu.memory_space<semaphore_mem>>)
      %dma_wait3A_364 = arith.constant 0 : i32
      %dma_wait3A_365 = tpu.memref_slice %arg4[%arg0, %mul3A_352, %dma_wait3A_364] : memref<2x10000x128xf32, #tpu.memory_space<hbm>> -> memref<1x624x128xf32, #tpu.memory_space<hbm>>
      %dma_wait3A_366 = tpu.memref_squeeze %dma_wait3A_365 : memref<1x624x128xf32, #tpu.memory_space<hbm>> -> memref<624x128xf32, #tpu.memory_space<hbm>>
      %dma_wait3A_367 = arith.constant 0 : i32
      %dma_wait3A_368 = tpu.memref_slice %arg9[%mul3A_352, %dma_wait3A_367] : memref<10384x128xf32, #tpu.memory_space<vmem_shared>> -> memref<624x128xf32, #tpu.memory_space<vmem_shared>>
      tpu.wait_dma2 semaphore(%run_scoped3A_358 : memref<!tpu.dma_semaphore, #tpu.memory_space<semaphore_mem>>) src(%dma_wait3A_368 : memref<624x128xf32, #tpu.memory_space<vmem_shared>>) dst(%dma_wait3A_366 : memref<624x128xf32, #tpu.memory_space<hbm>>)
      tpu.yield
    }) : () -> ()
    %eq3A_353 = arith.constant 15 : i32
    %eq3A_354 = arith.cmpi eq, %arg1, %eq3A_353 : i32
    %convert_element_type3A_355 = arith.extui %eq3A_354 : i1 to i32
    %cond3A_356 = arith.constant 0 : i32
    %cond3A_357 = arith.cmpi ne, %convert_element_type3A_355, %cond3A_356 : i32
    scf.if %cond3A_357 {
      "tpu.region"() ({
        %run_scoped3A_358 = tpu.sem_alloc : memref<!tpu.dma_semaphore, #tpu.memory_space<semaphore_mem>>
        %dma_start3A_359 = arith.constant 9984 : i32
        %dma_start3A_360 = arith.constant 0 : i32
        %dma_start3A_361 = tpu.memref_slice %arg4[%arg0, %dma_start3A_359, %dma_start3A_360] : memref<2x10000x128xf32, #tpu.memory_space<hbm>> -> memref<1x16x128xf32, #tpu.memory_space<hbm>>
        %dma_start3A_362 = tpu.memref_squeeze %dma_start3A_361 : memref<1x16x128xf32, #tpu.memory_space<hbm>> -> memref<16x128xf32, #tpu.memory_space<hbm>>
        %dma_start3A_363 = arith.constant 9984 : i32
        %dma_start3A_364 = arith.constant 0 : i32
        %dma_start3A_365 = tpu.memref_slice %arg9[%dma_start3A_363, %dma_start3A_364] : memref<10384x128xf32, #tpu.memory_space<vmem_shared>> -> memref<16x128xf32, #tpu.memory_space<vmem_shared>>
        tpu.enqueue_dma source(%dma_start3A_365 : memref<16x128xf32, #tpu.memory_space<vmem_shared>>) target(%dma_start3A_362 : memref<16x128xf32, #tpu.memory_space<hbm>>) target_semaphore(%run_scoped3A_358 : memref<!tpu.dma_semaphore, #tpu.memory_space<semaphore_mem>>)
        %dma_wait3A_366 = arith.constant 9984 : i32
        %dma_wait3A_367 = arith.constant 0 : i32
        %dma_wait3A_368 = tpu.memref_slice %arg4[%arg0, %dma_wait3A_366, %dma_wait3A_367] : memref<2x10000x128xf32, #tpu.memory_space<hbm>> -> memref<1x16x128xf32, #tpu.memory_space<hbm>>
        %dma_wait3A_369 = tpu.memref_squeeze %dma_wait3A_368 : memref<1x16x128xf32, #tpu.memory_space<hbm>> -> memref<16x128xf32, #tpu.memory_space<hbm>>
        %dma_wait3A_370 = arith.constant 9984 : i32
        %dma_wait3A_371 = arith.constant 0 : i32
        %dma_wait3A_372 = tpu.memref_slice %arg9[%dma_wait3A_370, %dma_wait3A_371] : memref<10384x128xf32, #tpu.memory_space<vmem_shared>> -> memref<16x128xf32, #tpu.memory_space<vmem_shared>>
        tpu.wait_dma2 semaphore(%run_scoped3A_358 : memref<!tpu.dma_semaphore, #tpu.memory_space<semaphore_mem>>) src(%dma_wait3A_372 : memref<16x128xf32, #tpu.memory_space<vmem_shared>>) dst(%dma_wait3A_369 : memref<16x128xf32, #tpu.memory_space<hbm>>)
        tpu.yield
      }) : () -> ()
    } else {
    }
    return
  }
}

#map = affine_map<(d0, d1) -> (0, 0)>
#map1 = affine_map<(d0, d1) -> (0, 0, 0, 0)>
#map2 = affine_map<(d0, d1) -> (0, 0, 0)>
module attributes {stable_mosaic.version = 14 : i64} {
  func.func @_agg_body(%arg0: i32, %arg1: i32, %arg2: memref<10000x128xf32, #tpu.memory_space<hbm>>, %arg3: memref<2x1x2560x128xi32, #tpu.memory_space<hbm>>, %arg4: memref<2x10000x128xf32, #tpu.memory_space<hbm>>, %arg5: memref<40x128xi32, #tpu.memory_space<vmem>>, %arg6: memref<40x128xi32, #tpu.memory_space<vmem>>, %arg7: memref<2x128x128xf32, #tpu.memory_space<vmem>>, %arg8: memref<32x128xf32, #tpu.memory_space<vmem>>, %arg9: memref<10384x128xf32, #tpu.memory_space<vmem_shared>>, %arg10: memref<!tpu.dma_semaphore, #tpu.memory_space<semaphore_mem>>, %arg11: memref<!tpu.dma_semaphore, #tpu.memory_space<semaphore_mem>>, %arg12: memref<!tpu.dma_semaphore, #tpu.memory_space<semaphore_mem>>, %arg13: memref<!tpu.dma_semaphore, #tpu.memory_space<semaphore_mem>>) attributes {dimension_semantics = [#tpu.dimension_semantics<core_parallel>, #tpu.dimension_semantics<subcore_parallel>], iteration_bounds = array<i64: 2, 16>, scalar_prefetch = 0 : i64, scratch_operands = 9 : i64, tpu.core_type = #tpu.core_type<sc_vector_subcore>, window_params = [{transform_indices = #map}, {transform_indices = #map1}, {transform_indices = #map2}]} {
    %mul3A = arith.constant 16 : i32
    %mul3A_0 = arith.muli %arg0, %mul3A : i32
    %add3A = arith.addi %mul3A_0, %arg1 : i32
    %broadcast_in_dim3A = arith.constant 0.000000e+00 : f32
    %broadcast_in_dim3A_1 = vector.broadcast %broadcast_in_dim3A : f32 to vector<16xf32>
    %scan3A = arith.constant 0 : i32
    %scan3A_2 = arith.constant 0 : i32
    %scan3A_3 = arith.constant 32 : i32
    %scan3A_4 = arith.addi %scan3A_2, %scan3A_3 : i32
    %scan3A_5 = arith.constant 1 : i32
    scf.for %scan3A_358 = %scan3A_2 to %scan3A_4 step %scan3A_5  : i32 {
      %swap3A = arith.index_cast %scan3A_358 : i32 to index
      %swap3A_359 = arith.constant 0 : index
      %swap3A_360 = tpu.vector_load %arg8[%swap3A, %swap3A_359] {strides = array<i32>} : memref<32x128xf32, #tpu.memory_space<vmem>>, vector<1x16xf32>,
      %swap3A_361 = vector.shape_cast %swap3A_360 : vector<1x16xf32> to vector<16xf32>
      %swap3A_362 = vector.shape_cast %broadcast_in_dim3A_1 : vector<16xf32> to vector<1x16xf32>
      tpu.vector_store %arg8[%swap3A, %swap3A_359], %swap3A_362 {strides = array<i32>} : memref<32x128xf32, #tpu.memory_space<vmem>>, vector<1x16xf32>,
      %swap3A_363 = arith.index_cast %scan3A_358 : i32 to index
      %swap3A_364 = arith.constant 16 : index
      %swap3A_365 = tpu.vector_load %arg8[%swap3A_363, %swap3A_364] {strides = array<i32>} : memref<32x128xf32, #tpu.memory_space<vmem>>, vector<1x16xf32>,
      %swap3A_366 = vector.shape_cast %swap3A_365 : vector<1x16xf32> to vector<16xf32>
      %swap3A_367 = vector.shape_cast %broadcast_in_dim3A_1 : vector<16xf32> to vector<1x16xf32>
      tpu.vector_store %arg8[%swap3A_363, %swap3A_364], %swap3A_367 {strides = array<i32>} : memref<32x128xf32, #tpu.memory_space<vmem>>, vector<1x16xf32>,
      %swap3A_368 = arith.index_cast %scan3A_358 : i32 to index
      %swap3A_369 = arith.constant 32 : index
      %swap3A_370 = tpu.vector_load %arg8[%swap3A_368, %swap3A_369] {strides = array<i32>} : memref<32x128xf32, #tpu.memory_space<vmem>>, vector<1x16xf32>,
      %swap3A_371 = vector.shape_cast %swap3A_370 : vector<1x16xf32> to vector<16xf32>
      %swap3A_372 = vector.shape_cast %broadcast_in_dim3A_1 : vector<16xf32> to vector<1x16xf32>
      tpu.vector_store %arg8[%swap3A_368, %swap3A_369], %swap3A_372 {strides = array<i32>} : memref<32x128xf32, #tpu.memory_space<vmem>>, vector<1x16xf32>,
      %swap3A_373 = arith.index_cast %scan3A_358 : i32 to index
      %swap3A_374 = arith.constant 48 : index
      %swap3A_375 = tpu.vector_load %arg8[%swap3A_373, %swap3A_374] {strides = array<i32>} : memref<32x128xf32, #tpu.memory_space<vmem>>, vector<1x16xf32>,
      %swap3A_376 = vector.shape_cast %swap3A_375 : vector<1x16xf32> to vector<16xf32>
      %swap3A_377 = vector.shape_cast %broadcast_in_dim3A_1 : vector<16xf32> to vector<1x16xf32>
      tpu.vector_store %arg8[%swap3A_373, %swap3A_374], %swap3A_377 {strides = array<i32>} : memref<32x128xf32, #tpu.memory_space<vmem>>, vector<1x16xf32>,
      %swap3A_378 = arith.index_cast %scan3A_358 : i32 to index
      %swap3A_379 = arith.constant 64 : index
      %swap3A_380 = tpu.vector_load %arg8[%swap3A_378, %swap3A_379] {strides = array<i32>} : memref<32x128xf32, #tpu.memory_space<vmem>>, vector<1x16xf32>,
      %swap3A_381 = vector.shape_cast %swap3A_380 : vector<1x16xf32> to vector<16xf32>
      %swap3A_382 = vector.shape_cast %broadcast_in_dim3A_1 : vector<16xf32> to vector<1x16xf32>
      tpu.vector_store %arg8[%swap3A_378, %swap3A_379], %swap3A_382 {strides = array<i32>} : memref<32x128xf32, #tpu.memory_space<vmem>>, vector<1x16xf32>,
      %swap3A_383 = arith.index_cast %scan3A_358 : i32 to index
      %swap3A_384 = arith.constant 80 : index
      %swap3A_385 = tpu.vector_load %arg8[%swap3A_383, %swap3A_384] {strides = array<i32>} : memref<32x128xf32, #tpu.memory_space<vmem>>, vector<1x16xf32>,
      %swap3A_386 = vector.shape_cast %swap3A_385 : vector<1x16xf32> to vector<16xf32>
      %swap3A_387 = vector.shape_cast %broadcast_in_dim3A_1 : vector<16xf32> to vector<1x16xf32>
      tpu.vector_store %arg8[%swap3A_383, %swap3A_384], %swap3A_387 {strides = array<i32>} : memref<32x128xf32, #tpu.memory_space<vmem>>, vector<1x16xf32>,
      %swap3A_388 = arith.index_cast %scan3A_358 : i32 to index
      %swap3A_389 = arith.constant 96 : index
      %swap3A_390 = tpu.vector_load %arg8[%swap3A_388, %swap3A_389] {strides = array<i32>} : memref<32x128xf32, #tpu.memory_space<vmem>>, vector<1x16xf32>,
      %swap3A_391 = vector.shape_cast %swap3A_390 : vector<1x16xf32> to vector<16xf32>
      %swap3A_392 = vector.shape_cast %broadcast_in_dim3A_1 : vector<16xf32> to vector<1x16xf32>
      tpu.vector_store %arg8[%swap3A_388, %swap3A_389], %swap3A_392 {strides = array<i32>} : memref<32x128xf32, #tpu.memory_space<vmem>>, vector<1x16xf32>,
      %swap3A_393 = arith.index_cast %scan3A_358 : i32 to index
      %swap3A_394 = arith.constant 112 : index
      %swap3A_395 = tpu.vector_load %arg8[%swap3A_393, %swap3A_394] {strides = array<i32>} : memref<32x128xf32, #tpu.memory_space<vmem>>, vector<1x16xf32>,
      %swap3A_396 = vector.shape_cast %swap3A_395 : vector<1x16xf32> to vector<16xf32>
      %swap3A_397 = vector.shape_cast %broadcast_in_dim3A_1 : vector<16xf32> to vector<1x16xf32>
      tpu.vector_store %arg8[%swap3A_393, %swap3A_394], %swap3A_397 {strides = array<i32>} : memref<32x128xf32, #tpu.memory_space<vmem>>, vector<1x16xf32>,
    }
    %scan3A_6 = arith.constant 32 : i32
    %mul3A_7 = arith.constant 80 : i32
    %mul3A_8 = arith.muli %add3A, %mul3A_7 : i32
    %add3A_9 = arith.constant 0 : i32
    %add3A_10 = arith.addi %mul3A_8, %add3A_9 : i32
    %multiple_of3A = tpu.assume_multiple %add3A_10, 8 : i32
    %run_scoped3A = arith.constant 0 : i32
    %run_scoped3A_11 = arith.constant 0 : i32
    "tpu.region"() ({
      %run_scoped3A_358 = tpu.sem_alloc : memref<!tpu.dma_semaphore, #tpu.memory_space<semaphore_mem>>
      %dma_start3A_359 = arith.constant 0 : i32
      %dma_start3A_360 = tpu.memref_slice %arg3[%run_scoped3A, %run_scoped3A_11, %multiple_of3A, %dma_start3A_359] : memref<2x1x2560x128xi32, #tpu.memory_space<hbm>> -> memref<1x1x40x128xi32, #tpu.memory_space<hbm>>
      %dma_start3A_361 = tpu.memref_squeeze %dma_start3A_360 : memref<1x1x40x128xi32, #tpu.memory_space<hbm>> -> memref<40x128xi32, #tpu.memory_space<hbm>>
      %dma_start3A_362 = arith.constant 0 : i32
      %dma_start3A_363 = tpu.memref_slice %arg3[%run_scoped3A, %run_scoped3A_11, %multiple_of3A, %dma_start3A_362] : memref<2x1x2560x128xi32, #tpu.memory_space<hbm>> -> memref<1x1x40x128xi32, #tpu.memory_space<hbm>>
      %dma_start3A_364 = tpu.memref_squeeze %dma_start3A_363 : memref<1x1x40x128xi32, #tpu.memory_space<hbm>> -> memref<40x128xi32, #tpu.memory_space<hbm>>
      tpu.enqueue_dma source(%dma_start3A_364 : memref<40x128xi32, #tpu.memory_space<hbm>>) target(%arg5 : memref<40x128xi32, #tpu.memory_space<vmem>>) target_semaphore(%run_scoped3A_358 : memref<!tpu.dma_semaphore, #tpu.memory_space<semaphore_mem>>)
      %dma_wait3A_365 = arith.constant 0 : i32
      %dma_wait3A_366 = tpu.memref_slice %arg3[%run_scoped3A, %run_scoped3A_11, %multiple_of3A, %dma_wait3A_365] : memref<2x1x2560x128xi32, #tpu.memory_space<hbm>> -> memref<1x1x40x128xi32, #tpu.memory_space<hbm>>
      %dma_wait3A_367 = tpu.memref_squeeze %dma_wait3A_366 : memref<1x1x40x128xi32, #tpu.memory_space<hbm>> -> memref<40x128xi32, #tpu.memory_space<hbm>>
      %dma_wait3A_368 = arith.constant 0 : i32
      %dma_wait3A_369 = tpu.memref_slice %arg3[%run_scoped3A, %run_scoped3A_11, %multiple_of3A, %dma_wait3A_368] : memref<2x1x2560x128xi32, #tpu.memory_space<hbm>> -> memref<1x1x40x128xi32, #tpu.memory_space<hbm>>
      %dma_wait3A_370 = tpu.memref_squeeze %dma_wait3A_369 : memref<1x1x40x128xi32, #tpu.memory_space<hbm>> -> memref<40x128xi32, #tpu.memory_space<hbm>>
      tpu.wait_dma2 semaphore(%run_scoped3A_358 : memref<!tpu.dma_semaphore, #tpu.memory_space<semaphore_mem>>) src(%dma_wait3A_370 : memref<40x128xi32, #tpu.memory_space<hbm>>) dst(%arg5 : memref<40x128xi32, #tpu.memory_space<vmem>>)
      tpu.yield
    }) : () -> ()
    %run_scoped3A_12 = arith.constant 1 : i32
    %run_scoped3A_13 = arith.constant 0 : i32
    "tpu.region"() ({
      %run_scoped3A_358 = tpu.sem_alloc : memref<!tpu.dma_semaphore, #tpu.memory_space<semaphore_mem>>
      %dma_start3A_359 = arith.constant 0 : i32
      %dma_start3A_360 = tpu.memref_slice %arg3[%run_scoped3A_12, %run_scoped3A_13, %multiple_of3A, %dma_start3A_359] : memref<2x1x2560x128xi32, #tpu.memory_space<hbm>> -> memref<1x1x40x128xi32, #tpu.memory_space<hbm>>
      %dma_start3A_361 = tpu.memref_squeeze %dma_start3A_360 : memref<1x1x40x128xi32, #tpu.memory_space<hbm>> -> memref<40x128xi32, #tpu.memory_space<hbm>>
      %dma_start3A_362 = arith.constant 0 : i32
      %dma_start3A_363 = tpu.memref_slice %arg3[%run_scoped3A_12, %run_scoped3A_13, %multiple_of3A, %dma_start3A_362] : memref<2x1x2560x128xi32, #tpu.memory_space<hbm>> -> memref<1x1x40x128xi32, #tpu.memory_space<hbm>>
      %dma_start3A_364 = tpu.memref_squeeze %dma_start3A_363 : memref<1x1x40x128xi32, #tpu.memory_space<hbm>> -> memref<40x128xi32, #tpu.memory_space<hbm>>
      tpu.enqueue_dma source(%dma_start3A_364 : memref<40x128xi32, #tpu.memory_space<hbm>>) target(%arg6 : memref<40x128xi32, #tpu.memory_space<vmem>>) target_semaphore(%run_scoped3A_358 : memref<!tpu.dma_semaphore, #tpu.memory_space<semaphore_mem>>)
      %dma_wait3A_365 = arith.constant 0 : i32
      %dma_wait3A_366 = tpu.memref_slice %arg3[%run_scoped3A_12, %run_scoped3A_13, %multiple_of3A, %dma_wait3A_365] : memref<2x1x2560x128xi32, #tpu.memory_space<hbm>> -> memref<1x1x40x128xi32, #tpu.memory_space<hbm>>
      %dma_wait3A_367 = tpu.memref_squeeze %dma_wait3A_366 : memref<1x1x40x128xi32, #tpu.memory_space<hbm>> -> memref<40x128xi32, #tpu.memory_space<hbm>>
      %dma_wait3A_368 = arith.constant 0 : i32
      %dma_wait3A_369 = tpu.memref_slice %arg3[%run_scoped3A_12, %run_scoped3A_13, %multiple_of3A, %dma_wait3A_368] : memref<2x1x2560x128xi32, #tpu.memory_space<hbm>> -> memref<1x1x40x128xi32, #tpu.memory_space<hbm>>
      %dma_wait3A_370 = tpu.memref_squeeze %dma_wait3A_369 : memref<1x1x40x128xi32, #tpu.memory_space<hbm>> -> memref<40x128xi32, #tpu.memory_space<hbm>>
      tpu.wait_dma2 semaphore(%run_scoped3A_358 : memref<!tpu.dma_semaphore, #tpu.memory_space<semaphore_mem>>) src(%dma_wait3A_370 : memref<40x128xi32, #tpu.memory_space<hbm>>) dst(%arg6 : memref<40x128xi32, #tpu.memory_space<vmem>>)
      tpu.yield
    }) : () -> ()
    %dma_start3A = arith.constant 0 : i32
    %dma_start3A_14 = arith.constant 0 : i32
    %dma_start3A_15 = arith.constant 0 : i32
    %dma_start3A_16 = arith.constant 0 : i32
    %dma_start3A_17 = tpu.memref_slice %arg7[%dma_start3A_14, %dma_start3A_15, %dma_start3A_16] : memref<2x128x128xf32, #tpu.memory_space<vmem>> -> memref<1x128x128xf32, #tpu.memory_space<vmem>>
    %dma_start3A_18 = tpu.memref_squeeze %dma_start3A_17 : memref<1x128x128xf32, #tpu.memory_space<vmem>> -> memref<128x128xf32, #tpu.memory_space<vmem>>
    %dma_start3A_19 = arith.constant 0 : i32
    %dma_start3A_20 = tpu.memref_slice %arg5[%dma_start3A, %dma_start3A_19] : memref<40x128xi32, #tpu.memory_space<vmem>> -> memref<1x128xi32, #tpu.memory_space<vmem>>
    %dma_start3A_21 = tpu.memref_squeeze %dma_start3A_20 : memref<1x128xi32, #tpu.memory_space<vmem>> -> memref<128xi32, #tpu.memory_space<vmem>>
    %dma_start3A_22 = arith.constant 0 : i32
    %dma_start3A_23 = arith.constant 0 : i32
    %dma_start3A_24 = tpu.memref_slice %arg2[%dma_start3A_22, %dma_start3A_23] : memref<10000x128xf32, #tpu.memory_space<hbm>> -> memref<10000x128xf32, #tpu.memory_space<hbm>>
    tpu.enqueue_indirect_dma source(%dma_start3A_24 : memref<10000x128xf32, #tpu.memory_space<hbm>>) target(%dma_start3A_18 : memref<128x128xf32, #tpu.memory_space<vmem>>) offsets(%dma_start3A_21 : memref<128xi32, #tpu.memory_space<vmem>>) semaphore(%arg10 : memref<!tpu.dma_semaphore, #tpu.memory_space<semaphore_mem>>)
    %dma_start3A_25 = arith.constant 1 : i32
    %dma_start3A_26 = arith.constant 1 : i32
    %dma_start3A_27 = arith.constant 0 : i32
    %dma_start3A_28 = arith.constant 0 : i32
    %dma_start3A_29 = tpu.memref_slice %arg7[%dma_start3A_26, %dma_start3A_27, %dma_start3A_28] : memref<2x128x128xf32, #tpu.memory_space<vmem>> -> memref<1x128x128xf32, #tpu.memory_space<vmem>>
    %dma_start3A_30 = tpu.memref_squeeze %dma_start3A_29 : memref<1x128x128xf32, #tpu.memory_space<vmem>> -> memref<128x128xf32, #tpu.memory_space<vmem>>
    %dma_start3A_31 = arith.constant 0 : i32
    %dma_start3A_32 = tpu.memref_slice %arg5[%dma_start3A_25, %dma_start3A_31] : memref<40x128xi32, #tpu.memory_space<vmem>> -> memref<1x128xi32, #tpu.memory_space<vmem>>
    %dma_start3A_33 = tpu.memref_squeeze %dma_start3A_32 : memref<1x128xi32, #tpu.memory_space<vmem>> -> memref<128xi32, #tpu.memory_space<vmem>>
    %dma_start3A_34 = arith.constant 0 : i32
    %dma_start3A_35 = arith.constant 0 : i32
    %dma_start3A_36 = tpu.memref_slice %arg2[%dma_start3A_34, %dma_start3A_35] : memref<10000x128xf32, #tpu.memory_space<hbm>> -> memref<10000x128xf32, #tpu.memory_space<hbm>>
    tpu.enqueue_indirect_dma source(%dma_start3A_36 : memref<10000x128xf32, #tpu.memory_space<hbm>>) target(%dma_start3A_30 : memref<128x128xf32, #tpu.memory_space<vmem>>) offsets(%dma_start3A_33 : memref<128xi32, #tpu.memory_space<vmem>>) semaphore(%arg11 : memref<!tpu.dma_semaphore, #tpu.memory_space<semaphore_mem>>)
    %mul3A_37 = arith.constant 624 : i32
    %mul3A_38 = arith.muli %arg1, %mul3A_37 : i32
    %add3A_39 = arith.constant 0 : i32
    %add3A_40 = arith.addi %mul3A_38, %add3A_39 : i32
    %dma_start3A_41 = arith.constant 0 : i32
    %dma_start3A_42 = tpu.memref_slice %arg9[%add3A_40, %dma_start3A_41] : memref<10384x128xf32, #tpu.memory_space<vmem_shared>> -> memref<32x128xf32, #tpu.memory_space<vmem_shared>>
    %dma_start3A_43 = arith.constant 0 : i32
    %dma_start3A_44 = tpu.memref_slice %arg9[%add3A_40, %dma_start3A_43] : memref<10384x128xf32, #tpu.memory_space<vmem_shared>> -> memref<32x128xf32, #tpu.memory_space<vmem_shared>>
    tpu.enqueue_dma source(%arg8 : memref<32x128xf32, #tpu.memory_space<vmem>>) target(%dma_start3A_44 : memref<32x128xf32, #tpu.memory_space<vmem_shared>>) target_semaphore(%arg12 : memref<!tpu.dma_semaphore, #tpu.memory_space<semaphore_mem>>)
    %add3A_45 = arith.constant 32 : i32
    %add3A_46 = arith.addi %mul3A_38, %add3A_45 : i32
    %dma_start3A_47 = arith.constant 0 : i32
    %dma_start3A_48 = tpu.memref_slice %arg9[%add3A_46, %dma_start3A_47] : memref<10384x128xf32, #tpu.memory_space<vmem_shared>> -> memref<32x128xf32, #tpu.memory_space<vmem_shared>>
    %dma_start3A_49 = arith.constant 0 : i32
    %dma_start3A_50 = tpu.memref_slice %arg9[%add3A_46, %dma_start3A_49] : memref<10384x128xf32, #tpu.memory_space<vmem_shared>> -> memref<32x128xf32, #tpu.memory_space<vmem_shared>>
    tpu.enqueue_dma source(%arg8 : memref<32x128xf32, #tpu.memory_space<vmem>>) target(%dma_start3A_50 : memref<32x128xf32, #tpu.memory_space<vmem_shared>>) target_semaphore(%arg12 : memref<!tpu.dma_semaphore, #tpu.memory_space<semaphore_mem>>)
    %add3A_51 = arith.constant 64 : i32
    %add3A_52 = arith.addi %mul3A_38, %add3A_51 : i32
    %dma_start3A_53 = arith.constant 0 : i32
    %dma_start3A_54 = tpu.memref_slice %arg9[%add3A_52, %dma_start3A_53] : memref<10384x128xf32, #tpu.memory_space<vmem_shared>> -> memref<32x128xf32, #tpu.memory_space<vmem_shared>>
    %dma_start3A_55 = arith.constant 0 : i32
    %dma_start3A_56 = tpu.memref_slice %arg9[%add3A_52, %dma_start3A_55] : memref<10384x128xf32, #tpu.memory_space<vmem_shared>> -> memref<32x128xf32, #tpu.memory_space<vmem_shared>>
    tpu.enqueue_dma source(%arg8 : memref<32x128xf32, #tpu.memory_space<vmem>>) target(%dma_start3A_56 : memref<32x128xf32, #tpu.memory_space<vmem_shared>>) target_semaphore(%arg12 : memref<!tpu.dma_semaphore, #tpu.memory_space<semaphore_mem>>)
    %add3A_57 = arith.constant 96 : i32
    %add3A_58 = arith.addi %mul3A_38, %add3A_57 : i32
    %dma_start3A_59 = arith.constant 0 : i32
    %dma_start3A_60 = tpu.memref_slice %arg9[%add3A_58, %dma_start3A_59] : memref<10384x128xf32, #tpu.memory_space<vmem_shared>> -> memref<32x128xf32, #tpu.memory_space<vmem_shared>>
    %dma_start3A_61 = arith.constant 0 : i32
    %dma_start3A_62 = tpu.memref_slice %arg9[%add3A_58, %dma_start3A_61] : memref<10384x128xf32, #tpu.memory_space<vmem_shared>> -> memref<32x128xf32, #tpu.memory_space<vmem_shared>>
    tpu.enqueue_dma source(%arg8 : memref<32x128xf32, #tpu.memory_space<vmem>>) target(%dma_start3A_62 : memref<32x128xf32, #tpu.memory_space<vmem_shared>>) target_semaphore(%arg12 : memref<!tpu.dma_semaphore, #tpu.memory_space<semaphore_mem>>)
    %add3A_63 = arith.constant 128 : i32
    %add3A_64 = arith.addi %mul3A_38, %add3A_63 : i32
    %dma_start3A_65 = arith.constant 0 : i32
    %dma_start3A_66 = tpu.memref_slice %arg9[%add3A_64, %dma_start3A_65] : memref<10384x128xf32, #tpu.memory_space<vmem_shared>> -> memref<32x128xf32, #tpu.memory_space<vmem_shared>>
    %dma_start3A_67 = arith.constant 0 : i32
    %dma_start3A_68 = tpu.memref_slice %arg9[%add3A_64, %dma_start3A_67] : memref<10384x128xf32, #tpu.memory_space<vmem_shared>> -> memref<32x128xf32, #tpu.memory_space<vmem_shared>>
    tpu.enqueue_dma source(%arg8 : memref<32x128xf32, #tpu.memory_space<vmem>>) target(%dma_start3A_68 : memref<32x128xf32, #tpu.memory_space<vmem_shared>>) target_semaphore(%arg12 : memref<!tpu.dma_semaphore, #tpu.memory_space<semaphore_mem>>)
    %add3A_69 = arith.constant 160 : i32
    %add3A_70 = arith.addi %mul3A_38, %add3A_69 : i32
    %dma_start3A_71 = arith.constant 0 : i32
    %dma_start3A_72 = tpu.memref_slice %arg9[%add3A_70, %dma_start3A_71] : memref<10384x128xf32, #tpu.memory_space<vmem_shared>> -> memref<32x128xf32, #tpu.memory_space<vmem_shared>>
    %dma_start3A_73 = arith.constant 0 : i32
    %dma_start3A_74 = tpu.memref_slice %arg9[%add3A_70, %dma_start3A_73] : memref<10384x128xf32, #tpu.memory_space<vmem_shared>> -> memref<32x128xf32, #tpu.memory_space<vmem_shared>>
    tpu.enqueue_dma source(%arg8 : memref<32x128xf32, #tpu.memory_space<vmem>>) target(%dma_start3A_74 : memref<32x128xf32, #tpu.memory_space<vmem_shared>>) target_semaphore(%arg12 : memref<!tpu.dma_semaphore, #tpu.memory_space<semaphore_mem>>)
    %add3A_75 = arith.constant 192 : i32
    %add3A_76 = arith.addi %mul3A_38, %add3A_75 : i32
    %dma_start3A_77 = arith.constant 0 : i32
    %dma_start3A_78 = tpu.memref_slice %arg9[%add3A_76, %dma_start3A_77] : memref<10384x128xf32, #tpu.memory_space<vmem_shared>> -> memref<32x128xf32, #tpu.memory_space<vmem_shared>>
    %dma_start3A_79 = arith.constant 0 : i32
    %dma_start3A_80 = tpu.memref_slice %arg9[%add3A_76, %dma_start3A_79] : memref<10384x128xf32, #tpu.memory_space<vmem_shared>> -> memref<32x128xf32, #tpu.memory_space<vmem_shared>>
    tpu.enqueue_dma source(%arg8 : memref<32x128xf32, #tpu.memory_space<vmem>>) target(%dma_start3A_80 : memref<32x128xf32, #tpu.memory_space<vmem_shared>>) target_semaphore(%arg12 : memref<!tpu.dma_semaphore, #tpu.memory_space<semaphore_mem>>)
    %add3A_81 = arith.constant 224 : i32
    %add3A_82 = arith.addi %mul3A_38, %add3A_81 : i32
    %dma_start3A_83 = arith.constant 0 : i32
    %dma_start3A_84 = tpu.memref_slice %arg9[%add3A_82, %dma_start3A_83] : memref<10384x128xf32, #tpu.memory_space<vmem_shared>> -> memref<32x128xf32, #tpu.memory_space<vmem_shared>>
    %dma_start3A_85 = arith.constant 0 : i32
    %dma_start3A_86 = tpu.memref_slice %arg9[%add3A_82, %dma_start3A_85] : memref<10384x128xf32, #tpu.memory_space<vmem_shared>> -> memref<32x128xf32, #tpu.memory_space<vmem_shared>>
    tpu.enqueue_dma source(%arg8 : memref<32x128xf32, #tpu.memory_space<vmem>>) target(%dma_start3A_86 : memref<32x128xf32, #tpu.memory_space<vmem_shared>>) target_semaphore(%arg12 : memref<!tpu.dma_semaphore, #tpu.memory_space<semaphore_mem>>)
    %add3A_87 = arith.constant 256 : i32
    %add3A_88 = arith.addi %mul3A_38, %add3A_87 : i32
    %dma_start3A_89 = arith.constant 0 : i32
    %dma_start3A_90 = tpu.memref_slice %arg9[%add3A_88, %dma_start3A_89] : memref<10384x128xf32, #tpu.memory_space<vmem_shared>> -> memref<32x128xf32, #tpu.memory_space<vmem_shared>>
    %dma_start3A_91 = arith.constant 0 : i32
    %dma_start3A_92 = tpu.memref_slice %arg9[%add3A_88, %dma_start3A_91] : memref<10384x128xf32, #tpu.memory_space<vmem_shared>> -> memref<32x128xf32, #tpu.memory_space<vmem_shared>>
    tpu.enqueue_dma source(%arg8 : memref<32x128xf32, #tpu.memory_space<vmem>>) target(%dma_start3A_92 : memref<32x128xf32, #tpu.memory_space<vmem_shared>>) target_semaphore(%arg12 : memref<!tpu.dma_semaphore, #tpu.memory_space<semaphore_mem>>)
    %add3A_93 = arith.constant 288 : i32
    %add3A_94 = arith.addi %mul3A_38, %add3A_93 : i32
    %dma_start3A_95 = arith.constant 0 : i32
    %dma_start3A_96 = tpu.memref_slice %arg9[%add3A_94, %dma_start3A_95] : memref<10384x128xf32, #tpu.memory_space<vmem_shared>> -> memref<32x128xf32, #tpu.memory_space<vmem_shared>>
    %dma_start3A_97 = arith.constant 0 : i32
    %dma_start3A_98 = tpu.memref_slice %arg9[%add3A_94, %dma_start3A_97] : memref<10384x128xf32, #tpu.memory_space<vmem_shared>> -> memref<32x128xf32, #tpu.memory_space<vmem_shared>>
    tpu.enqueue_dma source(%arg8 : memref<32x128xf32, #tpu.memory_space<vmem>>) target(%dma_start3A_98 : memref<32x128xf32, #tpu.memory_space<vmem_shared>>) target_semaphore(%arg12 : memref<!tpu.dma_semaphore, #tpu.memory_space<semaphore_mem>>)
    %add3A_99 = arith.constant 320 : i32
    %add3A_100 = arith.addi %mul3A_38, %add3A_99 : i32
    %dma_start3A_101 = arith.constant 0 : i32
    %dma_start3A_102 = tpu.memref_slice %arg9[%add3A_100, %dma_start3A_101] : memref<10384x128xf32, #tpu.memory_space<vmem_shared>> -> memref<32x128xf32, #tpu.memory_space<vmem_shared>>
    %dma_start3A_103 = arith.constant 0 : i32
    %dma_start3A_104 = tpu.memref_slice %arg9[%add3A_100, %dma_start3A_103] : memref<10384x128xf32, #tpu.memory_space<vmem_shared>> -> memref<32x128xf32, #tpu.memory_space<vmem_shared>>
    tpu.enqueue_dma source(%arg8 : memref<32x128xf32, #tpu.memory_space<vmem>>) target(%dma_start3A_104 : memref<32x128xf32, #tpu.memory_space<vmem_shared>>) target_semaphore(%arg12 : memref<!tpu.dma_semaphore, #tpu.memory_space<semaphore_mem>>)
    %add3A_105 = arith.constant 352 : i32
    %add3A_106 = arith.addi %mul3A_38, %add3A_105 : i32
    %dma_start3A_107 = arith.constant 0 : i32
    %dma_start3A_108 = tpu.memref_slice %arg9[%add3A_106, %dma_start3A_107] : memref<10384x128xf32, #tpu.memory_space<vmem_shared>> -> memref<32x128xf32, #tpu.memory_space<vmem_shared>>
    %dma_start3A_109 = arith.constant 0 : i32
    %dma_start3A_110 = tpu.memref_slice %arg9[%add3A_106, %dma_start3A_109] : memref<10384x128xf32, #tpu.memory_space<vmem_shared>> -> memref<32x128xf32, #tpu.memory_space<vmem_shared>>
    tpu.enqueue_dma source(%arg8 : memref<32x128xf32, #tpu.memory_space<vmem>>) target(%dma_start3A_110 : memref<32x128xf32, #tpu.memory_space<vmem_shared>>) target_semaphore(%arg12 : memref<!tpu.dma_semaphore, #tpu.memory_space<semaphore_mem>>)
    %add3A_111 = arith.constant 384 : i32
    %add3A_112 = arith.addi %mul3A_38, %add3A_111 : i32
    %dma_start3A_113 = arith.constant 0 : i32
    %dma_start3A_114 = tpu.memref_slice %arg9[%add3A_112, %dma_start3A_113] : memref<10384x128xf32, #tpu.memory_space<vmem_shared>> -> memref<32x128xf32, #tpu.memory_space<vmem_shared>>
    %dma_start3A_115 = arith.constant 0 : i32
    %dma_start3A_116 = tpu.memref_slice %arg9[%add3A_112, %dma_start3A_115] : memref<10384x128xf32, #tpu.memory_space<vmem_shared>> -> memref<32x128xf32, #tpu.memory_space<vmem_shared>>
    tpu.enqueue_dma source(%arg8 : memref<32x128xf32, #tpu.memory_space<vmem>>) target(%dma_start3A_116 : memref<32x128xf32, #tpu.memory_space<vmem_shared>>) target_semaphore(%arg12 : memref<!tpu.dma_semaphore, #tpu.memory_space<semaphore_mem>>)
    %add3A_117 = arith.constant 416 : i32
    %add3A_118 = arith.addi %mul3A_38, %add3A_117 : i32
    %dma_start3A_119 = arith.constant 0 : i32
    %dma_start3A_120 = tpu.memref_slice %arg9[%add3A_118, %dma_start3A_119] : memref<10384x128xf32, #tpu.memory_space<vmem_shared>> -> memref<32x128xf32, #tpu.memory_space<vmem_shared>>
    %dma_start3A_121 = arith.constant 0 : i32
    %dma_start3A_122 = tpu.memref_slice %arg9[%add3A_118, %dma_start3A_121] : memref<10384x128xf32, #tpu.memory_space<vmem_shared>> -> memref<32x128xf32, #tpu.memory_space<vmem_shared>>
    tpu.enqueue_dma source(%arg8 : memref<32x128xf32, #tpu.memory_space<vmem>>) target(%dma_start3A_122 : memref<32x128xf32, #tpu.memory_space<vmem_shared>>) target_semaphore(%arg12 : memref<!tpu.dma_semaphore, #tpu.memory_space<semaphore_mem>>)
    %add3A_123 = arith.constant 448 : i32
    %add3A_124 = arith.addi %mul3A_38, %add3A_123 : i32
    %dma_start3A_125 = arith.constant 0 : i32
    %dma_start3A_126 = tpu.memref_slice %arg9[%add3A_124, %dma_start3A_125] : memref<10384x128xf32, #tpu.memory_space<vmem_shared>> -> memref<32x128xf32, #tpu.memory_space<vmem_shared>>
    %dma_start3A_127 = arith.constant 0 : i32
    %dma_start3A_128 = tpu.memref_slice %arg9[%add3A_124, %dma_start3A_127] : memref<10384x128xf32, #tpu.memory_space<vmem_shared>> -> memref<32x128xf32, #tpu.memory_space<vmem_shared>>
    tpu.enqueue_dma source(%arg8 : memref<32x128xf32, #tpu.memory_space<vmem>>) target(%dma_start3A_128 : memref<32x128xf32, #tpu.memory_space<vmem_shared>>) target_semaphore(%arg12 : memref<!tpu.dma_semaphore, #tpu.memory_space<semaphore_mem>>)
    %add3A_129 = arith.constant 480 : i32
    %add3A_130 = arith.addi %mul3A_38, %add3A_129 : i32
    %dma_start3A_131 = arith.constant 0 : i32
    %dma_start3A_132 = tpu.memref_slice %arg9[%add3A_130, %dma_start3A_131] : memref<10384x128xf32, #tpu.memory_space<vmem_shared>> -> memref<32x128xf32, #tpu.memory_space<vmem_shared>>
    %dma_start3A_133 = arith.constant 0 : i32
    %dma_start3A_134 = tpu.memref_slice %arg9[%add3A_130, %dma_start3A_133] : memref<10384x128xf32, #tpu.memory_space<vmem_shared>> -> memref<32x128xf32, #tpu.memory_space<vmem_shared>>
    tpu.enqueue_dma source(%arg8 : memref<32x128xf32, #tpu.memory_space<vmem>>) target(%dma_start3A_134 : memref<32x128xf32, #tpu.memory_space<vmem_shared>>) target_semaphore(%arg12 : memref<!tpu.dma_semaphore, #tpu.memory_space<semaphore_mem>>)
    %add3A_135 = arith.constant 512 : i32
    %add3A_136 = arith.addi %mul3A_38, %add3A_135 : i32
    %dma_start3A_137 = arith.constant 0 : i32
    %dma_start3A_138 = tpu.memref_slice %arg9[%add3A_136, %dma_start3A_137] : memref<10384x128xf32, #tpu.memory_space<vmem_shared>> -> memref<32x128xf32, #tpu.memory_space<vmem_shared>>
    %dma_start3A_139 = arith.constant 0 : i32
    %dma_start3A_140 = tpu.memref_slice %arg9[%add3A_136, %dma_start3A_139] : memref<10384x128xf32, #tpu.memory_space<vmem_shared>> -> memref<32x128xf32, #tpu.memory_space<vmem_shared>>
    tpu.enqueue_dma source(%arg8 : memref<32x128xf32, #tpu.memory_space<vmem>>) target(%dma_start3A_140 : memref<32x128xf32, #tpu.memory_space<vmem_shared>>) target_semaphore(%arg12 : memref<!tpu.dma_semaphore, #tpu.memory_space<semaphore_mem>>)
    %add3A_141 = arith.constant 544 : i32
    %add3A_142 = arith.addi %mul3A_38, %add3A_141 : i32
    %dma_start3A_143 = arith.constant 0 : i32
    %dma_start3A_144 = tpu.memref_slice %arg9[%add3A_142, %dma_start3A_143] : memref<10384x128xf32, #tpu.memory_space<vmem_shared>> -> memref<32x128xf32, #tpu.memory_space<vmem_shared>>
    %dma_start3A_145 = arith.constant 0 : i32
    %dma_start3A_146 = tpu.memref_slice %arg9[%add3A_142, %dma_start3A_145] : memref<10384x128xf32, #tpu.memory_space<vmem_shared>> -> memref<32x128xf32, #tpu.memory_space<vmem_shared>>
    tpu.enqueue_dma source(%arg8 : memref<32x128xf32, #tpu.memory_space<vmem>>) target(%dma_start3A_146 : memref<32x128xf32, #tpu.memory_space<vmem_shared>>) target_semaphore(%arg12 : memref<!tpu.dma_semaphore, #tpu.memory_space<semaphore_mem>>)
    %add3A_147 = arith.constant 576 : i32
    %add3A_148 = arith.addi %mul3A_38, %add3A_147 : i32
    %dma_start3A_149 = arith.constant 0 : i32
    %dma_start3A_150 = tpu.memref_slice %arg9[%add3A_148, %dma_start3A_149] : memref<10384x128xf32, #tpu.memory_space<vmem_shared>> -> memref<32x128xf32, #tpu.memory_space<vmem_shared>>
    %dma_start3A_151 = arith.constant 0 : i32
    %dma_start3A_152 = tpu.memref_slice %arg9[%add3A_148, %dma_start3A_151] : memref<10384x128xf32, #tpu.memory_space<vmem_shared>> -> memref<32x128xf32, #tpu.memory_space<vmem_shared>>
    tpu.enqueue_dma source(%arg8 : memref<32x128xf32, #tpu.memory_space<vmem>>) target(%dma_start3A_152 : memref<32x128xf32, #tpu.memory_space<vmem_shared>>) target_semaphore(%arg12 : memref<!tpu.dma_semaphore, #tpu.memory_space<semaphore_mem>>)
    %add3A_153 = arith.constant 608 : i32
    %add3A_154 = arith.addi %mul3A_38, %add3A_153 : i32
    %dma_start3A_155 = arith.constant 0 : i32
    %dma_start3A_156 = arith.constant 0 : i32
    %dma_start3A_157 = tpu.memref_slice %arg8[%dma_start3A_155, %dma_start3A_156] : memref<32x128xf32, #tpu.memory_space<vmem>> -> memref<16x128xf32, #tpu.memory_space<vmem>>
    %dma_start3A_158 = arith.constant 0 : i32
    %dma_start3A_159 = tpu.memref_slice %arg9[%add3A_154, %dma_start3A_158] : memref<10384x128xf32, #tpu.memory_space<vmem_shared>> -> memref<16x128xf32, #tpu.memory_space<vmem_shared>>
    %dma_start3A_160 = arith.constant 0 : i32
    %dma_start3A_161 = tpu.memref_slice %arg9[%add3A_154, %dma_start3A_160] : memref<10384x128xf32, #tpu.memory_space<vmem_shared>> -> memref<16x128xf32, #tpu.memory_space<vmem_shared>>
    %dma_start3A_162 = arith.constant 0 : i32
    %dma_start3A_163 = arith.constant 0 : i32
    %dma_start3A_164 = tpu.memref_slice %arg8[%dma_start3A_162, %dma_start3A_163] : memref<32x128xf32, #tpu.memory_space<vmem>> -> memref<16x128xf32, #tpu.memory_space<vmem>>
    tpu.enqueue_dma source(%dma_start3A_164 : memref<16x128xf32, #tpu.memory_space<vmem>>) target(%dma_start3A_161 : memref<16x128xf32, #tpu.memory_space<vmem_shared>>) target_semaphore(%arg12 : memref<!tpu.dma_semaphore, #tpu.memory_space<semaphore_mem>>)
    %eq3A = arith.constant 15 : i32
    %eq3A_165 = arith.cmpi eq, %arg1, %eq3A : i32
    %convert_element_type3A = arith.extui %eq3A_165 : i1 to i32
    %cond3A = arith.constant 0 : i32
    %cond3A_166 = arith.cmpi ne, %convert_element_type3A, %cond3A : i32
    scf.if %cond3A_166 {
      %dma_start3A_358 = arith.constant 0 : i32
      %dma_start3A_359 = arith.constant 0 : i32
      %dma_start3A_360 = tpu.memref_slice %arg8[%dma_start3A_358, %dma_start3A_359] : memref<32x128xf32, #tpu.memory_space<vmem>> -> memref<16x128xf32, #tpu.memory_space<vmem>>
      %dma_start3A_361 = arith.constant 9984 : i32
      %dma_start3A_362 = arith.constant 0 : i32
      %dma_start3A_363 = tpu.memref_slice %arg9[%dma_start3A_361, %dma_start3A_362] : memref<10384x128xf32, #tpu.memory_space<vmem_shared>> -> memref<16x128xf32, #tpu.memory_space<vmem_shared>>
      %dma_start3A_364 = arith.constant 9984 : i32
      %dma_start3A_365 = arith.constant 0 : i32
      %dma_start3A_366 = tpu.memref_slice %arg9[%dma_start3A_364, %dma_start3A_365] : memref<10384x128xf32, #tpu.memory_space<vmem_shared>> -> memref<16x128xf32, #tpu.memory_space<vmem_shared>>
      %dma_start3A_367 = arith.constant 0 : i32
      %dma_start3A_368 = arith.constant 0 : i32
      %dma_start3A_369 = tpu.memref_slice %arg8[%dma_start3A_367, %dma_start3A_368] : memref<32x128xf32, #tpu.memory_space<vmem>> -> memref<16x128xf32, #tpu.memory_space<vmem>>
      tpu.enqueue_dma source(%dma_start3A_369 : memref<16x128xf32, #tpu.memory_space<vmem>>) target(%dma_start3A_366 : memref<16x128xf32, #tpu.memory_space<vmem_shared>>) target_semaphore(%arg12 : memref<!tpu.dma_semaphore, #tpu.memory_space<semaphore_mem>>)
    } else {
    }
    %dma_wait3A = arith.constant 0 : i32
    %dma_wait3A_167 = tpu.memref_slice %arg9[%mul3A_38, %dma_wait3A] : memref<10384x128xf32, #tpu.memory_space<vmem_shared>> -> memref<32x128xf32, #tpu.memory_space<vmem_shared>>
    %dma_wait3A_168 = arith.constant 0 : i32
    %dma_wait3A_169 = tpu.memref_slice %arg9[%mul3A_38, %dma_wait3A_168] : memref<10384x128xf32, #tpu.memory_space<vmem_shared>> -> memref<32x128xf32, #tpu.memory_space<vmem_shared>>
    tpu.wait_dma2 semaphore(%arg12 : memref<!tpu.dma_semaphore, #tpu.memory_space<semaphore_mem>>) src(%arg8 : memref<32x128xf32, #tpu.memory_space<vmem>>) dst(%dma_wait3A_169 : memref<32x128xf32, #tpu.memory_space<vmem_shared>>)
    %dma_wait3A_170 = arith.constant 0 : i32
    %dma_wait3A_171 = tpu.memref_slice %arg9[%mul3A_38, %dma_wait3A_170] : memref<10384x128xf32, #tpu.memory_space<vmem_shared>> -> memref<32x128xf32, #tpu.memory_space<vmem_shared>>
    %dma_wait3A_172 = arith.constant 0 : i32
    %dma_wait3A_173 = tpu.memref_slice %arg9[%mul3A_38, %dma_wait3A_172] : memref<10384x128xf32, #tpu.memory_space<vmem_shared>> -> memref<32x128xf32, #tpu.memory_space<vmem_shared>>
    tpu.wait_dma2 semaphore(%arg12 : memref<!tpu.dma_semaphore, #tpu.memory_space<semaphore_mem>>) src(%arg8 : memref<32x128xf32, #tpu.memory_space<vmem>>) dst(%dma_wait3A_173 : memref<32x128xf32, #tpu.memory_space<vmem_shared>>)
    %dma_wait3A_174 = arith.constant 0 : i32
    %dma_wait3A_175 = tpu.memref_slice %arg9[%mul3A_38, %dma_wait3A_174] : memref<10384x128xf32, #tpu.memory_space<vmem_shared>> -> memref<32x128xf32, #tpu.memory_space<vmem_shared>>
    %dma_wait3A_176 = arith.constant 0 : i32
    %dma_wait3A_177 = tpu.memref_slice %arg9[%mul3A_38, %dma_wait3A_176] : memref<10384x128xf32, #tpu.memory_space<vmem_shared>> -> memref<32x128xf32, #tpu.memory_space<vmem_shared>>
    tpu.wait_dma2 semaphore(%arg12 : memref<!tpu.dma_semaphore, #tpu.memory_space<semaphore_mem>>) src(%arg8 : memref<32x128xf32, #tpu.memory_space<vmem>>) dst(%dma_wait3A_177 : memref<32x128xf32, #tpu.memory_space<vmem_shared>>)
    %dma_wait3A_178 = arith.constant 0 : i32
    %dma_wait3A_179 = tpu.memref_slice %arg9[%mul3A_38, %dma_wait3A_178] : memref<10384x128xf32, #tpu.memory_space<vmem_shared>> -> memref<32x128xf32, #tpu.memory_space<vmem_shared>>
    %dma_wait3A_180 = arith.constant 0 : i32
    %dma_wait3A_181 = tpu.memref_slice %arg9[%mul3A_38, %dma_wait3A_180] : memref<10384x128xf32, #tpu.memory_space<vmem_shared>> -> memref<32x128xf32, #tpu.memory_space<vmem_shared>>
    tpu.wait_dma2 semaphore(%arg12 : memref<!tpu.dma_semaphore, #tpu.memory_space<semaphore_mem>>) src(%arg8 : memref<32x128xf32, #tpu.memory_space<vmem>>) dst(%dma_wait3A_181 : memref<32x128xf32, #tpu.memory_space<vmem_shared>>)
    %dma_wait3A_182 = arith.constant 0 : i32
    %dma_wait3A_183 = tpu.memref_slice %arg9[%mul3A_38, %dma_wait3A_182] : memref<10384x128xf32, #tpu.memory_space<vmem_shared>> -> memref<32x128xf32, #tpu.memory_space<vmem_shared>>
    %dma_wait3A_184 = arith.constant 0 : i32
    %dma_wait3A_185 = tpu.memref_slice %arg9[%mul3A_38, %dma_wait3A_184] : memref<10384x128xf32, #tpu.memory_space<vmem_shared>> -> memref<32x128xf32, #tpu.memory_space<vmem_shared>>
    tpu.wait_dma2 semaphore(%arg12 : memref<!tpu.dma_semaphore, #tpu.memory_space<semaphore_mem>>) src(%arg8 : memref<32x128xf32, #tpu.memory_space<vmem>>) dst(%dma_wait3A_185 : memref<32x128xf32, #tpu.memory_space<vmem_shared>>)
    %dma_wait3A_186 = arith.constant 0 : i32
    %dma_wait3A_187 = tpu.memref_slice %arg9[%mul3A_38, %dma_wait3A_186] : memref<10384x128xf32, #tpu.memory_space<vmem_shared>> -> memref<32x128xf32, #tpu.memory_space<vmem_shared>>
    %dma_wait3A_188 = arith.constant 0 : i32
    %dma_wait3A_189 = tpu.memref_slice %arg9[%mul3A_38, %dma_wait3A_188] : memref<10384x128xf32, #tpu.memory_space<vmem_shared>> -> memref<32x128xf32, #tpu.memory_space<vmem_shared>>
    tpu.wait_dma2 semaphore(%arg12 : memref<!tpu.dma_semaphore, #tpu.memory_space<semaphore_mem>>) src(%arg8 : memref<32x128xf32, #tpu.memory_space<vmem>>) dst(%dma_wait3A_189 : memref<32x128xf32, #tpu.memory_space<vmem_shared>>)
    %dma_wait3A_190 = arith.constant 0 : i32
    %dma_wait3A_191 = tpu.memref_slice %arg9[%mul3A_38, %dma_wait3A_190] : memref<10384x128xf32, #tpu.memory_space<vmem_shared>> -> memref<32x128xf32, #tpu.memory_space<vmem_shared>>
    %dma_wait3A_192 = arith.constant 0 : i32
    %dma_wait3A_193 = tpu.memref_slice %arg9[%mul3A_38, %dma_wait3A_192] : memref<10384x128xf32, #tpu.memory_space<vmem_shared>> -> memref<32x128xf32, #tpu.memory_space<vmem_shared>>
    tpu.wait_dma2 semaphore(%arg12 : memref<!tpu.dma_semaphore, #tpu.memory_space<semaphore_mem>>) src(%arg8 : memref<32x128xf32, #tpu.memory_space<vmem>>) dst(%dma_wait3A_193 : memref<32x128xf32, #tpu.memory_space<vmem_shared>>)
    %dma_wait3A_194 = arith.constant 0 : i32
    %dma_wait3A_195 = tpu.memref_slice %arg9[%mul3A_38, %dma_wait3A_194] : memref<10384x128xf32, #tpu.memory_space<vmem_shared>> -> memref<32x128xf32, #tpu.memory_space<vmem_shared>>
    %dma_wait3A_196 = arith.constant 0 : i32
    %dma_wait3A_197 = tpu.memref_slice %arg9[%mul3A_38, %dma_wait3A_196] : memref<10384x128xf32, #tpu.memory_space<vmem_shared>> -> memref<32x128xf32, #tpu.memory_space<vmem_shared>>
    tpu.wait_dma2 semaphore(%arg12 : memref<!tpu.dma_semaphore, #tpu.memory_space<semaphore_mem>>) src(%arg8 : memref<32x128xf32, #tpu.memory_space<vmem>>) dst(%dma_wait3A_197 : memref<32x128xf32, #tpu.memory_space<vmem_shared>>)
    %dma_wait3A_198 = arith.constant 0 : i32
    %dma_wait3A_199 = tpu.memref_slice %arg9[%mul3A_38, %dma_wait3A_198] : memref<10384x128xf32, #tpu.memory_space<vmem_shared>> -> memref<32x128xf32, #tpu.memory_space<vmem_shared>>
    %dma_wait3A_200 = arith.constant 0 : i32
    %dma_wait3A_201 = tpu.memref_slice %arg9[%mul3A_38, %dma_wait3A_200] : memref<10384x128xf32, #tpu.memory_space<vmem_shared>> -> memref<32x128xf32, #tpu.memory_space<vmem_shared>>
    tpu.wait_dma2 semaphore(%arg12 : memref<!tpu.dma_semaphore, #tpu.memory_space<semaphore_mem>>) src(%arg8 : memref<32x128xf32, #tpu.memory_space<vmem>>) dst(%dma_wait3A_201 : memref<32x128xf32, #tpu.memory_space<vmem_shared>>)
    %dma_wait3A_202 = arith.constant 0 : i32
    %dma_wait3A_203 = tpu.memref_slice %arg9[%mul3A_38, %dma_wait3A_202] : memref<10384x128xf32, #tpu.memory_space<vmem_shared>> -> memref<32x128xf32, #tpu.memory_space<vmem_shared>>
    %dma_wait3A_204 = arith.constant 0 : i32
    %dma_wait3A_205 = tpu.memref_slice %arg9[%mul3A_38, %dma_wait3A_204] : memref<10384x128xf32, #tpu.memory_space<vmem_shared>> -> memref<32x128xf32, #tpu.memory_space<vmem_shared>>
    tpu.wait_dma2 semaphore(%arg12 : memref<!tpu.dma_semaphore, #tpu.memory_space<semaphore_mem>>) src(%arg8 : memref<32x128xf32, #tpu.memory_space<vmem>>) dst(%dma_wait3A_205 : memref<32x128xf32, #tpu.memory_space<vmem_shared>>)
    %dma_wait3A_206 = arith.constant 0 : i32
    %dma_wait3A_207 = tpu.memref_slice %arg9[%mul3A_38, %dma_wait3A_206] : memref<10384x128xf32, #tpu.memory_space<vmem_shared>> -> memref<32x128xf32, #tpu.memory_space<vmem_shared>>
    %dma_wait3A_208 = arith.constant 0 : i32
    %dma_wait3A_209 = tpu.memref_slice %arg9[%mul3A_38, %dma_wait3A_208] : memref<10384x128xf32, #tpu.memory_space<vmem_shared>> -> memref<32x128xf32, #tpu.memory_space<vmem_shared>>
    tpu.wait_dma2 semaphore(%arg12 : memref<!tpu.dma_semaphore, #tpu.memory_space<semaphore_mem>>) src(%arg8 : memref<32x128xf32, #tpu.memory_space<vmem>>) dst(%dma_wait3A_209 : memref<32x128xf32, #tpu.memory_space<vmem_shared>>)
    %dma_wait3A_210 = arith.constant 0 : i32
    %dma_wait3A_211 = tpu.memref_slice %arg9[%mul3A_38, %dma_wait3A_210] : memref<10384x128xf32, #tpu.memory_space<vmem_shared>> -> memref<32x128xf32, #tpu.memory_space<vmem_shared>>
    %dma_wait3A_212 = arith.constant 0 : i32
    %dma_wait3A_213 = tpu.memref_slice %arg9[%mul3A_38, %dma_wait3A_212] : memref<10384x128xf32, #tpu.memory_space<vmem_shared>> -> memref<32x128xf32, #tpu.memory_space<vmem_shared>>
    tpu.wait_dma2 semaphore(%arg12 : memref<!tpu.dma_semaphore, #tpu.memory_space<semaphore_mem>>) src(%arg8 : memref<32x128xf32, #tpu.memory_space<vmem>>) dst(%dma_wait3A_213 : memref<32x128xf32, #tpu.memory_space<vmem_shared>>)
    %dma_wait3A_214 = arith.constant 0 : i32
    %dma_wait3A_215 = tpu.memref_slice %arg9[%mul3A_38, %dma_wait3A_214] : memref<10384x128xf32, #tpu.memory_space<vmem_shared>> -> memref<32x128xf32, #tpu.memory_space<vmem_shared>>
    %dma_wait3A_216 = arith.constant 0 : i32
    %dma_wait3A_217 = tpu.memref_slice %arg9[%mul3A_38, %dma_wait3A_216] : memref<10384x128xf32, #tpu.memory_space<vmem_shared>> -> memref<32x128xf32, #tpu.memory_space<vmem_shared>>
    tpu.wait_dma2 semaphore(%arg12 : memref<!tpu.dma_semaphore, #tpu.memory_space<semaphore_mem>>) src(%arg8 : memref<32x128xf32, #tpu.memory_space<vmem>>) dst(%dma_wait3A_217 : memref<32x128xf32, #tpu.memory_space<vmem_shared>>)
    %dma_wait3A_218 = arith.constant 0 : i32
    %dma_wait3A_219 = tpu.memref_slice %arg9[%mul3A_38, %dma_wait3A_218] : memref<10384x128xf32, #tpu.memory_space<vmem_shared>> -> memref<32x128xf32, #tpu.memory_space<vmem_shared>>
    %dma_wait3A_220 = arith.constant 0 : i32
    %dma_wait3A_221 = tpu.memref_slice %arg9[%mul3A_38, %dma_wait3A_220] : memref<10384x128xf32, #tpu.memory_space<vmem_shared>> -> memref<32x128xf32, #tpu.memory_space<vmem_shared>>
    tpu.wait_dma2 semaphore(%arg12 : memref<!tpu.dma_semaphore, #tpu.memory_space<semaphore_mem>>) src(%arg8 : memref<32x128xf32, #tpu.memory_space<vmem>>) dst(%dma_wait3A_221 : memref<32x128xf32, #tpu.memory_space<vmem_shared>>)
    %dma_wait3A_222 = arith.constant 0 : i32
    %dma_wait3A_223 = tpu.memref_slice %arg9[%mul3A_38, %dma_wait3A_222] : memref<10384x128xf32, #tpu.memory_space<vmem_shared>> -> memref<32x128xf32, #tpu.memory_space<vmem_shared>>
    %dma_wait3A_224 = arith.constant 0 : i32
    %dma_wait3A_225 = tpu.memref_slice %arg9[%mul3A_38, %dma_wait3A_224] : memref<10384x128xf32, #tpu.memory_space<vmem_shared>> -> memref<32x128xf32, #tpu.memory_space<vmem_shared>>
    tpu.wait_dma2 semaphore(%arg12 : memref<!tpu.dma_semaphore, #tpu.memory_space<semaphore_mem>>) src(%arg8 : memref<32x128xf32, #tpu.memory_space<vmem>>) dst(%dma_wait3A_225 : memref<32x128xf32, #tpu.memory_space<vmem_shared>>)
    %dma_wait3A_226 = arith.constant 0 : i32
    %dma_wait3A_227 = tpu.memref_slice %arg9[%mul3A_38, %dma_wait3A_226] : memref<10384x128xf32, #tpu.memory_space<vmem_shared>> -> memref<32x128xf32, #tpu.memory_space<vmem_shared>>
    %dma_wait3A_228 = arith.constant 0 : i32
    %dma_wait3A_229 = tpu.memref_slice %arg9[%mul3A_38, %dma_wait3A_228] : memref<10384x128xf32, #tpu.memory_space<vmem_shared>> -> memref<32x128xf32, #tpu.memory_space<vmem_shared>>
    tpu.wait_dma2 semaphore(%arg12 : memref<!tpu.dma_semaphore, #tpu.memory_space<semaphore_mem>>) src(%arg8 : memref<32x128xf32, #tpu.memory_space<vmem>>) dst(%dma_wait3A_229 : memref<32x128xf32, #tpu.memory_space<vmem_shared>>)
    %dma_wait3A_230 = arith.constant 0 : i32
    %dma_wait3A_231 = tpu.memref_slice %arg9[%mul3A_38, %dma_wait3A_230] : memref<10384x128xf32, #tpu.memory_space<vmem_shared>> -> memref<32x128xf32, #tpu.memory_space<vmem_shared>>
    %dma_wait3A_232 = arith.constant 0 : i32
    %dma_wait3A_233 = tpu.memref_slice %arg9[%mul3A_38, %dma_wait3A_232] : memref<10384x128xf32, #tpu.memory_space<vmem_shared>> -> memref<32x128xf32, #tpu.memory_space<vmem_shared>>
    tpu.wait_dma2 semaphore(%arg12 : memref<!tpu.dma_semaphore, #tpu.memory_space<semaphore_mem>>) src(%arg8 : memref<32x128xf32, #tpu.memory_space<vmem>>) dst(%dma_wait3A_233 : memref<32x128xf32, #tpu.memory_space<vmem_shared>>)
    %dma_wait3A_234 = arith.constant 0 : i32
    %dma_wait3A_235 = tpu.memref_slice %arg9[%mul3A_38, %dma_wait3A_234] : memref<10384x128xf32, #tpu.memory_space<vmem_shared>> -> memref<32x128xf32, #tpu.memory_space<vmem_shared>>
    %dma_wait3A_236 = arith.constant 0 : i32
    %dma_wait3A_237 = tpu.memref_slice %arg9[%mul3A_38, %dma_wait3A_236] : memref<10384x128xf32, #tpu.memory_space<vmem_shared>> -> memref<32x128xf32, #tpu.memory_space<vmem_shared>>
    tpu.wait_dma2 semaphore(%arg12 : memref<!tpu.dma_semaphore, #tpu.memory_space<semaphore_mem>>) src(%arg8 : memref<32x128xf32, #tpu.memory_space<vmem>>) dst(%dma_wait3A_237 : memref<32x128xf32, #tpu.memory_space<vmem_shared>>)
    %dma_wait3A_238 = arith.constant 0 : i32
    %dma_wait3A_239 = tpu.memref_slice %arg9[%mul3A_38, %dma_wait3A_238] : memref<10384x128xf32, #tpu.memory_space<vmem_shared>> -> memref<32x128xf32, #tpu.memory_space<vmem_shared>>
    %dma_wait3A_240 = arith.constant 0 : i32
    %dma_wait3A_241 = tpu.memref_slice %arg9[%mul3A_38, %dma_wait3A_240] : memref<10384x128xf32, #tpu.memory_space<vmem_shared>> -> memref<32x128xf32, #tpu.memory_space<vmem_shared>>
    tpu.wait_dma2 semaphore(%arg12 : memref<!tpu.dma_semaphore, #tpu.memory_space<semaphore_mem>>) src(%arg8 : memref<32x128xf32, #tpu.memory_space<vmem>>) dst(%dma_wait3A_241 : memref<32x128xf32, #tpu.memory_space<vmem_shared>>)
    %dma_wait3A_242 = arith.constant 0 : i32
    %dma_wait3A_243 = arith.constant 0 : i32
    %dma_wait3A_244 = tpu.memref_slice %arg8[%dma_wait3A_242, %dma_wait3A_243] : memref<32x128xf32, #tpu.memory_space<vmem>> -> memref<16x128xf32, #tpu.memory_space<vmem>>
    %dma_wait3A_245 = arith.constant 0 : i32
    %dma_wait3A_246 = tpu.memref_slice %arg9[%mul3A_38, %dma_wait3A_245] : memref<10384x128xf32, #tpu.memory_space<vmem_shared>> -> memref<16x128xf32, #tpu.memory_space<vmem_shared>>
    %dma_wait3A_247 = arith.constant 0 : i32
    %dma_wait3A_248 = tpu.memref_slice %arg9[%mul3A_38, %dma_wait3A_247] : memref<10384x128xf32, #tpu.memory_space<vmem_shared>> -> memref<16x128xf32, #tpu.memory_space<vmem_shared>>
    %dma_wait3A_249 = arith.constant 0 : i32
    %dma_wait3A_250 = arith.constant 0 : i32
    %dma_wait3A_251 = tpu.memref_slice %arg8[%dma_wait3A_249, %dma_wait3A_250] : memref<32x128xf32, #tpu.memory_space<vmem>> -> memref<16x128xf32, #tpu.memory_space<vmem>>
    tpu.wait_dma2 semaphore(%arg12 : memref<!tpu.dma_semaphore, #tpu.memory_space<semaphore_mem>>) src(%dma_wait3A_251 : memref<16x128xf32, #tpu.memory_space<vmem>>) dst(%dma_wait3A_248 : memref<16x128xf32, #tpu.memory_space<vmem_shared>>)
    %eq3A_252 = arith.constant 15 : i32
    %eq3A_253 = arith.cmpi eq, %arg1, %eq3A_252 : i32
    %convert_element_type3A_254 = arith.extui %eq3A_253 : i1 to i32
    %cond3A_255 = arith.constant 0 : i32
    %cond3A_256 = arith.cmpi ne, %convert_element_type3A_254, %cond3A_255 : i32
    scf.if %cond3A_256 {
      %dma_wait3A_358 = arith.constant 0 : i32
      %dma_wait3A_359 = arith.constant 0 : i32
      %dma_wait3A_360 = tpu.memref_slice %arg8[%dma_wait3A_358, %dma_wait3A_359] : memref<32x128xf32, #tpu.memory_space<vmem>> -> memref<16x128xf32, #tpu.memory_space<vmem>>
      %dma_wait3A_361 = arith.constant 0 : i32
      %dma_wait3A_362 = tpu.memref_slice %arg9[%mul3A_38, %dma_wait3A_361] : memref<10384x128xf32, #tpu.memory_space<vmem_shared>> -> memref<16x128xf32, #tpu.memory_space<vmem_shared>>
      %dma_wait3A_363 = arith.constant 0 : i32
      %dma_wait3A_364 = tpu.memref_slice %arg9[%mul3A_38, %dma_wait3A_363] : memref<10384x128xf32, #tpu.memory_space<vmem_shared>> -> memref<16x128xf32, #tpu.memory_space<vmem_shared>>
      %dma_wait3A_365 = arith.constant 0 : i32
      %dma_wait3A_366 = arith.constant 0 : i32
      %dma_wait3A_367 = tpu.memref_slice %arg8[%dma_wait3A_365, %dma_wait3A_366] : memref<32x128xf32, #tpu.memory_space<vmem>> -> memref<16x128xf32, #tpu.memory_space<vmem>>
      tpu.wait_dma2 semaphore(%arg12 : memref<!tpu.dma_semaphore, #tpu.memory_space<semaphore_mem>>) src(%dma_wait3A_367 : memref<16x128xf32, #tpu.memory_space<vmem>>) dst(%dma_wait3A_364 : memref<16x128xf32, #tpu.memory_space<vmem_shared>>)
    } else {
    }
    %barrier3A = arith.constant 0 : index
    tpu.barrier barrier_id(%barrier3A)
    %scan3A_257 = arith.constant 0 : i32
    %scan3A_258 = arith.constant 0 : i32
    %scan3A_259 = arith.constant 20 : i32
    %scan3A_260 = arith.addi %scan3A_258, %scan3A_259 : i32
    %scan3A_261 = arith.constant 1 : i32
    scf.for %scan3A_358 = %scan3A_258 to %scan3A_260 step %scan3A_261  : i32 {
      %mul3A_359 = arith.constant 2 : i32
      %mul3A_360 = arith.muli %mul3A_359, %scan3A_358 : i32
      %add3A_361 = arith.constant 1 : i32
      %add3A_362 = arith.addi %mul3A_360, %add3A_361 : i32
      %dma_wait3A_363 = arith.constant 0 : i32
      %dma_wait3A_364 = arith.constant 0 : i32
      %dma_wait3A_365 = arith.constant 0 : i32
      %dma_wait3A_366 = arith.constant 0 : i32
      %dma_wait3A_367 = tpu.memref_slice %arg7[%dma_wait3A_364, %dma_wait3A_365, %dma_wait3A_366] : memref<2x128x128xf32, #tpu.memory_space<vmem>> -> memref<1x128x128xf32, #tpu.memory_space<vmem>>
      %dma_wait3A_368 = tpu.memref_squeeze %dma_wait3A_367 : memref<1x128x128xf32, #tpu.memory_space<vmem>> -> memref<128x128xf32, #tpu.memory_space<vmem>>
      %dma_wait3A_369 = arith.constant 0 : i32
      %dma_wait3A_370 = tpu.memref_slice %arg5[%dma_wait3A_363, %dma_wait3A_369] : memref<40x128xi32, #tpu.memory_space<vmem>> -> memref<1x128xi32, #tpu.memory_space<vmem>>
      %dma_wait3A_371 = tpu.memref_squeeze %dma_wait3A_370 : memref<1x128xi32, #tpu.memory_space<vmem>> -> memref<128xi32, #tpu.memory_space<vmem>>
      %dma_wait3A_372 = arith.constant 0 : i32
      %dma_wait3A_373 = arith.constant 0 : i32
      %dma_wait3A_374 = tpu.memref_slice %arg2[%dma_wait3A_372, %dma_wait3A_373] : memref<10000x128xf32, #tpu.memory_space<hbm>> -> memref<10000x128xf32, #tpu.memory_space<hbm>>
      tpu.wait_indirect_dma semaphore(%arg10 : memref<!tpu.dma_semaphore, #tpu.memory_space<semaphore_mem>>) src(%dma_wait3A_374 : memref<10000x128xf32, #tpu.memory_space<hbm>>) dst(%dma_wait3A_368 : memref<128x128xf32, #tpu.memory_space<vmem>>)
      %dma_start3A_375 = arith.constant 0 : i32
      %dma_start3A_376 = arith.constant 0 : i32
      %dma_start3A_377 = arith.constant 0 : i32
      %dma_start3A_378 = tpu.memref_slice %arg7[%dma_start3A_375, %dma_start3A_376, %dma_start3A_377] : memref<2x128x128xf32, #tpu.memory_space<vmem>> -> memref<1x128x128xf32, #tpu.memory_space<vmem>>
      %dma_start3A_379 = tpu.memref_squeeze %dma_start3A_378 : memref<1x128x128xf32, #tpu.memory_space<vmem>> -> memref<128x128xf32, #tpu.memory_space<vmem>>
      %dma_start3A_380 = arith.constant 0 : i32
      %dma_start3A_381 = tpu.memref_slice %arg6[%mul3A_360, %dma_start3A_380] : memref<40x128xi32, #tpu.memory_space<vmem>> -> memref<1x128xi32, #tpu.memory_space<vmem>>
      %dma_start3A_382 = tpu.memref_squeeze %dma_start3A_381 : memref<1x128xi32, #tpu.memory_space<vmem>> -> memref<128xi32, #tpu.memory_space<vmem>>
      %dma_start3A_383 = arith.constant 0 : i32
      %dma_start3A_384 = arith.constant 0 : i32
      %dma_start3A_385 = tpu.memref_slice %arg9[%dma_start3A_383, %dma_start3A_384] : memref<10384x128xf32, #tpu.memory_space<vmem_shared>> -> memref<10384x128xf32, #tpu.memory_space<vmem_shared>>
      tpu.enqueue_indirect_dma source(%dma_start3A_379 : memref<128x128xf32, #tpu.memory_space<vmem>>) target(%dma_start3A_385 : memref<10384x128xf32, #tpu.memory_space<vmem_shared>>) offsets(%dma_start3A_382 : memref<128xi32, #tpu.memory_space<vmem>>) semaphore(%arg12 : memref<!tpu.dma_semaphore, #tpu.memory_space<semaphore_mem>>) {add = true}
      %dma_wait3A_386 = arith.constant 0 : i32
      %dma_wait3A_387 = arith.constant 1 : i32
      %dma_wait3A_388 = arith.constant 0 : i32
      %dma_wait3A_389 = arith.constant 0 : i32
      %dma_wait3A_390 = tpu.memref_slice %arg7[%dma_wait3A_387, %dma_wait3A_388, %dma_wait3A_389] : memref<2x128x128xf32, #tpu.memory_space<vmem>> -> memref<1x128x128xf32, #tpu.memory_space<vmem>>
      %dma_wait3A_391 = tpu.memref_squeeze %dma_wait3A_390 : memref<1x128x128xf32, #tpu.memory_space<vmem>> -> memref<128x128xf32, #tpu.memory_space<vmem>>
      %dma_wait3A_392 = arith.constant 0 : i32
      %dma_wait3A_393 = tpu.memref_slice %arg5[%dma_wait3A_386, %dma_wait3A_392] : memref<40x128xi32, #tpu.memory_space<vmem>> -> memref<1x128xi32, #tpu.memory_space<vmem>>
      %dma_wait3A_394 = tpu.memref_squeeze %dma_wait3A_393 : memref<1x128xi32, #tpu.memory_space<vmem>> -> memref<128xi32, #tpu.memory_space<vmem>>
      %dma_wait3A_395 = arith.constant 0 : i32
      %dma_wait3A_396 = arith.constant 0 : i32
      %dma_wait3A_397 = tpu.memref_slice %arg2[%dma_wait3A_395, %dma_wait3A_396] : memref<10000x128xf32, #tpu.memory_space<hbm>> -> memref<10000x128xf32, #tpu.memory_space<hbm>>
      tpu.wait_indirect_dma semaphore(%arg11 : memref<!tpu.dma_semaphore, #tpu.memory_space<semaphore_mem>>) src(%dma_wait3A_397 : memref<10000x128xf32, #tpu.memory_space<hbm>>) dst(%dma_wait3A_391 : memref<128x128xf32, #tpu.memory_space<vmem>>)
      %dma_start3A_398 = arith.constant 1 : i32
      %dma_start3A_399 = arith.constant 0 : i32
      %dma_start3A_400 = arith.constant 0 : i32
      %dma_start3A_401 = tpu.memref_slice %arg7[%dma_start3A_398, %dma_start3A_399, %dma_start3A_400] : memref<2x128x128xf32, #tpu.memory_space<vmem>> -> memref<1x128x128xf32, #tpu.memory_space<vmem>>
      %dma_start3A_402 = tpu.memref_squeeze %dma_start3A_401 : memref<1x128x128xf32, #tpu.memory_space<vmem>> -> memref<128x128xf32, #tpu.memory_space<vmem>>
      %dma_start3A_403 = arith.constant 0 : i32
      %dma_start3A_404 = tpu.memref_slice %arg6[%add3A_362, %dma_start3A_403] : memref<40x128xi32, #tpu.memory_space<vmem>> -> memref<1x128xi32, #tpu.memory_space<vmem>>
      %dma_start3A_405 = tpu.memref_squeeze %dma_start3A_404 : memref<1x128xi32, #tpu.memory_space<vmem>> -> memref<128xi32, #tpu.memory_space<vmem>>
      %dma_start3A_406 = arith.constant 0 : i32
      %dma_start3A_407 = arith.constant 0 : i32
      %dma_start3A_408 = tpu.memref_slice %arg9[%dma_start3A_406, %dma_start3A_407] : memref<10384x128xf32, #tpu.memory_space<vmem_shared>> -> memref<10384x128xf32, #tpu.memory_space<vmem_shared>>
      tpu.enqueue_indirect_dma source(%dma_start3A_402 : memref<128x128xf32, #tpu.memory_space<vmem>>) target(%dma_start3A_408 : memref<10384x128xf32, #tpu.memory_space<vmem_shared>>) offsets(%dma_start3A_405 : memref<128xi32, #tpu.memory_space<vmem>>) semaphore(%arg13 : memref<!tpu.dma_semaphore, #tpu.memory_space<semaphore_mem>>) {add = true}
      %lt3A = arith.constant 19 : i32
      %lt3A_409 = arith.cmpi slt, %scan3A_358, %lt3A : i32
      %convert_element_type3A_410 = arith.extui %lt3A_409 : i1 to i32
      %cond3A_411 = arith.constant 0 : i32
      %cond3A_412 = arith.cmpi ne, %convert_element_type3A_410, %cond3A_411 : i32
      scf.if %cond3A_412 {
        %dma_wait3A_413 = arith.constant 0 : i32
        %dma_wait3A_414 = arith.constant 0 : i32
        %dma_wait3A_415 = arith.constant 0 : i32
        %dma_wait3A_416 = arith.constant 0 : i32
        %dma_wait3A_417 = tpu.memref_slice %arg7[%dma_wait3A_413, %dma_wait3A_415, %dma_wait3A_416] : memref<2x128x128xf32, #tpu.memory_space<vmem>> -> memref<1x128x128xf32, #tpu.memory_space<vmem>>
        %dma_wait3A_418 = tpu.memref_squeeze %dma_wait3A_417 : memref<1x128x128xf32, #tpu.memory_space<vmem>> -> memref<128x128xf32, #tpu.memory_space<vmem>>
        %dma_wait3A_419 = arith.constant 0 : i32
        %dma_wait3A_420 = tpu.memref_slice %arg6[%dma_wait3A_414, %dma_wait3A_419] : memref<40x128xi32, #tpu.memory_space<vmem>> -> memref<1x128xi32, #tpu.memory_space<vmem>>
        %dma_wait3A_421 = tpu.memref_squeeze %dma_wait3A_420 : memref<1x128xi32, #tpu.memory_space<vmem>> -> memref<128xi32, #tpu.memory_space<vmem>>
        %dma_wait3A_422 = arith.constant 0 : i32
        %dma_wait3A_423 = arith.constant 0 : i32
        %dma_wait3A_424 = tpu.memref_slice %arg9[%dma_wait3A_422, %dma_wait3A_423] : memref<10384x128xf32, #tpu.memory_space<vmem_shared>> -> memref<10384x128xf32, #tpu.memory_space<vmem_shared>>
        tpu.wait_indirect_dma semaphore(%arg12 : memref<!tpu.dma_semaphore, #tpu.memory_space<semaphore_mem>>) src(%dma_wait3A_418 : memref<128x128xf32, #tpu.memory_space<vmem>>) dst(%dma_wait3A_424 : memref<10384x128xf32, #tpu.memory_space<vmem_shared>>)
        %add3A_425 = arith.constant 2 : i32
        %add3A_426 = arith.addi %mul3A_360, %add3A_425 : i32
        %dma_start3A_427 = arith.constant 0 : i32
        %dma_start3A_428 = arith.constant 0 : i32
        %dma_start3A_429 = arith.constant 0 : i32
        %dma_start3A_430 = tpu.memref_slice %arg7[%dma_start3A_427, %dma_start3A_428, %dma_start3A_429] : memref<2x128x128xf32, #tpu.memory_space<vmem>> -> memref<1x128x128xf32, #tpu.memory_space<vmem>>
        %dma_start3A_431 = tpu.memref_squeeze %dma_start3A_430 : memref<1x128x128xf32, #tpu.memory_space<vmem>> -> memref<128x128xf32, #tpu.memory_space<vmem>>
        %dma_start3A_432 = arith.constant 0 : i32
        %dma_start3A_433 = tpu.memref_slice %arg5[%add3A_426, %dma_start3A_432] : memref<40x128xi32, #tpu.memory_space<vmem>> -> memref<1x128xi32, #tpu.memory_space<vmem>>
        %dma_start3A_434 = tpu.memref_squeeze %dma_start3A_433 : memref<1x128xi32, #tpu.memory_space<vmem>> -> memref<128xi32, #tpu.memory_space<vmem>>
        %dma_start3A_435 = arith.constant 0 : i32
        %dma_start3A_436 = arith.constant 0 : i32
        %dma_start3A_437 = tpu.memref_slice %arg2[%dma_start3A_435, %dma_start3A_436] : memref<10000x128xf32, #tpu.memory_space<hbm>> -> memref<10000x128xf32, #tpu.memory_space<hbm>>
        tpu.enqueue_indirect_dma source(%dma_start3A_437 : memref<10000x128xf32, #tpu.memory_space<hbm>>) target(%dma_start3A_431 : memref<128x128xf32, #tpu.memory_space<vmem>>) offsets(%dma_start3A_434 : memref<128xi32, #tpu.memory_space<vmem>>) semaphore(%arg10 : memref<!tpu.dma_semaphore, #tpu.memory_space<semaphore_mem>>)
        %dma_wait3A_438 = arith.constant 1 : i32
        %dma_wait3A_439 = arith.constant 0 : i32
        %dma_wait3A_440 = arith.constant 0 : i32
        %dma_wait3A_441 = arith.constant 0 : i32
        %dma_wait3A_442 = tpu.memref_slice %arg7[%dma_wait3A_438, %dma_wait3A_440, %dma_wait3A_441] : memref<2x128x128xf32, #tpu.memory_space<vmem>> -> memref<1x128x128xf32, #tpu.memory_space<vmem>>
        %dma_wait3A_443 = tpu.memref_squeeze %dma_wait3A_442 : memref<1x128x128xf32, #tpu.memory_space<vmem>> -> memref<128x128xf32, #tpu.memory_space<vmem>>
        %dma_wait3A_444 = arith.constant 0 : i32
        %dma_wait3A_445 = tpu.memref_slice %arg6[%dma_wait3A_439, %dma_wait3A_444] : memref<40x128xi32, #tpu.memory_space<vmem>> -> memref<1x128xi32, #tpu.memory_space<vmem>>
        %dma_wait3A_446 = tpu.memref_squeeze %dma_wait3A_445 : memref<1x128xi32, #tpu.memory_space<vmem>> -> memref<128xi32, #tpu.memory_space<vmem>>
        %dma_wait3A_447 = arith.constant 0 : i32
        %dma_wait3A_448 = arith.constant 0 : i32
        %dma_wait3A_449 = tpu.memref_slice %arg9[%dma_wait3A_447, %dma_wait3A_448] : memref<10384x128xf32, #tpu.memory_space<vmem_shared>> -> memref<10384x128xf32, #tpu.memory_space<vmem_shared>>
        tpu.wait_indirect_dma semaphore(%arg13 : memref<!tpu.dma_semaphore, #tpu.memory_space<semaphore_mem>>) src(%dma_wait3A_443 : memref<128x128xf32, #tpu.memory_space<vmem>>) dst(%dma_wait3A_449 : memref<10384x128xf32, #tpu.memory_space<vmem_shared>>)
        %add3A_450 = arith.constant 2 : i32
        %add3A_451 = arith.addi %add3A_362, %add3A_450 : i32
        %dma_start3A_452 = arith.constant 1 : i32
        %dma_start3A_453 = arith.constant 0 : i32
        %dma_start3A_454 = arith.constant 0 : i32
        %dma_start3A_455 = tpu.memref_slice %arg7[%dma_start3A_452, %dma_start3A_453, %dma_start3A_454] : memref<2x128x128xf32, #tpu.memory_space<vmem>> -> memref<1x128x128xf32, #tpu.memory_space<vmem>>
        %dma_start3A_456 = tpu.memref_squeeze %dma_start3A_455 : memref<1x128x128xf32, #tpu.memory_space<vmem>> -> memref<128x128xf32, #tpu.memory_space<vmem>>
        %dma_start3A_457 = arith.constant 0 : i32
        %dma_start3A_458 = tpu.memref_slice %arg5[%add3A_451, %dma_start3A_457] : memref<40x128xi32, #tpu.memory_space<vmem>> -> memref<1x128xi32, #tpu.memory_space<vmem>>
        %dma_start3A_459 = tpu.memref_squeeze %dma_start3A_458 : memref<1x128xi32, #tpu.memory_space<vmem>> -> memref<128xi32, #tpu.memory_space<vmem>>
        %dma_start3A_460 = arith.constant 0 : i32
        %dma_start3A_461 = arith.constant 0 : i32
        %dma_start3A_462 = tpu.memref_slice %arg2[%dma_start3A_460, %dma_start3A_461] : memref<10000x128xf32, #tpu.memory_space<hbm>> -> memref<10000x128xf32, #tpu.memory_space<hbm>>
        tpu.enqueue_indirect_dma source(%dma_start3A_462 : memref<10000x128xf32, #tpu.memory_space<hbm>>) target(%dma_start3A_456 : memref<128x128xf32, #tpu.memory_space<vmem>>) offsets(%dma_start3A_459 : memref<128xi32, #tpu.memory_space<vmem>>) semaphore(%arg11 : memref<!tpu.dma_semaphore, #tpu.memory_space<semaphore_mem>>)
      } else {
      }
    }
    %scan3A_262 = arith.constant 20 : i32
    %dma_wait3A_263 = arith.constant 0 : i32
    %dma_wait3A_264 = arith.constant 0 : i32
    %dma_wait3A_265 = arith.constant 0 : i32
    %dma_wait3A_266 = arith.constant 0 : i32
    %dma_wait3A_267 = tpu.memref_slice %arg7[%dma_wait3A_263, %dma_wait3A_265, %dma_wait3A_266] : memref<2x128x128xf32, #tpu.memory_space<vmem>> -> memref<1x128x128xf32, #tpu.memory_space<vmem>>
    %dma_wait3A_268 = tpu.memref_squeeze %dma_wait3A_267 : memref<1x128x128xf32, #tpu.memory_space<vmem>> -> memref<128x128xf32, #tpu.memory_space<vmem>>
    %dma_wait3A_269 = arith.constant 0 : i32
    %dma_wait3A_270 = tpu.memref_slice %arg6[%dma_wait3A_264, %dma_wait3A_269] : memref<40x128xi32, #tpu.memory_space<vmem>> -> memref<1x128xi32, #tpu.memory_space<vmem>>
    %dma_wait3A_271 = tpu.memref_squeeze %dma_wait3A_270 : memref<1x128xi32, #tpu.memory_space<vmem>> -> memref<128xi32, #tpu.memory_space<vmem>>
    %dma_wait3A_272 = arith.constant 0 : i32
    %dma_wait3A_273 = arith.constant 0 : i32
    %dma_wait3A_274 = tpu.memref_slice %arg9[%dma_wait3A_272, %dma_wait3A_273] : memref<10384x128xf32, #tpu.memory_space<vmem_shared>> -> memref<10384x128xf32, #tpu.memory_space<vmem_shared>>
    tpu.wait_indirect_dma semaphore(%arg12 : memref<!tpu.dma_semaphore, #tpu.memory_space<semaphore_mem>>) src(%dma_wait3A_268 : memref<128x128xf32, #tpu.memory_space<vmem>>) dst(%dma_wait3A_274 : memref<10384x128xf32, #tpu.memory_space<vmem_shared>>)
    %dma_wait3A_275 = arith.constant 1 : i32
    %dma_wait3A_276 = arith.constant 0 : i32
    %dma_wait3A_277 = arith.constant 0 : i32
    %dma_wait3A_278 = arith.constant 0 : i32
    %dma_wait3A_279 = tpu.memref_slice %arg7[%dma_wait3A_275, %dma_wait3A_277, %dma_wait3A_278] : memref<2x128x128xf32, #tpu.memory_space<vmem>> -> memref<1x128x128xf32, #tpu.memory_space<vmem>>
    %dma_wait3A_280 = tpu.memref_squeeze %dma_wait3A_279 : memref<1x128x128xf32, #tpu.memory_space<vmem>> -> memref<128x128xf32, #tpu.memory_space<vmem>>
    %dma_wait3A_281 = arith.constant 0 : i32
    %dma_wait3A_282 = tpu.memref_slice %arg6[%dma_wait3A_276, %dma_wait3A_281] : memref<40x128xi32, #tpu.memory_space<vmem>> -> memref<1x128xi32, #tpu.memory_space<vmem>>
    %dma_wait3A_283 = tpu.memref_squeeze %dma_wait3A_282 : memref<1x128xi32, #tpu.memory_space<vmem>> -> memref<128xi32, #tpu.memory_space<vmem>>
    %dma_wait3A_284 = arith.constant 0 : i32
    %dma_wait3A_285 = arith.constant 0 : i32
    %dma_wait3A_286 = tpu.memref_slice %arg9[%dma_wait3A_284, %dma_wait3A_285] : memref<10384x128xf32, #tpu.memory_space<vmem_shared>> -> memref<10384x128xf32, #tpu.memory_space<vmem_shared>>
    tpu.wait_indirect_dma semaphore(%arg13 : memref<!tpu.dma_semaphore, #tpu.memory_space<semaphore_mem>>) src(%dma_wait3A_280 : memref<128x128xf32, #tpu.memory_space<vmem>>) dst(%dma_wait3A_286 : memref<10384x128xf32, #tpu.memory_space<vmem_shared>>)
    %mul3A_287 = arith.constant 80 : i32
    %mul3A_288 = arith.muli %add3A, %mul3A_287 : i32
    %add3A_289 = arith.constant 40 : i32
    %add3A_290 = arith.addi %mul3A_288, %add3A_289 : i32
    %multiple_of3A_291 = tpu.assume_multiple %add3A_290, 8 : i32
    %run_scoped3A_292 = arith.constant 0 : i32
    %run_scoped3A_293 = arith.constant 0 : i32
    "tpu.region"() ({
      %run_scoped3A_358 = tpu.sem_alloc : memref<!tpu.dma_semaphore, #tpu.memory_space<semaphore_mem>>
      %dma_start3A_359 = arith.constant 0 : i32
      %dma_start3A_360 = tpu.memref_slice %arg3[%run_scoped3A_292, %run_scoped3A_293, %multiple_of3A_291, %dma_start3A_359] : memref<2x1x2560x128xi32, #tpu.memory_space<hbm>> -> memref<1x1x40x128xi32, #tpu.memory_space<hbm>>
      %dma_start3A_361 = tpu.memref_squeeze %dma_start3A_360 : memref<1x1x40x128xi32, #tpu.memory_space<hbm>> -> memref<40x128xi32, #tpu.memory_space<hbm>>
      %dma_start3A_362 = arith.constant 0 : i32
      %dma_start3A_363 = tpu.memref_slice %arg3[%run_scoped3A_292, %run_scoped3A_293, %multiple_of3A_291, %dma_start3A_362] : memref<2x1x2560x128xi32, #tpu.memory_space<hbm>> -> memref<1x1x40x128xi32, #tpu.memory_space<hbm>>
      %dma_start3A_364 = tpu.memref_squeeze %dma_start3A_363 : memref<1x1x40x128xi32, #tpu.memory_space<hbm>> -> memref<40x128xi32, #tpu.memory_space<hbm>>
      tpu.enqueue_dma source(%dma_start3A_364 : memref<40x128xi32, #tpu.memory_space<hbm>>) target(%arg5 : memref<40x128xi32, #tpu.memory_space<vmem>>) target_semaphore(%run_scoped3A_358 : memref<!tpu.dma_semaphore, #tpu.memory_space<semaphore_mem>>)
      %dma_wait3A_365 = arith.constant 0 : i32
      %dma_wait3A_366 = tpu.memref_slice %arg3[%run_scoped3A_292, %run_scoped3A_293, %multiple_of3A_291, %dma_wait3A_365] : memref<2x1x2560x128xi32, #tpu.memory_space<hbm>> -> memref<1x1x40x128xi32, #tpu.memory_space<hbm>>
      %dma_wait3A_367 = tpu.memref_squeeze %dma_wait3A_366 : memref<1x1x40x128xi32, #tpu.memory_space<hbm>> -> memref<40x128xi32, #tpu.memory_space<hbm>>
      %dma_wait3A_368 = arith.constant 0 : i32
      %dma_wait3A_369 = tpu.memref_slice %arg3[%run_scoped3A_292, %run_scoped3A_293, %multiple_of3A_291, %dma_wait3A_368] : memref<2x1x2560x128xi32, #tpu.memory_space<hbm>> -> memref<1x1x40x128xi32, #tpu.memory_space<hbm>>
      %dma_wait3A_370 = tpu.memref_squeeze %dma_wait3A_369 : memref<1x1x40x128xi32, #tpu.memory_space<hbm>> -> memref<40x128xi32, #tpu.memory_space<hbm>>
      tpu.wait_dma2 semaphore(%run_scoped3A_358 : memref<!tpu.dma_semaphore, #tpu.memory_space<semaphore_mem>>) src(%dma_wait3A_370 : memref<40x128xi32, #tpu.memory_space<hbm>>) dst(%arg5 : memref<40x128xi32, #tpu.memory_space<vmem>>)
      tpu.yield
    }) : () -> ()
    %run_scoped3A_294 = arith.constant 1 : i32
    %run_scoped3A_295 = arith.constant 0 : i32
    "tpu.region"() ({
      %run_scoped3A_358 = tpu.sem_alloc : memref<!tpu.dma_semaphore, #tpu.memory_space<semaphore_mem>>
      %dma_start3A_359 = arith.constant 0 : i32
      %dma_start3A_360 = tpu.memref_slice %arg3[%run_scoped3A_294, %run_scoped3A_295, %multiple_of3A_291, %dma_start3A_359] : memref<2x1x2560x128xi32, #tpu.memory_space<hbm>> -> memref<1x1x40x128xi32, #tpu.memory_space<hbm>>
      %dma_start3A_361 = tpu.memref_squeeze %dma_start3A_360 : memref<1x1x40x128xi32, #tpu.memory_space<hbm>> -> memref<40x128xi32, #tpu.memory_space<hbm>>
      %dma_start3A_362 = arith.constant 0 : i32
      %dma_start3A_363 = tpu.memref_slice %arg3[%run_scoped3A_294, %run_scoped3A_295, %multiple_of3A_291, %dma_start3A_362] : memref<2x1x2560x128xi32, #tpu.memory_space<hbm>> -> memref<1x1x40x128xi32, #tpu.memory_space<hbm>>
      %dma_start3A_364 = tpu.memref_squeeze %dma_start3A_363 : memref<1x1x40x128xi32, #tpu.memory_space<hbm>> -> memref<40x128xi32, #tpu.memory_space<hbm>>
      tpu.enqueue_dma source(%dma_start3A_364 : memref<40x128xi32, #tpu.memory_space<hbm>>) target(%arg6 : memref<40x128xi32, #tpu.memory_space<vmem>>) target_semaphore(%run_scoped3A_358 : memref<!tpu.dma_semaphore, #tpu.memory_space<semaphore_mem>>)
      %dma_wait3A_365 = arith.constant 0 : i32
      %dma_wait3A_366 = tpu.memref_slice %arg3[%run_scoped3A_294, %run_scoped3A_295, %multiple_of3A_291, %dma_wait3A_365] : memref<2x1x2560x128xi32, #tpu.memory_space<hbm>> -> memref<1x1x40x128xi32, #tpu.memory_space<hbm>>
      %dma_wait3A_367 = tpu.memref_squeeze %dma_wait3A_366 : memref<1x1x40x128xi32, #tpu.memory_space<hbm>> -> memref<40x128xi32, #tpu.memory_space<hbm>>
      %dma_wait3A_368 = arith.constant 0 : i32
      %dma_wait3A_369 = tpu.memref_slice %arg3[%run_scoped3A_294, %run_scoped3A_295, %multiple_of3A_291, %dma_wait3A_368] : memref<2x1x2560x128xi32, #tpu.memory_space<hbm>> -> memref<1x1x40x128xi32, #tpu.memory_space<hbm>>
      %dma_wait3A_370 = tpu.memref_squeeze %dma_wait3A_369 : memref<1x1x40x128xi32, #tpu.memory_space<hbm>> -> memref<40x128xi32, #tpu.memory_space<hbm>>
      tpu.wait_dma2 semaphore(%run_scoped3A_358 : memref<!tpu.dma_semaphore, #tpu.memory_space<semaphore_mem>>) src(%dma_wait3A_370 : memref<40x128xi32, #tpu.memory_space<hbm>>) dst(%arg6 : memref<40x128xi32, #tpu.memory_space<vmem>>)
      tpu.yield
    }) : () -> ()
    %dma_start3A_296 = arith.constant 0 : i32
    %dma_start3A_297 = arith.constant 0 : i32
    %dma_start3A_298 = arith.constant 0 : i32
    %dma_start3A_299 = arith.constant 0 : i32
    %dma_start3A_300 = tpu.memref_slice %arg7[%dma_start3A_297, %dma_start3A_298, %dma_start3A_299] : memref<2x128x128xf32, #tpu.memory_space<vmem>> -> memref<1x128x128xf32, #tpu.memory_space<vmem>>
    %dma_start3A_301 = tpu.memref_squeeze %dma_start3A_300 : memref<1x128x128xf32, #tpu.memory_space<vmem>> -> memref<128x128xf32, #tpu.memory_space<vmem>>
    %dma_start3A_302 = arith.constant 0 : i32
    %dma_start3A_303 = tpu.memref_slice %arg5[%dma_start3A_296, %dma_start3A_302] : memref<40x128xi32, #tpu.memory_space<vmem>> -> memref<1x128xi32, #tpu.memory_space<vmem>>
    %dma_start3A_304 = tpu.memref_squeeze %dma_start3A_303 : memref<1x128xi32, #tpu.memory_space<vmem>> -> memref<128xi32, #tpu.memory_space<vmem>>
    %dma_start3A_305 = arith.constant 0 : i32
    %dma_start3A_306 = arith.constant 0 : i32
    %dma_start3A_307 = tpu.memref_slice %arg2[%dma_start3A_305, %dma_start3A_306] : memref<10000x128xf32, #tpu.memory_space<hbm>> -> memref<10000x128xf32, #tpu.memory_space<hbm>>
    tpu.enqueue_indirect_dma source(%dma_start3A_307 : memref<10000x128xf32, #tpu.memory_space<hbm>>) target(%dma_start3A_301 : memref<128x128xf32, #tpu.memory_space<vmem>>) offsets(%dma_start3A_304 : memref<128xi32, #tpu.memory_space<vmem>>) semaphore(%arg10 : memref<!tpu.dma_semaphore, #tpu.memory_space<semaphore_mem>>)
    %dma_start3A_308 = arith.constant 1 : i32
    %dma_start3A_309 = arith.constant 1 : i32
    %dma_start3A_310 = arith.constant 0 : i32
    %dma_start3A_311 = arith.constant 0 : i32
    %dma_start3A_312 = tpu.memref_slice %arg7[%dma_start3A_309, %dma_start3A_310, %dma_start3A_311] : memref<2x128x128xf32, #tpu.memory_space<vmem>> -> memref<1x128x128xf32, #tpu.memory_space<vmem>>
    %dma_start3A_313 = tpu.memref_squeeze %dma_start3A_312 : memref<1x128x128xf32, #tpu.memory_space<vmem>> -> memref<128x128xf32, #tpu.memory_space<vmem>>
    %dma_start3A_314 = arith.constant 0 : i32
    %dma_start3A_315 = tpu.memref_slice %arg5[%dma_start3A_308, %dma_start3A_314] : memref<40x128xi32, #tpu.memory_space<vmem>> -> memref<1x128xi32, #tpu.memory_space<vmem>>
    %dma_start3A_316 = tpu.memref_squeeze %dma_start3A_315 : memref<1x128xi32, #tpu.memory_space<vmem>> -> memref<128xi32, #tpu.memory_space<vmem>>
    %dma_start3A_317 = arith.constant 0 : i32
    %dma_start3A_318 = arith.constant 0 : i32
    %dma_start3A_319 = tpu.memref_slice %arg2[%dma_start3A_317, %dma_start3A_318] : memref<10000x128xf32, #tpu.memory_space<hbm>> -> memref<10000x128xf32, #tpu.memory_space<hbm>>
    tpu.enqueue_indirect_dma source(%dma_start3A_319 : memref<10000x128xf32, #tpu.memory_space<hbm>>) target(%dma_start3A_313 : memref<128x128xf32, #tpu.memory_space<vmem>>) offsets(%dma_start3A_316 : memref<128xi32, #tpu.memory_space<vmem>>) semaphore(%arg11 : memref<!tpu.dma_semaphore, #tpu.memory_space<semaphore_mem>>)
    %scan3A_320 = arith.constant 0 : i32
    %scan3A_321 = arith.constant 0 : i32
    %scan3A_322 = arith.constant 20 : i32
    %scan3A_323 = arith.addi %scan3A_321, %scan3A_322 : i32
    %scan3A_324 = arith.constant 1 : i32
    scf.for %scan3A_358 = %scan3A_321 to %scan3A_323 step %scan3A_324  : i32 {
      %mul3A_359 = arith.constant 2 : i32
      %mul3A_360 = arith.muli %mul3A_359, %scan3A_358 : i32
      %add3A_361 = arith.constant 1 : i32
      %add3A_362 = arith.addi %mul3A_360, %add3A_361 : i32
      %dma_wait3A_363 = arith.constant 0 : i32
      %dma_wait3A_364 = arith.constant 0 : i32
      %dma_wait3A_365 = arith.constant 0 : i32
      %dma_wait3A_366 = arith.constant 0 : i32
      %dma_wait3A_367 = tpu.memref_slice %arg7[%dma_wait3A_364, %dma_wait3A_365, %dma_wait3A_366] : memref<2x128x128xf32, #tpu.memory_space<vmem>> -> memref<1x128x128xf32, #tpu.memory_space<vmem>>
      %dma_wait3A_368 = tpu.memref_squeeze %dma_wait3A_367 : memref<1x128x128xf32, #tpu.memory_space<vmem>> -> memref<128x128xf32, #tpu.memory_space<vmem>>
      %dma_wait3A_369 = arith.constant 0 : i32
      %dma_wait3A_370 = tpu.memref_slice %arg5[%dma_wait3A_363, %dma_wait3A_369] : memref<40x128xi32, #tpu.memory_space<vmem>> -> memref<1x128xi32, #tpu.memory_space<vmem>>
      %dma_wait3A_371 = tpu.memref_squeeze %dma_wait3A_370 : memref<1x128xi32, #tpu.memory_space<vmem>> -> memref<128xi32, #tpu.memory_space<vmem>>
      %dma_wait3A_372 = arith.constant 0 : i32
      %dma_wait3A_373 = arith.constant 0 : i32
      %dma_wait3A_374 = tpu.memref_slice %arg2[%dma_wait3A_372, %dma_wait3A_373] : memref<10000x128xf32, #tpu.memory_space<hbm>> -> memref<10000x128xf32, #tpu.memory_space<hbm>>
      tpu.wait_indirect_dma semaphore(%arg10 : memref<!tpu.dma_semaphore, #tpu.memory_space<semaphore_mem>>) src(%dma_wait3A_374 : memref<10000x128xf32, #tpu.memory_space<hbm>>) dst(%dma_wait3A_368 : memref<128x128xf32, #tpu.memory_space<vmem>>)
      %dma_start3A_375 = arith.constant 0 : i32
      %dma_start3A_376 = arith.constant 0 : i32
      %dma_start3A_377 = arith.constant 0 : i32
      %dma_start3A_378 = tpu.memref_slice %arg7[%dma_start3A_375, %dma_start3A_376, %dma_start3A_377] : memref<2x128x128xf32, #tpu.memory_space<vmem>> -> memref<1x128x128xf32, #tpu.memory_space<vmem>>
      %dma_start3A_379 = tpu.memref_squeeze %dma_start3A_378 : memref<1x128x128xf32, #tpu.memory_space<vmem>> -> memref<128x128xf32, #tpu.memory_space<vmem>>
      %dma_start3A_380 = arith.constant 0 : i32
      %dma_start3A_381 = tpu.memref_slice %arg6[%mul3A_360, %dma_start3A_380] : memref<40x128xi32, #tpu.memory_space<vmem>> -> memref<1x128xi32, #tpu.memory_space<vmem>>
      %dma_start3A_382 = tpu.memref_squeeze %dma_start3A_381 : memref<1x128xi32, #tpu.memory_space<vmem>> -> memref<128xi32, #tpu.memory_space<vmem>>
      %dma_start3A_383 = arith.constant 0 : i32
      %dma_start3A_384 = arith.constant 0 : i32
      %dma_start3A_385 = tpu.memref_slice %arg9[%dma_start3A_383, %dma_start3A_384] : memref<10384x128xf32, #tpu.memory_space<vmem_shared>> -> memref<10384x128xf32, #tpu.memory_space<vmem_shared>>
      tpu.enqueue_indirect_dma source(%dma_start3A_379 : memref<128x128xf32, #tpu.memory_space<vmem>>) target(%dma_start3A_385 : memref<10384x128xf32, #tpu.memory_space<vmem_shared>>) offsets(%dma_start3A_382 : memref<128xi32, #tpu.memory_space<vmem>>) semaphore(%arg12 : memref<!tpu.dma_semaphore, #tpu.memory_space<semaphore_mem>>) {add = true}
      %dma_wait3A_386 = arith.constant 0 : i32
      %dma_wait3A_387 = arith.constant 1 : i32
      %dma_wait3A_388 = arith.constant 0 : i32
      %dma_wait3A_389 = arith.constant 0 : i32
      %dma_wait3A_390 = tpu.memref_slice %arg7[%dma_wait3A_387, %dma_wait3A_388, %dma_wait3A_389] : memref<2x128x128xf32, #tpu.memory_space<vmem>> -> memref<1x128x128xf32, #tpu.memory_space<vmem>>
      %dma_wait3A_391 = tpu.memref_squeeze %dma_wait3A_390 : memref<1x128x128xf32, #tpu.memory_space<vmem>> -> memref<128x128xf32, #tpu.memory_space<vmem>>
      %dma_wait3A_392 = arith.constant 0 : i32
      %dma_wait3A_393 = tpu.memref_slice %arg5[%dma_wait3A_386, %dma_wait3A_392] : memref<40x128xi32, #tpu.memory_space<vmem>> -> memref<1x128xi32, #tpu.memory_space<vmem>>
      %dma_wait3A_394 = tpu.memref_squeeze %dma_wait3A_393 : memref<1x128xi32, #tpu.memory_space<vmem>> -> memref<128xi32, #tpu.memory_space<vmem>>
      %dma_wait3A_395 = arith.constant 0 : i32
      %dma_wait3A_396 = arith.constant 0 : i32
      %dma_wait3A_397 = tpu.memref_slice %arg2[%dma_wait3A_395, %dma_wait3A_396] : memref<10000x128xf32, #tpu.memory_space<hbm>> -> memref<10000x128xf32, #tpu.memory_space<hbm>>
      tpu.wait_indirect_dma semaphore(%arg11 : memref<!tpu.dma_semaphore, #tpu.memory_space<semaphore_mem>>) src(%dma_wait3A_397 : memref<10000x128xf32, #tpu.memory_space<hbm>>) dst(%dma_wait3A_391 : memref<128x128xf32, #tpu.memory_space<vmem>>)
      %dma_start3A_398 = arith.constant 1 : i32
      %dma_start3A_399 = arith.constant 0 : i32
      %dma_start3A_400 = arith.constant 0 : i32
      %dma_start3A_401 = tpu.memref_slice %arg7[%dma_start3A_398, %dma_start3A_399, %dma_start3A_400] : memref<2x128x128xf32, #tpu.memory_space<vmem>> -> memref<1x128x128xf32, #tpu.memory_space<vmem>>
      %dma_start3A_402 = tpu.memref_squeeze %dma_start3A_401 : memref<1x128x128xf32, #tpu.memory_space<vmem>> -> memref<128x128xf32, #tpu.memory_space<vmem>>
      %dma_start3A_403 = arith.constant 0 : i32
      %dma_start3A_404 = tpu.memref_slice %arg6[%add3A_362, %dma_start3A_403] : memref<40x128xi32, #tpu.memory_space<vmem>> -> memref<1x128xi32, #tpu.memory_space<vmem>>
      %dma_start3A_405 = tpu.memref_squeeze %dma_start3A_404 : memref<1x128xi32, #tpu.memory_space<vmem>> -> memref<128xi32, #tpu.memory_space<vmem>>
      %dma_start3A_406 = arith.constant 0 : i32
      %dma_start3A_407 = arith.constant 0 : i32
      %dma_start3A_408 = tpu.memref_slice %arg9[%dma_start3A_406, %dma_start3A_407] : memref<10384x128xf32, #tpu.memory_space<vmem_shared>> -> memref<10384x128xf32, #tpu.memory_space<vmem_shared>>
      tpu.enqueue_indirect_dma source(%dma_start3A_402 : memref<128x128xf32, #tpu.memory_space<vmem>>) target(%dma_start3A_408 : memref<10384x128xf32, #tpu.memory_space<vmem_shared>>) offsets(%dma_start3A_405 : memref<128xi32, #tpu.memory_space<vmem>>) semaphore(%arg13 : memref<!tpu.dma_semaphore, #tpu.memory_space<semaphore_mem>>) {add = true}
      %lt3A = arith.constant 19 : i32
      %lt3A_409 = arith.cmpi slt, %scan3A_358, %lt3A : i32
      %convert_element_type3A_410 = arith.extui %lt3A_409 : i1 to i32
      %cond3A_411 = arith.constant 0 : i32
      %cond3A_412 = arith.cmpi ne, %convert_element_type3A_410, %cond3A_411 : i32
      scf.if %cond3A_412 {
        %dma_wait3A_413 = arith.constant 0 : i32
        %dma_wait3A_414 = arith.constant 0 : i32
        %dma_wait3A_415 = arith.constant 0 : i32
        %dma_wait3A_416 = arith.constant 0 : i32
        %dma_wait3A_417 = tpu.memref_slice %arg7[%dma_wait3A_413, %dma_wait3A_415, %dma_wait3A_416] : memref<2x128x128xf32, #tpu.memory_space<vmem>> -> memref<1x128x128xf32, #tpu.memory_space<vmem>>
        %dma_wait3A_418 = tpu.memref_squeeze %dma_wait3A_417 : memref<1x128x128xf32, #tpu.memory_space<vmem>> -> memref<128x128xf32, #tpu.memory_space<vmem>>
        %dma_wait3A_419 = arith.constant 0 : i32
        %dma_wait3A_420 = tpu.memref_slice %arg6[%dma_wait3A_414, %dma_wait3A_419] : memref<40x128xi32, #tpu.memory_space<vmem>> -> memref<1x128xi32, #tpu.memory_space<vmem>>
        %dma_wait3A_421 = tpu.memref_squeeze %dma_wait3A_420 : memref<1x128xi32, #tpu.memory_space<vmem>> -> memref<128xi32, #tpu.memory_space<vmem>>
        %dma_wait3A_422 = arith.constant 0 : i32
        %dma_wait3A_423 = arith.constant 0 : i32
        %dma_wait3A_424 = tpu.memref_slice %arg9[%dma_wait3A_422, %dma_wait3A_423] : memref<10384x128xf32, #tpu.memory_space<vmem_shared>> -> memref<10384x128xf32, #tpu.memory_space<vmem_shared>>
        tpu.wait_indirect_dma semaphore(%arg12 : memref<!tpu.dma_semaphore, #tpu.memory_space<semaphore_mem>>) src(%dma_wait3A_418 : memref<128x128xf32, #tpu.memory_space<vmem>>) dst(%dma_wait3A_424 : memref<10384x128xf32, #tpu.memory_space<vmem_shared>>)
        %add3A_425 = arith.constant 2 : i32
        %add3A_426 = arith.addi %mul3A_360, %add3A_425 : i32
        %dma_start3A_427 = arith.constant 0 : i32
        %dma_start3A_428 = arith.constant 0 : i32
        %dma_start3A_429 = arith.constant 0 : i32
        %dma_start3A_430 = tpu.memref_slice %arg7[%dma_start3A_427, %dma_start3A_428, %dma_start3A_429] : memref<2x128x128xf32, #tpu.memory_space<vmem>> -> memref<1x128x128xf32, #tpu.memory_space<vmem>>
        %dma_start3A_431 = tpu.memref_squeeze %dma_start3A_430 : memref<1x128x128xf32, #tpu.memory_space<vmem>> -> memref<128x128xf32, #tpu.memory_space<vmem>>
        %dma_start3A_432 = arith.constant 0 : i32
        %dma_start3A_433 = tpu.memref_slice %arg5[%add3A_426, %dma_start3A_432] : memref<40x128xi32, #tpu.memory_space<vmem>> -> memref<1x128xi32, #tpu.memory_space<vmem>>
        %dma_start3A_434 = tpu.memref_squeeze %dma_start3A_433 : memref<1x128xi32, #tpu.memory_space<vmem>> -> memref<128xi32, #tpu.memory_space<vmem>>
        %dma_start3A_435 = arith.constant 0 : i32
        %dma_start3A_436 = arith.constant 0 : i32
        %dma_start3A_437 = tpu.memref_slice %arg2[%dma_start3A_435, %dma_start3A_436] : memref<10000x128xf32, #tpu.memory_space<hbm>> -> memref<10000x128xf32, #tpu.memory_space<hbm>>
        tpu.enqueue_indirect_dma source(%dma_start3A_437 : memref<10000x128xf32, #tpu.memory_space<hbm>>) target(%dma_start3A_431 : memref<128x128xf32, #tpu.memory_space<vmem>>) offsets(%dma_start3A_434 : memref<128xi32, #tpu.memory_space<vmem>>) semaphore(%arg10 : memref<!tpu.dma_semaphore, #tpu.memory_space<semaphore_mem>>)
        %dma_wait3A_438 = arith.constant 1 : i32
        %dma_wait3A_439 = arith.constant 0 : i32
        %dma_wait3A_440 = arith.constant 0 : i32
        %dma_wait3A_441 = arith.constant 0 : i32
        %dma_wait3A_442 = tpu.memref_slice %arg7[%dma_wait3A_438, %dma_wait3A_440, %dma_wait3A_441] : memref<2x128x128xf32, #tpu.memory_space<vmem>> -> memref<1x128x128xf32, #tpu.memory_space<vmem>>
        %dma_wait3A_443 = tpu.memref_squeeze %dma_wait3A_442 : memref<1x128x128xf32, #tpu.memory_space<vmem>> -> memref<128x128xf32, #tpu.memory_space<vmem>>
        %dma_wait3A_444 = arith.constant 0 : i32
        %dma_wait3A_445 = tpu.memref_slice %arg6[%dma_wait3A_439, %dma_wait3A_444] : memref<40x128xi32, #tpu.memory_space<vmem>> -> memref<1x128xi32, #tpu.memory_space<vmem>>
        %dma_wait3A_446 = tpu.memref_squeeze %dma_wait3A_445 : memref<1x128xi32, #tpu.memory_space<vmem>> -> memref<128xi32, #tpu.memory_space<vmem>>
        %dma_wait3A_447 = arith.constant 0 : i32
        %dma_wait3A_448 = arith.constant 0 : i32
        %dma_wait3A_449 = tpu.memref_slice %arg9[%dma_wait3A_447, %dma_wait3A_448] : memref<10384x128xf32, #tpu.memory_space<vmem_shared>> -> memref<10384x128xf32, #tpu.memory_space<vmem_shared>>
        tpu.wait_indirect_dma semaphore(%arg13 : memref<!tpu.dma_semaphore, #tpu.memory_space<semaphore_mem>>) src(%dma_wait3A_443 : memref<128x128xf32, #tpu.memory_space<vmem>>) dst(%dma_wait3A_449 : memref<10384x128xf32, #tpu.memory_space<vmem_shared>>)
        %add3A_450 = arith.constant 2 : i32
        %add3A_451 = arith.addi %add3A_362, %add3A_450 : i32
        %dma_start3A_452 = arith.constant 1 : i32
        %dma_start3A_453 = arith.constant 0 : i32
        %dma_start3A_454 = arith.constant 0 : i32
        %dma_start3A_455 = tpu.memref_slice %arg7[%dma_start3A_452, %dma_start3A_453, %dma_start3A_454] : memref<2x128x128xf32, #tpu.memory_space<vmem>> -> memref<1x128x128xf32, #tpu.memory_space<vmem>>
        %dma_start3A_456 = tpu.memref_squeeze %dma_start3A_455 : memref<1x128x128xf32, #tpu.memory_space<vmem>> -> memref<128x128xf32, #tpu.memory_space<vmem>>
        %dma_start3A_457 = arith.constant 0 : i32
        %dma_start3A_458 = tpu.memref_slice %arg5[%add3A_451, %dma_start3A_457] : memref<40x128xi32, #tpu.memory_space<vmem>> -> memref<1x128xi32, #tpu.memory_space<vmem>>
        %dma_start3A_459 = tpu.memref_squeeze %dma_start3A_458 : memref<1x128xi32, #tpu.memory_space<vmem>> -> memref<128xi32, #tpu.memory_space<vmem>>
        %dma_start3A_460 = arith.constant 0 : i32
        %dma_start3A_461 = arith.constant 0 : i32
        %dma_start3A_462 = tpu.memref_slice %arg2[%dma_start3A_460, %dma_start3A_461] : memref<10000x128xf32, #tpu.memory_space<hbm>> -> memref<10000x128xf32, #tpu.memory_space<hbm>>
        tpu.enqueue_indirect_dma source(%dma_start3A_462 : memref<10000x128xf32, #tpu.memory_space<hbm>>) target(%dma_start3A_456 : memref<128x128xf32, #tpu.memory_space<vmem>>) offsets(%dma_start3A_459 : memref<128xi32, #tpu.memory_space<vmem>>) semaphore(%arg11 : memref<!tpu.dma_semaphore, #tpu.memory_space<semaphore_mem>>)
      } else {
      }
    }
    %scan3A_325 = arith.constant 20 : i32
    %dma_wait3A_326 = arith.constant 0 : i32
    %dma_wait3A_327 = arith.constant 0 : i32
    %dma_wait3A_328 = arith.constant 0 : i32
    %dma_wait3A_329 = arith.constant 0 : i32
    %dma_wait3A_330 = tpu.memref_slice %arg7[%dma_wait3A_326, %dma_wait3A_328, %dma_wait3A_329] : memref<2x128x128xf32, #tpu.memory_space<vmem>> -> memref<1x128x128xf32, #tpu.memory_space<vmem>>
    %dma_wait3A_331 = tpu.memref_squeeze %dma_wait3A_330 : memref<1x128x128xf32, #tpu.memory_space<vmem>> -> memref<128x128xf32, #tpu.memory_space<vmem>>
    %dma_wait3A_332 = arith.constant 0 : i32
    %dma_wait3A_333 = tpu.memref_slice %arg6[%dma_wait3A_327, %dma_wait3A_332] : memref<40x128xi32, #tpu.memory_space<vmem>> -> memref<1x128xi32, #tpu.memory_space<vmem>>
    %dma_wait3A_334 = tpu.memref_squeeze %dma_wait3A_333 : memref<1x128xi32, #tpu.memory_space<vmem>> -> memref<128xi32, #tpu.memory_space<vmem>>
    %dma_wait3A_335 = arith.constant 0 : i32
    %dma_wait3A_336 = arith.constant 0 : i32
    %dma_wait3A_337 = tpu.memref_slice %arg9[%dma_wait3A_335, %dma_wait3A_336] : memref<10384x128xf32, #tpu.memory_space<vmem_shared>> -> memref<10384x128xf32, #tpu.memory_space<vmem_shared>>
    tpu.wait_indirect_dma semaphore(%arg12 : memref<!tpu.dma_semaphore, #tpu.memory_space<semaphore_mem>>) src(%dma_wait3A_331 : memref<128x128xf32, #tpu.memory_space<vmem>>) dst(%dma_wait3A_337 : memref<10384x128xf32, #tpu.memory_space<vmem_shared>>)
    %dma_wait3A_338 = arith.constant 1 : i32
    %dma_wait3A_339 = arith.constant 0 : i32
    %dma_wait3A_340 = arith.constant 0 : i32
    %dma_wait3A_341 = arith.constant 0 : i32
    %dma_wait3A_342 = tpu.memref_slice %arg7[%dma_wait3A_338, %dma_wait3A_340, %dma_wait3A_341] : memref<2x128x128xf32, #tpu.memory_space<vmem>> -> memref<1x128x128xf32, #tpu.memory_space<vmem>>
    %dma_wait3A_343 = tpu.memref_squeeze %dma_wait3A_342 : memref<1x128x128xf32, #tpu.memory_space<vmem>> -> memref<128x128xf32, #tpu.memory_space<vmem>>
    %dma_wait3A_344 = arith.constant 0 : i32
    %dma_wait3A_345 = tpu.memref_slice %arg6[%dma_wait3A_339, %dma_wait3A_344] : memref<40x128xi32, #tpu.memory_space<vmem>> -> memref<1x128xi32, #tpu.memory_space<vmem>>
    %dma_wait3A_346 = tpu.memref_squeeze %dma_wait3A_345 : memref<1x128xi32, #tpu.memory_space<vmem>> -> memref<128xi32, #tpu.memory_space<vmem>>
    %dma_wait3A_347 = arith.constant 0 : i32
    %dma_wait3A_348 = arith.constant 0 : i32
    %dma_wait3A_349 = tpu.memref_slice %arg9[%dma_wait3A_347, %dma_wait3A_348] : memref<10384x128xf32, #tpu.memory_space<vmem_shared>> -> memref<10384x128xf32, #tpu.memory_space<vmem_shared>>
    tpu.wait_indirect_dma semaphore(%arg13 : memref<!tpu.dma_semaphore, #tpu.memory_space<semaphore_mem>>) src(%dma_wait3A_343 : memref<128x128xf32, #tpu.memory_space<vmem>>) dst(%dma_wait3A_349 : memref<10384x128xf32, #tpu.memory_space<vmem_shared>>)
    %barrier3A_350 = arith.constant 0 : index
    tpu.barrier barrier_id(%barrier3A_350)
    %mul3A_351 = arith.constant 624 : i32
    %mul3A_352 = arith.muli %arg1, %mul3A_351 : i32
    "tpu.region"() ({
      %run_scoped3A_358 = tpu.sem_alloc : memref<!tpu.dma_semaphore, #tpu.memory_space<semaphore_mem>>
      %dma_start3A_359 = arith.constant 0 : i32
      %dma_start3A_360 = tpu.memref_slice %arg4[%arg0, %mul3A_352, %dma_start3A_359] : memref<2x10000x128xf32, #tpu.memory_space<hbm>> -> memref<1x624x128xf32, #tpu.memory_space<hbm>>
      %dma_start3A_361 = tpu.memref_squeeze %dma_start3A_360 : memref<1x624x128xf32, #tpu.memory_space<hbm>> -> memref<624x128xf32, #tpu.memory_space<hbm>>
      %dma_start3A_362 = arith.constant 0 : i32
      %dma_start3A_363 = tpu.memref_slice %arg9[%mul3A_352, %dma_start3A_362] : memref<10384x128xf32, #tpu.memory_space<vmem_shared>> -> memref<624x128xf32, #tpu.memory_space<vmem_shared>>
      tpu.enqueue_dma source(%dma_start3A_363 : memref<624x128xf32, #tpu.memory_space<vmem_shared>>) target(%dma_start3A_361 : memref<624x128xf32, #tpu.memory_space<hbm>>) target_semaphore(%run_scoped3A_358 : memref<!tpu.dma_semaphore, #tpu.memory_space<semaphore_mem>>)
      %dma_wait3A_364 = arith.constant 0 : i32
      %dma_wait3A_365 = tpu.memref_slice %arg4[%arg0, %mul3A_352, %dma_wait3A_364] : memref<2x10000x128xf32, #tpu.memory_space<hbm>> -> memref<1x624x128xf32, #tpu.memory_space<hbm>>
      %dma_wait3A_366 = tpu.memref_squeeze %dma_wait3A_365 : memref<1x624x128xf32, #tpu.memory_space<hbm>> -> memref<624x128xf32, #tpu.memory_space<hbm>>
      %dma_wait3A_367 = arith.constant 0 : i32
      %dma_wait3A_368 = tpu.memref_slice %arg9[%mul3A_352, %dma_wait3A_367] : memref<10384x128xf32, #tpu.memory_space<vmem_shared>> -> memref<624x128xf32, #tpu.memory_space<vmem_shared>>
      tpu.wait_dma2 semaphore(%run_scoped3A_358 : memref<!tpu.dma_semaphore, #tpu.memory_space<semaphore_mem>>) src(%dma_wait3A_368 : memref<624x128xf32, #tpu.memory_space<vmem_shared>>) dst(%dma_wait3A_366 : memref<624x128xf32, #tpu.memory_space<hbm>>)
      tpu.yield
    }) : () -> ()
    %eq3A_353 = arith.constant 15 : i32
    %eq3A_354 = arith.cmpi eq, %arg1, %eq3A_353 : i32
    %convert_element_type3A_355 = arith.extui %eq3A_354 : i1 to i32
    %cond3A_356 = arith.constant 0 : i32
    %cond3A_357 = arith.cmpi ne, %convert_element_type3A_355, %cond3A_356 : i32
    scf.if %cond3A_357 {
      "tpu.region"() ({
        %run_scoped3A_358 = tpu.sem_alloc : memref<!tpu.dma_semaphore, #tpu.memory_space<semaphore_mem>>
        %dma_start3A_359 = arith.constant 9984 : i32
        %dma_start3A_360 = arith.constant 0 : i32
        %dma_start3A_361 = tpu.memref_slice %arg4[%arg0, %dma_start3A_359, %dma_start3A_360] : memref<2x10000x128xf32, #tpu.memory_space<hbm>> -> memref<1x16x128xf32, #tpu.memory_space<hbm>>
        %dma_start3A_362 = tpu.memref_squeeze %dma_start3A_361 : memref<1x16x128xf32, #tpu.memory_space<hbm>> -> memref<16x128xf32, #tpu.memory_space<hbm>>
        %dma_start3A_363 = arith.constant 9984 : i32
        %dma_start3A_364 = arith.constant 0 : i32
        %dma_start3A_365 = tpu.memref_slice %arg9[%dma_start3A_363, %dma_start3A_364] : memref<10384x128xf32, #tpu.memory_space<vmem_shared>> -> memref<16x128xf32, #tpu.memory_space<vmem_shared>>
        tpu.enqueue_dma source(%dma_start3A_365 : memref<16x128xf32, #tpu.memory_space<vmem_shared>>) target(%dma_start3A_362 : memref<16x128xf32, #tpu.memory_space<hbm>>) target_semaphore(%run_scoped3A_358 : memref<!tpu.dma_semaphore, #tpu.memory_space<semaphore_mem>>)
        %dma_wait3A_366 = arith.constant 9984 : i32
        %dma_wait3A_367 = arith.constant 0 : i32
        %dma_wait3A_368 = tpu.memref_slice %arg4[%arg0, %dma_wait3A_366, %dma_wait3A_367] : memref<2x10000x128xf32, #tpu.memory_space<hbm>> -> memref<1x16x128xf32, #tpu.memory_space<hbm>>
        %dma_wait3A_369 = tpu.memref_squeeze %dma_wait3A_368 : memref<1x16x128xf32, #tpu.memory_space<hbm>> -> memref<16x128xf32, #tpu.memory_space<hbm>>
        %dma_wait3A_370 = arith.constant 9984 : i32
        %dma_wait3A_371 = arith.constant 0 : i32
        %dma_wait3A_372 = tpu.memref_slice %arg9[%dma_wait3A_370, %dma_wait3A_371] : memref<10384x128xf32, #tpu.memory_space<vmem_shared>> -> memref<16x128xf32, #tpu.memory_space<vmem_shared>>
        tpu.wait_dma2 semaphore(%run_scoped3A_358 : memref<!tpu.dma_semaphore, #tpu.memory_space<semaphore_mem>>) src(%dma_wait3A_372 : memref<16x128xf32, #tpu.memory_space<vmem_shared>>) dst(%dma_wait3A_369 : memref<16x128xf32, #tpu.memory_space<hbm>>)
        tpu.yield
      }) : () -> ()
    } else {
    }
    return
  }
}

module attributes {stable_mosaic.version = 14 : i64} {
  func.func @_mm_scale_body(%arg0: i32, %arg1: memref<1000x128xf32, #tpu.memory_space<vmem>>, %arg2: memref<128x128xf32, #tpu.memory_space<vmem>>, %arg3: memref<2x1000x1xf32, #tpu.memory_space<vmem>>, %arg4: memref<1000x128xf32, #tpu.memory_space<vmem>>) attributes {dimension_semantics = [#tpu.dimension_semantics<arbitrary>], iteration_bounds = array<i64: 10>, scalar_prefetch = 0 : i64, scratch_operands = 0 : i64, tpu.core_type = #tpu.core_type<tc>, window_params = [{transform_indices = @transform_0, window_bounds = array<i64: 1000, 128>}, {pipeline_mode = #tpu.pipeline_mode<synchronous>, transform_indices = @transform_1, window_bounds = array<i64: 128, 128>}, {transform_indices = @transform_2, window_bounds = array<i64: 2, 1000, 1>}, {transform_indices = @transform_3, window_bounds = array<i64: 1000, 128>}]} {
    %get3A = arith.constant 0 : index
    %get3A_0 = arith.constant 0 : index
    %get3A_1 = arith.constant 0 : index
    %get3A_2 = vector.load %arg3[%get3A, %get3A_0, %get3A_1] : memref<2x1000x1xf32, #tpu.memory_space<vmem>>, vector<2x1000x1xf32>
    %slice3A = vector.extract_strided_slice %get3A_2 {offsets = [0, 0, 0], sizes = [1, 1000, 1], strides = [1, 1, 1]} : vector<2x1000x1xf32> to vector<1x1000x1xf32>
    %squeeze3A = vector.shape_cast %slice3A : vector<1x1000x1xf32> to vector<1000x1xf32>
    %slice3A_3 = vector.extract_strided_slice %get3A_2 {offsets = [1, 0, 0], sizes = [1, 1000, 1], strides = [1, 1, 1]} : vector<2x1000x1xf32> to vector<1x1000x1xf32>
    %squeeze3A_4 = vector.shape_cast %slice3A_3 : vector<1x1000x1xf32> to vector<1000x1xf32>
    %add3A = arith.addf %squeeze3A, %squeeze3A_4 : vector<1000x1xf32>
    %add3A_5 = arith.constant 1.000000e+00 : f32
    %add3A_6 = vector.broadcast %add3A_5 : f32 to vector<1000x1xf32>
    %add3A_7 = arith.addf %add3A, %add3A_6 : vector<1000x1xf32>
    %rsqrt3A = math.rsqrt %add3A_7 : vector<1000x1xf32>
    %get3A_8 = arith.constant 0 : index
    %get3A_9 = arith.constant 0 : index
    %get3A_10 = vector.load %arg1[%get3A_8, %get3A_9] : memref<1000x128xf32, #tpu.memory_space<vmem>>, vector<1000x128xf32>
    %get3A_11 = arith.constant 0 : index
    %get3A_12 = arith.constant 0 : index
    %get3A_13 = vector.load %arg2[%get3A_11, %get3A_12] : memref<128x128xf32, #tpu.memory_space<vmem>>, vector<128x128xf32>
    %dot_general3A = arith.constant dense<0.000000e+00> : vector<1000x128xf32>
    %dot_general3A_14 = tpu.matmul %get3A_10, %get3A_13, %dot_general3A {dimension_numbers = #tpu.dot_dimension_numbers<[1], [0], [0], [1], [0, 0, 1, 1], [], []>, transpose_lhs_hint = false} : vector<1000x128xf32>, vector<128x128xf32>, vector<1000x128xf32> -> vector<1000x128xf32>
    %mul3A = vector.broadcast %rsqrt3A : vector<1000x1xf32> to vector<1000x128xf32>
    %mul3A_15 = arith.mulf %dot_general3A_14, %mul3A : vector<1000x128xf32>
    %swap3A = arith.constant 0 : index
    %swap3A_16 = arith.constant 0 : index
    %swap3A_17 = vector.load %arg4[%swap3A, %swap3A_16] : memref<1000x128xf32, #tpu.memory_space<vmem>>, vector<1000x128xf32>
    tpu.vector_store %arg4[%swap3A, %swap3A_16], %mul3A_15 {strides = array<i32>} : memref<1000x128xf32, #tpu.memory_space<vmem>>, vector<1000x128xf32>,
    return
  }
  func.func @transform_0(%arg0: i32) -> (i32, i32) {
    %c0_i32 = arith.constant 0 : i32
    %c0_i32_0 = arith.constant 0 : i32
    return %arg0, %c0_i32 : i32, i32
  }
  func.func @transform_1(%arg0: i32) -> (i32, i32) {
    %c0_i32 = arith.constant 0 : i32
    %c0_i32_0 = arith.constant 0 : i32
    %c0_i32_1 = arith.constant 0 : i32
    return %c0_i32, %c0_i32_0 : i32, i32
  }
  func.func @transform_2(%arg0: i32) -> (i32, i32, i32) {
    %c0_i32 = arith.constant 0 : i32
    %c0_i32_0 = arith.constant 0 : i32
    %c0_i32_1 = arith.constant 0 : i32
    return %c0_i32, %arg0, %c0_i32_0 : i32, i32, i32
  }
  func.func @transform_3(%arg0: i32) -> (i32, i32) {
    %c0_i32 = arith.constant 0 : i32
    %c0_i32_0 = arith.constant 0 : i32
    return %arg0, %c0_i32 : i32, i32
  }
}

module attributes {stable_mosaic.version = 14 : i64} {
  func.func @_combine_mm_body(%arg0: i32, %arg1: memref<2x1000x128xf32, #tpu.memory_space<vmem>>, %arg2: memref<1000x128xf32, #tpu.memory_space<vmem>>, %arg3: memref<2x1000x1xf32, #tpu.memory_space<vmem>>, %arg4: memref<1x128xf32, #tpu.memory_space<vmem>>, %arg5: memref<128x128xf32, #tpu.memory_space<vmem>>, %arg6: memref<1000x128xf32, #tpu.memory_space<vmem>>) attributes {dimension_semantics = [#tpu.dimension_semantics<arbitrary>], iteration_bounds = array<i64: 10>, scalar_prefetch = 0 : i64, scratch_operands = 0 : i64, tpu.core_type = #tpu.core_type<tc>, window_params = [{transform_indices = @transform_0, window_bounds = array<i64: 2, 1000, 128>}, {transform_indices = @transform_1, window_bounds = array<i64: 1000, 128>}, {transform_indices = @transform_2, window_bounds = array<i64: 2, 1000, 1>}, {pipeline_mode = #tpu.pipeline_mode<synchronous>, transform_indices = @transform_3, window_bounds = array<i64: 1, 128>}, {pipeline_mode = #tpu.pipeline_mode<synchronous>, transform_indices = @transform_4, window_bounds = array<i64: 128, 128>}, {transform_indices = @transform_5, window_bounds = array<i64: 1000, 128>}]} {
    %get3A = arith.constant 0 : index
    %get3A_0 = arith.constant 0 : index
    %get3A_1 = arith.constant 0 : index
    %get3A_2 = vector.load %arg3[%get3A, %get3A_0, %get3A_1] : memref<2x1000x1xf32, #tpu.memory_space<vmem>>, vector<2x1000x1xf32>
    %slice3A = vector.extract_strided_slice %get3A_2 {offsets = [0, 0, 0], sizes = [1, 1000, 1], strides = [1, 1, 1]} : vector<2x1000x1xf32> to vector<1x1000x1xf32>
    %squeeze3A = vector.shape_cast %slice3A : vector<1x1000x1xf32> to vector<1000x1xf32>
    %slice3A_3 = vector.extract_strided_slice %get3A_2 {offsets = [1, 0, 0], sizes = [1, 1000, 1], strides = [1, 1, 1]} : vector<2x1000x1xf32> to vector<1x1000x1xf32>
    %squeeze3A_4 = vector.shape_cast %slice3A_3 : vector<1x1000x1xf32> to vector<1000x1xf32>
    %add3A = arith.addf %squeeze3A, %squeeze3A_4 : vector<1000x1xf32>
    %add3A_5 = arith.constant 1.000000e+00 : f32
    %add3A_6 = vector.broadcast %add3A_5 : f32 to vector<1000x1xf32>
    %add3A_7 = arith.addf %add3A, %add3A_6 : vector<1000x1xf32>
    %rsqrt3A = math.rsqrt %add3A_7 : vector<1000x1xf32>
    %get3A_8 = arith.constant 0 : index
    %get3A_9 = arith.constant 0 : index
    %get3A_10 = arith.constant 0 : index
    %get3A_11 = vector.load %arg1[%get3A_8, %get3A_9, %get3A_10] : memref<2x1000x128xf32, #tpu.memory_space<vmem>>, vector<2x1000x128xf32>
    %slice3A_12 = vector.extract_strided_slice %get3A_11 {offsets = [0, 0, 0], sizes = [1, 1000, 128], strides = [1, 1, 1]} : vector<2x1000x128xf32> to vector<1x1000x128xf32>
    %squeeze3A_13 = vector.shape_cast %slice3A_12 : vector<1x1000x128xf32> to vector<1000x128xf32>
    %slice3A_14 = vector.extract_strided_slice %get3A_11 {offsets = [1, 0, 0], sizes = [1, 1000, 128], strides = [1, 1, 1]} : vector<2x1000x128xf32> to vector<1x1000x128xf32>
    %squeeze3A_15 = vector.shape_cast %slice3A_14 : vector<1x1000x128xf32> to vector<1000x128xf32>
    %add3A_16 = arith.addf %squeeze3A_13, %squeeze3A_15 : vector<1000x128xf32>
    %get3A_17 = arith.constant 0 : index
    %get3A_18 = arith.constant 0 : index
    %get3A_19 = vector.load %arg2[%get3A_17, %get3A_18] : memref<1000x128xf32, #tpu.memory_space<vmem>>, vector<1000x128xf32>
    %add3A_20 = arith.addf %add3A_16, %get3A_19 : vector<1000x128xf32>
    %mul3A = vector.broadcast %rsqrt3A : vector<1000x1xf32> to vector<1000x128xf32>
    %mul3A_21 = arith.mulf %add3A_20, %mul3A : vector<1000x128xf32>
    %get3A_22 = arith.constant 0 : index
    %get3A_23 = arith.constant 0 : index
    %get3A_24 = vector.load %arg4[%get3A_22, %get3A_23] : memref<1x128xf32, #tpu.memory_space<vmem>>, vector<1x128xf32>
    %add3A_25 = vector.broadcast %get3A_24 : vector<1x128xf32> to vector<1000x128xf32>
    %add3A_26 = arith.addf %mul3A_21, %add3A_25 : vector<1000x128xf32>
    %max3A = arith.constant 0.000000e+00 : f32
    %max3A_27 = vector.broadcast %max3A : f32 to vector<1000x128xf32>
    %max3A_28 = arith.maximumf %add3A_26, %max3A_27 : vector<1000x128xf32>
    %get3A_29 = arith.constant 0 : index
    %get3A_30 = arith.constant 0 : index
    %get3A_31 = vector.load %arg5[%get3A_29, %get3A_30] : memref<128x128xf32, #tpu.memory_space<vmem>>, vector<128x128xf32>
    %dot_general3A = arith.constant dense<0.000000e+00> : vector<1000x128xf32>
    %dot_general3A_32 = tpu.matmul %max3A_28, %get3A_31, %dot_general3A {dimension_numbers = #tpu.dot_dimension_numbers<[1], [0], [0], [1], [0, 0, 1, 1], [], []>, transpose_lhs_hint = false} : vector<1000x128xf32>, vector<128x128xf32>, vector<1000x128xf32> -> vector<1000x128xf32>
    %mul3A_33 = vector.broadcast %rsqrt3A : vector<1000x1xf32> to vector<1000x128xf32>
    %mul3A_34 = arith.mulf %dot_general3A_32, %mul3A_33 : vector<1000x128xf32>
    %swap3A = arith.constant 0 : index
    %swap3A_35 = arith.constant 0 : index
    %swap3A_36 = vector.load %arg6[%swap3A, %swap3A_35] : memref<1000x128xf32, #tpu.memory_space<vmem>>, vector<1000x128xf32>
    tpu.vector_store %arg6[%swap3A, %swap3A_35], %mul3A_34 {strides = array<i32>} : memref<1000x128xf32, #tpu.memory_space<vmem>>, vector<1000x128xf32>,
    return
  }
  func.func @transform_0(%arg0: i32) -> (i32, i32, i32) {
    %c0_i32 = arith.constant 0 : i32
    %c0_i32_0 = arith.constant 0 : i32
    %c0_i32_1 = arith.constant 0 : i32
    return %c0_i32, %arg0, %c0_i32_0 : i32, i32, i32
  }
  func.func @transform_1(%arg0: i32) -> (i32, i32) {
    %c0_i32 = arith.constant 0 : i32
    %c0_i32_0 = arith.constant 0 : i32
    return %arg0, %c0_i32 : i32, i32
  }
  func.func @transform_2(%arg0: i32) -> (i32, i32, i32) {
    %c0_i32 = arith.constant 0 : i32
    %c0_i32_0 = arith.constant 0 : i32
    %c0_i32_1 = arith.constant 0 : i32
    return %c0_i32, %arg0, %c0_i32_0 : i32, i32, i32
  }
  func.func @transform_3(%arg0: i32) -> (i32, i32) {
    %c0_i32 = arith.constant 0 : i32
    %c0_i32_0 = arith.constant 0 : i32
    %c0_i32_1 = arith.constant 0 : i32
    return %c0_i32, %c0_i32_0 : i32, i32
  }
  func.func @transform_4(%arg0: i32) -> (i32, i32) {
    %c0_i32 = arith.constant 0 : i32
    %c0_i32_0 = arith.constant 0 : i32
    %c0_i32_1 = arith.constant 0 : i32
    return %c0_i32, %c0_i32_0 : i32, i32
  }
  func.func @transform_5(%arg0: i32) -> (i32, i32) {
    %c0_i32 = arith.constant 0 : i32
    %c0_i32_0 = arith.constant 0 : i32
    return %arg0, %c0_i32 : i32, i32
  }
}

module attributes {stable_mosaic.version = 14 : i64} {
  func.func @_final_body(%arg0: i32, %arg1: memref<2x1000x128xf32, #tpu.memory_space<vmem>>, %arg2: memref<1000x128xf32, #tpu.memory_space<vmem>>, %arg3: memref<2x1000x1xf32, #tpu.memory_space<vmem>>, %arg4: memref<1x128xf32, #tpu.memory_space<vmem>>, %arg5: memref<1000x1xi32, #tpu.memory_space<vmem>>, %arg6: memref<64x128xf32, #tpu.memory_space<vmem>>) attributes {dimension_semantics = [#tpu.dimension_semantics<arbitrary>], iteration_bounds = array<i64: 10>, scalar_prefetch = 0 : i64, scratch_operands = 0 : i64, tpu.core_type = #tpu.core_type<tc>, window_params = [{transform_indices = @transform_0, window_bounds = array<i64: 2, 1000, 128>}, {transform_indices = @transform_1, window_bounds = array<i64: 1000, 128>}, {transform_indices = @transform_2, window_bounds = array<i64: 2, 1000, 1>}, {pipeline_mode = #tpu.pipeline_mode<synchronous>, transform_indices = @transform_3, window_bounds = array<i64: 1, 128>}, {transform_indices = @transform_4, window_bounds = array<i64: 1000, 1>}, {pipeline_mode = #tpu.pipeline_mode<synchronous>, transform_indices = @transform_5, window_bounds = array<i64: 64, 128>}]} {
    %eq3A = arith.constant 0 : i32
    %eq3A_0 = arith.cmpi eq, %arg0, %eq3A : i32
    %convert_element_type3A = arith.extui %eq3A_0 : i1 to i32
    %cond3A = arith.constant 0 : i32
    %cond3A_1 = arith.cmpi ne, %convert_element_type3A, %cond3A : i32
    scf.if %cond3A_1 {
      %broadcast_in_dim3A = arith.constant 0xFF800000 : f32
      %broadcast_in_dim3A_50 = vector.broadcast %broadcast_in_dim3A : f32 to vector<64x128xf32>
      %swap3A = arith.constant 0 : index
      %swap3A_51 = arith.constant 0 : index
      %swap3A_52 = vector.load %arg6[%swap3A, %swap3A_51] : memref<64x128xf32, #tpu.memory_space<vmem>>, vector<64x128xf32>
      tpu.vector_store %arg6[%swap3A, %swap3A_51], %broadcast_in_dim3A_50 {strides = array<i32>} : memref<64x128xf32, #tpu.memory_space<vmem>>, vector<64x128xf32>,
    } else {
    }
    %get3A = arith.constant 0 : index
    %get3A_2 = arith.constant 0 : index
    %get3A_3 = arith.constant 0 : index
    %get3A_4 = vector.load %arg3[%get3A, %get3A_2, %get3A_3] : memref<2x1000x1xf32, #tpu.memory_space<vmem>>, vector<2x1000x1xf32>
    %slice3A = vector.extract_strided_slice %get3A_4 {offsets = [0, 0, 0], sizes = [1, 1000, 1], strides = [1, 1, 1]} : vector<2x1000x1xf32> to vector<1x1000x1xf32>
    %squeeze3A = vector.shape_cast %slice3A : vector<1x1000x1xf32> to vector<1000x1xf32>
    %slice3A_5 = vector.extract_strided_slice %get3A_4 {offsets = [1, 0, 0], sizes = [1, 1000, 1], strides = [1, 1, 1]} : vector<2x1000x1xf32> to vector<1x1000x1xf32>
    %squeeze3A_6 = vector.shape_cast %slice3A_5 : vector<1x1000x1xf32> to vector<1000x1xf32>
    %add3A = arith.addf %squeeze3A, %squeeze3A_6 : vector<1000x1xf32>
    %add3A_7 = arith.constant 1.000000e+00 : f32
    %add3A_8 = vector.broadcast %add3A_7 : f32 to vector<1000x1xf32>
    %add3A_9 = arith.addf %add3A, %add3A_8 : vector<1000x1xf32>
    %rsqrt3A = math.rsqrt %add3A_9 : vector<1000x1xf32>
    %get3A_10 = arith.constant 0 : index
    %get3A_11 = arith.constant 0 : index
    %get3A_12 = arith.constant 0 : index
    %get3A_13 = vector.load %arg1[%get3A_10, %get3A_11, %get3A_12] : memref<2x1000x128xf32, #tpu.memory_space<vmem>>, vector<2x1000x128xf32>
    %slice3A_14 = vector.extract_strided_slice %get3A_13 {offsets = [0, 0, 0], sizes = [1, 1000, 128], strides = [1, 1, 1]} : vector<2x1000x128xf32> to vector<1x1000x128xf32>
    %squeeze3A_15 = vector.shape_cast %slice3A_14 : vector<1x1000x128xf32> to vector<1000x128xf32>
    %slice3A_16 = vector.extract_strided_slice %get3A_13 {offsets = [1, 0, 0], sizes = [1, 1000, 128], strides = [1, 1, 1]} : vector<2x1000x128xf32> to vector<1x1000x128xf32>
    %squeeze3A_17 = vector.shape_cast %slice3A_16 : vector<1x1000x128xf32> to vector<1000x128xf32>
    %add3A_18 = arith.addf %squeeze3A_15, %squeeze3A_17 : vector<1000x128xf32>
    %get3A_19 = arith.constant 0 : index
    %get3A_20 = arith.constant 0 : index
    %get3A_21 = vector.load %arg2[%get3A_19, %get3A_20] : memref<1000x128xf32, #tpu.memory_space<vmem>>, vector<1000x128xf32>
    %add3A_22 = arith.addf %add3A_18, %get3A_21 : vector<1000x128xf32>
    %mul3A = vector.broadcast %rsqrt3A : vector<1000x1xf32> to vector<1000x128xf32>
    %mul3A_23 = arith.mulf %add3A_22, %mul3A : vector<1000x128xf32>
    %get3A_24 = arith.constant 0 : index
    %get3A_25 = arith.constant 0 : index
    %get3A_26 = vector.load %arg4[%get3A_24, %get3A_25] : memref<1x128xf32, #tpu.memory_space<vmem>>, vector<1x128xf32>
    %add3A_27 = vector.broadcast %get3A_26 : vector<1x128xf32> to vector<1000x128xf32>
    %add3A_28 = arith.addf %mul3A_23, %add3A_27 : vector<1000x128xf32>
    %get3A_29 = arith.constant 0 : index
    %get3A_30 = arith.constant 0 : index
    %get3A_31 = vector.load %arg5[%get3A_29, %get3A_30] : memref<1000x1xi32, #tpu.memory_space<vmem>>, vector<1000x1xi32>
    %reduce_min3A = vector.shape_cast %get3A_31 : vector<1000x1xi32> to vector<1x1000x1xi32>
    %reduce_min3A_32 = arith.constant dense<2147483647> : vector<1xi32>
    %reduce_min3A_33 = vector.multi_reduction <minsi>, %reduce_min3A, %reduce_min3A_32 [1, 2] : vector<1x1000x1xi32> to vector<1xi32>
    %reduce_min3A_34 = vector.shape_cast %reduce_min3A_33 : vector<1xi32> to vector<1x1x1xi32>
    %reduce_min3A_35 = vector.extract %reduce_min3A_34[0, 0, 0] : i32 from vector<1x1x1xi32>
    %reduce_max3A = vector.shape_cast %get3A_31 : vector<1000x1xi32> to vector<1x1000x1xi32>
    %reduce_max3A_36 = arith.constant dense<-2147483648> : vector<1xi32>
    %reduce_max3A_37 = vector.multi_reduction <maxsi>, %reduce_max3A, %reduce_max3A_36 [1, 2] : vector<1x1000x1xi32> to vector<1xi32>
    %reduce_max3A_38 = vector.shape_cast %reduce_max3A_37 : vector<1xi32> to vector<1x1x1xi32>
    %reduce_max3A_39 = vector.extract %reduce_max3A_38[0, 0, 0] : i32 from vector<1x1x1xi32>
    %add3A_40 = arith.constant 1 : i32
    %add3A_41 = arith.addi %reduce_max3A_39, %add3A_40 : i32
    %while3A = arith.constant 0 : i32
    %while3A_42 = arith.subi %add3A_41, %reduce_min3A_35 : i32
    %while3A_43 = arith.addi %reduce_min3A_35, %while3A_42 : i32
    %while3A_44 = arith.constant 1 : i32
    %while3A_45 = arith.divsi %while3A_42, %while3A_44 : i32
    %while3A_46 = arith.muli %while3A_45, %while3A_44 : i32
    %while3A_47 = arith.addi %reduce_min3A_35, %while3A_46 : i32
    %while3A_48 = arith.constant 1 : i32
    scf.for %while3A_50 = %reduce_min3A_35 to %while3A_47 step %while3A_48  : i32 {
      %eq3A_51 = vector.broadcast %while3A_50 : i32 to vector<1000x1xi32>
      %eq3A_52 = arith.cmpi eq, %get3A_31, %eq3A_51 : vector<1000x1xi32>
      %jit3A = arith.constant 0xFF800000 : f32
      %broadcast_in_dim3A = vector.shape_cast %eq3A_52 : vector<1000x1xi1> to vector<1000x1xi1>
      %broadcast_in_dim3A_53 = vector.broadcast %broadcast_in_dim3A : vector<1000x1xi1> to vector<1000x128xi1>
      %broadcast_in_dim3A_54 = vector.broadcast %jit3A : f32 to vector<1000x128xf32>
      %select_n3A = arith.select %broadcast_in_dim3A_53, %add3A_28, %broadcast_in_dim3A_54 : vector<1000x128xi1>, vector<1000x128xf32>
      %reduce_max3A_55 = arith.constant dense<0xFF800000> : vector<128xf32>
      %reduce_max3A_56 = vector.multi_reduction <maximumf>, %select_n3A, %reduce_max3A_55 [0] : vector<1000x128xf32> to vector<128xf32>
      %broadcast_in_dim3A_57 = vector.shape_cast %reduce_max3A_56 : vector<128xf32> to vector<1x128xf32>
      %get3A_58 = arith.index_cast %while3A_50 : i32 to index
      %get3A_59 = arith.constant 0 : index
      %get3A_60 = vector.load %arg6[%get3A_58, %get3A_59] : memref<64x128xf32, #tpu.memory_space<vmem>>, vector<1x128xf32>
      %max3A = arith.maximumf %get3A_60, %broadcast_in_dim3A_57 : vector<1x128xf32>
      %swap3A = arith.index_cast %while3A_50 : i32 to index
      %swap3A_61 = arith.constant 0 : index
      %swap3A_62 = vector.load %arg6[%swap3A, %swap3A_61] : memref<64x128xf32, #tpu.memory_space<vmem>>, vector<1x128xf32>
      tpu.vector_store %arg6[%swap3A, %swap3A_61], %max3A {strides = array<i32>} : memref<64x128xf32, #tpu.memory_space<vmem>>, vector<1x128xf32>,
    }
    %while3A_49 = arith.constant 1 : i32
    scf.for %while3A_50 = %while3A_47 to %while3A_43 step %while3A_49  : i32 {
      %eq3A_51 = vector.broadcast %while3A_50 : i32 to vector<1000x1xi32>
      %eq3A_52 = arith.cmpi eq, %get3A_31, %eq3A_51 : vector<1000x1xi32>
      %jit3A = arith.constant 0xFF800000 : f32
      %broadcast_in_dim3A = vector.shape_cast %eq3A_52 : vector<1000x1xi1> to vector<1000x1xi1>
      %broadcast_in_dim3A_53 = vector.broadcast %broadcast_in_dim3A : vector<1000x1xi1> to vector<1000x128xi1>
      %broadcast_in_dim3A_54 = vector.broadcast %jit3A : f32 to vector<1000x128xf32>
      %select_n3A = arith.select %broadcast_in_dim3A_53, %add3A_28, %broadcast_in_dim3A_54 : vector<1000x128xi1>, vector<1000x128xf32>
      %reduce_max3A_55 = arith.constant dense<0xFF800000> : vector<128xf32>
      %reduce_max3A_56 = vector.multi_reduction <maximumf>, %select_n3A, %reduce_max3A_55 [0] : vector<1000x128xf32> to vector<128xf32>
      %broadcast_in_dim3A_57 = vector.shape_cast %reduce_max3A_56 : vector<128xf32> to vector<1x128xf32>
      %get3A_58 = arith.index_cast %while3A_50 : i32 to index
      %get3A_59 = arith.constant 0 : index
      %get3A_60 = vector.load %arg6[%get3A_58, %get3A_59] : memref<64x128xf32, #tpu.memory_space<vmem>>, vector<1x128xf32>
      %max3A = arith.maximumf %get3A_60, %broadcast_in_dim3A_57 : vector<1x128xf32>
      %swap3A = arith.index_cast %while3A_50 : i32 to index
      %swap3A_61 = arith.constant 0 : index
      %swap3A_62 = vector.load %arg6[%swap3A, %swap3A_61] : memref<64x128xf32, #tpu.memory_space<vmem>>, vector<1x128xf32>
      tpu.vector_store %arg6[%swap3A, %swap3A_61], %max3A {strides = array<i32>} : memref<64x128xf32, #tpu.memory_space<vmem>>, vector<1x128xf32>,
    }
    return
  }
  func.func @transform_0(%arg0: i32) -> (i32, i32, i32) {
    %c0_i32 = arith.constant 0 : i32
    %c0_i32_0 = arith.constant 0 : i32
    %c0_i32_1 = arith.constant 0 : i32
    return %c0_i32, %arg0, %c0_i32_0 : i32, i32, i32
  }
  func.func @transform_1(%arg0: i32) -> (i32, i32) {
    %c0_i32 = arith.constant 0 : i32
    %c0_i32_0 = arith.constant 0 : i32
    return %arg0, %c0_i32 : i32, i32
  }
  func.func @transform_2(%arg0: i32) -> (i32, i32, i32) {
    %c0_i32 = arith.constant 0 : i32
    %c0_i32_0 = arith.constant 0 : i32
    %c0_i32_1 = arith.constant 0 : i32
    return %c0_i32, %arg0, %c0_i32_0 : i32, i32, i32
  }
  func.func @transform_3(%arg0: i32) -> (i32, i32) {
    %c0_i32 = arith.constant 0 : i32
    %c0_i32_0 = arith.constant 0 : i32
    %c0_i32_1 = arith.constant 0 : i32
    return %c0_i32, %c0_i32_0 : i32, i32
  }
  func.func @transform_4(%arg0: i32) -> (i32, i32) {
    %c0_i32 = arith.constant 0 : i32
    %c0_i32_0 = arith.constant 0 : i32
    return %arg0, %c0_i32 : i32, i32
  }
  func.func @transform_5(%arg0: i32) -> (i32, i32) {
    %c0_i32 = arith.constant 0 : i32
    %c0_i32_0 = arith.constant 0 : i32
    %c0_i32_1 = arith.constant 0 : i32
    return %c0_i32, %c0_i32_0 : i32, i32
  }
}

</mosaic_0001>

<sc_bundles>
// kernel: kernel.11.cloned.1.call-start
scs
__scs_entry_jumppad:
0x0: {  	(pc) =	sbr.rel $0x88, $3  }
0x1: {  	(tag) =	ssettag $0x0;
	lr =	simm.s32 $0x1  }
0x2: {  	[smem:$0x3F9A] =	sst lr;
	_ =	strace $0xD0000000  }
0x3: {  	_ = 	snop  }
0x4: {  	_ = 	snop  }
0x5: {  	_ = 	snop  }
0x6: {  	_ = 	snop  }
0x7: {  	_ = 	snop  }
__scs_overlays_trampoline_lowered:
0x8: {  	[smem:$0x3FA9] =	sst s0  }
0x9: {  	[smem:$0x3FAA] =	sst s1  }
0xa: {  	[smem:$0x3FAB] =	sst s2  }
0xb: {  	[smem:$0x3FAC] =	sst s3  }
0xc: {  	[smem:$0x3FAD] =	sst s4  }
0xd: {  	[smem:$0x3FAE] =	sst s5  }
0xe: {  	[smem:$0x3FAF] =	sst s6  }
0xf: {  	[smem:$0x3FB0] =	sst s7  }
0x10: {  	[smem:$0x3FB1] =	sst s8  }
0x11: {  	[smem:$0x3FB2] =	sst s9;
	s0 =	simm.s32 @!p0 $0x0  }
0x12: {  	s1 =	sld [smem:$0x3F98];
	s0 =	simm.s32 @p0 $0x1  }
0x13: {  	[smem:$0x3FB3] =	sst s0;
	s0 =	simm.s32 @!p1 $0x0  }
0x14: {  	s2 =	sld [smem:$0x3F97];
	s0 =	simm.s32 @p1 $0x1  }
0x15: {  	[smem:$0x3FB4] =	sst s0;
	s0 =	simm.s32 @!p2 $0x0  }
0x16: {  	s3 =	sld [smem:$0x3FDB];
	s0 =	simm.s32 @p2 $0x1  }
0x17: {  	s4 =	simm.s32 $0x1BF5;
	[smem:$0x3FB6] =	sst s0  }
0x18: {  	s0 =	sld [smem:$0x3F99];
	_ =	swait.ge [sflag:s4], $0x0  }
0x19: {  	s7 =	sld [smem:$0x3F9A]  }
0x1a: {  	s8 =	sadd.s32 $0xFFFFE003, lr  }
0x1b: {  	s9 =	sadd.s32 $0xFFFFFEF7, lr;
	s5 =	simm.s32 $0xFFFFFFFF;
	p2 =	slt.u32 s8, $0xFFFFF086  }
0x1c: {  	p1 =	slt.u32 s9, $0xF7A;
	s5 =	simm.s32 @!p2 $0x0  }
0x1d: {  	s5 =	simm.s32 @p1 $0x1;
	p0 =	seq.s32 s7, s2  }
0x1e: {  	s7 =	smul.u32 @!p0 $0xF7A, s2;
	p2 =	seq.s32 @!p0 s5, $0x0  }
0x1f: {  	s9 =	smul.u32 $0xF7A, s1;
	s8 =	simm.s32 @!p0 $0x1BF5;
	p2 =	por !p2, p0  }
0x20: {  	[sflag:s8] =	ssyncset.s32 @!p0 $0xFFFFF086;
	s6 =	sadd.s32 @!p0 s3, s7;
	s7 =	simm.s32 @!p0 $0x108  }
0x21: {  	s3 =	sadd.s32 s3, s9;
	s6 =	sadd.s32 @!p0 $0x88, s6;
	s7 =	simm.s32 @p2 $0x1082  }
0x22: {  	[simem:s7], [sflag:s8] =	dma.local @!p0 [hbm:s6], $0xF7A  }
0x23: {  	s9 =	sor.u32 $0xD0000000, s2;
	s6 =	simm.s32 $0x108;
	_ =	swait.ge @!p0 [sflag:s8], $0x0  }
0x24: {  	s3 =	sadd.s32 $0x88, s3;
	s6 =	simm.s32 @!p1 $0x1082;
	[sflag:s4] =	ssyncset.s32 $0xFFFFF086  }
0x25: {  	[simem:s6], [sflag:s4] =	dma.local [hbm:s3], $0xF7A  }
0x26: {  	[smem:$0x3F9A] =	sst s1;
	(tag) =	ssettag s2;
	_ =	strace s9  }
0x27: {  	s1 =	sld [smem:$0x3FAA]  }
0x28: {  	s2 =	sld [smem:$0x3FAB]  }
0x29: {  	s4 =	sld [smem:$0x3FAD]  }
0x2a: {  	p0 =	seq.s32 s5, $0x0;
	s5 =	sld [smem:$0x3FAE]  }
0x2b: {  	s6 =	sld [smem:$0x3FAF]  }
0x2c: {  	s7 =	sld [smem:$0x3FB0]  }
0x2d: {  	s3 =	simm.s32 $0x108;
	s8 =	sld [smem:$0x3FB1]  }
0x2e: {  	s3 =	simm.s32 @!p0 $0x1082;
	s9 =	sld [smem:$0x3FB2]  }
0x2f: {  	lr =	sadd.s32 s0, s3;
	s0 =	sld [smem:$0x3FA9]  }
0x30: {  	s3 =	sld [smem:$0x3FAC]  }
0x31: {  	[smem:$0x3FB5] =	sst s10  }
0x32: {  	s10 =	sld [smem:$0x3FB3];
	_ =	sdelay $0x3  }
0x33: {  	p0 =	seq.s32 s10, $0x1;
	s10 =	sld [smem:$0x3FB5];
	_ =	sdelay $0x3  }
0x34: {  	[smem:$0x3FB5] =	sst s10  }
0x35: {  	s10 =	sld [smem:$0x3FB4];
	_ =	sdelay $0x3  }
0x36: {  	p1 =	seq.s32 s10, $0x1;
	s10 =	sld [smem:$0x3FB5];
	_ =	sdelay $0x3  }
0x37: {  	[smem:$0x3FB5] =	sst s10  }
0x38: {  	s10 =	sld [smem:$0x3FB6]  }
0x39: {  	_ = 	snop;
	(pc) =	sbr.ind lr, $3  }
0x3a: {  	_ = 	snop  }
0x3b: {  	_ = 	snop  }
0x3c: {  	p2 =	seq.s32 s10, $0x1;
	s10 =	sld [smem:$0x3FB5]  }
0x3d: {  	_ =	shalt  }
0x3e: {  	_ =	shalt  }
0x3f: {  	_ =	shalt  }
0x40: {  	_ =	shalt  }
0x41: {  	_ =	shalt  }
0x42: {  	_ =	shalt  }
0x43: {  	_ =	shalt  }
0x44: {  	_ =	shalt  }
0x45: {  	_ =	shalt  }
0x46: {  	_ =	shalt  }
0x47: {  	_ =	shalt  }
0x48: {  	_ =	shalt  }
0x49: {  	_ =	shalt  }
0x4a: {  	_ =	shalt  }
0x4b: {  	_ =	shalt  }
0x4c: {  	_ =	shalt  }
0x4d: {  	_ =	shalt  }
0x4e: {  	_ =	shalt  }
0x4f: {  	_ =	shalt  }
0x50: {  	_ =	shalt  }
0x51: {  	_ =	shalt  }
0x52: {  	_ =	shalt  }
0x53: {  	_ =	shalt  }
0x54: {  	_ =	shalt  }
0x55: {  	_ =	shalt  }
0x56: {  	_ =	shalt  }
0x57: {  	_ =	shalt  }
0x58: {  	_ =	shalt  }
0x59: {  	_ =	shalt  }
0x5a: {  	_ =	shalt  }
0x5b: {  	_ =	shalt  }
0x5c: {  	_ =	shalt  }
0x5d: {  	_ =	shalt  }
0x5e: {  	_ =	shalt  }
0x5f: {  	_ =	shalt  }
0x60: {  	_ =	shalt  }
0x61: {  	_ =	shalt  }
0x62: {  	_ =	shalt  }
0x63: {  	_ =	shalt  }
0x64: {  	_ =	shalt  }
0x65: {  	_ =	shalt  }
0x66: {  	_ =	shalt  }
0x67: {  	_ =	shalt  }
0x68: {  	_ =	shalt  }
0x69: {  	_ =	shalt  }
0x6a: {  	_ =	shalt  }
0x6b: {  	_ =	shalt  }
0x6c: {  	_ =	shalt  }
0x6d: {  	_ =	shalt  }
0x6e: {  	_ =	shalt  }
0x6f: {  	_ =	shalt  }
0x70: {  	_ =	shalt  }
0x71: {  	_ =	shalt  }
0x72: {  	_ =	shalt  }
0x73: {  	_ =	shalt  }
0x74: {  	_ =	shalt  }
0x75: {  	_ =	shalt  }
0x76: {  	_ =	shalt  }
0x77: {  	_ =	shalt  }
0x78: {  	_ =	shalt  }
0x79: {  	_ =	shalt  }
0x7a: {  	_ =	shalt  }
0x7b: {  	_ =	shalt  }
0x7c: {  	_ =	shalt  }
0x7d: {  	_ =	shalt  }
0x7e: {  	_ =	shalt  }
0x7f: {  	_ =	shalt  }
0x80: {  	_ =	shalt  }
0x81: {  	_ =	shalt  }
0x82: {  	_ =	shalt  }
0x83: {  	_ =	shalt  }
0x84: {  	_ =	shalt  }
0x85: {  	_ =	shalt  }
0x86: {  	_ =	shalt  }
0x87: {  	_ =	shalt  }
.Lfunc_end0:
.L_simem_size_0:
called_computation.1_lowered:
.L_overlay_start_0:
0x88: {  	s2 =	sld [smem:$0x3FD9]  }
0x89: {  	s3 =	sld [smem:$0x3FFE];
	_ =	sdelay $0x1  }
0x8a: {  	s1 =	srdreg.scid  }
0x8b: {  	s0 =	sand.u32 $0x1, s1  }
0x8c: {  	s16 =	sshll.u32 s0, $0xA;
	s2 =	sadd.s32 s3, s2  }
0x8d: {  	s2 =	sadd.s32 s2, s16  }
0x8e: {  	[smem:$0x3FC1] =	sst s2  }
0x8f: {  	_ = 	snop  }
0x90: {  	(tm) =	ssettm $0x1  }
0x91: {  	s17 =	sld [smem:$0x3FFB];
	_ =	sdelay $0x3  }
0x92: {  	_ =	strace s17  }
0x93: {  	s2 =	sld [smem:$0x3FFC];
	_ =	sdelay $0x3  }
0x94: {  	_ =	strace s2  }
0x95: {  	s2 =	sld [smem:$0x3FFD];
	_ =	sdelay $0x3  }
0x96: {  	_ =	strace s2  }
0x97: {  	_ =	strace $0x8FFFFFFF  }
0x98: {  	s18 =	sld [smem:$0x3FDB];
	_ =	sdelay $0x1  }
0x99: {  	s19 =	simm.s32 $_scs_section_size  }
0x9a: {  	s4 =	simm.s32 $_size__tile_overlayer_lowered;
	s5 =	simm.s32 $_tile_overlayer_lowered  }
0x9b: {  	s22 =	simm.s32 $0x1BFF;
	s21 =	sshll.u32 s5, $0x1;
	s2 =	sadd.s32 s19, s18  }
0x9c: {  	s6 =	simm.s32 $0x0;
	s20 =	sshll.u32 s4, $0x1;
	s4 =	sadd.s32 s21, s2  }
0x9d: {  	[timem:s6], [sflag:s22] =	dma.local [hbm:s4], s20  }
0x9e: {  	_ =	swait.ge [sflag:s22], s20  }
0x9f: {  	s3 =	ssub.s32 $0x0, s20;
	[sflag:s22] =	ssyncset.done $0x0  }
0xa0: {  	[sflag:s22] =	ssyncadd.s32 s3;
	_ =	sdelay $0x1  }
0xa1: {  	s23 =	simm.s32 $0x1B8B  }
0xa2: {  	_ =	swait.ge [sflag:s23], $0x1  }
0xa3: {  	[sflag:s23] =	ssyncset.done $0x0  }
0xa4: {  	s25 =	simm.s32 $0x1B8E;
	s24 =	sld [smem:$0x3FFE];
	[sflag:s23] =	ssyncadd.s32 $0xFFFFFFFF  }
0xa5: {  	s26 =	simm.s32 $execute0_lowered;
	[smem:$0x3FD2] =	sst s25  }
0xa6: {  	s4 =	sshll.u32 s26, $0x1;
	_ =	strace $0x80000049;
	[dreg:$0x1] =	wrdreg $0xFFFFFFFF  }
0xa7: {  	s28 =	simm.s32 $_size_execute0_lowered;
	s2 =	sadd.s32 s2, s4;
	[dreg:$0x0] =	wrdreg $0x0  }
0xa8: {  	s4 =	sshll.u32 s28, $0x1;
	[dreg:$0x2] =	wrdreg s2  }
0xa9: {  	[dreg:$0x3] =	wrdreg s4  }
0xaa: {  	[dreg:$0x4] =	wrdreg $0xC0  }
0xab: {  	_ =	task [dreg:s6], $0x5FFFF  }
0xac: {  	[dreg:$0x1] =	wrdreg $0xFFFFFFFF  }
0xad: {  	[dreg:$0x0] =	wrdreg $0x60  }
0xae: {  	[dreg:$0x2] =	wrdreg s24  }
0xaf: {  	[dreg:$0x3] =	wrdreg $0xB8000  }
0xb0: {  	[dreg:$0x4] =	wrdreg $0x9  }
0xb1: {  	_ =	task.clear_ibuf [dreg:s6], $0x5FFFF;
	_ =	strace $0x90000049  }
0xb2: {  	s29 =	simm.s32 $0x9;
	_ =	strace $0x8000004B  }
0xb3: {  	_ =	swait.ge [sflag:s29], $0x1  }
0xb4: {  	[sflag:s29] =	ssyncadd.s32 $0xFFFFFFFF  }
0xb5: {  	_ =	strace $0x9000004B  }
0xb6: {  	_ =	sfence  }
0xb7: {  	s30 =	sld [smem:$0x0];
	_ =	sdelay $0x2  }
0xb8: {  	s31 =	sshll.u32 s1, $0xD;
	s1 =	sshrl.u32 s1, $0x2  }
0xb9: {  	s3 =	sand.u32 $0x4000, s31;
	s1 =	sadd.s32 s1, s30  }
0xba: {  	s0 =	sor.u32 s3, s0;
	s1 =	sshll.u32 s1, $0x11  }
0xbb: {  	s0 =	sor.u32 s1, s0  }
0xbc: {  	s0 =	sadd.s32 $0x8F2B, s0  }
0xbd: {  	[sflag:s0] =	ssyncadd.remote.s32 $0x1  }
0xbe: {  	_ =	sfence.sel $0xFFFF  }
0xbf: {  	[dreg:$0x0] =	wrdreg $0xFFFFFFFF;
	(pc) =	sbr.abs _section_cstart, $3  }
0xc0: {  	[dreg:$0x1] =	wrdreg $0xFFFFFFFF  }
0xc1: {  	_ =	task.clear_ibuf [dreg:s6], $0x2FFFF;
	_ =	strace $0x9FFFFFFF  }
0xc2: {  	(tm) =	ssettm $0x7FFFFFFF  }
0xc3: {  	_ =	shalt  }
tec
execute0_lowered:
.L_overlay_start_1:
0x0: {  	(tag) =	ssettag $0x1  }
0x1: {  	s0 =	srdreg.scid  }
0x2: {  	s1 =	rddreg [dreg:$0x0];
	s9 =	stileid.u32  }
0x3: {  	s2 =	rddreg [dreg:$0x1];
	s3 =	simm.s32 $0x0;
	s7 =	smul.u32 $0x4E000, s9  }
0x4: {  	s11 =	simm.s32 $0xA800;
	s0 =	sand.u32 $0x1, s0;
	[smem:$0x7FF] =	sst s3  }
0x5: {  	s21 =	smul.u32 $0x13800, s9;
	p0 =	sne.s32 s9, $0xF;
	s7 =	sshrl.u32 s7, $0x2  }
0x6: {  	s4 =	sshll.u32 s0, $0x4;
	_ =	strace $0x8000004A;
	s7 =	sadd.s32 s7, s2  }
0x7: {  	s6 =	ssub.s32 $0x2, s0;
	s0 =	smul.u32 $0x138800, s0;
	s14 =	sadd.s32 $0x1000, s7  }
0x8: {  	s4 =	sor.u32 s9, s4;
	s15 =	sadd.s32 $0x2000, s7;
	[dreg:$0x5] =	wrdreg s14  }
0x9: {  	s8 =	sshrl.u32 s6, $0x1;
	s16 =	sadd.s32 $0x3000, s7;
	[dreg:$0x6] =	wrdreg s15  }
0xa: {  	s9 =	simm.s32 $0x2800;
	s17 =	sadd.s32 $0x4000, s7;
	[dreg:$0x7] =	wrdreg s16  }
0xb: {  	s4 =	smul.u32 $0x2800, s4;
	s18 =	sadd.s32 $0x5000, s7;
	[dreg:$0x8] =	wrdreg s17  }
0xc: {  	s6 =	ssub.s32 s6, s8;
	s19 =	sadd.s32 $0x6000, s7;
	[dreg:$0x9] =	wrdreg s18  }
0xd: {  	s8 =	sadd.s32 s21, s0;
	s20 =	sadd.s32 $0x7000, s7;
	[dreg:$0xa] =	wrdreg s19  }
0xe: {  	s0 =	sshrl.u32 s0, $0x3;
	s10 =	sadd.s32 $0x8000, s7;
	[dreg:$0xb] =	wrdreg s20  }
0xf: {  	s22 =	sadd.s32 $0x9000, s7;
	s23 =	sadd.s32 $0xA000, s7;
	[dreg:$0xc] =	wrdreg s10  }
0x10: {  	s24 =	sadd.s32 $0xB000, s7;
	s25 =	sadd.s32 $0xC000, s7;
	[dreg:$0xd] =	wrdreg s22  }
0x11: {  	s26 =	sadd.s32 $0xD000, s7;
	s8 =	sshrl.u32 s8, $0x3;
	[dreg:$0xe] =	wrdreg s23  }
0x12: {  	s28 =	sadd.s32 $0xF000, s7;
	s29 =	sadd.s32 $0x10000, s7;
	[dreg:$0xf] =	wrdreg s24  }
0x13: {  	s30 =	sadd.s32 $0x11000, s7;
	s31 =	sadd.s32 $0x12000, s7;
	[dreg:$0x10] =	wrdreg s25  }
0x14: {  	s5 =	sshrl.u32 s4, $0x3;
	s4 =	sadd.s32 $0x64E00, s1;
	[dreg:$0x11] =	wrdreg s26  }
0x15: {  	s25 =	smax.u32 s6, $0x1;
	s26 =	sadd.s32 $0xE000, s7;
	s6 =	simm.s32 $0x1400  }
0x16: {  	s10 =	simm.s32 $0x6800;
	s14 =	simm.s32 $0x2;
	s15 =	simm.s32 $0x4  }
0x17: {  	s16 =	simm.s32 $0x2700;
	s17 =	simm.s32 $0x2780;
	s5 =	sadd.s32 s5, s1  }
0x18: {  	s18 =	simm.s32 $0x0;
	s1 =	sadd.s32 $0x8C000, s1;
	s12 =	sadd.s32 $0x2C00, s5  }
0x19: {  	s13 =	sadd.s32 $0xCC00, s5;
	s8 =	sadd.s32 s1, s8;
	s0 =	sadd.s32 s1, s0  }
0x1a: {  	s22 =	sadd.s32 $0x2E80, s5;
	s23 =	sadd.s32 $0xCE80, s5;
	[dreg:$0x3] =	wrdreg s12  }
0x1b: {  	s1 =	sadd.s32 $0x138000, s2;
	s5 =	simm.s32 $0x5;
	[dreg:$0x4] =	wrdreg s13  }
0x1c: {  	[dreg:$0x12] =	wrdreg s8;
	s24 =	sadd.s32 $0x27000, s0;
	s0 =	sadd.s32 $0x13000, s7  }
0x1d: {  	v0 =	vimm.f32 $0.0e+00;
	s8 =	simm.s32 $0x80;
	s12 =	simm.s32 $0x3;
	s13 =	simm.s32 $0x1  }
.LBB2_1:
0x1e: {  	s19 =	simm.s32 $0x0;
	s20 =	simm.s32 $0x200  }
.LBB2_2:
0x1f: {  	p1 =	sne.s32 s20, $0x3E00;
	[tilespmem:s19+$0xA870] =	vst v0  }
0x20: {  	[tilespmem:s19+$0xA800] =	vst v0  }
0x21: {  	[tilespmem:s19+$0xA810] =	vst v0  }
.Ltmp0:
0x22: {  	[tilespmem:s19+$0xA820] =	vst v0;
	(pc) =	sbr.rel @p1 .LBB2_2-.Ltmp0, $4  }
0x23: {  	[tilespmem:s19+$0xA830] =	vst v0  }
0x24: {  	[tilespmem:s19+$0xA840] =	vst v0  }
0x25: {  	[tilespmem:s19+$0xA850] =	vst v0  }
0x26: {  	[tilespmem:s19+$0xA860] =	vst v0;
	s19 =	sshra.s32 s20, $0x2;
	s20 =	sadd.s32 $0x200, s20  }
0x27: {  	[tilespmem:s19+$0xA870] =	vst v0  }
0x28: {  	[tilespmem:s19+$0xA800] =	vst v0  }
0x29: {  	[tilespmem:s19+$0xA810] =	vst v0  }
0x2a: {  	[tilespmem:s19+$0xA820] =	vst v0  }
0x2b: {  	[tilespmem:s19+$0xA830] =	vst v0  }
0x2c: {  	[tilespmem:s19+$0xA840] =	vst v0  }
0x2d: {  	[tilespmem:s19+$0xA850] =	vst v0  }
0x2e: {  	[tilespmem:s19+$0xA860] =	vst v0;
	s20 =	rddreg [dreg:$0x3]  }
0x2f: {  	[tilespmem:s3], [sflag:$0x5] =	stream.linear.gather [hbm4b:s20+s3], $0x1400, $0x38;
	[tilespmem:$0x1FC80] =	vst v63  }
0x30: {  	_ =	swait.ge [sflag:s5], $0x1400  }
0x31: {  	[sflag:s5] =	ssyncset.done $0x0  }
0x32: {  	s21 =	rddreg [dreg:$0x4];
	[sflag:s5] =	ssyncadd.s32 $0xFFFFEC00  }
0x33: {  	[tilespmem:s6], [sflag:$0x5] =	stream.linear.gather [hbm4b:s21+s3], $0x1400, $0x38;
	[tilespmem:$0x1FC80] =	vst v63  }
0x34: {  	_ =	swait.ge [sflag:s5], $0x1400  }
0x35: {  	[sflag:s5] =	ssyncset.done $0x0  }
0x36: {  	[sflag:s5] =	ssyncadd.s32 $0xFFFFEC00  }
0x37: {  	[tilespmem:s9], [sflag:$0x1] =	stream.indirect.gather [hbm4b:s4+s8], $0x80, s3, s8, $0xb8;
	[tilespmem:$0x1FC80] =	vst v63  }
0x38: {  	_ = 	snop  }
0x39: {  	[tilespmem:s10], [sflag:$0x2] =	stream.indirect.gather [hbm4b:s4+s8], $0x80, s8, s8, $0xb8;
	[tilespmem:$0x1FC80] =	vst v63  }
0x3a: {  	_ = 	snop  }
0x3b: {  	[spmem:s7] =	stream.linear.scatter [tilespmem:s11], [sflag:$0x3], $0x1000, $0x38;
	[tilespmem:$0x1FC80] =	vst v63  }
0x3c: {  	s20 =	rddreg [dreg:$0x5]  }
0x3d: {  	[spmem:s20] =	stream.linear.scatter [tilespmem:s11], [sflag:$0x3], $0x1000, $0x38;
	[tilespmem:$0x1FC80] =	vst v63  }
0x3e: {  	s21 =	rddreg [dreg:$0x6]  }
0x3f: {  	[spmem:s21] =	stream.linear.scatter [tilespmem:s11], [sflag:$0x3], $0x1000, $0x38;
	[tilespmem:$0x1FC80] =	vst v63  }
0x40: {  	s20 =	rddreg [dreg:$0x7]  }
0x41: {  	[spmem:s20] =	stream.linear.scatter [tilespmem:s11], [sflag:$0x3], $0x1000, $0x38;
	[tilespmem:$0x1FC80] =	vst v63  }
0x42: {  	s21 =	rddreg [dreg:$0x8]  }
0x43: {  	[spmem:s21] =	stream.linear.scatter [tilespmem:s11], [sflag:$0x3], $0x1000, $0x38;
	[tilespmem:$0x1FC80] =	vst v63  }
0x44: {  	s20 =	rddreg [dreg:$0x9]  }
0x45: {  	[spmem:s20] =	stream.linear.scatter [tilespmem:s11], [sflag:$0x3], $0x1000, $0x38;
	[tilespmem:$0x1FC80] =	vst v63  }
0x46: {  	s21 =	rddreg [dreg:$0xa]  }
0x47: {  	[spmem:s21] =	stream.linear.scatter [tilespmem:s11], [sflag:$0x3], $0x1000, $0x38;
	[tilespmem:$0x1FC80] =	vst v63  }
0x48: {  	s20 =	rddreg [dreg:$0xb]  }
0x49: {  	[spmem:s20] =	stream.linear.scatter [tilespmem:s11], [sflag:$0x3], $0x1000, $0x38;
	[tilespmem:$0x1FC80] =	vst v63  }
0x4a: {  	s21 =	rddreg [dreg:$0xc]  }
0x4b: {  	[spmem:s21] =	stream.linear.scatter [tilespmem:s11], [sflag:$0x3], $0x1000, $0x38;
	[tilespmem:$0x1FC80] =	vst v63  }
0x4c: {  	s20 =	rddreg [dreg:$0xd]  }
0x4d: {  	[spmem:s20] =	stream.linear.scatter [tilespmem:s11], [sflag:$0x3], $0x1000, $0x38;
	[tilespmem:$0x1FC80] =	vst v63  }
0x4e: {  	s21 =	rddreg [dreg:$0xe]  }
0x4f: {  	[spmem:s21] =	stream.linear.scatter [tilespmem:s11], [sflag:$0x3], $0x1000, $0x38;
	[tilespmem:$0x1FC80] =	vst v63  }
0x50: {  	s20 =	rddreg [dreg:$0xf]  }
0x51: {  	[spmem:s20] =	stream.linear.scatter [tilespmem:s11], [sflag:$0x3], $0x1000, $0x38;
	[tilespmem:$0x1FC80] =	vst v63  }
0x52: {  	s21 =	rddreg [dreg:$0x10]  }
0x53: {  	[spmem:s21] =	stream.linear.scatter [tilespmem:s11], [sflag:$0x3], $0x1000, $0x38;
	[tilespmem:$0x1FC80] =	vst v63  }
0x54: {  	s20 =	rddreg [dreg:$0x11]  }
0x55: {  	[spmem:s20] =	stream.linear.scatter [tilespmem:s11], [sflag:$0x3], $0x1000, $0x38;
	[tilespmem:$0x1FC80] =	vst v63  }
0x56: {  	_ = 	snop  }
0x57: {  	[spmem:s26] =	stream.linear.scatter [tilespmem:s11], [sflag:$0x3], $0x1000, $0x38;
	[tilespmem:$0x1FC80] =	vst v63  }
0x58: {  	_ = 	snop  }
0x59: {  	[spmem:s28] =	stream.linear.scatter [tilespmem:s11], [sflag:$0x3], $0x1000, $0x38;
	[tilespmem:$0x1FC80] =	vst v63  }
0x5a: {  	_ = 	snop  }
0x5b: {  	[spmem:s29] =	stream.linear.scatter [tilespmem:s11], [sflag:$0x3], $0x1000, $0x38;
	[tilespmem:$0x1FC80] =	vst v63  }
0x5c: {  	_ = 	snop  }
0x5d: {  	[spmem:s30] =	stream.linear.scatter [tilespmem:s11], [sflag:$0x3], $0x1000, $0x38;
	[tilespmem:$0x1FC80] =	vst v63  }
0x5e: {  	_ = 	snop  }
0x5f: {  	[spmem:s31] =	stream.linear.scatter [tilespmem:s11], [sflag:$0x3], $0x1000, $0x38;
	[tilespmem:$0x1FC80] =	vst v63  }
0x60: {  	_ = 	snop  }
0x61: {  	[spmem:s0] =	stream.linear.scatter [tilespmem:s11], [sflag:$0x3], $0x800, $0x38;
	[tilespmem:$0x1FC80] =	vst v63  }
0x62: {  	s19 =	simm.s32 @!p0 $0xA800  }
0x63: {  	[spmem:s1] =	stream.linear.scatter @!p0 [tilespmem:s19], [sflag:$0x3], $0x800, $0x38;
	[tilespmem:$0x1FC80] =	vst v63  }
0x64: {  	_ =	swait.ge [sflag:s12], $0x1000  }
0x65: {  	[sflag:s12] =	ssyncset.done $0x0  }
0x66: {  	[sflag:s12] =	ssyncadd.s32 $0xFFFFF000  }
0x67: {  	_ =	swait.ge [sflag:s12], $0x1000  }
0x68: {  	[sflag:s12] =	ssyncset.done $0x0  }
0x69: {  	[sflag:s12] =	ssyncadd.s32 $0xFFFFF000  }
0x6a: {  	_ =	swait.ge [sflag:s12], $0x1000  }
0x6b: {  	[sflag:s12] =	ssyncset.done $0x0  }
0x6c: {  	[sflag:s12] =	ssyncadd.s32 $0xFFFFF000  }
0x6d: {  	_ =	swait.ge [sflag:s12], $0x1000  }
0x6e: {  	[sflag:s12] =	ssyncset.done $0x0  }
0x6f: {  	[sflag:s12] =	ssyncadd.s32 $0xFFFFF000  }
0x70: {  	_ =	swait.ge [sflag:s12], $0x1000  }
0x71: {  	[sflag:s12] =	ssyncset.done $0x0  }
0x72: {  	[sflag:s12] =	ssyncadd.s32 $0xFFFFF000  }
0x73: {  	_ =	swait.ge [sflag:s12], $0x1000  }
0x74: {  	[sflag:s12] =	ssyncset.done $0x0  }
0x75: {  	[sflag:s12] =	ssyncadd.s32 $0xFFFFF000  }
0x76: {  	_ =	swait.ge [sflag:s12], $0x1000  }
0x77: {  	[sflag:s12] =	ssyncset.done $0x0  }
0x78: {  	[sflag:s12] =	ssyncadd.s32 $0xFFFFF000  }
0x79: {  	_ =	swait.ge [sflag:s12], $0x1000  }
0x7a: {  	[sflag:s12] =	ssyncset.done $0x0  }
0x7b: {  	[sflag:s12] =	ssyncadd.s32 $0xFFFFF000  }
0x7c: {  	_ =	swait.ge [sflag:s12], $0x1000  }
0x7d: {  	[sflag:s12] =	ssyncset.done $0x0  }
0x7e: {  	[sflag:s12] =	ssyncadd.s32 $0xFFFFF000  }
0x7f: {  	_ =	swait.ge [sflag:s12], $0x1000  }
0x80: {  	[sflag:s12] =	ssyncset.done $0x0  }
0x81: {  	[sflag:s12] =	ssyncadd.s32 $0xFFFFF000  }
0x82: {  	_ =	swait.ge [sflag:s12], $0x1000  }
0x83: {  	[sflag:s12] =	ssyncset.done $0x0  }
0x84: {  	[sflag:s12] =	ssyncadd.s32 $0xFFFFF000  }
0x85: {  	_ =	swait.ge [sflag:s12], $0x1000  }
0x86: {  	[sflag:s12] =	ssyncset.done $0x0  }
0x87: {  	[sflag:s12] =	ssyncadd.s32 $0xFFFFF000  }
0x88: {  	_ =	swait.ge [sflag:s12], $0x1000  }
0x89: {  	[sflag:s12] =	ssyncset.done $0x0  }
0x8a: {  	[sflag:s12] =	ssyncadd.s32 $0xFFFFF000  }
0x8b: {  	_ =	swait.ge [sflag:s12], $0x1000  }
0x8c: {  	[sflag:s12] =	ssyncset.done $0x0  }
0x8d: {  	[sflag:s12] =	ssyncadd.s32 $0xFFFFF000  }
0x8e: {  	_ =	swait.ge [sflag:s12], $0x1000  }
0x8f: {  	[sflag:s12] =	ssyncset.done $0x0  }
0x90: {  	[sflag:s12] =	ssyncadd.s32 $0xFFFFF000  }
0x91: {  	_ =	swait.ge [sflag:s12], $0x1000  }
0x92: {  	[sflag:s12] =	ssyncset.done $0x0  }
0x93: {  	[sflag:s12] =	ssyncadd.s32 $0xFFFFF000  }
0x94: {  	_ =	swait.ge [sflag:s12], $0x1000  }
0x95: {  	[sflag:s12] =	ssyncset.done $0x0  }
0x96: {  	[sflag:s12] =	ssyncadd.s32 $0xFFFFF000  }
0x97: {  	_ =	swait.ge [sflag:s12], $0x1000  }
0x98: {  	[sflag:s12] =	ssyncset.done $0x0  }
0x99: {  	[sflag:s12] =	ssyncadd.s32 $0xFFFFF000  }
0x9a: {  	_ =	swait.ge [sflag:s12], $0x1000  }
0x9b: {  	[sflag:s12] =	ssyncset.done $0x0  }
0x9c: {  	[sflag:s12] =	ssyncadd.s32 $0xFFFFF000  }
0x9d: {  	_ =	swait.ge [sflag:s12], $0x800  }
0x9e: {  	[sflag:s12] =	ssyncset.done $0x0  }
0x9f: {  	s19 =	simm.s32 @!p0 $0x3;
	[sflag:s12] =	ssyncadd.s32 $0xFFFFF800  }
0xa0: {  	_ =	swait.ge @!p0 [sflag:s19], $0x800  }
0xa1: {  	[sflag:s19] =	ssyncset.done @!p0 $0x0  }
0xa2: {  	[sflag:s19] =	ssyncadd.s32 @!p0 $0xFFFFF800  }
0xa3: {  	[bflag:$0x0] =	sbarrier.arrive $0xFFFF  }
0xa4: {  	_ =	swait.ge [sflag:s13], $0x4000  }
0xa5: {  	[sflag:s13] =	ssyncset.done $0x0  }
0xa6: {  	s21 =	simm.s32 $0x1400;
	[sflag:s13] =	ssyncadd.s32 $0xFFFFC000  }
0xa7: {  	[spmem:s2] =	stream.indirect.scatter.add.f32 [tilespmem:s9], [sflag:$0x3], $0x80, s21, s8, $0xb8;
	[tilespmem:$0x1FC80] =	vst v63  }
0xa8: {  	_ =	swait.ge [sflag:s14], $0x4000  }
0xa9: {  	[sflag:s14] =	ssyncset.done $0x0  }
0xaa: {  	s20 =	simm.s32 $0x1480;
	[sflag:s14] =	ssyncadd.s32 $0xFFFFC000  }
0xab: {  	[spmem:s2] =	stream.indirect.scatter.add.f32 [tilespmem:s10], [sflag:$0x4], $0x80, s20, s8, $0xb8;
	[tilespmem:$0x1FC80] =	vst v63  }
0xac: {  	_ =	swait.ge [sflag:s12], $0x4000  }
0xad: {  	[sflag:s12] =	ssyncset.done $0x0  }
0xae: {  	s21 =	simm.s32 $0x100;
	[sflag:s12] =	ssyncadd.s32 $0xFFFFC000  }
0xaf: {  	[tilespmem:s9], [sflag:$0x1] =	stream.indirect.gather [hbm4b:s4+s8], $0x80, s21, s8, $0xb8;
	[tilespmem:$0x1FC80] =	vst v63  }
0xb0: {  	_ =	swait.ge [sflag:s15], $0x4000  }
0xb1: {  	[sflag:s15] =	ssyncset.done $0x0  }
0xb2: {  	s19 =	simm.s32 $0x400;
	s20 =	simm.s32 $0x180;
	[sflag:s15] =	ssyncadd.s32 $0xFFFFC000  }
.LBB2_4:
0xb3: {  	[tilespmem:s10], [sflag:$0x2] =	stream.indirect.gather [hbm4b:s4+s8], $0x80, s20, s8, $0xb8;
	[tilespmem:$0x1FC80] =	vst v63  }
0xb4: {  	s20 =	smov.u32 s19  }
0xb5: {  	p1 =	sne.s32 s19, $0x4800;
	s19 =	sadd.s32 $0x400, s19;
	_ =	swait.ge [sflag:s13], $0x4000  }
0xb6: {  	s20 =	sshra.s32 s20, $0x2;
	[sflag:s13] =	ssyncset.done $0x0  }
0xb7: {  	s21 =	sadd.s32 $0x1400, s20;
	[sflag:s13] =	ssyncadd.s32 $0xFFFFC000  }
0xb8: {  	[spmem:s2] =	stream.indirect.scatter.add.f32 [tilespmem:s9], [sflag:$0x3], $0x80, s21, s8, $0xb8;
	[tilespmem:$0x1FC80] =	vst v63  }
0xb9: {  	_ =	swait.ge [sflag:s14], $0x4000  }
0xba: {  	[sflag:s14] =	ssyncset.done $0x0  }
0xbb: {  	s21 =	sadd.s32 $0x1480, s20;
	[sflag:s14] =	ssyncadd.s32 $0xFFFFC000  }
0xbc: {  	[spmem:s2] =	stream.indirect.scatter.add.f32 [tilespmem:s10], [sflag:$0x4], $0x80, s21, s8, $0xb8;
	[tilespmem:$0x1FC80] =	vst v63  }
0xbd: {  	_ =	swait.ge [sflag:s12], $0x4000  }
0xbe: {  	[sflag:s12] =	ssyncset.done $0x0  }
.Ltmp1:
0xbf: {  	s21 =	sadd.s32 $0x100, s20;
	[sflag:s12] =	ssyncadd.s32 $0xFFFFC000;
	(pc) =	sbr.rel @p1 .LBB2_4-.Ltmp1, $4  }
0xc0: {  	[tilespmem:s9], [sflag:$0x1] =	stream.indirect.gather [hbm4b:s4+s8], $0x80, s21, s8, $0xb8;
	[tilespmem:$0x1FC80] =	vst v63  }
0xc1: {  	_ =	swait.ge [sflag:s15], $0x4000  }
0xc2: {  	[sflag:s15] =	ssyncset.done $0x0  }
0xc3: {  	s20 =	sadd.s32 $0x180, s20;
	[sflag:s15] =	ssyncadd.s32 $0xFFFFC000  }
0xc4: {  	[tilespmem:s10], [sflag:$0x2] =	stream.indirect.gather [hbm4b:s4+s8], $0x80, s20, s8, $0xb8;
	[tilespmem:$0x1FC80] =	vst v63  }
0xc5: {  	_ =	swait.ge [sflag:s13], $0x4000  }
0xc6: {  	[sflag:s13] =	ssyncset.done $0x0  }
0xc7: {  	[sflag:s13] =	ssyncadd.s32 $0xFFFFC000  }
0xc8: {  	[spmem:s2] =	stream.indirect.scatter.add.f32 [tilespmem:s9], [sflag:$0x3], $0x80, s16, s8, $0xb8;
	[tilespmem:$0x1FC80] =	vst v63  }
0xc9: {  	_ =	swait.ge [sflag:s14], $0x4000  }
0xca: {  	[sflag:s14] =	ssyncset.done $0x0  }
0xcb: {  	[sflag:s14] =	ssyncadd.s32 $0xFFFFC000  }
0xcc: {  	[spmem:s2] =	stream.indirect.scatter.add.f32 [tilespmem:s10], [sflag:$0x4], $0x80, s17, s8, $0xb8;
	[tilespmem:$0x1FC80] =	vst v63  }
0xcd: {  	_ =	swait.ge [sflag:s12], $0x4000  }
0xce: {  	[sflag:s12] =	ssyncset.done $0x0  }
0xcf: {  	[sflag:s12] =	ssyncadd.s32 $0xFFFFC000  }
0xd0: {  	_ =	swait.ge [sflag:s15], $0x4000  }
0xd1: {  	[sflag:s15] =	ssyncset.done $0x0  }
0xd2: {  	s19 =	simm.s32 $0x0;
	[sflag:s15] =	ssyncadd.s32 $0xFFFFC000  }
0xd3: {  	[tilespmem:s19], [sflag:$0x5] =	stream.linear.gather [hbm4b:s22+s19], $0x1400, $0x38;
	[tilespmem:$0x1FC80] =	vst v63  }
0xd4: {  	_ =	swait.ge [sflag:s5], $0x1400  }
0xd5: {  	[sflag:s5] =	ssyncset.done $0x0  }
0xd6: {  	[sflag:s5] =	ssyncadd.s32 $0xFFFFEC00  }
0xd7: {  	[tilespmem:s6], [sflag:$0x5] =	stream.linear.gather [hbm4b:s23+s19], $0x1400, $0x38;
	[tilespmem:$0x1FC80] =	vst v63  }
0xd8: {  	_ =	swait.ge [sflag:s5], $0x1400  }
0xd9: {  	[sflag:s5] =	ssyncset.done $0x0  }
0xda: {  	[sflag:s5] =	ssyncadd.s32 $0xFFFFEC00  }
0xdb: {  	[tilespmem:s9], [sflag:$0x1] =	stream.indirect.gather [hbm4b:s4+s8], $0x80, s19, s8, $0xb8;
	[tilespmem:$0x1FC80] =	vst v63  }
0xdc: {  	_ = 	snop  }
0xdd: {  	[tilespmem:s10], [sflag:$0x2] =	stream.indirect.gather [hbm4b:s4+s8], $0x80, s8, s8, $0xb8;
	[tilespmem:$0x1FC80] =	vst v63  }
0xde: {  	_ =	swait.ge [sflag:s13], $0x4000  }
0xdf: {  	[sflag:s13] =	ssyncset.done $0x0  }
0xe0: {  	s21 =	simm.s32 $0x1400;
	[sflag:s13] =	ssyncadd.s32 $0xFFFFC000  }
0xe1: {  	[spmem:s2] =	stream.indirect.scatter.add.f32 [tilespmem:s9], [sflag:$0x3], $0x80, s21, s8, $0xb8;
	[tilespmem:$0x1FC80] =	vst v63  }
0xe2: {  	_ =	swait.ge [sflag:s14], $0x4000  }
0xe3: {  	[sflag:s14] =	ssyncset.done $0x0  }
0xe4: {  	s20 =	simm.s32 $0x1480;
	[sflag:s14] =	ssyncadd.s32 $0xFFFFC000  }
0xe5: {  	[spmem:s2] =	stream.indirect.scatter.add.f32 [tilespmem:s10], [sflag:$0x4], $0x80, s20, s8, $0xb8;
	[tilespmem:$0x1FC80] =	vst v63  }
0xe6: {  	_ =	swait.ge [sflag:s12], $0x4000  }
0xe7: {  	[sflag:s12] =	ssyncset.done $0x0  }
0xe8: {  	s21 =	simm.s32 $0x100;
	[sflag:s12] =	ssyncadd.s32 $0xFFFFC000  }
0xe9: {  	[tilespmem:s9], [sflag:$0x1] =	stream.indirect.gather [hbm4b:s4+s8], $0x80, s21, s8, $0xb8;
	[tilespmem:$0x1FC80] =	vst v63  }
0xea: {  	_ =	swait.ge [sflag:s15], $0x4000  }
0xeb: {  	[sflag:s15] =	ssyncset.done $0x0  }
0xec: {  	s19 =	simm.s32 $0x400;
	s20 =	simm.s32 $0x180;
	[sflag:s15] =	ssyncadd.s32 $0xFFFFC000  }
.LBB2_6:
0xed: {  	[tilespmem:s10], [sflag:$0x2] =	stream.indirect.gather [hbm4b:s4+s8], $0x80, s20, s8, $0xb8;
	[tilespmem:$0x1FC80] =	vst v63  }
0xee: {  	s20 =	smov.u32 s19  }
0xef: {  	p1 =	sne.s32 s19, $0x4800;
	s19 =	sadd.s32 $0x400, s19;
	_ =	swait.ge [sflag:s13], $0x4000  }
0xf0: {  	s20 =	sshra.s32 s20, $0x2;
	[sflag:s13] =	ssyncset.done $0x0  }
0xf1: {  	s21 =	sadd.s32 $0x1400, s20;
	[sflag:s13] =	ssyncadd.s32 $0xFFFFC000  }
0xf2: {  	[spmem:s2] =	stream.indirect.scatter.add.f32 [tilespmem:s9], [sflag:$0x3], $0x80, s21, s8, $0xb8;
	[tilespmem:$0x1FC80] =	vst v63  }
0xf3: {  	_ =	swait.ge [sflag:s14], $0x4000  }
0xf4: {  	[sflag:s14] =	ssyncset.done $0x0  }
0xf5: {  	s21 =	sadd.s32 $0x1480, s20;
	[sflag:s14] =	ssyncadd.s32 $0xFFFFC000  }
0xf6: {  	[spmem:s2] =	stream.indirect.scatter.add.f32 [tilespmem:s10], [sflag:$0x4], $0x80, s21, s8, $0xb8;
	[tilespmem:$0x1FC80] =	vst v63  }
0xf7: {  	_ =	swait.ge [sflag:s12], $0x4000  }
0xf8: {  	[sflag:s12] =	ssyncset.done $0x0  }
.Ltmp2:
0xf9: {  	s21 =	sadd.s32 $0x100, s20;
	[sflag:s12] =	ssyncadd.s32 $0xFFFFC000;
	(pc) =	sbr.rel @p1 .LBB2_6-.Ltmp2, $4  }
0xfa: {  	[tilespmem:s9], [sflag:$0x1] =	stream.indirect.gather [hbm4b:s4+s8], $0x80, s21, s8, $0xb8;
	[tilespmem:$0x1FC80] =	vst v63  }
0xfb: {  	_ =	swait.ge [sflag:s15], $0x4000  }
0xfc: {  	[sflag:s15] =	ssyncset.done $0x0  }
0xfd: {  	s20 =	sadd.s32 $0x180, s20;
	[sflag:s15] =	ssyncadd.s32 $0xFFFFC000  }
0xfe: {  	[tilespmem:s10], [sflag:$0x2] =	stream.indirect.gather [hbm4b:s4+s8], $0x80, s20, s8, $0xb8;
	[tilespmem:$0x1FC80] =	vst v63  }
0xff: {  	_ =	swait.ge [sflag:s13], $0x4000  }
0x100: {  	[sflag:s13] =	ssyncset.done $0x0  }
0x101: {  	[sflag:s13] =	ssyncadd.s32 $0xFFFFC000  }
0x102: {  	[spmem:s2] =	stream.indirect.scatter.add.f32 [tilespmem:s9], [sflag:$0x3], $0x80, s16, s8, $0xb8;
	[tilespmem:$0x1FC80] =	vst v63  }
0x103: {  	_ =	swait.ge [sflag:s14], $0x4000  }
0x104: {  	[sflag:s14] =	ssyncset.done $0x0  }
0x105: {  	[sflag:s14] =	ssyncadd.s32 $0xFFFFC000  }
0x106: {  	[spmem:s2] =	stream.indirect.scatter.add.f32 [tilespmem:s10], [sflag:$0x4], $0x80, s17, s8, $0xb8;
	[tilespmem:$0x1FC80] =	vst v63  }
0x107: {  	_ =	swait.ge [sflag:s12], $0x4000  }
0x108: {  	[sflag:s12] =	ssyncset.done $0x0  }
0x109: {  	[sflag:s12] =	ssyncadd.s32 $0xFFFFC000  }
0x10a: {  	_ =	swait.ge [sflag:s15], $0x4000  }
0x10b: {  	[sflag:s15] =	ssyncset.done $0x0  }
0x10c: {  	s19 =	stileid.u32;
	[sflag:s15] =	ssyncadd.s32 $0xFFFFC000  }
0x10d: {  	s19 =	sshll.u32 s19, $0x6;
	[bflag:$0x0] =	sbarrier.arrive $0xFFFF  }
0x10e: {  	s20 =	sshrl.u32 s7, $0x3;
	s19 =	sor.u32 $0x1C05, s19;
	s21 =	rddreg [dreg:$0x12]  }
0x10f: {  	[hbm:s21], [sflag:s19] =	dma.local [spmem:s20], $0x2700  }
0x110: {  	_ =	swait.ge [sflag:s5], $0x2700  }
0x111: {  	s18 =	sadd.s32 $0x1, s18;
	[sflag:s5] =	ssyncset.done $0x0  }
0x112: {  	p1 =	sne.s32 s18, s25;
	s20 =	sshrl.u32 @!p0 s1, $0x3;
	[sflag:s5] =	ssyncadd.s32 $0xFFFFD900  }
0x113: {  	[hbm:s24], [sflag:s19] =	dma.local @!p0 [spmem:s20], $0x100  }
.Ltmp3:
0x114: {  	_ = 	snop;
	(pc) =	sbr.rel @p1 .LBB2_1-.Ltmp3, $4  }
0x115: {  	s19 =	simm.s32 @!p0 $0x5  }
0x116: {  	_ =	swait.ge @!p0 [sflag:s19], $0x100  }
0x117: {  	[sflag:s19] =	ssyncset.done @!p0 $0x0  }
0x118: {  	[sflag:s19] =	ssyncadd.s32 @!p0 $0xFFFFFF00  }
0x119: {  	_ =	sfence.sel $0x180000  }
0x11a: {  	[bflag:$0x0] =	sbarrier.arrive $0xFFFF  }
0x11b: {  	_ =	strace $0x9000004A  }
0x11c: {  	s0 =	stileid.u32;
	[bflag:$0x2] =	sbarrier.arrive $0xFFFF  }
0x11d: {  	p0 =	sne.s32 s0, $0x0;
	s0 =	rddreg [dreg:$0x2]  }
0x11e: {  	s0 =	sadd.s32 @!p0 $0x100000, s0  }
0x11f: {  	[sflag:s0] =	ssyncadd.tile.s32 @!p0 $0x1;
	_ =	shalt  }
.Lfunc_end2:
_tile_overlayer_lowered:
.L_overlay_start_2:
0x120: {  	(tag) =	ssettag $0x2  }
0x121: {  	s0 =	rddreg [dreg:$0x0];
	s2 =	stileid.u32  }
0x122: {  	s1 =	rddreg [dreg:$0x1];
	p0 =	sne.s32 s2, $0x0  }
0x123: {  	s3 =	rddreg [dreg:$0x2];
	[bflag:$0x3] =	sbarrier.arrive $0xFFFF;
	s2 =	simm.s32 @!p0 $0x1C05  }
0x124: {  	[timem:s3], [sflag:s2] =	dma.local @!p0 [hbm:s0], s1  }
0x125: {  	s0 =	simm.s32 @!p0 $0x5  }
0x126: {  	_ =	swait.ge @!p0 [sflag:s0], s1  }
0x127: {  	s1 =	ssub.s32 @!p0 $0x0, s1;
	[sflag:s0] =	ssyncset.done @!p0 $0x0  }
0x128: {  	[sflag:s0] =	ssyncadd.s32 @!p0 s1  }
0x129: {  	[bflag:$0x3] =	sbarrier.arrive $0xFFFF  }
0x12a: {  	_ =	shalt  }

// kernel: kernel.14.cloned.1.call-start
scs
__scs_entry_jumppad:
0x0: {  	(pc) =	sbr.rel $0x88, $3  }
0x1: {  	(tag) =	ssettag $0x0;
	lr =	simm.s32 $0x1  }
0x2: {  	[smem:$0x3F9A] =	sst lr;
	_ =	strace $0xD0000000  }
0x3: {  	_ = 	snop  }
0x4: {  	_ = 	snop  }
0x5: {  	_ = 	snop  }
0x6: {  	_ = 	snop  }
0x7: {  	_ = 	snop  }
__scs_overlays_trampoline_lowered:
0x8: {  	[smem:$0x3FA9] =	sst s0  }
0x9: {  	[smem:$0x3FAA] =	sst s1  }
0xa: {  	[smem:$0x3FAB] =	sst s2  }
0xb: {  	[smem:$0x3FAC] =	sst s3  }
0xc: {  	[smem:$0x3FAD] =	sst s4  }
0xd: {  	[smem:$0x3FAE] =	sst s5  }
0xe: {  	[smem:$0x3FAF] =	sst s6  }
0xf: {  	[smem:$0x3FB0] =	sst s7  }
0x10: {  	[smem:$0x3FB1] =	sst s8  }
0x11: {  	[smem:$0x3FB2] =	sst s9;
	s0 =	simm.s32 @!p0 $0x0  }
0x12: {  	s1 =	sld [smem:$0x3F98];
	s0 =	simm.s32 @p0 $0x1  }
0x13: {  	[smem:$0x3FB3] =	sst s0;
	s0 =	simm.s32 @!p1 $0x0  }
0x14: {  	s2 =	sld [smem:$0x3F97];
	s0 =	simm.s32 @p1 $0x1  }
0x15: {  	[smem:$0x3FB4] =	sst s0;
	s0 =	simm.s32 @!p2 $0x0  }
0x16: {  	s3 =	sld [smem:$0x3FDB];
	s0 =	simm.s32 @p2 $0x1  }
0x17: {  	s4 =	simm.s32 $0x1BF5;
	[smem:$0x3FB6] =	sst s0  }
0x18: {  	s0 =	sld [smem:$0x3F99];
	_ =	swait.ge [sflag:s4], $0x0  }
0x19: {  	s7 =	sld [smem:$0x3F9A]  }
0x1a: {  	s8 =	sadd.s32 $0xFFFFE003, lr  }
0x1b: {  	s9 =	sadd.s32 $0xFFFFFEF7, lr;
	s5 =	simm.s32 $0xFFFFFFFF;
	p2 =	slt.u32 s8, $0xFFFFF086  }
0x1c: {  	p1 =	slt.u32 s9, $0xF7A;
	s5 =	simm.s32 @!p2 $0x0  }
0x1d: {  	s5 =	simm.s32 @p1 $0x1;
	p0 =	seq.s32 s7, s2  }
0x1e: {  	s7 =	smul.u32 @!p0 $0xF7A, s2;
	p2 =	seq.s32 @!p0 s5, $0x0  }
0x1f: {  	s9 =	smul.u32 $0xF7A, s1;
	s8 =	simm.s32 @!p0 $0x1BF5;
	p2 =	por !p2, p0  }
0x20: {  	[sflag:s8] =	ssyncset.s32 @!p0 $0xFFFFF086;
	s6 =	sadd.s32 @!p0 s3, s7;
	s7 =	simm.s32 @!p0 $0x108  }
0x21: {  	s3 =	sadd.s32 s3, s9;
	s6 =	sadd.s32 @!p0 $0x88, s6;
	s7 =	simm.s32 @p2 $0x1082  }
0x22: {  	[simem:s7], [sflag:s8] =	dma.local @!p0 [hbm:s6], $0xF7A  }
0x23: {  	s9 =	sor.u32 $0xD0000000, s2;
	s6 =	simm.s32 $0x108;
	_ =	swait.ge @!p0 [sflag:s8], $0x0  }
0x24: {  	s3 =	sadd.s32 $0x88, s3;
	s6 =	simm.s32 @!p1 $0x1082;
	[sflag:s4] =	ssyncset.s32 $0xFFFFF086  }
0x25: {  	[simem:s6], [sflag:s4] =	dma.local [hbm:s3], $0xF7A  }
0x26: {  	[smem:$0x3F9A] =	sst s1;
	(tag) =	ssettag s2;
	_ =	strace s9  }
0x27: {  	s1 =	sld [smem:$0x3FAA]  }
0x28: {  	s2 =	sld [smem:$0x3FAB]  }
0x29: {  	s4 =	sld [smem:$0x3FAD]  }
0x2a: {  	p0 =	seq.s32 s5, $0x0;
	s5 =	sld [smem:$0x3FAE]  }
0x2b: {  	s6 =	sld [smem:$0x3FAF]  }
0x2c: {  	s7 =	sld [smem:$0x3FB0]  }
0x2d: {  	s3 =	simm.s32 $0x108;
	s8 =	sld [smem:$0x3FB1]  }
0x2e: {  	s3 =	simm.s32 @!p0 $0x1082;
	s9 =	sld [smem:$0x3FB2]  }
0x2f: {  	lr =	sadd.s32 s0, s3;
	s0 =	sld [smem:$0x3FA9]  }
0x30: {  	s3 =	sld [smem:$0x3FAC]  }
0x31: {  	[smem:$0x3FB5] =	sst s10  }
0x32: {  	s10 =	sld [smem:$0x3FB3];
	_ =	sdelay $0x3  }
0x33: {  	p0 =	seq.s32 s10, $0x1;
	s10 =	sld [smem:$0x3FB5];
	_ =	sdelay $0x3  }
0x34: {  	[smem:$0x3FB5] =	sst s10  }
0x35: {  	s10 =	sld [smem:$0x3FB4];
	_ =	sdelay $0x3  }
0x36: {  	p1 =	seq.s32 s10, $0x1;
	s10 =	sld [smem:$0x3FB5];
	_ =	sdelay $0x3  }
0x37: {  	[smem:$0x3FB5] =	sst s10  }
0x38: {  	s10 =	sld [smem:$0x3FB6]  }
0x39: {  	_ = 	snop;
	(pc) =	sbr.ind lr, $3  }
0x3a: {  	_ = 	snop  }
0x3b: {  	_ = 	snop  }
0x3c: {  	p2 =	seq.s32 s10, $0x1;
	s10 =	sld [smem:$0x3FB5]  }
0x3d: {  	_ =	shalt  }
0x3e: {  	_ =	shalt  }
0x3f: {  	_ =	shalt  }
0x40: {  	_ =	shalt  }
0x41: {  	_ =	shalt  }
0x42: {  	_ =	shalt  }
0x43: {  	_ =	shalt  }
0x44: {  	_ =	shalt  }
0x45: {  	_ =	shalt  }
0x46: {  	_ =	shalt  }
0x47: {  	_ =	shalt  }
0x48: {  	_ =	shalt  }
0x49: {  	_ =	shalt  }
0x4a: {  	_ =	shalt  }
0x4b: {  	_ =	shalt  }
0x4c: {  	_ =	shalt  }
0x4d: {  	_ =	shalt  }
0x4e: {  	_ =	shalt  }
0x4f: {  	_ =	shalt  }
0x50: {  	_ =	shalt  }
0x51: {  	_ =	shalt  }
0x52: {  	_ =	shalt  }
0x53: {  	_ =	shalt  }
0x54: {  	_ =	shalt  }
0x55: {  	_ =	shalt  }
0x56: {  	_ =	shalt  }
0x57: {  	_ =	shalt  }
0x58: {  	_ =	shalt  }
0x59: {  	_ =	shalt  }
0x5a: {  	_ =	shalt  }
0x5b: {  	_ =	shalt  }
0x5c: {  	_ =	shalt  }
0x5d: {  	_ =	shalt  }
0x5e: {  	_ =	shalt  }
0x5f: {  	_ =	shalt  }
0x60: {  	_ =	shalt  }
0x61: {  	_ =	shalt  }
0x62: {  	_ =	shalt  }
0x63: {  	_ =	shalt  }
0x64: {  	_ =	shalt  }
0x65: {  	_ =	shalt  }
0x66: {  	_ =	shalt  }
0x67: {  	_ =	shalt  }
0x68: {  	_ =	shalt  }
0x69: {  	_ =	shalt  }
0x6a: {  	_ =	shalt  }
0x6b: {  	_ =	shalt  }
0x6c: {  	_ =	shalt  }
0x6d: {  	_ =	shalt  }
0x6e: {  	_ =	shalt  }
0x6f: {  	_ =	shalt  }
0x70: {  	_ =	shalt  }
0x71: {  	_ =	shalt  }
0x72: {  	_ =	shalt  }
0x73: {  	_ =	shalt  }
0x74: {  	_ =	shalt  }
0x75: {  	_ =	shalt  }
0x76: {  	_ =	shalt  }
0x77: {  	_ =	shalt  }
0x78: {  	_ =	shalt  }
0x79: {  	_ =	shalt  }
0x7a: {  	_ =	shalt  }
0x7b: {  	_ =	shalt  }
0x7c: {  	_ =	shalt  }
0x7d: {  	_ =	shalt  }
0x7e: {  	_ =	shalt  }
0x7f: {  	_ =	shalt  }
0x80: {  	_ =	shalt  }
0x81: {  	_ =	shalt  }
0x82: {  	_ =	shalt  }
0x83: {  	_ =	shalt  }
0x84: {  	_ =	shalt  }
0x85: {  	_ =	shalt  }
0x86: {  	_ =	shalt  }
0x87: {  	_ =	shalt  }
.Lfunc_end0:
.L_simem_size_0:
called_computation.2_lowered:
.L_overlay_start_0:
0x88: {  	s2 =	sld [smem:$0x3FD9]  }
0x89: {  	s3 =	sld [smem:$0x3FFE];
	_ =	sdelay $0x1  }
0x8a: {  	s1 =	srdreg.scid  }
0x8b: {  	s0 =	sand.u32 $0x1, s1  }
0x8c: {  	s16 =	sshll.u32 s0, $0xA;
	s2 =	sadd.s32 s3, s2  }
0x8d: {  	s2 =	sadd.s32 s2, s16  }
0x8e: {  	[smem:$0x3FC1] =	sst s2  }
0x8f: {  	_ = 	snop  }
0x90: {  	(tm) =	ssettm $0x1  }
0x91: {  	s17 =	sld [smem:$0x3FFB];
	_ =	sdelay $0x3  }
0x92: {  	_ =	strace s17  }
0x93: {  	s2 =	sld [smem:$0x3FFC];
	_ =	sdelay $0x3  }
0x94: {  	_ =	strace s2  }
0x95: {  	s2 =	sld [smem:$0x3FFD];
	_ =	sdelay $0x3  }
0x96: {  	_ =	strace s2  }
0x97: {  	_ =	strace $0x8FFFFFFF  }
0x98: {  	s18 =	sld [smem:$0x3FDB];
	_ =	sdelay $0x1  }
0x99: {  	s19 =	simm.s32 $_scs_section_size  }
0x9a: {  	s4 =	simm.s32 $_size__tile_overlayer_lowered;
	s5 =	simm.s32 $_tile_overlayer_lowered  }
0x9b: {  	s22 =	simm.s32 $0x1BFF;
	s21 =	sshll.u32 s5, $0x1;
	s2 =	sadd.s32 s19, s18  }
0x9c: {  	s6 =	simm.s32 $0x0;
	s20 =	sshll.u32 s4, $0x1;
	s4 =	sadd.s32 s21, s2  }
0x9d: {  	[timem:s6], [sflag:s22] =	dma.local [hbm:s4], s20  }
0x9e: {  	_ =	swait.ge [sflag:s22], s20  }
0x9f: {  	s3 =	ssub.s32 $0x0, s20;
	[sflag:s22] =	ssyncset.done $0x0  }
0xa0: {  	[sflag:s22] =	ssyncadd.s32 s3;
	_ =	sdelay $0x1  }
0xa1: {  	s23 =	simm.s32 $0x1B8B  }
0xa2: {  	_ =	swait.ge [sflag:s23], $0x1  }
0xa3: {  	[sflag:s23] =	ssyncset.done $0x0  }
0xa4: {  	s25 =	simm.s32 $0x1B8E;
	s24 =	sld [smem:$0x3FFE];
	[sflag:s23] =	ssyncadd.s32 $0xFFFFFFFF  }
0xa5: {  	s26 =	simm.s32 $execute0_lowered;
	[smem:$0x3FD2] =	sst s25  }
0xa6: {  	s4 =	sshll.u32 s26, $0x1;
	_ =	strace $0x8000004C;
	[dreg:$0x1] =	wrdreg $0xFFFFFFFF  }
0xa7: {  	s28 =	simm.s32 $_size_execute0_lowered;
	s2 =	sadd.s32 s2, s4;
	[dreg:$0x0] =	wrdreg $0x0  }
0xa8: {  	s4 =	sshll.u32 s28, $0x1;
	[dreg:$0x2] =	wrdreg s2  }
0xa9: {  	[dreg:$0x3] =	wrdreg s4  }
0xaa: {  	[dreg:$0x4] =	wrdreg $0xC0  }
0xab: {  	_ =	task [dreg:s6], $0x5FFFF  }
0xac: {  	[dreg:$0x1] =	wrdreg $0xFFFFFFFF  }
0xad: {  	[dreg:$0x0] =	wrdreg $0x60  }
0xae: {  	[dreg:$0x2] =	wrdreg s24  }
0xaf: {  	[dreg:$0x3] =	wrdreg $0xB8000  }
0xb0: {  	[dreg:$0x4] =	wrdreg $0x9  }
0xb1: {  	_ =	task.clear_ibuf [dreg:s6], $0x5FFFF;
	_ =	strace $0x9000004C  }
0xb2: {  	s29 =	simm.s32 $0x9;
	_ =	strace $0x8000004E  }
0xb3: {  	_ =	swait.ge [sflag:s29], $0x1  }
0xb4: {  	[sflag:s29] =	ssyncadd.s32 $0xFFFFFFFF  }
0xb5: {  	_ =	strace $0x9000004E  }
0xb6: {  	_ =	sfence  }
0xb7: {  	s30 =	sld [smem:$0x0];
	_ =	sdelay $0x2  }
0xb8: {  	s31 =	sshll.u32 s1, $0xD;
	s1 =	sshrl.u32 s1, $0x2  }
0xb9: {  	s3 =	sand.u32 $0x4000, s31;
	s1 =	sadd.s32 s1, s30  }
0xba: {  	s0 =	sor.u32 s3, s0;
	s1 =	sshll.u32 s1, $0x11  }
0xbb: {  	s0 =	sor.u32 s1, s0  }
0xbc: {  	s0 =	sadd.s32 $0x8F2B, s0  }
0xbd: {  	[sflag:s0] =	ssyncadd.remote.s32 $0x1  }
0xbe: {  	_ =	sfence.sel $0xFFFF  }
0xbf: {  	[dreg:$0x0] =	wrdreg $0xFFFFFFFF;
	(pc) =	sbr.abs _section_cstart, $3  }
0xc0: {  	[dreg:$0x1] =	wrdreg $0xFFFFFFFF  }
0xc1: {  	_ =	task.clear_ibuf [dreg:s6], $0x2FFFF;
	_ =	strace $0x9FFFFFFF  }
0xc2: {  	(tm) =	ssettm $0x7FFFFFFF  }
0xc3: {  	_ =	shalt  }
tec
execute0_lowered:
.L_overlay_start_1:
0x0: {  	(tag) =	ssettag $0x1  }
0x1: {  	s0 =	srdreg.scid  }
0x2: {  	s1 =	rddreg [dreg:$0x0];
	s9 =	stileid.u32  }
0x3: {  	s2 =	rddreg [dreg:$0x1];
	s3 =	simm.s32 $0x0;
	s7 =	smul.u32 $0x4E000, s9  }
0x4: {  	s11 =	simm.s32 $0xA800;
	s0 =	sand.u32 $0x1, s0;
	[smem:$0x7FF] =	sst s3  }
0x5: {  	s21 =	smul.u32 $0x13800, s9;
	p0 =	sne.s32 s9, $0xF;
	s7 =	sshrl.u32 s7, $0x2  }
0x6: {  	s4 =	sshll.u32 s0, $0x4;
	_ =	strace $0x8000004D;
	s7 =	sadd.s32 s7, s2  }
0x7: {  	s6 =	ssub.s32 $0x2, s0;
	s0 =	smul.u32 $0x138800, s0;
	s14 =	sadd.s32 $0x1000, s7  }
0x8: {  	s4 =	sor.u32 s9, s4;
	s15 =	sadd.s32 $0x2000, s7;
	[dreg:$0x5] =	wrdreg s14  }
0x9: {  	s8 =	sshrl.u32 s6, $0x1;
	s16 =	sadd.s32 $0x3000, s7;
	[dreg:$0x6] =	wrdreg s15  }
0xa: {  	s9 =	simm.s32 $0x2800;
	s17 =	sadd.s32 $0x4000, s7;
	[dreg:$0x7] =	wrdreg s16  }
0xb: {  	s4 =	smul.u32 $0x2800, s4;
	s18 =	sadd.s32 $0x5000, s7;
	[dreg:$0x8] =	wrdreg s17  }
0xc: {  	s6 =	ssub.s32 s6, s8;
	s19 =	sadd.s32 $0x6000, s7;
	[dreg:$0x9] =	wrdreg s18  }
0xd: {  	s8 =	sadd.s32 s21, s0;
	s20 =	sadd.s32 $0x7000, s7;
	[dreg:$0xa] =	wrdreg s19  }
0xe: {  	s0 =	sshrl.u32 s0, $0x3;
	s10 =	sadd.s32 $0x8000, s7;
	[dreg:$0xb] =	wrdreg s20  }
0xf: {  	s22 =	sadd.s32 $0x9000, s7;
	s23 =	sadd.s32 $0xA000, s7;
	[dreg:$0xc] =	wrdreg s10  }
0x10: {  	s24 =	sadd.s32 $0xB000, s7;
	s25 =	sadd.s32 $0xC000, s7;
	[dreg:$0xd] =	wrdreg s22  }
0x11: {  	s26 =	sadd.s32 $0xD000, s7;
	s8 =	sshrl.u32 s8, $0x3;
	[dreg:$0xe] =	wrdreg s23  }
0x12: {  	s28 =	sadd.s32 $0xF000, s7;
	s29 =	sadd.s32 $0x10000, s7;
	[dreg:$0xf] =	wrdreg s24  }
0x13: {  	s30 =	sadd.s32 $0x11000, s7;
	s31 =	sadd.s32 $0x12000, s7;
	[dreg:$0x10] =	wrdreg s25  }
0x14: {  	s5 =	sshrl.u32 s4, $0x3;
	s4 =	sadd.s32 $0x64E00, s1;
	[dreg:$0x11] =	wrdreg s26  }
0x15: {  	s25 =	smax.u32 s6, $0x1;
	s26 =	sadd.s32 $0xE000, s7;
	s6 =	simm.s32 $0x1400  }
0x16: {  	s10 =	simm.s32 $0x6800;
	s14 =	simm.s32 $0x2;
	s15 =	simm.s32 $0x4  }
0x17: {  	s16 =	simm.s32 $0x2700;
	s17 =	simm.s32 $0x2780;
	s5 =	sadd.s32 s5, s1  }
0x18: {  	s18 =	simm.s32 $0x0;
	s1 =	sadd.s32 $0x8C000, s1;
	s12 =	sadd.s32 $0x2C00, s5  }
0x19: {  	s13 =	sadd.s32 $0xCC00, s5;
	s8 =	sadd.s32 s1, s8;
	s0 =	sadd.s32 s1, s0  }
0x1a: {  	s22 =	sadd.s32 $0x2E80, s5;
	s23 =	sadd.s32 $0xCE80, s5;
	[dreg:$0x3] =	wrdreg s12  }
0x1b: {  	s1 =	sadd.s32 $0x138000, s2;
	s5 =	simm.s32 $0x5;
	[dreg:$0x4] =	wrdreg s13  }
0x1c: {  	[dreg:$0x12] =	wrdreg s8;
	s24 =	sadd.s32 $0x27000, s0;
	s0 =	sadd.s32 $0x13000, s7  }
0x1d: {  	v0 =	vimm.f32 $0.0e+00;
	s8 =	simm.s32 $0x80;
	s12 =	simm.s32 $0x3;
	s13 =	simm.s32 $0x1  }
.LBB2_1:
0x1e: {  	s19 =	simm.s32 $0x0;
	s20 =	simm.s32 $0x200  }
.LBB2_2:
0x1f: {  	p1 =	sne.s32 s20, $0x3E00;
	[tilespmem:s19+$0xA870] =	vst v0  }
0x20: {  	[tilespmem:s19+$0xA800] =	vst v0  }
0x21: {  	[tilespmem:s19+$0xA810] =	vst v0  }
.Ltmp0:
0x22: {  	[tilespmem:s19+$0xA820] =	vst v0;
	(pc) =	sbr.rel @p1 .LBB2_2-.Ltmp0, $4  }
0x23: {  	[tilespmem:s19+$0xA830] =	vst v0  }
0x24: {  	[tilespmem:s19+$0xA840] =	vst v0  }
0x25: {  	[tilespmem:s19+$0xA850] =	vst v0  }
0x26: {  	[tilespmem:s19+$0xA860] =	vst v0;
	s19 =	sshra.s32 s20, $0x2;
	s20 =	sadd.s32 $0x200, s20  }
0x27: {  	[tilespmem:s19+$0xA870] =	vst v0  }
0x28: {  	[tilespmem:s19+$0xA800] =	vst v0  }
0x29: {  	[tilespmem:s19+$0xA810] =	vst v0  }
0x2a: {  	[tilespmem:s19+$0xA820] =	vst v0  }
0x2b: {  	[tilespmem:s19+$0xA830] =	vst v0  }
0x2c: {  	[tilespmem:s19+$0xA840] =	vst v0  }
0x2d: {  	[tilespmem:s19+$0xA850] =	vst v0  }
0x2e: {  	[tilespmem:s19+$0xA860] =	vst v0;
	s20 =	rddreg [dreg:$0x3]  }
0x2f: {  	[tilespmem:s3], [sflag:$0x5] =	stream.linear.gather [hbm4b:s20+s3], $0x1400, $0x38;
	[tilespmem:$0x1FC80] =	vst v63  }
0x30: {  	_ =	swait.ge [sflag:s5], $0x1400  }
0x31: {  	[sflag:s5] =	ssyncset.done $0x0  }
0x32: {  	s21 =	rddreg [dreg:$0x4];
	[sflag:s5] =	ssyncadd.s32 $0xFFFFEC00  }
0x33: {  	[tilespmem:s6], [sflag:$0x5] =	stream.linear.gather [hbm4b:s21+s3], $0x1400, $0x38;
	[tilespmem:$0x1FC80] =	vst v63  }
0x34: {  	_ =	swait.ge [sflag:s5], $0x1400  }
0x35: {  	[sflag:s5] =	ssyncset.done $0x0  }
0x36: {  	[sflag:s5] =	ssyncadd.s32 $0xFFFFEC00  }
0x37: {  	[tilespmem:s9], [sflag:$0x1] =	stream.indirect.gather [hbm4b:s4+s8], $0x80, s3, s8, $0xb8;
	[tilespmem:$0x1FC80] =	vst v63  }
0x38: {  	_ = 	snop  }
0x39: {  	[tilespmem:s10], [sflag:$0x2] =	stream.indirect.gather [hbm4b:s4+s8], $0x80, s8, s8, $0xb8;
	[tilespmem:$0x1FC80] =	vst v63  }
0x3a: {  	_ = 	snop  }
0x3b: {  	[spmem:s7] =	stream.linear.scatter [tilespmem:s11], [sflag:$0x3], $0x1000, $0x38;
	[tilespmem:$0x1FC80] =	vst v63  }
0x3c: {  	s20 =	rddreg [dreg:$0x5]  }
0x3d: {  	[spmem:s20] =	stream.linear.scatter [tilespmem:s11], [sflag:$0x3], $0x1000, $0x38;
	[tilespmem:$0x1FC80] =	vst v63  }
0x3e: {  	s21 =	rddreg [dreg:$0x6]  }
0x3f: {  	[spmem:s21] =	stream.linear.scatter [tilespmem:s11], [sflag:$0x3], $0x1000, $0x38;
	[tilespmem:$0x1FC80] =	vst v63  }
0x40: {  	s20 =	rddreg [dreg:$0x7]  }
0x41: {  	[spmem:s20] =	stream.linear.scatter [tilespmem:s11], [sflag:$0x3], $0x1000, $0x38;
	[tilespmem:$0x1FC80] =	vst v63  }
0x42: {  	s21 =	rddreg [dreg:$0x8]  }
0x43: {  	[spmem:s21] =	stream.linear.scatter [tilespmem:s11], [sflag:$0x3], $0x1000, $0x38;
	[tilespmem:$0x1FC80] =	vst v63  }
0x44: {  	s20 =	rddreg [dreg:$0x9]  }
0x45: {  	[spmem:s20] =	stream.linear.scatter [tilespmem:s11], [sflag:$0x3], $0x1000, $0x38;
	[tilespmem:$0x1FC80] =	vst v63  }
0x46: {  	s21 =	rddreg [dreg:$0xa]  }
0x47: {  	[spmem:s21] =	stream.linear.scatter [tilespmem:s11], [sflag:$0x3], $0x1000, $0x38;
	[tilespmem:$0x1FC80] =	vst v63  }
0x48: {  	s20 =	rddreg [dreg:$0xb]  }
0x49: {  	[spmem:s20] =	stream.linear.scatter [tilespmem:s11], [sflag:$0x3], $0x1000, $0x38;
	[tilespmem:$0x1FC80] =	vst v63  }
0x4a: {  	s21 =	rddreg [dreg:$0xc]  }
0x4b: {  	[spmem:s21] =	stream.linear.scatter [tilespmem:s11], [sflag:$0x3], $0x1000, $0x38;
	[tilespmem:$0x1FC80] =	vst v63  }
0x4c: {  	s20 =	rddreg [dreg:$0xd]  }
0x4d: {  	[spmem:s20] =	stream.linear.scatter [tilespmem:s11], [sflag:$0x3], $0x1000, $0x38;
	[tilespmem:$0x1FC80] =	vst v63  }
0x4e: {  	s21 =	rddreg [dreg:$0xe]  }
0x4f: {  	[spmem:s21] =	stream.linear.scatter [tilespmem:s11], [sflag:$0x3], $0x1000, $0x38;
	[tilespmem:$0x1FC80] =	vst v63  }
0x50: {  	s20 =	rddreg [dreg:$0xf]  }
0x51: {  	[spmem:s20] =	stream.linear.scatter [tilespmem:s11], [sflag:$0x3], $0x1000, $0x38;
	[tilespmem:$0x1FC80] =	vst v63  }
0x52: {  	s21 =	rddreg [dreg:$0x10]  }
0x53: {  	[spmem:s21] =	stream.linear.scatter [tilespmem:s11], [sflag:$0x3], $0x1000, $0x38;
	[tilespmem:$0x1FC80] =	vst v63  }
0x54: {  	s20 =	rddreg [dreg:$0x11]  }
0x55: {  	[spmem:s20] =	stream.linear.scatter [tilespmem:s11], [sflag:$0x3], $0x1000, $0x38;
	[tilespmem:$0x1FC80] =	vst v63  }
0x56: {  	_ = 	snop  }
0x57: {  	[spmem:s26] =	stream.linear.scatter [tilespmem:s11], [sflag:$0x3], $0x1000, $0x38;
	[tilespmem:$0x1FC80] =	vst v63  }
0x58: {  	_ = 	snop  }
0x59: {  	[spmem:s28] =	stream.linear.scatter [tilespmem:s11], [sflag:$0x3], $0x1000, $0x38;
	[tilespmem:$0x1FC80] =	vst v63  }
0x5a: {  	_ = 	snop  }
0x5b: {  	[spmem:s29] =	stream.linear.scatter [tilespmem:s11], [sflag:$0x3], $0x1000, $0x38;
	[tilespmem:$0x1FC80] =	vst v63  }
0x5c: {  	_ = 	snop  }
0x5d: {  	[spmem:s30] =	stream.linear.scatter [tilespmem:s11], [sflag:$0x3], $0x1000, $0x38;
	[tilespmem:$0x1FC80] =	vst v63  }
0x5e: {  	_ = 	snop  }
0x5f: {  	[spmem:s31] =	stream.linear.scatter [tilespmem:s11], [sflag:$0x3], $0x1000, $0x38;
	[tilespmem:$0x1FC80] =	vst v63  }
0x60: {  	_ = 	snop  }
0x61: {  	[spmem:s0] =	stream.linear.scatter [tilespmem:s11], [sflag:$0x3], $0x800, $0x38;
	[tilespmem:$0x1FC80] =	vst v63  }
0x62: {  	s19 =	simm.s32 @!p0 $0xA800  }
0x63: {  	[spmem:s1] =	stream.linear.scatter @!p0 [tilespmem:s19], [sflag:$0x3], $0x800, $0x38;
	[tilespmem:$0x1FC80] =	vst v63  }
0x64: {  	_ =	swait.ge [sflag:s12], $0x1000  }
0x65: {  	[sflag:s12] =	ssyncset.done $0x0  }
0x66: {  	[sflag:s12] =	ssyncadd.s32 $0xFFFFF000  }
0x67: {  	_ =	swait.ge [sflag:s12], $0x1000  }
0x68: {  	[sflag:s12] =	ssyncset.done $0x0  }
0x69: {  	[sflag:s12] =	ssyncadd.s32 $0xFFFFF000  }
0x6a: {  	_ =	swait.ge [sflag:s12], $0x1000  }
0x6b: {  	[sflag:s12] =	ssyncset.done $0x0  }
0x6c: {  	[sflag:s12] =	ssyncadd.s32 $0xFFFFF000  }
0x6d: {  	_ =	swait.ge [sflag:s12], $0x1000  }
0x6e: {  	[sflag:s12] =	ssyncset.done $0x0  }
0x6f: {  	[sflag:s12] =	ssyncadd.s32 $0xFFFFF000  }
0x70: {  	_ =	swait.ge [sflag:s12], $0x1000  }
0x71: {  	[sflag:s12] =	ssyncset.done $0x0  }
0x72: {  	[sflag:s12] =	ssyncadd.s32 $0xFFFFF000  }
0x73: {  	_ =	swait.ge [sflag:s12], $0x1000  }
0x74: {  	[sflag:s12] =	ssyncset.done $0x0  }
0x75: {  	[sflag:s12] =	ssyncadd.s32 $0xFFFFF000  }
0x76: {  	_ =	swait.ge [sflag:s12], $0x1000  }
0x77: {  	[sflag:s12] =	ssyncset.done $0x0  }
0x78: {  	[sflag:s12] =	ssyncadd.s32 $0xFFFFF000  }
0x79: {  	_ =	swait.ge [sflag:s12], $0x1000  }
0x7a: {  	[sflag:s12] =	ssyncset.done $0x0  }
0x7b: {  	[sflag:s12] =	ssyncadd.s32 $0xFFFFF000  }
0x7c: {  	_ =	swait.ge [sflag:s12], $0x1000  }
0x7d: {  	[sflag:s12] =	ssyncset.done $0x0  }
0x7e: {  	[sflag:s12] =	ssyncadd.s32 $0xFFFFF000  }
0x7f: {  	_ =	swait.ge [sflag:s12], $0x1000  }
0x80: {  	[sflag:s12] =	ssyncset.done $0x0  }
0x81: {  	[sflag:s12] =	ssyncadd.s32 $0xFFFFF000  }
0x82: {  	_ =	swait.ge [sflag:s12], $0x1000  }
0x83: {  	[sflag:s12] =	ssyncset.done $0x0  }
0x84: {  	[sflag:s12] =	ssyncadd.s32 $0xFFFFF000  }
0x85: {  	_ =	swait.ge [sflag:s12], $0x1000  }
0x86: {  	[sflag:s12] =	ssyncset.done $0x0  }
0x87: {  	[sflag:s12] =	ssyncadd.s32 $0xFFFFF000  }
0x88: {  	_ =	swait.ge [sflag:s12], $0x1000  }
0x89: {  	[sflag:s12] =	ssyncset.done $0x0  }
0x8a: {  	[sflag:s12] =	ssyncadd.s32 $0xFFFFF000  }
0x8b: {  	_ =	swait.ge [sflag:s12], $0x1000  }
0x8c: {  	[sflag:s12] =	ssyncset.done $0x0  }
0x8d: {  	[sflag:s12] =	ssyncadd.s32 $0xFFFFF000  }
0x8e: {  	_ =	swait.ge [sflag:s12], $0x1000  }
0x8f: {  	[sflag:s12] =	ssyncset.done $0x0  }
0x90: {  	[sflag:s12] =	ssyncadd.s32 $0xFFFFF000  }
0x91: {  	_ =	swait.ge [sflag:s12], $0x1000  }
0x92: {  	[sflag:s12] =	ssyncset.done $0x0  }
0x93: {  	[sflag:s12] =	ssyncadd.s32 $0xFFFFF000  }
0x94: {  	_ =	swait.ge [sflag:s12], $0x1000  }
0x95: {  	[sflag:s12] =	ssyncset.done $0x0  }
0x96: {  	[sflag:s12] =	ssyncadd.s32 $0xFFFFF000  }
0x97: {  	_ =	swait.ge [sflag:s12], $0x1000  }
0x98: {  	[sflag:s12] =	ssyncset.done $0x0  }
0x99: {  	[sflag:s12] =	ssyncadd.s32 $0xFFFFF000  }
0x9a: {  	_ =	swait.ge [sflag:s12], $0x1000  }
0x9b: {  	[sflag:s12] =	ssyncset.done $0x0  }
0x9c: {  	[sflag:s12] =	ssyncadd.s32 $0xFFFFF000  }
0x9d: {  	_ =	swait.ge [sflag:s12], $0x800  }
0x9e: {  	[sflag:s12] =	ssyncset.done $0x0  }
0x9f: {  	s19 =	simm.s32 @!p0 $0x3;
	[sflag:s12] =	ssyncadd.s32 $0xFFFFF800  }
0xa0: {  	_ =	swait.ge @!p0 [sflag:s19], $0x800  }
0xa1: {  	[sflag:s19] =	ssyncset.done @!p0 $0x0  }
0xa2: {  	[sflag:s19] =	ssyncadd.s32 @!p0 $0xFFFFF800  }
0xa3: {  	[bflag:$0x0] =	sbarrier.arrive $0xFFFF  }
0xa4: {  	_ =	swait.ge [sflag:s13], $0x4000  }
0xa5: {  	[sflag:s13] =	ssyncset.done $0x0  }
0xa6: {  	s21 =	simm.s32 $0x1400;
	[sflag:s13] =	ssyncadd.s32 $0xFFFFC000  }
0xa7: {  	[spmem:s2] =	stream.indirect.scatter.add.f32 [tilespmem:s9], [sflag:$0x3], $0x80, s21, s8, $0xb8;
	[tilespmem:$0x1FC80] =	vst v63  }
0xa8: {  	_ =	swait.ge [sflag:s14], $0x4000  }
0xa9: {  	[sflag:s14] =	ssyncset.done $0x0  }
0xaa: {  	s20 =	simm.s32 $0x1480;
	[sflag:s14] =	ssyncadd.s32 $0xFFFFC000  }
0xab: {  	[spmem:s2] =	stream.indirect.scatter.add.f32 [tilespmem:s10], [sflag:$0x4], $0x80, s20, s8, $0xb8;
	[tilespmem:$0x1FC80] =	vst v63  }
0xac: {  	_ =	swait.ge [sflag:s12], $0x4000  }
0xad: {  	[sflag:s12] =	ssyncset.done $0x0  }
0xae: {  	s21 =	simm.s32 $0x100;
	[sflag:s12] =	ssyncadd.s32 $0xFFFFC000  }
0xaf: {  	[tilespmem:s9], [sflag:$0x1] =	stream.indirect.gather [hbm4b:s4+s8], $0x80, s21, s8, $0xb8;
	[tilespmem:$0x1FC80] =	vst v63  }
0xb0: {  	_ =	swait.ge [sflag:s15], $0x4000  }
0xb1: {  	[sflag:s15] =	ssyncset.done $0x0  }
0xb2: {  	s19 =	simm.s32 $0x400;
	s20 =	simm.s32 $0x180;
	[sflag:s15] =	ssyncadd.s32 $0xFFFFC000  }
.LBB2_4:
0xb3: {  	[tilespmem:s10], [sflag:$0x2] =	stream.indirect.gather [hbm4b:s4+s8], $0x80, s20, s8, $0xb8;
	[tilespmem:$0x1FC80] =	vst v63  }
0xb4: {  	s20 =	smov.u32 s19  }
0xb5: {  	p1 =	sne.s32 s19, $0x4800;
	s19 =	sadd.s32 $0x400, s19;
	_ =	swait.ge [sflag:s13], $0x4000  }
0xb6: {  	s20 =	sshra.s32 s20, $0x2;
	[sflag:s13] =	ssyncset.done $0x0  }
0xb7: {  	s21 =	sadd.s32 $0x1400, s20;
	[sflag:s13] =	ssyncadd.s32 $0xFFFFC000  }
0xb8: {  	[spmem:s2] =	stream.indirect.scatter.add.f32 [tilespmem:s9], [sflag:$0x3], $0x80, s21, s8, $0xb8;
	[tilespmem:$0x1FC80] =	vst v63  }
0xb9: {  	_ =	swait.ge [sflag:s14], $0x4000  }
0xba: {  	[sflag:s14] =	ssyncset.done $0x0  }
0xbb: {  	s21 =	sadd.s32 $0x1480, s20;
	[sflag:s14] =	ssyncadd.s32 $0xFFFFC000  }
0xbc: {  	[spmem:s2] =	stream.indirect.scatter.add.f32 [tilespmem:s10], [sflag:$0x4], $0x80, s21, s8, $0xb8;
	[tilespmem:$0x1FC80] =	vst v63  }
0xbd: {  	_ =	swait.ge [sflag:s12], $0x4000  }
0xbe: {  	[sflag:s12] =	ssyncset.done $0x0  }
.Ltmp1:
0xbf: {  	s21 =	sadd.s32 $0x100, s20;
	[sflag:s12] =	ssyncadd.s32 $0xFFFFC000;
	(pc) =	sbr.rel @p1 .LBB2_4-.Ltmp1, $4  }
0xc0: {  	[tilespmem:s9], [sflag:$0x1] =	stream.indirect.gather [hbm4b:s4+s8], $0x80, s21, s8, $0xb8;
	[tilespmem:$0x1FC80] =	vst v63  }
0xc1: {  	_ =	swait.ge [sflag:s15], $0x4000  }
0xc2: {  	[sflag:s15] =	ssyncset.done $0x0  }
0xc3: {  	s20 =	sadd.s32 $0x180, s20;
	[sflag:s15] =	ssyncadd.s32 $0xFFFFC000  }
0xc4: {  	[tilespmem:s10], [sflag:$0x2] =	stream.indirect.gather [hbm4b:s4+s8], $0x80, s20, s8, $0xb8;
	[tilespmem:$0x1FC80] =	vst v63  }
0xc5: {  	_ =	swait.ge [sflag:s13], $0x4000  }
0xc6: {  	[sflag:s13] =	ssyncset.done $0x0  }
0xc7: {  	[sflag:s13] =	ssyncadd.s32 $0xFFFFC000  }
0xc8: {  	[spmem:s2] =	stream.indirect.scatter.add.f32 [tilespmem:s9], [sflag:$0x3], $0x80, s16, s8, $0xb8;
	[tilespmem:$0x1FC80] =	vst v63  }
0xc9: {  	_ =	swait.ge [sflag:s14], $0x4000  }
0xca: {  	[sflag:s14] =	ssyncset.done $0x0  }
0xcb: {  	[sflag:s14] =	ssyncadd.s32 $0xFFFFC000  }
0xcc: {  	[spmem:s2] =	stream.indirect.scatter.add.f32 [tilespmem:s10], [sflag:$0x4], $0x80, s17, s8, $0xb8;
	[tilespmem:$0x1FC80] =	vst v63  }
0xcd: {  	_ =	swait.ge [sflag:s12], $0x4000  }
0xce: {  	[sflag:s12] =	ssyncset.done $0x0  }
0xcf: {  	[sflag:s12] =	ssyncadd.s32 $0xFFFFC000  }
0xd0: {  	_ =	swait.ge [sflag:s15], $0x4000  }
0xd1: {  	[sflag:s15] =	ssyncset.done $0x0  }
0xd2: {  	s19 =	simm.s32 $0x0;
	[sflag:s15] =	ssyncadd.s32 $0xFFFFC000  }
0xd3: {  	[tilespmem:s19], [sflag:$0x5] =	stream.linear.gather [hbm4b:s22+s19], $0x1400, $0x38;
	[tilespmem:$0x1FC80] =	vst v63  }
0xd4: {  	_ =	swait.ge [sflag:s5], $0x1400  }
0xd5: {  	[sflag:s5] =	ssyncset.done $0x0  }
0xd6: {  	[sflag:s5] =	ssyncadd.s32 $0xFFFFEC00  }
0xd7: {  	[tilespmem:s6], [sflag:$0x5] =	stream.linear.gather [hbm4b:s23+s19], $0x1400, $0x38;
	[tilespmem:$0x1FC80] =	vst v63  }
0xd8: {  	_ =	swait.ge [sflag:s5], $0x1400  }
0xd9: {  	[sflag:s5] =	ssyncset.done $0x0  }
0xda: {  	[sflag:s5] =	ssyncadd.s32 $0xFFFFEC00  }
0xdb: {  	[tilespmem:s9], [sflag:$0x1] =	stream.indirect.gather [hbm4b:s4+s8], $0x80, s19, s8, $0xb8;
	[tilespmem:$0x1FC80] =	vst v63  }
0xdc: {  	_ = 	snop  }
0xdd: {  	[tilespmem:s10], [sflag:$0x2] =	stream.indirect.gather [hbm4b:s4+s8], $0x80, s8, s8, $0xb8;
	[tilespmem:$0x1FC80] =	vst v63  }
0xde: {  	_ =	swait.ge [sflag:s13], $0x4000  }
0xdf: {  	[sflag:s13] =	ssyncset.done $0x0  }
0xe0: {  	s21 =	simm.s32 $0x1400;
	[sflag:s13] =	ssyncadd.s32 $0xFFFFC000  }
0xe1: {  	[spmem:s2] =	stream.indirect.scatter.add.f32 [tilespmem:s9], [sflag:$0x3], $0x80, s21, s8, $0xb8;
	[tilespmem:$0x1FC80] =	vst v63  }
0xe2: {  	_ =	swait.ge [sflag:s14], $0x4000  }
0xe3: {  	[sflag:s14] =	ssyncset.done $0x0  }
0xe4: {  	s20 =	simm.s32 $0x1480;
	[sflag:s14] =	ssyncadd.s32 $0xFFFFC000  }
0xe5: {  	[spmem:s2] =	stream.indirect.scatter.add.f32 [tilespmem:s10], [sflag:$0x4], $0x80, s20, s8, $0xb8;
	[tilespmem:$0x1FC80] =	vst v63  }
0xe6: {  	_ =	swait.ge [sflag:s12], $0x4000  }
0xe7: {  	[sflag:s12] =	ssyncset.done $0x0  }
0xe8: {  	s21 =	simm.s32 $0x100;
	[sflag:s12] =	ssyncadd.s32 $0xFFFFC000  }
0xe9: {  	[tilespmem:s9], [sflag:$0x1] =	stream.indirect.gather [hbm4b:s4+s8], $0x80, s21, s8, $0xb8;
	[tilespmem:$0x1FC80] =	vst v63  }
0xea: {  	_ =	swait.ge [sflag:s15], $0x4000  }
0xeb: {  	[sflag:s15] =	ssyncset.done $0x0  }
0xec: {  	s19 =	simm.s32 $0x400;
	s20 =	simm.s32 $0x180;
	[sflag:s15] =	ssyncadd.s32 $0xFFFFC000  }
.LBB2_6:
0xed: {  	[tilespmem:s10], [sflag:$0x2] =	stream.indirect.gather [hbm4b:s4+s8], $0x80, s20, s8, $0xb8;
	[tilespmem:$0x1FC80] =	vst v63  }
0xee: {  	s20 =	smov.u32 s19  }
0xef: {  	p1 =	sne.s32 s19, $0x4800;
	s19 =	sadd.s32 $0x400, s19;
	_ =	swait.ge [sflag:s13], $0x4000  }
0xf0: {  	s20 =	sshra.s32 s20, $0x2;
	[sflag:s13] =	ssyncset.done $0x0  }
0xf1: {  	s21 =	sadd.s32 $0x1400, s20;
	[sflag:s13] =	ssyncadd.s32 $0xFFFFC000  }
0xf2: {  	[spmem:s2] =	stream.indirect.scatter.add.f32 [tilespmem:s9], [sflag:$0x3], $0x80, s21, s8, $0xb8;
	[tilespmem:$0x1FC80] =	vst v63  }
0xf3: {  	_ =	swait.ge [sflag:s14], $0x4000  }
0xf4: {  	[sflag:s14] =	ssyncset.done $0x0  }
0xf5: {  	s21 =	sadd.s32 $0x1480, s20;
	[sflag:s14] =	ssyncadd.s32 $0xFFFFC000  }
0xf6: {  	[spmem:s2] =	stream.indirect.scatter.add.f32 [tilespmem:s10], [sflag:$0x4], $0x80, s21, s8, $0xb8;
	[tilespmem:$0x1FC80] =	vst v63  }
0xf7: {  	_ =	swait.ge [sflag:s12], $0x4000  }
0xf8: {  	[sflag:s12] =	ssyncset.done $0x0  }
.Ltmp2:
0xf9: {  	s21 =	sadd.s32 $0x100, s20;
	[sflag:s12] =	ssyncadd.s32 $0xFFFFC000;
	(pc) =	sbr.rel @p1 .LBB2_6-.Ltmp2, $4  }
0xfa: {  	[tilespmem:s9], [sflag:$0x1] =	stream.indirect.gather [hbm4b:s4+s8], $0x80, s21, s8, $0xb8;
	[tilespmem:$0x1FC80] =	vst v63  }
0xfb: {  	_ =	swait.ge [sflag:s15], $0x4000  }
0xfc: {  	[sflag:s15] =	ssyncset.done $0x0  }
0xfd: {  	s20 =	sadd.s32 $0x180, s20;
	[sflag:s15] =	ssyncadd.s32 $0xFFFFC000  }
0xfe: {  	[tilespmem:s10], [sflag:$0x2] =	stream.indirect.gather [hbm4b:s4+s8], $0x80, s20, s8, $0xb8;
	[tilespmem:$0x1FC80] =	vst v63  }
0xff: {  	_ =	swait.ge [sflag:s13], $0x4000  }
0x100: {  	[sflag:s13] =	ssyncset.done $0x0  }
0x101: {  	[sflag:s13] =	ssyncadd.s32 $0xFFFFC000  }
0x102: {  	[spmem:s2] =	stream.indirect.scatter.add.f32 [tilespmem:s9], [sflag:$0x3], $0x80, s16, s8, $0xb8;
	[tilespmem:$0x1FC80] =	vst v63  }
0x103: {  	_ =	swait.ge [sflag:s14], $0x4000  }
0x104: {  	[sflag:s14] =	ssyncset.done $0x0  }
0x105: {  	[sflag:s14] =	ssyncadd.s32 $0xFFFFC000  }
0x106: {  	[spmem:s2] =	stream.indirect.scatter.add.f32 [tilespmem:s10], [sflag:$0x4], $0x80, s17, s8, $0xb8;
	[tilespmem:$0x1FC80] =	vst v63  }
0x107: {  	_ =	swait.ge [sflag:s12], $0x4000  }
0x108: {  	[sflag:s12] =	ssyncset.done $0x0  }
0x109: {  	[sflag:s12] =	ssyncadd.s32 $0xFFFFC000  }
0x10a: {  	_ =	swait.ge [sflag:s15], $0x4000  }
0x10b: {  	[sflag:s15] =	ssyncset.done $0x0  }
0x10c: {  	s19 =	stileid.u32;
	[sflag:s15] =	ssyncadd.s32 $0xFFFFC000  }
0x10d: {  	s19 =	sshll.u32 s19, $0x6;
	[bflag:$0x0] =	sbarrier.arrive $0xFFFF  }
0x10e: {  	s20 =	sshrl.u32 s7, $0x3;
	s19 =	sor.u32 $0x1C05, s19;
	s21 =	rddreg [dreg:$0x12]  }
0x10f: {  	[hbm:s21], [sflag:s19] =	dma.local [spmem:s20], $0x2700  }
0x110: {  	_ =	swait.ge [sflag:s5], $0x2700  }
0x111: {  	s18 =	sadd.s32 $0x1, s18;
	[sflag:s5] =	ssyncset.done $0x0  }
0x112: {  	p1 =	sne.s32 s18, s25;
	s20 =	sshrl.u32 @!p0 s1, $0x3;
	[sflag:s5] =	ssyncadd.s32 $0xFFFFD900  }
0x113: {  	[hbm:s24], [sflag:s19] =	dma.local @!p0 [spmem:s20], $0x100  }
.Ltmp3:
0x114: {  	_ = 	snop;
	(pc) =	sbr.rel @p1 .LBB2_1-.Ltmp3, $4  }
0x115: {  	s19 =	simm.s32 @!p0 $0x5  }
0x116: {  	_ =	swait.ge @!p0 [sflag:s19], $0x100  }
0x117: {  	[sflag:s19] =	ssyncset.done @!p0 $0x0  }
0x118: {  	[sflag:s19] =	ssyncadd.s32 @!p0 $0xFFFFFF00  }
0x119: {  	_ =	sfence.sel $0x180000  }
0x11a: {  	[bflag:$0x0] =	sbarrier.arrive $0xFFFF  }
0x11b: {  	_ =	strace $0x9000004D  }
0x11c: {  	s0 =	stileid.u32;
	[bflag:$0x2] =	sbarrier.arrive $0xFFFF  }
0x11d: {  	p0 =	sne.s32 s0, $0x0;
	s0 =	rddreg [dreg:$0x2]  }
0x11e: {  	s0 =	sadd.s32 @!p0 $0x100000, s0  }
0x11f: {  	[sflag:s0] =	ssyncadd.tile.s32 @!p0 $0x1;
	_ =	shalt  }
.Lfunc_end2:
_tile_overlayer_lowered:
.L_overlay_start_2:
0x120: {  	(tag) =	ssettag $0x2  }
0x121: {  	s0 =	rddreg [dreg:$0x0];
	s2 =	stileid.u32  }
0x122: {  	s1 =	rddreg [dreg:$0x1];
	p0 =	sne.s32 s2, $0x0  }
0x123: {  	s3 =	rddreg [dreg:$0x2];
	[bflag:$0x3] =	sbarrier.arrive $0xFFFF;
	s2 =	simm.s32 @!p0 $0x1C05  }
0x124: {  	[timem:s3], [sflag:s2] =	dma.local @!p0 [hbm:s0], s1  }
0x125: {  	s0 =	simm.s32 @!p0 $0x5  }
0x126: {  	_ =	swait.ge @!p0 [sflag:s0], s1  }
0x127: {  	s1 =	ssub.s32 @!p0 $0x0, s1;
	[sflag:s0] =	ssyncset.done @!p0 $0x0  }
0x128: {  	[sflag:s0] =	ssyncadd.s32 @!p0 s1  }
0x129: {  	[bflag:$0x3] =	sbarrier.arrive $0xFFFF  }
0x12a: {  	_ =	shalt  }

// kernel: kernel.8.cloned.1.call-start
scs
__scs_entry_jumppad:
0x0: {  	(pc) =	sbr.rel $0x88, $3  }
0x1: {  	(tag) =	ssettag $0x0;
	lr =	simm.s32 $0x1  }
0x2: {  	[smem:$0x3F9A] =	sst lr;
	_ =	strace $0xD0000000  }
0x3: {  	_ = 	snop  }
0x4: {  	_ = 	snop  }
0x5: {  	_ = 	snop  }
0x6: {  	_ = 	snop  }
0x7: {  	_ = 	snop  }
__scs_overlays_trampoline_lowered:
0x8: {  	[smem:$0x3FA9] =	sst s0  }
0x9: {  	[smem:$0x3FAA] =	sst s1  }
0xa: {  	[smem:$0x3FAB] =	sst s2  }
0xb: {  	[smem:$0x3FAC] =	sst s3  }
0xc: {  	[smem:$0x3FAD] =	sst s4  }
0xd: {  	[smem:$0x3FAE] =	sst s5  }
0xe: {  	[smem:$0x3FAF] =	sst s6  }
0xf: {  	[smem:$0x3FB0] =	sst s7  }
0x10: {  	[smem:$0x3FB1] =	sst s8  }
0x11: {  	[smem:$0x3FB2] =	sst s9;
	s0 =	simm.s32 @!p0 $0x0  }
0x12: {  	s1 =	sld [smem:$0x3F98];
	s0 =	simm.s32 @p0 $0x1  }
0x13: {  	[smem:$0x3FB3] =	sst s0;
	s0 =	simm.s32 @!p1 $0x0  }
0x14: {  	s2 =	sld [smem:$0x3F97];
	s0 =	simm.s32 @p1 $0x1  }
0x15: {  	[smem:$0x3FB4] =	sst s0;
	s0 =	simm.s32 @!p2 $0x0  }
0x16: {  	s3 =	sld [smem:$0x3FDB];
	s0 =	simm.s32 @p2 $0x1  }
0x17: {  	s4 =	simm.s32 $0x1BF5;
	[smem:$0x3FB6] =	sst s0  }
0x18: {  	s0 =	sld [smem:$0x3F99];
	_ =	swait.ge [sflag:s4], $0x0  }
0x19: {  	s7 =	sld [smem:$0x3F9A]  }
0x1a: {  	s8 =	sadd.s32 $0xFFFFE003, lr  }
0x1b: {  	s9 =	sadd.s32 $0xFFFFFEF7, lr;
	s5 =	simm.s32 $0xFFFFFFFF;
	p2 =	slt.u32 s8, $0xFFFFF086  }
0x1c: {  	p1 =	slt.u32 s9, $0xF7A;
	s5 =	simm.s32 @!p2 $0x0  }
0x1d: {  	s5 =	simm.s32 @p1 $0x1;
	p0 =	seq.s32 s7, s2  }
0x1e: {  	s7 =	smul.u32 @!p0 $0xF7A, s2;
	p2 =	seq.s32 @!p0 s5, $0x0  }
0x1f: {  	s9 =	smul.u32 $0xF7A, s1;
	s8 =	simm.s32 @!p0 $0x1BF5;
	p2 =	por !p2, p0  }
0x20: {  	[sflag:s8] =	ssyncset.s32 @!p0 $0xFFFFF086;
	s6 =	sadd.s32 @!p0 s3, s7;
	s7 =	simm.s32 @!p0 $0x108  }
0x21: {  	s3 =	sadd.s32 s3, s9;
	s6 =	sadd.s32 @!p0 $0x88, s6;
	s7 =	simm.s32 @p2 $0x1082  }
0x22: {  	[simem:s7], [sflag:s8] =	dma.local @!p0 [hbm:s6], $0xF7A  }
0x23: {  	s9 =	sor.u32 $0xD0000000, s2;
	s6 =	simm.s32 $0x108;
	_ =	swait.ge @!p0 [sflag:s8], $0x0  }
0x24: {  	s3 =	sadd.s32 $0x88, s3;
	s6 =	simm.s32 @!p1 $0x1082;
	[sflag:s4] =	ssyncset.s32 $0xFFFFF086  }
0x25: {  	[simem:s6], [sflag:s4] =	dma.local [hbm:s3], $0xF7A  }
0x26: {  	[smem:$0x3F9A] =	sst s1;
	(tag) =	ssettag s2;
	_ =	strace s9  }
0x27: {  	s1 =	sld [smem:$0x3FAA]  }
0x28: {  	s2 =	sld [smem:$0x3FAB]  }
0x29: {  	s4 =	sld [smem:$0x3FAD]  }
0x2a: {  	p0 =	seq.s32 s5, $0x0;
	s5 =	sld [smem:$0x3FAE]  }
0x2b: {  	s6 =	sld [smem:$0x3FAF]  }
0x2c: {  	s7 =	sld [smem:$0x3FB0]  }
0x2d: {  	s3 =	simm.s32 $0x108;
	s8 =	sld [smem:$0x3FB1]  }
0x2e: {  	s3 =	simm.s32 @!p0 $0x1082;
	s9 =	sld [smem:$0x3FB2]  }
0x2f: {  	lr =	sadd.s32 s0, s3;
	s0 =	sld [smem:$0x3FA9]  }
0x30: {  	s3 =	sld [smem:$0x3FAC]  }
0x31: {  	[smem:$0x3FB5] =	sst s10  }
0x32: {  	s10 =	sld [smem:$0x3FB3];
	_ =	sdelay $0x3  }
0x33: {  	p0 =	seq.s32 s10, $0x1;
	s10 =	sld [smem:$0x3FB5];
	_ =	sdelay $0x3  }
0x34: {  	[smem:$0x3FB5] =	sst s10  }
0x35: {  	s10 =	sld [smem:$0x3FB4];
	_ =	sdelay $0x3  }
0x36: {  	p1 =	seq.s32 s10, $0x1;
	s10 =	sld [smem:$0x3FB5];
	_ =	sdelay $0x3  }
0x37: {  	[smem:$0x3FB5] =	sst s10  }
0x38: {  	s10 =	sld [smem:$0x3FB6]  }
0x39: {  	_ = 	snop;
	(pc) =	sbr.ind lr, $3  }
0x3a: {  	_ = 	snop  }
0x3b: {  	_ = 	snop  }
0x3c: {  	p2 =	seq.s32 s10, $0x1;
	s10 =	sld [smem:$0x3FB5]  }
0x3d: {  	_ =	shalt  }
0x3e: {  	_ =	shalt  }
0x3f: {  	_ =	shalt  }
0x40: {  	_ =	shalt  }
0x41: {  	_ =	shalt  }
0x42: {  	_ =	shalt  }
0x43: {  	_ =	shalt  }
0x44: {  	_ =	shalt  }
0x45: {  	_ =	shalt  }
0x46: {  	_ =	shalt  }
0x47: {  	_ =	shalt  }
0x48: {  	_ =	shalt  }
0x49: {  	_ =	shalt  }
0x4a: {  	_ =	shalt  }
0x4b: {  	_ =	shalt  }
0x4c: {  	_ =	shalt  }
0x4d: {  	_ =	shalt  }
0x4e: {  	_ =	shalt  }
0x4f: {  	_ =	shalt  }
0x50: {  	_ =	shalt  }
0x51: {  	_ =	shalt  }
0x52: {  	_ =	shalt  }
0x53: {  	_ =	shalt  }
0x54: {  	_ =	shalt  }
0x55: {  	_ =	shalt  }
0x56: {  	_ =	shalt  }
0x57: {  	_ =	shalt  }
0x58: {  	_ =	shalt  }
0x59: {  	_ =	shalt  }
0x5a: {  	_ =	shalt  }
0x5b: {  	_ =	shalt  }
0x5c: {  	_ =	shalt  }
0x5d: {  	_ =	shalt  }
0x5e: {  	_ =	shalt  }
0x5f: {  	_ =	shalt  }
0x60: {  	_ =	shalt  }
0x61: {  	_ =	shalt  }
0x62: {  	_ =	shalt  }
0x63: {  	_ =	shalt  }
0x64: {  	_ =	shalt  }
0x65: {  	_ =	shalt  }
0x66: {  	_ =	shalt  }
0x67: {  	_ =	shalt  }
0x68: {  	_ =	shalt  }
0x69: {  	_ =	shalt  }
0x6a: {  	_ =	shalt  }
0x6b: {  	_ =	shalt  }
0x6c: {  	_ =	shalt  }
0x6d: {  	_ =	shalt  }
0x6e: {  	_ =	shalt  }
0x6f: {  	_ =	shalt  }
0x70: {  	_ =	shalt  }
0x71: {  	_ =	shalt  }
0x72: {  	_ =	shalt  }
0x73: {  	_ =	shalt  }
0x74: {  	_ =	shalt  }
0x75: {  	_ =	shalt  }
0x76: {  	_ =	shalt  }
0x77: {  	_ =	shalt  }
0x78: {  	_ =	shalt  }
0x79: {  	_ =	shalt  }
0x7a: {  	_ =	shalt  }
0x7b: {  	_ =	shalt  }
0x7c: {  	_ =	shalt  }
0x7d: {  	_ =	shalt  }
0x7e: {  	_ =	shalt  }
0x7f: {  	_ =	shalt  }
0x80: {  	_ =	shalt  }
0x81: {  	_ =	shalt  }
0x82: {  	_ =	shalt  }
0x83: {  	_ =	shalt  }
0x84: {  	_ =	shalt  }
0x85: {  	_ =	shalt  }
0x86: {  	_ =	shalt  }
0x87: {  	_ =	shalt  }
.Lfunc_end0:
.L_simem_size_0:
called_computation_lowered:
.L_overlay_start_0:
0x88: {  	s2 =	sld [smem:$0x3FD9]  }
0x89: {  	s3 =	sld [smem:$0x3FFE];
	_ =	sdelay $0x1  }
0x8a: {  	s1 =	srdreg.scid  }
0x8b: {  	s0 =	sand.u32 $0x1, s1  }
0x8c: {  	s16 =	sshll.u32 s0, $0xA;
	s2 =	sadd.s32 s3, s2  }
0x8d: {  	s2 =	sadd.s32 s2, s16  }
0x8e: {  	[smem:$0x3FC1] =	sst s2  }
0x8f: {  	_ = 	snop  }
0x90: {  	(tm) =	ssettm $0x1  }
0x91: {  	s17 =	sld [smem:$0x3FFB];
	_ =	sdelay $0x3  }
0x92: {  	_ =	strace s17  }
0x93: {  	s2 =	sld [smem:$0x3FFC];
	_ =	sdelay $0x3  }
0x94: {  	_ =	strace s2  }
0x95: {  	s2 =	sld [smem:$0x3FFD];
	_ =	sdelay $0x3  }
0x96: {  	_ =	strace s2  }
0x97: {  	_ =	strace $0x8FFFFFFF  }
0x98: {  	s18 =	sld [smem:$0x3FDB];
	_ =	sdelay $0x1  }
0x99: {  	s19 =	simm.s32 $_scs_section_size  }
0x9a: {  	s4 =	simm.s32 $_size__tile_overlayer_lowered;
	s5 =	simm.s32 $_tile_overlayer_lowered  }
0x9b: {  	s22 =	simm.s32 $0x1BFF;
	s21 =	sshll.u32 s5, $0x1;
	s2 =	sadd.s32 s19, s18  }
0x9c: {  	s6 =	simm.s32 $0x0;
	s20 =	sshll.u32 s4, $0x1;
	s4 =	sadd.s32 s21, s2  }
0x9d: {  	[timem:s6], [sflag:s22] =	dma.local [hbm:s4], s20  }
0x9e: {  	_ =	swait.ge [sflag:s22], s20  }
0x9f: {  	s3 =	ssub.s32 $0x0, s20;
	[sflag:s22] =	ssyncset.done $0x0  }
0xa0: {  	[sflag:s22] =	ssyncadd.s32 s3;
	_ =	sdelay $0x1  }
0xa1: {  	s23 =	simm.s32 $0x1B8B  }
0xa2: {  	_ =	swait.ge [sflag:s23], $0x1  }
0xa3: {  	[sflag:s23] =	ssyncset.done $0x0  }
0xa4: {  	s25 =	simm.s32 $0x1B8E;
	s24 =	sld [smem:$0x3FFE];
	[sflag:s23] =	ssyncadd.s32 $0xFFFFFFFF  }
0xa5: {  	s26 =	simm.s32 $execute0_lowered;
	[smem:$0x3FD2] =	sst s25  }
0xa6: {  	s4 =	sshll.u32 s26, $0x1;
	_ =	strace $0x80000046;
	[dreg:$0x1] =	wrdreg $0xFFFFFFFF  }
0xa7: {  	s28 =	simm.s32 $_size_execute0_lowered;
	s2 =	sadd.s32 s2, s4;
	[dreg:$0x0] =	wrdreg $0x0  }
0xa8: {  	s4 =	sshll.u32 s28, $0x1;
	[dreg:$0x2] =	wrdreg s2  }
0xa9: {  	[dreg:$0x3] =	wrdreg s4  }
0xaa: {  	[dreg:$0x4] =	wrdreg $0xC0  }
0xab: {  	_ =	task [dreg:s6], $0x5FFFF  }
0xac: {  	[dreg:$0x1] =	wrdreg $0xFFFFFFFF  }
0xad: {  	[dreg:$0x0] =	wrdreg $0x60  }
0xae: {  	[dreg:$0x2] =	wrdreg s24  }
0xaf: {  	[dreg:$0x3] =	wrdreg $0x78000  }
0xb0: {  	[dreg:$0x4] =	wrdreg $0x9  }
0xb1: {  	_ =	task.clear_ibuf [dreg:s6], $0x5FFFF;
	_ =	strace $0x90000046  }
0xb2: {  	s29 =	simm.s32 $0x9;
	_ =	strace $0x80000048  }
0xb3: {  	_ =	swait.ge [sflag:s29], $0x1  }
0xb4: {  	[sflag:s29] =	ssyncadd.s32 $0xFFFFFFFF  }
0xb5: {  	_ =	strace $0x90000048  }
0xb6: {  	_ =	sfence  }
0xb7: {  	s30 =	sld [smem:$0x0];
	_ =	sdelay $0x2  }
0xb8: {  	s31 =	sshll.u32 s1, $0xD;
	s1 =	sshrl.u32 s1, $0x2  }
0xb9: {  	s3 =	sand.u32 $0x4000, s31;
	s1 =	sadd.s32 s1, s30  }
0xba: {  	s0 =	sor.u32 s3, s0;
	s1 =	sshll.u32 s1, $0x11  }
0xbb: {  	s0 =	sor.u32 s1, s0  }
0xbc: {  	s0 =	sadd.s32 $0x8F2B, s0  }
0xbd: {  	[sflag:s0] =	ssyncadd.remote.s32 $0x1  }
0xbe: {  	_ =	sfence.sel $0xFFFF  }
0xbf: {  	[dreg:$0x0] =	wrdreg $0xFFFFFFFF;
	(pc) =	sbr.abs _section_cstart, $3  }
0xc0: {  	[dreg:$0x1] =	wrdreg $0xFFFFFFFF  }
0xc1: {  	_ =	task.clear_ibuf [dreg:s6], $0x2FFFF;
	_ =	strace $0x9FFFFFFF  }
0xc2: {  	(tm) =	ssettm $0x7FFFFFFF  }
0xc3: {  	_ =	shalt  }
tec
execute0_lowered:
.L_overlay_start_1:
0x0: {  	(tag) =	ssettag $0x1  }
0x1: {  	s0 =	srdreg.scid;
	s1 =	rddreg [dreg:$0x0]  }
0x2: {  	s8 =	stileid.u32;
	s2 =	rddreg [dreg:$0x1];
	s4 =	simm.s32 $0x0  }
0x3: {  	s30 =	simm.s32 $0x5000;
	s31 =	simm.s32 $0x2;
	s0 =	sand.u32 $0x1, s0  }
0x4: {  	[smem:$0x7FF] =	sst s4;
	s21 =	smul.u32 $0x4E000, s8;
	s5 =	sadd.s32 $0x16C00, s1  }
0x5: {  	s26 =	smul.u32 $0x13800, s8;
	p0 =	sne.s32 s8, $0xF;
	s29 =	sadd.s32 $0x138000, s2  }
0x6: {  	s3 =	sshll.u32 s0, $0x4;
	_ =	strace $0x80000047;
	s6 =	ssub.s32 $0x2, s0  }
0x7: {  	s0 =	smul.u32 $0x138800, s0;
	s3 =	sor.u32 s8, s3;
	s4 =	sshrl.u32 s21, $0x2  }
0x8: {  	s7 =	sshrl.u32 s6, $0x1;
	s3 =	smul.u32 $0x2800, s3;
	s4 =	sadd.s32 s4, s2  }
0x9: {  	s6 =	ssub.s32 s6, s7;
	s22 =	sadd.s32 $0x1000, s4;
	s23 =	sadd.s32 $0x2000, s4  }
0xa: {  	s24 =	sadd.s32 $0x3000, s4;
	s25 =	sadd.s32 $0x4000, s4;
	s10 =	sadd.s32 $0x5000, s4  }
0xb: {  	s11 =	sadd.s32 $0x6000, s4;
	s12 =	sadd.s32 $0x7000, s4;
	s13 =	sadd.s32 $0x8000, s4  }
0xc: {  	s14 =	sadd.s32 $0x9000, s4;
	s15 =	sadd.s32 $0xA000, s4;
	s16 =	sadd.s32 $0xB000, s4  }
0xd: {  	s17 =	sadd.s32 $0xC000, s4;
	s18 =	sadd.s32 $0xD000, s4;
	[dreg:$0x4] =	wrdreg s22  }
0xe: {  	s19 =	sadd.s32 $0xE000, s4;
	s20 =	sadd.s32 $0xF000, s4;
	[dreg:$0x5] =	wrdreg s23  }
0xf: {  	s21 =	sadd.s32 $0x10000, s4;
	s3 =	sshrl.u32 s3, $0x3;
	[dreg:$0x6] =	wrdreg s24  }
0x10: {  	s28 =	sadd.s32 $0x13000, s4;
	[dreg:$0x7] =	wrdreg s25;
	s1 =	sadd.s32 s1, s3  }
0x11: {  	s23 =	sadd.s32 $0x11000, s4;
	s25 =	smax.u32 s6, $0x1;
	s1 =	sadd.s32 $0xCC00, s1  }
0x12: {  	[dreg:$0x3] =	wrdreg s1;
	s1 =	sadd.s32 s26, s0;
	s0 =	sshrl.u32 s0, $0x3  }
0x13: {  	s3 =	simm.s32 $0x1;
	s1 =	sshrl.u32 s1, $0x3;
	s0 =	sadd.s32 s5, s0  }
0x14: {  	s26 =	sadd.s32 $0x12000, s4;
	s22 =	sadd.s32 s5, s1;
	s24 =	sadd.s32 $0x27000, s0  }
0x15: {  	v0 =	vimm.f32 $1.000000000e+00;
	v1 =	vimm.f32 $0.0e+00;
	s1 =	simm.s32 $0x4000;
	s0 =	simm.s32 $0x80;
	s5 =	simm.s32 $0x0  }
.LBB2_1:
0x16: {  	s6 =	simm.s32 $0x0;
	s7 =	simm.s32 $0x200  }
.LBB2_2:
0x17: {  	p1 =	sne.s32 s7, $0xFE00;
	[tilespmem:s6+$0x70] =	vst v0  }
0x18: {  	[tilespmem:s6+$0x0] =	vst v0  }
0x19: {  	[tilespmem:s6+$0x10] =	vst v0  }
.Ltmp0:
0x1a: {  	[tilespmem:s6+$0x20] =	vst v0;
	(pc) =	sbr.rel @p1 .LBB2_2-.Ltmp0, $4  }
0x1b: {  	[tilespmem:s6+$0x30] =	vst v0  }
0x1c: {  	[tilespmem:s6+$0x40] =	vst v0  }
0x1d: {  	[tilespmem:s6+$0x50] =	vst v0  }
0x1e: {  	[tilespmem:s6+$0x60] =	vst v0;
	s6 =	sshra.s32 s7, $0x2;
	s7 =	sadd.s32 $0x200, s7  }
0x1f: {  	[tilespmem:s6+$0x70] =	vst v0  }
0x20: {  	[tilespmem:s6+$0x0] =	vst v0  }
0x21: {  	[tilespmem:s6+$0x10] =	vst v0  }
0x22: {  	[tilespmem:s6+$0x20] =	vst v0  }
0x23: {  	[tilespmem:s6+$0x30] =	vst v0  }
0x24: {  	[tilespmem:s6+$0x40] =	vst v0  }
0x25: {  	[tilespmem:s6+$0x50] =	vst v0  }
0x26: {  	[tilespmem:s6+$0x60] =	vst v0;
	s6 =	simm.s32 $0x0;
	s7 =	simm.s32 $0x200  }
.LBB2_4:
0x27: {  	p1 =	sne.s32 s7, $0x3E00;
	[tilespmem:s6+$0x4070] =	vst v1  }
0x28: {  	[tilespmem:s6+$0x4000] =	vst v1  }
0x29: {  	[tilespmem:s6+$0x4010] =	vst v1  }
.Ltmp1:
0x2a: {  	[tilespmem:s6+$0x4020] =	vst v1;
	(pc) =	sbr.rel @p1 .LBB2_4-.Ltmp1, $4  }
0x2b: {  	[tilespmem:s6+$0x4030] =	vst v1  }
0x2c: {  	[tilespmem:s6+$0x4040] =	vst v1  }
0x2d: {  	[tilespmem:s6+$0x4050] =	vst v1  }
0x2e: {  	[tilespmem:s6+$0x4060] =	vst v1;
	s6 =	sshra.s32 s7, $0x2;
	s7 =	sadd.s32 $0x200, s7  }
0x2f: {  	[tilespmem:s6+$0x4070] =	vst v1  }
0x30: {  	[tilespmem:s6+$0x4000] =	vst v1  }
0x31: {  	[tilespmem:s6+$0x4010] =	vst v1  }
0x32: {  	[tilespmem:s6+$0x4020] =	vst v1  }
0x33: {  	[tilespmem:s6+$0x4030] =	vst v1  }
0x34: {  	[tilespmem:s6+$0x4040] =	vst v1  }
0x35: {  	[tilespmem:s6+$0x4050] =	vst v1  }
0x36: {  	[tilespmem:s6+$0x4060] =	vst v1;
	s9 =	simm.s32 $0x0;
	s7 =	rddreg [dreg:$0x3]  }
0x37: {  	[tilespmem:s30], [sflag:$0x2] =	stream.linear.gather [hbm4b:s7+s9], $0x2800, $0x38;
	[tilespmem:$0x1BC80] =	vst v63  }
0x38: {  	_ =	swait.ge [sflag:s31], $0x2800  }
0x39: {  	[sflag:s31] =	ssyncset.done $0x0  }
0x3a: {  	[sflag:s31] =	ssyncadd.s32 $0xFFFFD800  }
0x3b: {  	[spmem:s4] =	stream.linear.scatter [tilespmem:s1], [sflag:$0x1], $0x1000, $0x38;
	[tilespmem:$0x1BC80] =	vst v63  }
0x3c: {  	s7 =	rddreg [dreg:$0x4]  }
0x3d: {  	[spmem:s7] =	stream.linear.scatter [tilespmem:s1], [sflag:$0x1], $0x1000, $0x38;
	[tilespmem:$0x1BC80] =	vst v63  }
0x3e: {  	s8 =	rddreg [dreg:$0x5]  }
0x3f: {  	[spmem:s8] =	stream.linear.scatter [tilespmem:s1], [sflag:$0x1], $0x1000, $0x38;
	[tilespmem:$0x1BC80] =	vst v63  }
0x40: {  	s9 =	rddreg [dreg:$0x6]  }
0x41: {  	[spmem:s9] =	stream.linear.scatter [tilespmem:s1], [sflag:$0x1], $0x1000, $0x38;
	[tilespmem:$0x1BC80] =	vst v63  }
0x42: {  	s7 =	rddreg [dreg:$0x7]  }
0x43: {  	[spmem:s7] =	stream.linear.scatter [tilespmem:s1], [sflag:$0x1], $0x1000, $0x38;
	[tilespmem:$0x1BC80] =	vst v63  }
0x44: {  	_ = 	snop  }
0x45: {  	[spmem:s10] =	stream.linear.scatter [tilespmem:s1], [sflag:$0x1], $0x1000, $0x38;
	[tilespmem:$0x1BC80] =	vst v63  }
0x46: {  	_ = 	snop  }
0x47: {  	[spmem:s11] =	stream.linear.scatter [tilespmem:s1], [sflag:$0x1], $0x1000, $0x38;
	[tilespmem:$0x1BC80] =	vst v63  }
0x48: {  	_ = 	snop  }
0x49: {  	[spmem:s12] =	stream.linear.scatter [tilespmem:s1], [sflag:$0x1], $0x1000, $0x38;
	[tilespmem:$0x1BC80] =	vst v63  }
0x4a: {  	_ = 	snop  }
0x4b: {  	[spmem:s13] =	stream.linear.scatter [tilespmem:s1], [sflag:$0x1], $0x1000, $0x38;
	[tilespmem:$0x1BC80] =	vst v63  }
0x4c: {  	_ = 	snop  }
0x4d: {  	[spmem:s14] =	stream.linear.scatter [tilespmem:s1], [sflag:$0x1], $0x1000, $0x38;
	[tilespmem:$0x1BC80] =	vst v63  }
0x4e: {  	_ = 	snop  }
0x4f: {  	[spmem:s15] =	stream.linear.scatter [tilespmem:s1], [sflag:$0x1], $0x1000, $0x38;
	[tilespmem:$0x1BC80] =	vst v63  }
0x50: {  	_ = 	snop  }
0x51: {  	[spmem:s16] =	stream.linear.scatter [tilespmem:s1], [sflag:$0x1], $0x1000, $0x38;
	[tilespmem:$0x1BC80] =	vst v63  }
0x52: {  	_ = 	snop  }
0x53: {  	[spmem:s17] =	stream.linear.scatter [tilespmem:s1], [sflag:$0x1], $0x1000, $0x38;
	[tilespmem:$0x1BC80] =	vst v63  }
0x54: {  	_ = 	snop  }
0x55: {  	[spmem:s18] =	stream.linear.scatter [tilespmem:s1], [sflag:$0x1], $0x1000, $0x38;
	[tilespmem:$0x1BC80] =	vst v63  }
0x56: {  	_ = 	snop  }
0x57: {  	[spmem:s19] =	stream.linear.scatter [tilespmem:s1], [sflag:$0x1], $0x1000, $0x38;
	[tilespmem:$0x1BC80] =	vst v63  }
0x58: {  	_ = 	snop  }
0x59: {  	[spmem:s20] =	stream.linear.scatter [tilespmem:s1], [sflag:$0x1], $0x1000, $0x38;
	[tilespmem:$0x1BC80] =	vst v63  }
0x5a: {  	_ = 	snop  }
0x5b: {  	[spmem:s21] =	stream.linear.scatter [tilespmem:s1], [sflag:$0x1], $0x1000, $0x38;
	[tilespmem:$0x1BC80] =	vst v63  }
0x5c: {  	_ = 	snop  }
0x5d: {  	[spmem:s23] =	stream.linear.scatter [tilespmem:s1], [sflag:$0x1], $0x1000, $0x38;
	[tilespmem:$0x1BC80] =	vst v63  }
0x5e: {  	_ = 	snop  }
0x5f: {  	[spmem:s26] =	stream.linear.scatter [tilespmem:s1], [sflag:$0x1], $0x1000, $0x38;
	[tilespmem:$0x1BC80] =	vst v63  }
0x60: {  	_ = 	snop  }
0x61: {  	[spmem:s28] =	stream.linear.scatter [tilespmem:s1], [sflag:$0x1], $0x800, $0x38;
	[tilespmem:$0x1BC80] =	vst v63  }
0x62: {  	s6 =	simm.s32 @!p0 $0x4000  }
0x63: {  	[spmem:s29] =	stream.linear.scatter @!p0 [tilespmem:s6], [sflag:$0x1], $0x800, $0x38;
	[tilespmem:$0x1BC80] =	vst v63  }
0x64: {  	_ =	swait.ge [sflag:s3], $0x1000  }
0x65: {  	[sflag:s3] =	ssyncset.done $0x0  }
0x66: {  	[sflag:s3] =	ssyncadd.s32 $0xFFFFF000  }
0x67: {  	_ =	swait.ge [sflag:s3], $0x1000  }
0x68: {  	[sflag:s3] =	ssyncset.done $0x0  }
0x69: {  	[sflag:s3] =	ssyncadd.s32 $0xFFFFF000  }
0x6a: {  	_ =	swait.ge [sflag:s3], $0x1000  }
0x6b: {  	[sflag:s3] =	ssyncset.done $0x0  }
0x6c: {  	[sflag:s3] =	ssyncadd.s32 $0xFFFFF000  }
0x6d: {  	_ =	swait.ge [sflag:s3], $0x1000  }
0x6e: {  	[sflag:s3] =	ssyncset.done $0x0  }
0x6f: {  	[sflag:s3] =	ssyncadd.s32 $0xFFFFF000  }
0x70: {  	_ =	swait.ge [sflag:s3], $0x1000  }
0x71: {  	[sflag:s3] =	ssyncset.done $0x0  }
0x72: {  	[sflag:s3] =	ssyncadd.s32 $0xFFFFF000  }
0x73: {  	_ =	swait.ge [sflag:s3], $0x1000  }
0x74: {  	[sflag:s3] =	ssyncset.done $0x0  }
0x75: {  	[sflag:s3] =	ssyncadd.s32 $0xFFFFF000  }
0x76: {  	_ =	swait.ge [sflag:s3], $0x1000  }
0x77: {  	[sflag:s3] =	ssyncset.done $0x0  }
0x78: {  	[sflag:s3] =	ssyncadd.s32 $0xFFFFF000  }
0x79: {  	_ =	swait.ge [sflag:s3], $0x1000  }
0x7a: {  	[sflag:s3] =	ssyncset.done $0x0  }
0x7b: {  	[sflag:s3] =	ssyncadd.s32 $0xFFFFF000  }
0x7c: {  	_ =	swait.ge [sflag:s3], $0x1000  }
0x7d: {  	[sflag:s3] =	ssyncset.done $0x0  }
0x7e: {  	[sflag:s3] =	ssyncadd.s32 $0xFFFFF000  }
0x7f: {  	_ =	swait.ge [sflag:s3], $0x1000  }
0x80: {  	[sflag:s3] =	ssyncset.done $0x0  }
0x81: {  	[sflag:s3] =	ssyncadd.s32 $0xFFFFF000  }
0x82: {  	_ =	swait.ge [sflag:s3], $0x1000  }
0x83: {  	[sflag:s3] =	ssyncset.done $0x0  }
0x84: {  	[sflag:s3] =	ssyncadd.s32 $0xFFFFF000  }
0x85: {  	_ =	swait.ge [sflag:s3], $0x1000  }
0x86: {  	[sflag:s3] =	ssyncset.done $0x0  }
0x87: {  	[sflag:s3] =	ssyncadd.s32 $0xFFFFF000  }
0x88: {  	_ =	swait.ge [sflag:s3], $0x1000  }
0x89: {  	[sflag:s3] =	ssyncset.done $0x0  }
0x8a: {  	[sflag:s3] =	ssyncadd.s32 $0xFFFFF000  }
0x8b: {  	_ =	swait.ge [sflag:s3], $0x1000  }
0x8c: {  	[sflag:s3] =	ssyncset.done $0x0  }
0x8d: {  	[sflag:s3] =	ssyncadd.s32 $0xFFFFF000  }
0x8e: {  	_ =	swait.ge [sflag:s3], $0x1000  }
0x8f: {  	[sflag:s3] =	ssyncset.done $0x0  }
0x90: {  	[sflag:s3] =	ssyncadd.s32 $0xFFFFF000  }
0x91: {  	_ =	swait.ge [sflag:s3], $0x1000  }
0x92: {  	[sflag:s3] =	ssyncset.done $0x0  }
0x93: {  	[sflag:s3] =	ssyncadd.s32 $0xFFFFF000  }
0x94: {  	_ =	swait.ge [sflag:s3], $0x1000  }
0x95: {  	[sflag:s3] =	ssyncset.done $0x0  }
0x96: {  	[sflag:s3] =	ssyncadd.s32 $0xFFFFF000  }
0x97: {  	_ =	swait.ge [sflag:s3], $0x1000  }
0x98: {  	[sflag:s3] =	ssyncset.done $0x0  }
0x99: {  	[sflag:s3] =	ssyncadd.s32 $0xFFFFF000  }
0x9a: {  	_ =	swait.ge [sflag:s3], $0x1000  }
0x9b: {  	[sflag:s3] =	ssyncset.done $0x0  }
0x9c: {  	[sflag:s3] =	ssyncadd.s32 $0xFFFFF000  }
0x9d: {  	_ =	swait.ge [sflag:s3], $0x800  }
0x9e: {  	[sflag:s3] =	ssyncset.done $0x0  }
0x9f: {  	s6 =	simm.s32 @!p0 $0x1;
	[sflag:s3] =	ssyncadd.s32 $0xFFFFF800  }
0xa0: {  	_ =	swait.ge @!p0 [sflag:s6], $0x800  }
0xa1: {  	[sflag:s6] =	ssyncset.done @!p0 $0x0  }
0xa2: {  	[sflag:s6] =	ssyncadd.s32 @!p0 $0xFFFFF800  }
0xa3: {  	s6 =	simm.s32 $0x0;
	[bflag:$0x0] =	sbarrier.arrive $0xFFFF  }
0xa4: {  	[spmem:s2] =	stream.indirect.scatter.add.f32 [tilespmem:s6], [sflag:$0x1], $0x80, s30, s0, $0xb8;
	[tilespmem:$0x1BC80] =	vst v63  }
0xa5: {  	s8 =	simm.s32 $0x5080  }
0xa6: {  	[spmem:s2] =	stream.indirect.scatter.add.f32 [tilespmem:s6], [sflag:$0x1], $0x80, s8, s0, $0xb8;
	[tilespmem:$0x1BC80] =	vst v63  }
0xa7: {  	p1 =	por $0x0, $0x0;
	s9 =	simm.s32 $0x5100  }
0xa8: {  	[spmem:s2] =	stream.indirect.scatter.add.f32 [tilespmem:s6], [sflag:$0x1], $0x80, s9, s0, $0xb8;
	[tilespmem:$0x1BC80] =	vst v63  }
0xa9: {  	s7 =	simm.s32 @!p1 $0x80;
	s8 =	simm.s32 @!p1 $0x0;
	s6 =	simm.s32 $0x5180  }
0xaa: {  	[spmem:s2] =	stream.indirect.scatter.add.f32 @!p1 [tilespmem:s8], [sflag:$0x1], $0x80, s6, s7, $0xb8;
	[tilespmem:$0x1BC80] =	vst v63  }
0xab: {  	_ =	swait.ge [sflag:s3], $0x4000  }
0xac: {  	s7 =	simm.s32 $0x1;
	[sflag:s3] =	ssyncset.done $0x0  }
.LBB2_6:
0xad: {  	s8 =	smov.u32 s7;
	s7 =	sadd.s32 $0x1, s7  }
0xae: {  	[sflag:s3] =	ssyncadd.s32 $0xFFFFC000;
	s6 =	sadd.s32 $0x80, s6;
	p2 =	sne.s32 s7, $0x50  }
.Ltmp2:
0xaf: {  	p1 =	sgt.u32 s8, $0x4C;
	(pc) =	sbr.rel @p2 .LBB2_6-.Ltmp2, $4  }
0xb0: {  	s8 =	simm.s32 @!p1 $0x80;
	s9 =	simm.s32 @!p1 $0x0  }
0xb1: {  	[spmem:s2] =	stream.indirect.scatter.add.f32 @!p1 [tilespmem:s9], [sflag:$0x1], $0x80, s6, s8, $0xb8;
	[tilespmem:$0x1BC80] =	vst v63  }
0xb2: {  	_ =	swait.ge [sflag:s3], $0x4000  }
0xb3: {  	[sflag:s3] =	ssyncset.done $0x0  }
0xb4: {  	s6 =	stileid.u32  }
0xb5: {  	[sflag:s3] =	ssyncadd.s32 $0xFFFFC000;
	s6 =	sshll.u32 s6, $0x6  }
0xb6: {  	s7 =	sshrl.u32 s4, $0x3;
	[bflag:$0x0] =	sbarrier.arrive $0xFFFF;
	s6 =	sor.u32 $0x1C02, s6  }
0xb7: {  	[hbm:s22], [sflag:s6] =	dma.local [spmem:s7], $0x2700  }
0xb8: {  	_ =	swait.ge [sflag:s31], $0x2700  }
0xb9: {  	s5 =	sadd.s32 $0x1, s5;
	[sflag:s31] =	ssyncset.done $0x0  }
0xba: {  	p1 =	sne.s32 s5, s25;
	s7 =	sshrl.u32 @!p0 s29, $0x3;
	[sflag:s31] =	ssyncadd.s32 $0xFFFFD900  }
0xbb: {  	[hbm:s24], [sflag:s6] =	dma.local @!p0 [spmem:s7], $0x100  }
.Ltmp3:
0xbc: {  	_ = 	snop;
	(pc) =	sbr.rel @p1 .LBB2_1-.Ltmp3, $4  }
0xbd: {  	s6 =	simm.s32 @!p0 $0x2  }
0xbe: {  	_ =	swait.ge @!p0 [sflag:s6], $0x100  }
0xbf: {  	[sflag:s6] =	ssyncset.done @!p0 $0x0  }
0xc0: {  	[sflag:s6] =	ssyncadd.s32 @!p0 $0xFFFFFF00  }
0xc1: {  	_ =	sfence.sel $0x180000  }
0xc2: {  	[bflag:$0x0] =	sbarrier.arrive $0xFFFF  }
0xc3: {  	_ =	strace $0x90000047  }
0xc4: {  	s0 =	stileid.u32;
	[bflag:$0x2] =	sbarrier.arrive $0xFFFF  }
0xc5: {  	p0 =	sne.s32 s0, $0x0;
	s0 =	rddreg [dreg:$0x2]  }
0xc6: {  	s0 =	sadd.s32 @!p0 $0x100000, s0  }
0xc7: {  	[sflag:s0] =	ssyncadd.tile.s32 @!p0 $0x1;
	_ =	shalt  }
.Lfunc_end2:
_tile_overlayer_lowered:
.L_overlay_start_2:
0xc8: {  	(tag) =	ssettag $0x2  }
0xc9: {  	s0 =	rddreg [dreg:$0x0];
	s2 =	stileid.u32  }
0xca: {  	s1 =	rddreg [dreg:$0x1];
	p0 =	sne.s32 s2, $0x0  }
0xcb: {  	s3 =	rddreg [dreg:$0x2];
	[bflag:$0x3] =	sbarrier.arrive $0xFFFF;
	s2 =	simm.s32 @!p0 $0x1C02  }
0xcc: {  	[timem:s3], [sflag:s2] =	dma.local @!p0 [hbm:s0], s1  }
0xcd: {  	s0 =	simm.s32 @!p0 $0x2  }
0xce: {  	_ =	swait.ge @!p0 [sflag:s0], s1  }
0xcf: {  	s1 =	ssub.s32 @!p0 $0x0, s1;
	[sflag:s0] =	ssyncset.done @!p0 $0x0  }
0xd0: {  	[sflag:s0] =	ssyncadd.s32 @!p0 s1  }
0xd1: {  	[bflag:$0x3] =	sbarrier.arrive $0xFFFF  }
0xd2: {  	_ =	shalt  }

</sc_bundles>
